<compile_context>
chip_gen: v7x
topology: tpu7x:2x2x1
jax: 0.10.2.dev20260603
libtpu: 0.0.44.dev20260713+nightly
codegen_flags: <defaults>
</compile_context>

<pallas_src>
import functools

import jax
import jax.numpy as jnp
from jax import lax
from jax.experimental import pallas as pl
from jax.experimental.pallas import tpu as pltpu
from jax.experimental.pallas import tpu_sc as plsc

_VB = 10000
_C = 40
_L2E = 1.4426950408889634
_LN2 = 0.6931471805599453
_BIG = 2 ** 30

_NC = 2
_NS = 16
_ROWS_PER_W = 8


def _tc_kern(lt_ref, lp_ref, md_ref, m_ref, i_ref, s_ref):
    j = pl.program_id(0)
    nb = pl.num_programs(0)
    sub = jax.lax.broadcasted_iota(jnp.int32, (_C, 128), 0)

    @pl.when(j == 0)
    def _init():
        m_ref[...] = jnp.full_like(m_ref, -jnp.inf)
        i_ref[...] = jnp.zeros_like(i_ref)
        s_ref[...] = jnp.zeros_like(s_ref)

    m_old = m_ref[...]
    m_acc = m_old
    i_acc = i_ref[...]
    base = j * _VB

    for c in range(_VB // _C):
        x = lt_ref[pl.ds(c * _C, _C), :]
        gt = x > m_acc
        i_acc = jnp.where(gt, jnp.int32(base + c * _C), i_acc)
        m_acc = jnp.maximum(x, m_acc)

    s_acc = s_ref[...] * jnp.exp2((m_old - m_acc) * _L2E)
    m2 = m_acc * _L2E

    for c in range(_VB // _C):
        x = lt_ref[pl.ds(c * _C, _C), :]
        s_acc = s_acc + jnp.exp2(x * _L2E - m2)

    m_ref[...] = m_acc
    i_ref[...] = i_acc
    s_ref[...] = s_acc

    @pl.when(j == nb - 1)
    def _fin():
        m_f = jnp.max(m_acc, axis=0, keepdims=True)
        vi = i_acc + sub
        i_f = jnp.min(jnp.where(m_acc == m_f, vi, _BIG), axis=0,
                      keepdims=True)
        s_f = jnp.sum(s_acc * jnp.exp2((m_acc - m_f) * _L2E), axis=0,
                      keepdims=True)
        lp_ref[...] = -(m_f + _LN2 * jnp.log2(s_f))
        md_ref[...] = i_f


def _neg_lse_and_mode(lt, b):
    nb = lt.shape[0] // _VB
    return pl.pallas_call(
        _tc_kern,
        grid=(nb,),
        in_specs=[pl.BlockSpec((_VB, b), lambda j: (j, 0))],
        out_specs=[
            pl.BlockSpec((1, b), lambda j: (0, 0)),
            pl.BlockSpec((1, b), lambda j: (0, 0)),
        ],
        out_shape=[
            jax.ShapeDtypeStruct((1, b), jnp.float32),
            jax.ShapeDtypeStruct((1, b), jnp.int32),
        ],
        scratch_shapes=[
            pltpu.VMEM((_C, b), jnp.float32),
            pltpu.VMEM((_C, b), jnp.int32),
            pltpu.VMEM((_C, b), jnp.float32),
        ],
    )(lt)


def _sc_kern(lt_hbm, a_hbm, out_hbm, idx_v, rows_v, sem):
    wid = lax.axis_index("s") * _NC + lax.axis_index("c")

    @pl.when(wid < 128 // _ROWS_PER_W)
    def _():
        base = wid * _ROWS_PER_W
        pltpu.sync_copy(a_hbm.at[pl.ds(base, _ROWS_PER_W)], idx_v)
        pltpu.async_copy(lt_hbm.at[idx_v], rows_v, sem).wait()
        pltpu.sync_copy(rows_v, out_hbm.at[pl.ds(base, _ROWS_PER_W)])


def _gather_rows(lt, av):
    b = av.shape[0]
    mesh = plsc.VectorSubcoreMesh(core_axis_name="c", subcore_axis_name="s",
                                  num_cores=_NC, num_subcores=_NS)
    return pl.kernel(
        _sc_kern,
        out_type=jax.ShapeDtypeStruct((b, b), jnp.float32),
        mesh=mesh,
        scratch_types=[
            pltpu.VMEM((_ROWS_PER_W,), jnp.int32),
            pltpu.VMEM((_ROWS_PER_W, b), jnp.float32),
            pltpu.SemaphoreType.DMA,
        ],
    )(lt, av)


@jax.jit
def kernel(logits, actions):
    b, n = logits.shape
    lt = logits.T
    av = actions.reshape(b).astype(jnp.int32)
    rows = _gather_rows(lt, av)
    neg_lse, mode = _neg_lse_and_mode(lt, b)
    g = jnp.take_along_axis(rows, jnp.arange(b)[:, None], axis=1)
    lp = g + neg_lse.reshape(b, 1)
    return lp, mode.reshape(b, 1)

# --- scband reference (transcript-rebuilt; emitter-appended) ---
"""Pipeline reference for scband-fixed-categorical-39204461478815 (READ-ONLY COPY).

The authoritative reference and input builder live on the scoring server;
editing this copy changes nothing except your own understanding.
"""

import jax, jax.numpy as jnp
import numpy as np


def setup_inputs(seed: int = 0) -> dict:
    key = jax.random.key(seed)
    k1, k2 = jax.random.split(key)
    logits = jax.random.normal(k1, (128, 100000), dtype=jnp.float32)
    actions = jax.random.randint(k2, (128, 1), 0, 100000)
    return {"logits": logits, "actions": actions}


def reference(logits, actions):
    # FixedCategorical(logits=logits)
    # log_probs(actions): Categorical.log_prob(actions.squeeze(-1)) then
    #   view(B, -1).sum(-1).unsqueeze(-1)
    log_pmf = jax.nn.log_softmax(logits, axis=-1)  # logits - logsumexp(logits)
    a = jnp.squeeze(actions, axis=-1)  # [B]
    lp = jnp.take_along_axis(log_pmf, a[:, None], axis=1)[:, 0]  # gather per-row
    log_probs = lp.reshape(actions.shape[0], -1).sum(axis=-1)[:, None]  # [B, 1]
    # mode(): probs.argmax(dim=-1, keepdim=True); argmax of probs == argmax of logits
    mode = jnp.argmax(log_pmf, axis=-1, keepdims=True)  # [B, 1]
    return log_probs, mode

if __name__ == "__main__":
    import jax
    _d = setup_inputs()
    print(jax.jit(kernel)(*tuple(_d.values())))

</pallas_src>

<mosaic_0001>
#map = affine_map<(d0, d1) -> (0, 0)>
#map1 = affine_map<(d0, d1) -> (0)>
module attributes {stable_mosaic.version = 14 : i64} {
  func.func @_sc_kern(%arg0: i32, %arg1: i32, %arg2: memref<100000x128xf32, #tpu.memory_space<hbm>>, %arg3: memref<128xi32, #tpu.memory_space<hbm>>, %arg4: memref<128x128xf32, #tpu.memory_space<hbm>>, %arg5: memref<8xi32, #tpu.memory_space<vmem>>, %arg6: memref<8x128xf32, #tpu.memory_space<vmem>>, %arg7: memref<!tpu.dma_semaphore, #tpu.memory_space<semaphore_mem>>) attributes {dimension_semantics = [#tpu.dimension_semantics<core_parallel>, #tpu.dimension_semantics<subcore_parallel>], iteration_bounds = array<i64: 2, 16>, scalar_prefetch = 0 : i64, scratch_operands = 3 : i64, tpu.core_type = #tpu.core_type<sc_vector_subcore>, window_params = [{transform_indices = #map}, {transform_indices = #map1}, {transform_indices = #map}]} {
    %mul3A = arith.constant 2 : i32
    %mul3A_0 = arith.muli %arg1, %mul3A : i32
    %add3A = arith.addi %mul3A_0, %arg0 : i32
    %lt3A = arith.constant 16 : i32
    %lt3A_1 = arith.cmpi slt, %add3A, %lt3A : i32
    %convert_element_type3A = arith.extui %lt3A_1 : i1 to i32
    %cond3A = arith.constant 0 : i32
    %cond3A_2 = arith.cmpi ne, %convert_element_type3A, %cond3A : i32
    scf.if %cond3A_2 {
      %mul3A_3 = arith.constant 8 : i32
      %mul3A_4 = arith.muli %add3A, %mul3A_3 : i32
      "tpu.region"() ({
        %run_scoped3A = tpu.sem_alloc : memref<!tpu.dma_semaphore, #tpu.memory_space<semaphore_mem>>
        %dma_start3A_9 = tpu.memref_slice %arg3[%mul3A_4] : memref<128xi32, #tpu.memory_space<hbm>> -> memref<8xi32, #tpu.memory_space<hbm>>
        %dma_start3A_10 = tpu.memref_slice %arg3[%mul3A_4] : memref<128xi32, #tpu.memory_space<hbm>> -> memref<8xi32, #tpu.memory_space<hbm>>
        tpu.enqueue_dma source(%dma_start3A_10 : memref<8xi32, #tpu.memory_space<hbm>>) target(%arg5 : memref<8xi32, #tpu.memory_space<vmem>>) target_semaphore(%run_scoped3A : memref<!tpu.dma_semaphore, #tpu.memory_space<semaphore_mem>>)
        %dma_wait3A_11 = tpu.memref_slice %arg3[%mul3A_4] : memref<128xi32, #tpu.memory_space<hbm>> -> memref<8xi32, #tpu.memory_space<hbm>>
        %dma_wait3A_12 = tpu.memref_slice %arg3[%mul3A_4] : memref<128xi32, #tpu.memory_space<hbm>> -> memref<8xi32, #tpu.memory_space<hbm>>
        tpu.wait_dma2 semaphore(%run_scoped3A : memref<!tpu.dma_semaphore, #tpu.memory_space<semaphore_mem>>) src(%dma_wait3A_12 : memref<8xi32, #tpu.memory_space<hbm>>) dst(%arg5 : memref<8xi32, #tpu.memory_space<vmem>>)
        tpu.yield
      }) : () -> ()
      %dma_start3A = arith.constant 0 : i32
      %dma_start3A_5 = arith.constant 0 : i32
      %dma_start3A_6 = tpu.memref_slice %arg2[%dma_start3A, %dma_start3A_5] : memref<100000x128xf32, #tpu.memory_space<hbm>> -> memref<100000x128xf32, #tpu.memory_space<hbm>>
      tpu.enqueue_indirect_dma source(%dma_start3A_6 : memref<100000x128xf32, #tpu.memory_space<hbm>>) target(%arg6 : memref<8x128xf32, #tpu.memory_space<vmem>>) offsets(%arg5 : memref<8xi32, #tpu.memory_space<vmem>>) semaphore(%arg7 : memref<!tpu.dma_semaphore, #tpu.memory_space<semaphore_mem>>)
      %dma_wait3A = arith.constant 0 : i32
      %dma_wait3A_7 = arith.constant 0 : i32
      %dma_wait3A_8 = tpu.memref_slice %arg2[%dma_wait3A, %dma_wait3A_7] : memref<100000x128xf32, #tpu.memory_space<hbm>> -> memref<100000x128xf32, #tpu.memory_space<hbm>>
      tpu.wait_indirect_dma semaphore(%arg7 : memref<!tpu.dma_semaphore, #tpu.memory_space<semaphore_mem>>) src(%dma_wait3A_8 : memref<100000x128xf32, #tpu.memory_space<hbm>>) dst(%arg6 : memref<8x128xf32, #tpu.memory_space<vmem>>)
      "tpu.region"() ({
        %run_scoped3A = tpu.sem_alloc : memref<!tpu.dma_semaphore, #tpu.memory_space<semaphore_mem>>
        %dma_start3A_9 = arith.constant 0 : i32
        %dma_start3A_10 = tpu.memref_slice %arg4[%mul3A_4, %dma_start3A_9] : memref<128x128xf32, #tpu.memory_space<hbm>> -> memref<8x128xf32, #tpu.memory_space<hbm>>
        %dma_start3A_11 = arith.constant 0 : i32
        %dma_start3A_12 = tpu.memref_slice %arg4[%mul3A_4, %dma_start3A_11] : memref<128x128xf32, #tpu.memory_space<hbm>> -> memref<8x128xf32, #tpu.memory_space<hbm>>
        tpu.enqueue_dma source(%arg6 : memref<8x128xf32, #tpu.memory_space<vmem>>) target(%dma_start3A_12 : memref<8x128xf32, #tpu.memory_space<hbm>>) target_semaphore(%run_scoped3A : memref<!tpu.dma_semaphore, #tpu.memory_space<semaphore_mem>>)
        %dma_wait3A_13 = arith.constant 0 : i32
        %dma_wait3A_14 = tpu.memref_slice %arg4[%mul3A_4, %dma_wait3A_13] : memref<128x128xf32, #tpu.memory_space<hbm>> -> memref<8x128xf32, #tpu.memory_space<hbm>>
        %dma_wait3A_15 = arith.constant 0 : i32
        %dma_wait3A_16 = tpu.memref_slice %arg4[%mul3A_4, %dma_wait3A_15] : memref<128x128xf32, #tpu.memory_space<hbm>> -> memref<8x128xf32, #tpu.memory_space<hbm>>
        tpu.wait_dma2 semaphore(%run_scoped3A : memref<!tpu.dma_semaphore, #tpu.memory_space<semaphore_mem>>) src(%arg6 : memref<8x128xf32, #tpu.memory_space<vmem>>) dst(%dma_wait3A_16 : memref<8x128xf32, #tpu.memory_space<hbm>>)
        tpu.yield
      }) : () -> ()
    } else {
    }
    return
  }
}

module attributes {stable_mosaic.version = 14 : i64} {
  func.func @_tc_kern(%arg0: i32, %arg1: memref<10000x128xf32, #tpu.memory_space<vmem>>, %arg2: memref<1x128xf32, #tpu.memory_space<vmem>>, %arg3: memref<1x128xi32, #tpu.memory_space<vmem>>, %arg4: memref<40x128xf32, #tpu.memory_space<vmem>>, %arg5: memref<40x128xi32, #tpu.memory_space<vmem>>, %arg6: memref<40x128xf32, #tpu.memory_space<vmem>>) attributes {dimension_semantics = [#tpu.dimension_semantics<arbitrary>], iteration_bounds = array<i64: 10>, scalar_prefetch = 0 : i64, scratch_operands = 3 : i64, tpu.core_type = #tpu.core_type<tc>, window_params = [{transform_indices = @transform_0, window_bounds = array<i64: 10000, 128>}, {pipeline_mode = #tpu.pipeline_mode<synchronous>, transform_indices = @transform_1, window_bounds = array<i64: 1, 128>}, {pipeline_mode = #tpu.pipeline_mode<synchronous>, transform_indices = @transform_2, window_bounds = array<i64: 1, 128>}]} {
    %iota3A = tpu.iota {dimensions = array<i32: 0>} : vector<40x128xi32>
    %eq3A = arith.constant 0 : i32
    %eq3A_0 = arith.cmpi eq, %arg0, %eq3A : i32
    %convert_element_type3A = arith.extui %eq3A_0 : i1 to i32
    %cond3A = arith.constant 0 : i32
    %cond3A_1 = arith.cmpi ne, %convert_element_type3A, %cond3A : i32
    scf.if %cond3A_1 {
      %broadcast_in_dim3A_4526 = arith.constant 0xFF800000 : f32
      %broadcast_in_dim3A_4527 = vector.broadcast %broadcast_in_dim3A_4526 : f32 to vector<40x128xf32>
      %swap3A_4528 = arith.constant 0 : index
      %swap3A_4529 = arith.constant 0 : index
      %swap3A_4530 = vector.load %arg4[%swap3A_4528, %swap3A_4529] : memref<40x128xf32, #tpu.memory_space<vmem>>, vector<40x128xf32>
      tpu.vector_store %arg4[%swap3A_4528, %swap3A_4529], %broadcast_in_dim3A_4527 {strides = array<i32>} : memref<40x128xf32, #tpu.memory_space<vmem>>, vector<40x128xf32>,
      %broadcast_in_dim3A_4531 = arith.constant 0 : i32
      %broadcast_in_dim3A_4532 = vector.broadcast %broadcast_in_dim3A_4531 : i32 to vector<40x128xi32>
      %swap3A_4533 = arith.constant 0 : index
      %swap3A_4534 = arith.constant 0 : index
      %swap3A_4535 = vector.load %arg5[%swap3A_4533, %swap3A_4534] : memref<40x128xi32, #tpu.memory_space<vmem>>, vector<40x128xi32>
      tpu.vector_store %arg5[%swap3A_4533, %swap3A_4534], %broadcast_in_dim3A_4532 {strides = array<i32>} : memref<40x128xi32, #tpu.memory_space<vmem>>, vector<40x128xi32>,
      %broadcast_in_dim3A_4536 = arith.constant 0.000000e+00 : f32
      %broadcast_in_dim3A_4537 = vector.broadcast %broadcast_in_dim3A_4536 : f32 to vector<40x128xf32>
      %swap3A_4538 = arith.constant 0 : index
      %swap3A_4539 = arith.constant 0 : index
      %swap3A_4540 = vector.load %arg6[%swap3A_4538, %swap3A_4539] : memref<40x128xf32, #tpu.memory_space<vmem>>, vector<40x128xf32>
      tpu.vector_store %arg6[%swap3A_4538, %swap3A_4539], %broadcast_in_dim3A_4537 {strides = array<i32>} : memref<40x128xf32, #tpu.memory_space<vmem>>, vector<40x128xf32>,
    } else {
    }
    %get3A = arith.constant 0 : index
    %get3A_2 = arith.constant 0 : index
    %get3A_3 = vector.load %arg4[%get3A, %get3A_2] : memref<40x128xf32, #tpu.memory_space<vmem>>, vector<40x128xf32>
    %get3A_4 = arith.constant 0 : index
    %get3A_5 = arith.constant 0 : index
    %get3A_6 = vector.load %arg5[%get3A_4, %get3A_5] : memref<40x128xi32, #tpu.memory_space<vmem>>, vector<40x128xi32>
    %mul3A = arith.constant 10000 : i32
    %mul3A_7 = arith.muli %arg0, %mul3A : i32
    %get3A_8 = arith.constant 0 : index
    %get3A_9 = arith.constant 0 : index
    %get3A_10 = vector.load %arg1[%get3A_8, %get3A_9] : memref<10000x128xf32, #tpu.memory_space<vmem>>, vector<40x128xf32>
    %gt3A = arith.cmpf ogt, %get3A_10, %get3A_3 : vector<40x128xf32>
    %add3A = arith.constant 0 : i32
    %add3A_11 = arith.addi %mul3A_7, %add3A : i32
    %broadcast_in_dim3A = vector.broadcast %add3A_11 : i32 to vector<40x128xi32>
    %select_n3A = arith.select %gt3A, %broadcast_in_dim3A, %get3A_6 : vector<40x128xi1>, vector<40x128xi32>
    %max3A = arith.maximumf %get3A_10, %get3A_3 : vector<40x128xf32>
    %get3A_12 = arith.constant 40 : index
    %get3A_13 = arith.constant 0 : index
    %get3A_14 = vector.load %arg1[%get3A_12, %get3A_13] : memref<10000x128xf32, #tpu.memory_space<vmem>>, vector<40x128xf32>
    %gt3A_15 = arith.cmpf ogt, %get3A_14, %max3A : vector<40x128xf32>
    %add3A_16 = arith.constant 40 : i32
    %add3A_17 = arith.addi %mul3A_7, %add3A_16 : i32
    %broadcast_in_dim3A_18 = vector.broadcast %add3A_17 : i32 to vector<40x128xi32>
    %select_n3A_19 = arith.select %gt3A_15, %broadcast_in_dim3A_18, %select_n3A : vector<40x128xi1>, vector<40x128xi32>
    %max3A_20 = arith.maximumf %get3A_14, %max3A : vector<40x128xf32>
    %get3A_21 = arith.constant 80 : index
    %get3A_22 = arith.constant 0 : index
    %get3A_23 = vector.load %arg1[%get3A_21, %get3A_22] : memref<10000x128xf32, #tpu.memory_space<vmem>>, vector<40x128xf32>
    %gt3A_24 = arith.cmpf ogt, %get3A_23, %max3A_20 : vector<40x128xf32>
    %add3A_25 = arith.constant 80 : i32
    %add3A_26 = arith.addi %mul3A_7, %add3A_25 : i32
    %broadcast_in_dim3A_27 = vector.broadcast %add3A_26 : i32 to vector<40x128xi32>
    %select_n3A_28 = arith.select %gt3A_24, %broadcast_in_dim3A_27, %select_n3A_19 : vector<40x128xi1>, vector<40x128xi32>
    %max3A_29 = arith.maximumf %get3A_23, %max3A_20 : vector<40x128xf32>
    %get3A_30 = arith.constant 120 : index
    %get3A_31 = arith.constant 0 : index
    %get3A_32 = vector.load %arg1[%get3A_30, %get3A_31] : memref<10000x128xf32, #tpu.memory_space<vmem>>, vector<40x128xf32>
    %gt3A_33 = arith.cmpf ogt, %get3A_32, %max3A_29 : vector<40x128xf32>
    %add3A_34 = arith.constant 120 : i32
    %add3A_35 = arith.addi %mul3A_7, %add3A_34 : i32
    %broadcast_in_dim3A_36 = vector.broadcast %add3A_35 : i32 to vector<40x128xi32>
    %select_n3A_37 = arith.select %gt3A_33, %broadcast_in_dim3A_36, %select_n3A_28 : vector<40x128xi1>, vector<40x128xi32>
    %max3A_38 = arith.maximumf %get3A_32, %max3A_29 : vector<40x128xf32>
    %get3A_39 = arith.constant 160 : index
    %get3A_40 = arith.constant 0 : index
    %get3A_41 = vector.load %arg1[%get3A_39, %get3A_40] : memref<10000x128xf32, #tpu.memory_space<vmem>>, vector<40x128xf32>
    %gt3A_42 = arith.cmpf ogt, %get3A_41, %max3A_38 : vector<40x128xf32>
    %add3A_43 = arith.constant 160 : i32
    %add3A_44 = arith.addi %mul3A_7, %add3A_43 : i32
    %broadcast_in_dim3A_45 = vector.broadcast %add3A_44 : i32 to vector<40x128xi32>
    %select_n3A_46 = arith.select %gt3A_42, %broadcast_in_dim3A_45, %select_n3A_37 : vector<40x128xi1>, vector<40x128xi32>
    %max3A_47 = arith.maximumf %get3A_41, %max3A_38 : vector<40x128xf32>
    %get3A_48 = arith.constant 200 : index
    %get3A_49 = arith.constant 0 : index
    %get3A_50 = vector.load %arg1[%get3A_48, %get3A_49] : memref<10000x128xf32, #tpu.memory_space<vmem>>, vector<40x128xf32>
    %gt3A_51 = arith.cmpf ogt, %get3A_50, %max3A_47 : vector<40x128xf32>
    %add3A_52 = arith.constant 200 : i32
    %add3A_53 = arith.addi %mul3A_7, %add3A_52 : i32
    %broadcast_in_dim3A_54 = vector.broadcast %add3A_53 : i32 to vector<40x128xi32>
    %select_n3A_55 = arith.select %gt3A_51, %broadcast_in_dim3A_54, %select_n3A_46 : vector<40x128xi1>, vector<40x128xi32>
    %max3A_56 = arith.maximumf %get3A_50, %max3A_47 : vector<40x128xf32>
    %get3A_57 = arith.constant 240 : index
    %get3A_58 = arith.constant 0 : index
    %get3A_59 = vector.load %arg1[%get3A_57, %get3A_58] : memref<10000x128xf32, #tpu.memory_space<vmem>>, vector<40x128xf32>
    %gt3A_60 = arith.cmpf ogt, %get3A_59, %max3A_56 : vector<40x128xf32>
    %add3A_61 = arith.constant 240 : i32
    %add3A_62 = arith.addi %mul3A_7, %add3A_61 : i32
    %broadcast_in_dim3A_63 = vector.broadcast %add3A_62 : i32 to vector<40x128xi32>
    %select_n3A_64 = arith.select %gt3A_60, %broadcast_in_dim3A_63, %select_n3A_55 : vector<40x128xi1>, vector<40x128xi32>
    %max3A_65 = arith.maximumf %get3A_59, %max3A_56 : vector<40x128xf32>
    %get3A_66 = arith.constant 280 : index
    %get3A_67 = arith.constant 0 : index
    %get3A_68 = vector.load %arg1[%get3A_66, %get3A_67] : memref<10000x128xf32, #tpu.memory_space<vmem>>, vector<40x128xf32>
    %gt3A_69 = arith.cmpf ogt, %get3A_68, %max3A_65 : vector<40x128xf32>
    %add3A_70 = arith.constant 280 : i32
    %add3A_71 = arith.addi %mul3A_7, %add3A_70 : i32
    %broadcast_in_dim3A_72 = vector.broadcast %add3A_71 : i32 to vector<40x128xi32>
    %select_n3A_73 = arith.select %gt3A_69, %broadcast_in_dim3A_72, %select_n3A_64 : vector<40x128xi1>, vector<40x128xi32>
    %max3A_74 = arith.maximumf %get3A_68, %max3A_65 : vector<40x128xf32>
    %get3A_75 = arith.constant 320 : index
    %get3A_76 = arith.constant 0 : index
    %get3A_77 = vector.load %arg1[%get3A_75, %get3A_76] : memref<10000x128xf32, #tpu.memory_space<vmem>>, vector<40x128xf32>
    %gt3A_78 = arith.cmpf ogt, %get3A_77, %max3A_74 : vector<40x128xf32>
    %add3A_79 = arith.constant 320 : i32
    %add3A_80 = arith.addi %mul3A_7, %add3A_79 : i32
    %broadcast_in_dim3A_81 = vector.broadcast %add3A_80 : i32 to vector<40x128xi32>
    %select_n3A_82 = arith.select %gt3A_78, %broadcast_in_dim3A_81, %select_n3A_73 : vector<40x128xi1>, vector<40x128xi32>
    %max3A_83 = arith.maximumf %get3A_77, %max3A_74 : vector<40x128xf32>
    %get3A_84 = arith.constant 360 : index
    %get3A_85 = arith.constant 0 : index
    %get3A_86 = vector.load %arg1[%get3A_84, %get3A_85] : memref<10000x128xf32, #tpu.memory_space<vmem>>, vector<40x128xf32>
    %gt3A_87 = arith.cmpf ogt, %get3A_86, %max3A_83 : vector<40x128xf32>
    %add3A_88 = arith.constant 360 : i32
    %add3A_89 = arith.addi %mul3A_7, %add3A_88 : i32
    %broadcast_in_dim3A_90 = vector.broadcast %add3A_89 : i32 to vector<40x128xi32>
    %select_n3A_91 = arith.select %gt3A_87, %broadcast_in_dim3A_90, %select_n3A_82 : vector<40x128xi1>, vector<40x128xi32>
    %max3A_92 = arith.maximumf %get3A_86, %max3A_83 : vector<40x128xf32>
    %get3A_93 = arith.constant 400 : index
    %get3A_94 = arith.constant 0 : index
    %get3A_95 = vector.load %arg1[%get3A_93, %get3A_94] : memref<10000x128xf32, #tpu.memory_space<vmem>>, vector<40x128xf32>
    %gt3A_96 = arith.cmpf ogt, %get3A_95, %max3A_92 : vector<40x128xf32>
    %add3A_97 = arith.constant 400 : i32
    %add3A_98 = arith.addi %mul3A_7, %add3A_97 : i32
    %broadcast_in_dim3A_99 = vector.broadcast %add3A_98 : i32 to vector<40x128xi32>
    %select_n3A_100 = arith.select %gt3A_96, %broadcast_in_dim3A_99, %select_n3A_91 : vector<40x128xi1>, vector<40x128xi32>
    %max3A_101 = arith.maximumf %get3A_95, %max3A_92 : vector<40x128xf32>
    %get3A_102 = arith.constant 440 : index
    %get3A_103 = arith.constant 0 : index
    %get3A_104 = vector.load %arg1[%get3A_102, %get3A_103] : memref<10000x128xf32, #tpu.memory_space<vmem>>, vector<40x128xf32>
    %gt3A_105 = arith.cmpf ogt, %get3A_104, %max3A_101 : vector<40x128xf32>
    %add3A_106 = arith.constant 440 : i32
    %add3A_107 = arith.addi %mul3A_7, %add3A_106 : i32
    %broadcast_in_dim3A_108 = vector.broadcast %add3A_107 : i32 to vector<40x128xi32>
    %select_n3A_109 = arith.select %gt3A_105, %broadcast_in_dim3A_108, %select_n3A_100 : vector<40x128xi1>, vector<40x128xi32>
    %max3A_110 = arith.maximumf %get3A_104, %max3A_101 : vector<40x128xf32>
    %get3A_111 = arith.constant 480 : index
    %get3A_112 = arith.constant 0 : index
    %get3A_113 = vector.load %arg1[%get3A_111, %get3A_112] : memref<10000x128xf32, #tpu.memory_space<vmem>>, vector<40x128xf32>
    %gt3A_114 = arith.cmpf ogt, %get3A_113, %max3A_110 : vector<40x128xf32>
    %add3A_115 = arith.constant 480 : i32
    %add3A_116 = arith.addi %mul3A_7, %add3A_115 : i32
    %broadcast_in_dim3A_117 = vector.broadcast %add3A_116 : i32 to vector<40x128xi32>
    %select_n3A_118 = arith.select %gt3A_114, %broadcast_in_dim3A_117, %select_n3A_109 : vector<40x128xi1>, vector<40x128xi32>
    %max3A_119 = arith.maximumf %get3A_113, %max3A_110 : vector<40x128xf32>
    %get3A_120 = arith.constant 520 : index
    %get3A_121 = arith.constant 0 : index
    %get3A_122 = vector.load %arg1[%get3A_120, %get3A_121] : memref<10000x128xf32, #tpu.memory_space<vmem>>, vector<40x128xf32>
    %gt3A_123 = arith.cmpf ogt, %get3A_122, %max3A_119 : vector<40x128xf32>
    %add3A_124 = arith.constant 520 : i32
    %add3A_125 = arith.addi %mul3A_7, %add3A_124 : i32
    %broadcast_in_dim3A_126 = vector.broadcast %add3A_125 : i32 to vector<40x128xi32>
    %select_n3A_127 = arith.select %gt3A_123, %broadcast_in_dim3A_126, %select_n3A_118 : vector<40x128xi1>, vector<40x128xi32>
    %max3A_128 = arith.maximumf %get3A_122, %max3A_119 : vector<40x128xf32>
    %get3A_129 = arith.constant 560 : index
    %get3A_130 = arith.constant 0 : index
    %get3A_131 = vector.load %arg1[%get3A_129, %get3A_130] : memref<10000x128xf32, #tpu.memory_space<vmem>>, vector<40x128xf32>
    %gt3A_132 = arith.cmpf ogt, %get3A_131, %max3A_128 : vector<40x128xf32>
    %add3A_133 = arith.constant 560 : i32
    %add3A_134 = arith.addi %mul3A_7, %add3A_133 : i32
    %broadcast_in_dim3A_135 = vector.broadcast %add3A_134 : i32 to vector<40x128xi32>
    %select_n3A_136 = arith.select %gt3A_132, %broadcast_in_dim3A_135, %select_n3A_127 : vector<40x128xi1>, vector<40x128xi32>
    %max3A_137 = arith.maximumf %get3A_131, %max3A_128 : vector<40x128xf32>
    %get3A_138 = arith.constant 600 : index
    %get3A_139 = arith.constant 0 : index
    %get3A_140 = vector.load %arg1[%get3A_138, %get3A_139] : memref<10000x128xf32, #tpu.memory_space<vmem>>, vector<40x128xf32>
    %gt3A_141 = arith.cmpf ogt, %get3A_140, %max3A_137 : vector<40x128xf32>
    %add3A_142 = arith.constant 600 : i32
    %add3A_143 = arith.addi %mul3A_7, %add3A_142 : i32
    %broadcast_in_dim3A_144 = vector.broadcast %add3A_143 : i32 to vector<40x128xi32>
    %select_n3A_145 = arith.select %gt3A_141, %broadcast_in_dim3A_144, %select_n3A_136 : vector<40x128xi1>, vector<40x128xi32>
    %max3A_146 = arith.maximumf %get3A_140, %max3A_137 : vector<40x128xf32>
    %get3A_147 = arith.constant 640 : index
    %get3A_148 = arith.constant 0 : index
    %get3A_149 = vector.load %arg1[%get3A_147, %get3A_148] : memref<10000x128xf32, #tpu.memory_space<vmem>>, vector<40x128xf32>
    %gt3A_150 = arith.cmpf ogt, %get3A_149, %max3A_146 : vector<40x128xf32>
    %add3A_151 = arith.constant 640 : i32
    %add3A_152 = arith.addi %mul3A_7, %add3A_151 : i32
    %broadcast_in_dim3A_153 = vector.broadcast %add3A_152 : i32 to vector<40x128xi32>
    %select_n3A_154 = arith.select %gt3A_150, %broadcast_in_dim3A_153, %select_n3A_145 : vector<40x128xi1>, vector<40x128xi32>
    %max3A_155 = arith.maximumf %get3A_149, %max3A_146 : vector<40x128xf32>
    %get3A_156 = arith.constant 680 : index
    %get3A_157 = arith.constant 0 : index
    %get3A_158 = vector.load %arg1[%get3A_156, %get3A_157] : memref<10000x128xf32, #tpu.memory_space<vmem>>, vector<40x128xf32>
    %gt3A_159 = arith.cmpf ogt, %get3A_158, %max3A_155 : vector<40x128xf32>
    %add3A_160 = arith.constant 680 : i32
    %add3A_161 = arith.addi %mul3A_7, %add3A_160 : i32
    %broadcast_in_dim3A_162 = vector.broadcast %add3A_161 : i32 to vector<40x128xi32>
    %select_n3A_163 = arith.select %gt3A_159, %broadcast_in_dim3A_162, %select_n3A_154 : vector<40x128xi1>, vector<40x128xi32>
    %max3A_164 = arith.maximumf %get3A_158, %max3A_155 : vector<40x128xf32>
    %get3A_165 = arith.constant 720 : index
    %get3A_166 = arith.constant 0 : index
    %get3A_167 = vector.load %arg1[%get3A_165, %get3A_166] : memref<10000x128xf32, #tpu.memory_space<vmem>>, vector<40x128xf32>
    %gt3A_168 = arith.cmpf ogt, %get3A_167, %max3A_164 : vector<40x128xf32>
    %add3A_169 = arith.constant 720 : i32
    %add3A_170 = arith.addi %mul3A_7, %add3A_169 : i32
    %broadcast_in_dim3A_171 = vector.broadcast %add3A_170 : i32 to vector<40x128xi32>
    %select_n3A_172 = arith.select %gt3A_168, %broadcast_in_dim3A_171, %select_n3A_163 : vector<40x128xi1>, vector<40x128xi32>
    %max3A_173 = arith.maximumf %get3A_167, %max3A_164 : vector<40x128xf32>
    %get3A_174 = arith.constant 760 : index
    %get3A_175 = arith.constant 0 : index
    %get3A_176 = vector.load %arg1[%get3A_174, %get3A_175] : memref<10000x128xf32, #tpu.memory_space<vmem>>, vector<40x128xf32>
    %gt3A_177 = arith.cmpf ogt, %get3A_176, %max3A_173 : vector<40x128xf32>
    %add3A_178 = arith.constant 760 : i32
    %add3A_179 = arith.addi %mul3A_7, %add3A_178 : i32
    %broadcast_in_dim3A_180 = vector.broadcast %add3A_179 : i32 to vector<40x128xi32>
    %select_n3A_181 = arith.select %gt3A_177, %broadcast_in_dim3A_180, %select_n3A_172 : vector<40x128xi1>, vector<40x128xi32>
    %max3A_182 = arith.maximumf %get3A_176, %max3A_173 : vector<40x128xf32>
    %get3A_183 = arith.constant 800 : index
    %get3A_184 = arith.constant 0 : index
    %get3A_185 = vector.load %arg1[%get3A_183, %get3A_184] : memref<10000x128xf32, #tpu.memory_space<vmem>>, vector<40x128xf32>
    %gt3A_186 = arith.cmpf ogt, %get3A_185, %max3A_182 : vector<40x128xf32>
    %add3A_187 = arith.constant 800 : i32
    %add3A_188 = arith.addi %mul3A_7, %add3A_187 : i32
    %broadcast_in_dim3A_189 = vector.broadcast %add3A_188 : i32 to vector<40x128xi32>
    %select_n3A_190 = arith.select %gt3A_186, %broadcast_in_dim3A_189, %select_n3A_181 : vector<40x128xi1>, vector<40x128xi32>
    %max3A_191 = arith.maximumf %get3A_185, %max3A_182 : vector<40x128xf32>
    %get3A_192 = arith.constant 840 : index
    %get3A_193 = arith.constant 0 : index
    %get3A_194 = vector.load %arg1[%get3A_192, %get3A_193] : memref<10000x128xf32, #tpu.memory_space<vmem>>, vector<40x128xf32>
    %gt3A_195 = arith.cmpf ogt, %get3A_194, %max3A_191 : vector<40x128xf32>
    %add3A_196 = arith.constant 840 : i32
    %add3A_197 = arith.addi %mul3A_7, %add3A_196 : i32
    %broadcast_in_dim3A_198 = vector.broadcast %add3A_197 : i32 to vector<40x128xi32>
    %select_n3A_199 = arith.select %gt3A_195, %broadcast_in_dim3A_198, %select_n3A_190 : vector<40x128xi1>, vector<40x128xi32>
    %max3A_200 = arith.maximumf %get3A_194, %max3A_191 : vector<40x128xf32>
    %get3A_201 = arith.constant 880 : index
    %get3A_202 = arith.constant 0 : index
    %get3A_203 = vector.load %arg1[%get3A_201, %get3A_202] : memref<10000x128xf32, #tpu.memory_space<vmem>>, vector<40x128xf32>
    %gt3A_204 = arith.cmpf ogt, %get3A_203, %max3A_200 : vector<40x128xf32>
    %add3A_205 = arith.constant 880 : i32
    %add3A_206 = arith.addi %mul3A_7, %add3A_205 : i32
    %broadcast_in_dim3A_207 = vector.broadcast %add3A_206 : i32 to vector<40x128xi32>
    %select_n3A_208 = arith.select %gt3A_204, %broadcast_in_dim3A_207, %select_n3A_199 : vector<40x128xi1>, vector<40x128xi32>
    %max3A_209 = arith.maximumf %get3A_203, %max3A_200 : vector<40x128xf32>
    %get3A_210 = arith.constant 920 : index
    %get3A_211 = arith.constant 0 : index
    %get3A_212 = vector.load %arg1[%get3A_210, %get3A_211] : memref<10000x128xf32, #tpu.memory_space<vmem>>, vector<40x128xf32>
    %gt3A_213 = arith.cmpf ogt, %get3A_212, %max3A_209 : vector<40x128xf32>
    %add3A_214 = arith.constant 920 : i32
    %add3A_215 = arith.addi %mul3A_7, %add3A_214 : i32
    %broadcast_in_dim3A_216 = vector.broadcast %add3A_215 : i32 to vector<40x128xi32>
    %select_n3A_217 = arith.select %gt3A_213, %broadcast_in_dim3A_216, %select_n3A_208 : vector<40x128xi1>, vector<40x128xi32>
    %max3A_218 = arith.maximumf %get3A_212, %max3A_209 : vector<40x128xf32>
    %get3A_219 = arith.constant 960 : index
    %get3A_220 = arith.constant 0 : index
    %get3A_221 = vector.load %arg1[%get3A_219, %get3A_220] : memref<10000x128xf32, #tpu.memory_space<vmem>>, vector<40x128xf32>
    %gt3A_222 = arith.cmpf ogt, %get3A_221, %max3A_218 : vector<40x128xf32>
    %add3A_223 = arith.constant 960 : i32
    %add3A_224 = arith.addi %mul3A_7, %add3A_223 : i32
    %broadcast_in_dim3A_225 = vector.broadcast %add3A_224 : i32 to vector<40x128xi32>
    %select_n3A_226 = arith.select %gt3A_222, %broadcast_in_dim3A_225, %select_n3A_217 : vector<40x128xi1>, vector<40x128xi32>
    %max3A_227 = arith.maximumf %get3A_221, %max3A_218 : vector<40x128xf32>
    %get3A_228 = arith.constant 1000 : index
    %get3A_229 = arith.constant 0 : index
    %get3A_230 = vector.load %arg1[%get3A_228, %get3A_229] : memref<10000x128xf32, #tpu.memory_space<vmem>>, vector<40x128xf32>
    %gt3A_231 = arith.cmpf ogt, %get3A_230, %max3A_227 : vector<40x128xf32>
    %add3A_232 = arith.constant 1000 : i32
    %add3A_233 = arith.addi %mul3A_7, %add3A_232 : i32
    %broadcast_in_dim3A_234 = vector.broadcast %add3A_233 : i32 to vector<40x128xi32>
    %select_n3A_235 = arith.select %gt3A_231, %broadcast_in_dim3A_234, %select_n3A_226 : vector<40x128xi1>, vector<40x128xi32>
    %max3A_236 = arith.maximumf %get3A_230, %max3A_227 : vector<40x128xf32>
    %get3A_237 = arith.constant 1040 : index
    %get3A_238 = arith.constant 0 : index
    %get3A_239 = vector.load %arg1[%get3A_237, %get3A_238] : memref<10000x128xf32, #tpu.memory_space<vmem>>, vector<40x128xf32>
    %gt3A_240 = arith.cmpf ogt, %get3A_239, %max3A_236 : vector<40x128xf32>
    %add3A_241 = arith.constant 1040 : i32
    %add3A_242 = arith.addi %mul3A_7, %add3A_241 : i32
    %broadcast_in_dim3A_243 = vector.broadcast %add3A_242 : i32 to vector<40x128xi32>
    %select_n3A_244 = arith.select %gt3A_240, %broadcast_in_dim3A_243, %select_n3A_235 : vector<40x128xi1>, vector<40x128xi32>
    %max3A_245 = arith.maximumf %get3A_239, %max3A_236 : vector<40x128xf32>
    %get3A_246 = arith.constant 1080 : index
    %get3A_247 = arith.constant 0 : index
    %get3A_248 = vector.load %arg1[%get3A_246, %get3A_247] : memref<10000x128xf32, #tpu.memory_space<vmem>>, vector<40x128xf32>
    %gt3A_249 = arith.cmpf ogt, %get3A_248, %max3A_245 : vector<40x128xf32>
    %add3A_250 = arith.constant 1080 : i32
    %add3A_251 = arith.addi %mul3A_7, %add3A_250 : i32
    %broadcast_in_dim3A_252 = vector.broadcast %add3A_251 : i32 to vector<40x128xi32>
    %select_n3A_253 = arith.select %gt3A_249, %broadcast_in_dim3A_252, %select_n3A_244 : vector<40x128xi1>, vector<40x128xi32>
    %max3A_254 = arith.maximumf %get3A_248, %max3A_245 : vector<40x128xf32>
    %get3A_255 = arith.constant 1120 : index
    %get3A_256 = arith.constant 0 : index
    %get3A_257 = vector.load %arg1[%get3A_255, %get3A_256] : memref<10000x128xf32, #tpu.memory_space<vmem>>, vector<40x128xf32>
    %gt3A_258 = arith.cmpf ogt, %get3A_257, %max3A_254 : vector<40x128xf32>
    %add3A_259 = arith.constant 1120 : i32
    %add3A_260 = arith.addi %mul3A_7, %add3A_259 : i32
    %broadcast_in_dim3A_261 = vector.broadcast %add3A_260 : i32 to vector<40x128xi32>
    %select_n3A_262 = arith.select %gt3A_258, %broadcast_in_dim3A_261, %select_n3A_253 : vector<40x128xi1>, vector<40x128xi32>
    %max3A_263 = arith.maximumf %get3A_257, %max3A_254 : vector<40x128xf32>
    %get3A_264 = arith.constant 1160 : index
    %get3A_265 = arith.constant 0 : index
    %get3A_266 = vector.load %arg1[%get3A_264, %get3A_265] : memref<10000x128xf32, #tpu.memory_space<vmem>>, vector<40x128xf32>
    %gt3A_267 = arith.cmpf ogt, %get3A_266, %max3A_263 : vector<40x128xf32>
    %add3A_268 = arith.constant 1160 : i32
    %add3A_269 = arith.addi %mul3A_7, %add3A_268 : i32
    %broadcast_in_dim3A_270 = vector.broadcast %add3A_269 : i32 to vector<40x128xi32>
    %select_n3A_271 = arith.select %gt3A_267, %broadcast_in_dim3A_270, %select_n3A_262 : vector<40x128xi1>, vector<40x128xi32>
    %max3A_272 = arith.maximumf %get3A_266, %max3A_263 : vector<40x128xf32>
    %get3A_273 = arith.constant 1200 : index
    %get3A_274 = arith.constant 0 : index
    %get3A_275 = vector.load %arg1[%get3A_273, %get3A_274] : memref<10000x128xf32, #tpu.memory_space<vmem>>, vector<40x128xf32>
    %gt3A_276 = arith.cmpf ogt, %get3A_275, %max3A_272 : vector<40x128xf32>
    %add3A_277 = arith.constant 1200 : i32
    %add3A_278 = arith.addi %mul3A_7, %add3A_277 : i32
    %broadcast_in_dim3A_279 = vector.broadcast %add3A_278 : i32 to vector<40x128xi32>
    %select_n3A_280 = arith.select %gt3A_276, %broadcast_in_dim3A_279, %select_n3A_271 : vector<40x128xi1>, vector<40x128xi32>
    %max3A_281 = arith.maximumf %get3A_275, %max3A_272 : vector<40x128xf32>
    %get3A_282 = arith.constant 1240 : index
    %get3A_283 = arith.constant 0 : index
    %get3A_284 = vector.load %arg1[%get3A_282, %get3A_283] : memref<10000x128xf32, #tpu.memory_space<vmem>>, vector<40x128xf32>
    %gt3A_285 = arith.cmpf ogt, %get3A_284, %max3A_281 : vector<40x128xf32>
    %add3A_286 = arith.constant 1240 : i32
    %add3A_287 = arith.addi %mul3A_7, %add3A_286 : i32
    %broadcast_in_dim3A_288 = vector.broadcast %add3A_287 : i32 to vector<40x128xi32>
    %select_n3A_289 = arith.select %gt3A_285, %broadcast_in_dim3A_288, %select_n3A_280 : vector<40x128xi1>, vector<40x128xi32>
    %max3A_290 = arith.maximumf %get3A_284, %max3A_281 : vector<40x128xf32>
    %get3A_291 = arith.constant 1280 : index
    %get3A_292 = arith.constant 0 : index
    %get3A_293 = vector.load %arg1[%get3A_291, %get3A_292] : memref<10000x128xf32, #tpu.memory_space<vmem>>, vector<40x128xf32>
    %gt3A_294 = arith.cmpf ogt, %get3A_293, %max3A_290 : vector<40x128xf32>
    %add3A_295 = arith.constant 1280 : i32
    %add3A_296 = arith.addi %mul3A_7, %add3A_295 : i32
    %broadcast_in_dim3A_297 = vector.broadcast %add3A_296 : i32 to vector<40x128xi32>
    %select_n3A_298 = arith.select %gt3A_294, %broadcast_in_dim3A_297, %select_n3A_289 : vector<40x128xi1>, vector<40x128xi32>
    %max3A_299 = arith.maximumf %get3A_293, %max3A_290 : vector<40x128xf32>
    %get3A_300 = arith.constant 1320 : index
    %get3A_301 = arith.constant 0 : index
    %get3A_302 = vector.load %arg1[%get3A_300, %get3A_301] : memref<10000x128xf32, #tpu.memory_space<vmem>>, vector<40x128xf32>
    %gt3A_303 = arith.cmpf ogt, %get3A_302, %max3A_299 : vector<40x128xf32>
    %add3A_304 = arith.constant 1320 : i32
    %add3A_305 = arith.addi %mul3A_7, %add3A_304 : i32
    %broadcast_in_dim3A_306 = vector.broadcast %add3A_305 : i32 to vector<40x128xi32>
    %select_n3A_307 = arith.select %gt3A_303, %broadcast_in_dim3A_306, %select_n3A_298 : vector<40x128xi1>, vector<40x128xi32>
    %max3A_308 = arith.maximumf %get3A_302, %max3A_299 : vector<40x128xf32>
    %get3A_309 = arith.constant 1360 : index
    %get3A_310 = arith.constant 0 : index
    %get3A_311 = vector.load %arg1[%get3A_309, %get3A_310] : memref<10000x128xf32, #tpu.memory_space<vmem>>, vector<40x128xf32>
    %gt3A_312 = arith.cmpf ogt, %get3A_311, %max3A_308 : vector<40x128xf32>
    %add3A_313 = arith.constant 1360 : i32
    %add3A_314 = arith.addi %mul3A_7, %add3A_313 : i32
    %broadcast_in_dim3A_315 = vector.broadcast %add3A_314 : i32 to vector<40x128xi32>
    %select_n3A_316 = arith.select %gt3A_312, %broadcast_in_dim3A_315, %select_n3A_307 : vector<40x128xi1>, vector<40x128xi32>
    %max3A_317 = arith.maximumf %get3A_311, %max3A_308 : vector<40x128xf32>
    %get3A_318 = arith.constant 1400 : index
    %get3A_319 = arith.constant 0 : index
    %get3A_320 = vector.load %arg1[%get3A_318, %get3A_319] : memref<10000x128xf32, #tpu.memory_space<vmem>>, vector<40x128xf32>
    %gt3A_321 = arith.cmpf ogt, %get3A_320, %max3A_317 : vector<40x128xf32>
    %add3A_322 = arith.constant 1400 : i32
    %add3A_323 = arith.addi %mul3A_7, %add3A_322 : i32
    %broadcast_in_dim3A_324 = vector.broadcast %add3A_323 : i32 to vector<40x128xi32>
    %select_n3A_325 = arith.select %gt3A_321, %broadcast_in_dim3A_324, %select_n3A_316 : vector<40x128xi1>, vector<40x128xi32>
    %max3A_326 = arith.maximumf %get3A_320, %max3A_317 : vector<40x128xf32>
    %get3A_327 = arith.constant 1440 : index
    %get3A_328 = arith.constant 0 : index
    %get3A_329 = vector.load %arg1[%get3A_327, %get3A_328] : memref<10000x128xf32, #tpu.memory_space<vmem>>, vector<40x128xf32>
    %gt3A_330 = arith.cmpf ogt, %get3A_329, %max3A_326 : vector<40x128xf32>
    %add3A_331 = arith.constant 1440 : i32
    %add3A_332 = arith.addi %mul3A_7, %add3A_331 : i32
    %broadcast_in_dim3A_333 = vector.broadcast %add3A_332 : i32 to vector<40x128xi32>
    %select_n3A_334 = arith.select %gt3A_330, %broadcast_in_dim3A_333, %select_n3A_325 : vector<40x128xi1>, vector<40x128xi32>
    %max3A_335 = arith.maximumf %get3A_329, %max3A_326 : vector<40x128xf32>
    %get3A_336 = arith.constant 1480 : index
    %get3A_337 = arith.constant 0 : index
    %get3A_338 = vector.load %arg1[%get3A_336, %get3A_337] : memref<10000x128xf32, #tpu.memory_space<vmem>>, vector<40x128xf32>
    %gt3A_339 = arith.cmpf ogt, %get3A_338, %max3A_335 : vector<40x128xf32>
    %add3A_340 = arith.constant 1480 : i32
    %add3A_341 = arith.addi %mul3A_7, %add3A_340 : i32
    %broadcast_in_dim3A_342 = vector.broadcast %add3A_341 : i32 to vector<40x128xi32>
    %select_n3A_343 = arith.select %gt3A_339, %broadcast_in_dim3A_342, %select_n3A_334 : vector<40x128xi1>, vector<40x128xi32>
    %max3A_344 = arith.maximumf %get3A_338, %max3A_335 : vector<40x128xf32>
    %get3A_345 = arith.constant 1520 : index
    %get3A_346 = arith.constant 0 : index
    %get3A_347 = vector.load %arg1[%get3A_345, %get3A_346] : memref<10000x128xf32, #tpu.memory_space<vmem>>, vector<40x128xf32>
    %gt3A_348 = arith.cmpf ogt, %get3A_347, %max3A_344 : vector<40x128xf32>
    %add3A_349 = arith.constant 1520 : i32
    %add3A_350 = arith.addi %mul3A_7, %add3A_349 : i32
    %broadcast_in_dim3A_351 = vector.broadcast %add3A_350 : i32 to vector<40x128xi32>
    %select_n3A_352 = arith.select %gt3A_348, %broadcast_in_dim3A_351, %select_n3A_343 : vector<40x128xi1>, vector<40x128xi32>
    %max3A_353 = arith.maximumf %get3A_347, %max3A_344 : vector<40x128xf32>
    %get3A_354 = arith.constant 1560 : index
    %get3A_355 = arith.constant 0 : index
    %get3A_356 = vector.load %arg1[%get3A_354, %get3A_355] : memref<10000x128xf32, #tpu.memory_space<vmem>>, vector<40x128xf32>
    %gt3A_357 = arith.cmpf ogt, %get3A_356, %max3A_353 : vector<40x128xf32>
    %add3A_358 = arith.constant 1560 : i32
    %add3A_359 = arith.addi %mul3A_7, %add3A_358 : i32
    %broadcast_in_dim3A_360 = vector.broadcast %add3A_359 : i32 to vector<40x128xi32>
    %select_n3A_361 = arith.select %gt3A_357, %broadcast_in_dim3A_360, %select_n3A_352 : vector<40x128xi1>, vector<40x128xi32>
    %max3A_362 = arith.maximumf %get3A_356, %max3A_353 : vector<40x128xf32>
    %get3A_363 = arith.constant 1600 : index
    %get3A_364 = arith.constant 0 : index
    %get3A_365 = vector.load %arg1[%get3A_363, %get3A_364] : memref<10000x128xf32, #tpu.memory_space<vmem>>, vector<40x128xf32>
    %gt3A_366 = arith.cmpf ogt, %get3A_365, %max3A_362 : vector<40x128xf32>
    %add3A_367 = arith.constant 1600 : i32
    %add3A_368 = arith.addi %mul3A_7, %add3A_367 : i32
    %broadcast_in_dim3A_369 = vector.broadcast %add3A_368 : i32 to vector<40x128xi32>
    %select_n3A_370 = arith.select %gt3A_366, %broadcast_in_dim3A_369, %select_n3A_361 : vector<40x128xi1>, vector<40x128xi32>
    %max3A_371 = arith.maximumf %get3A_365, %max3A_362 : vector<40x128xf32>
    %get3A_372 = arith.constant 1640 : index
    %get3A_373 = arith.constant 0 : index
    %get3A_374 = vector.load %arg1[%get3A_372, %get3A_373] : memref<10000x128xf32, #tpu.memory_space<vmem>>, vector<40x128xf32>
    %gt3A_375 = arith.cmpf ogt, %get3A_374, %max3A_371 : vector<40x128xf32>
    %add3A_376 = arith.constant 1640 : i32
    %add3A_377 = arith.addi %mul3A_7, %add3A_376 : i32
    %broadcast_in_dim3A_378 = vector.broadcast %add3A_377 : i32 to vector<40x128xi32>
    %select_n3A_379 = arith.select %gt3A_375, %broadcast_in_dim3A_378, %select_n3A_370 : vector<40x128xi1>, vector<40x128xi32>
    %max3A_380 = arith.maximumf %get3A_374, %max3A_371 : vector<40x128xf32>
    %get3A_381 = arith.constant 1680 : index
    %get3A_382 = arith.constant 0 : index
    %get3A_383 = vector.load %arg1[%get3A_381, %get3A_382] : memref<10000x128xf32, #tpu.memory_space<vmem>>, vector<40x128xf32>
    %gt3A_384 = arith.cmpf ogt, %get3A_383, %max3A_380 : vector<40x128xf32>
    %add3A_385 = arith.constant 1680 : i32
    %add3A_386 = arith.addi %mul3A_7, %add3A_385 : i32
    %broadcast_in_dim3A_387 = vector.broadcast %add3A_386 : i32 to vector<40x128xi32>
    %select_n3A_388 = arith.select %gt3A_384, %broadcast_in_dim3A_387, %select_n3A_379 : vector<40x128xi1>, vector<40x128xi32>
    %max3A_389 = arith.maximumf %get3A_383, %max3A_380 : vector<40x128xf32>
    %get3A_390 = arith.constant 1720 : index
    %get3A_391 = arith.constant 0 : index
    %get3A_392 = vector.load %arg1[%get3A_390, %get3A_391] : memref<10000x128xf32, #tpu.memory_space<vmem>>, vector<40x128xf32>
    %gt3A_393 = arith.cmpf ogt, %get3A_392, %max3A_389 : vector<40x128xf32>
    %add3A_394 = arith.constant 1720 : i32
    %add3A_395 = arith.addi %mul3A_7, %add3A_394 : i32
    %broadcast_in_dim3A_396 = vector.broadcast %add3A_395 : i32 to vector<40x128xi32>
    %select_n3A_397 = arith.select %gt3A_393, %broadcast_in_dim3A_396, %select_n3A_388 : vector<40x128xi1>, vector<40x128xi32>
    %max3A_398 = arith.maximumf %get3A_392, %max3A_389 : vector<40x128xf32>
    %get3A_399 = arith.constant 1760 : index
    %get3A_400 = arith.constant 0 : index
    %get3A_401 = vector.load %arg1[%get3A_399, %get3A_400] : memref<10000x128xf32, #tpu.memory_space<vmem>>, vector<40x128xf32>
    %gt3A_402 = arith.cmpf ogt, %get3A_401, %max3A_398 : vector<40x128xf32>
    %add3A_403 = arith.constant 1760 : i32
    %add3A_404 = arith.addi %mul3A_7, %add3A_403 : i32
    %broadcast_in_dim3A_405 = vector.broadcast %add3A_404 : i32 to vector<40x128xi32>
    %select_n3A_406 = arith.select %gt3A_402, %broadcast_in_dim3A_405, %select_n3A_397 : vector<40x128xi1>, vector<40x128xi32>
    %max3A_407 = arith.maximumf %get3A_401, %max3A_398 : vector<40x128xf32>
    %get3A_408 = arith.constant 1800 : index
    %get3A_409 = arith.constant 0 : index
    %get3A_410 = vector.load %arg1[%get3A_408, %get3A_409] : memref<10000x128xf32, #tpu.memory_space<vmem>>, vector<40x128xf32>
    %gt3A_411 = arith.cmpf ogt, %get3A_410, %max3A_407 : vector<40x128xf32>
    %add3A_412 = arith.constant 1800 : i32
    %add3A_413 = arith.addi %mul3A_7, %add3A_412 : i32
    %broadcast_in_dim3A_414 = vector.broadcast %add3A_413 : i32 to vector<40x128xi32>
    %select_n3A_415 = arith.select %gt3A_411, %broadcast_in_dim3A_414, %select_n3A_406 : vector<40x128xi1>, vector<40x128xi32>
    %max3A_416 = arith.maximumf %get3A_410, %max3A_407 : vector<40x128xf32>
    %get3A_417 = arith.constant 1840 : index
    %get3A_418 = arith.constant 0 : index
    %get3A_419 = vector.load %arg1[%get3A_417, %get3A_418] : memref<10000x128xf32, #tpu.memory_space<vmem>>, vector<40x128xf32>
    %gt3A_420 = arith.cmpf ogt, %get3A_419, %max3A_416 : vector<40x128xf32>
    %add3A_421 = arith.constant 1840 : i32
    %add3A_422 = arith.addi %mul3A_7, %add3A_421 : i32
    %broadcast_in_dim3A_423 = vector.broadcast %add3A_422 : i32 to vector<40x128xi32>
    %select_n3A_424 = arith.select %gt3A_420, %broadcast_in_dim3A_423, %select_n3A_415 : vector<40x128xi1>, vector<40x128xi32>
    %max3A_425 = arith.maximumf %get3A_419, %max3A_416 : vector<40x128xf32>
    %get3A_426 = arith.constant 1880 : index
    %get3A_427 = arith.constant 0 : index
    %get3A_428 = vector.load %arg1[%get3A_426, %get3A_427] : memref<10000x128xf32, #tpu.memory_space<vmem>>, vector<40x128xf32>
    %gt3A_429 = arith.cmpf ogt, %get3A_428, %max3A_425 : vector<40x128xf32>
    %add3A_430 = arith.constant 1880 : i32
    %add3A_431 = arith.addi %mul3A_7, %add3A_430 : i32
    %broadcast_in_dim3A_432 = vector.broadcast %add3A_431 : i32 to vector<40x128xi32>
    %select_n3A_433 = arith.select %gt3A_429, %broadcast_in_dim3A_432, %select_n3A_424 : vector<40x128xi1>, vector<40x128xi32>
    %max3A_434 = arith.maximumf %get3A_428, %max3A_425 : vector<40x128xf32>
    %get3A_435 = arith.constant 1920 : index
    %get3A_436 = arith.constant 0 : index
    %get3A_437 = vector.load %arg1[%get3A_435, %get3A_436] : memref<10000x128xf32, #tpu.memory_space<vmem>>, vector<40x128xf32>
    %gt3A_438 = arith.cmpf ogt, %get3A_437, %max3A_434 : vector<40x128xf32>
    %add3A_439 = arith.constant 1920 : i32
    %add3A_440 = arith.addi %mul3A_7, %add3A_439 : i32
    %broadcast_in_dim3A_441 = vector.broadcast %add3A_440 : i32 to vector<40x128xi32>
    %select_n3A_442 = arith.select %gt3A_438, %broadcast_in_dim3A_441, %select_n3A_433 : vector<40x128xi1>, vector<40x128xi32>
    %max3A_443 = arith.maximumf %get3A_437, %max3A_434 : vector<40x128xf32>
    %get3A_444 = arith.constant 1960 : index
    %get3A_445 = arith.constant 0 : index
    %get3A_446 = vector.load %arg1[%get3A_444, %get3A_445] : memref<10000x128xf32, #tpu.memory_space<vmem>>, vector<40x128xf32>
    %gt3A_447 = arith.cmpf ogt, %get3A_446, %max3A_443 : vector<40x128xf32>
    %add3A_448 = arith.constant 1960 : i32
    %add3A_449 = arith.addi %mul3A_7, %add3A_448 : i32
    %broadcast_in_dim3A_450 = vector.broadcast %add3A_449 : i32 to vector<40x128xi32>
    %select_n3A_451 = arith.select %gt3A_447, %broadcast_in_dim3A_450, %select_n3A_442 : vector<40x128xi1>, vector<40x128xi32>
    %max3A_452 = arith.maximumf %get3A_446, %max3A_443 : vector<40x128xf32>
    %get3A_453 = arith.constant 2000 : index
    %get3A_454 = arith.constant 0 : index
    %get3A_455 = vector.load %arg1[%get3A_453, %get3A_454] : memref<10000x128xf32, #tpu.memory_space<vmem>>, vector<40x128xf32>
    %gt3A_456 = arith.cmpf ogt, %get3A_455, %max3A_452 : vector<40x128xf32>
    %add3A_457 = arith.constant 2000 : i32
    %add3A_458 = arith.addi %mul3A_7, %add3A_457 : i32
    %broadcast_in_dim3A_459 = vector.broadcast %add3A_458 : i32 to vector<40x128xi32>
    %select_n3A_460 = arith.select %gt3A_456, %broadcast_in_dim3A_459, %select_n3A_451 : vector<40x128xi1>, vector<40x128xi32>
    %max3A_461 = arith.maximumf %get3A_455, %max3A_452 : vector<40x128xf32>
    %get3A_462 = arith.constant 2040 : index
    %get3A_463 = arith.constant 0 : index
    %get3A_464 = vector.load %arg1[%get3A_462, %get3A_463] : memref<10000x128xf32, #tpu.memory_space<vmem>>, vector<40x128xf32>
    %gt3A_465 = arith.cmpf ogt, %get3A_464, %max3A_461 : vector<40x128xf32>
    %add3A_466 = arith.constant 2040 : i32
    %add3A_467 = arith.addi %mul3A_7, %add3A_466 : i32
    %broadcast_in_dim3A_468 = vector.broadcast %add3A_467 : i32 to vector<40x128xi32>
    %select_n3A_469 = arith.select %gt3A_465, %broadcast_in_dim3A_468, %select_n3A_460 : vector<40x128xi1>, vector<40x128xi32>
    %max3A_470 = arith.maximumf %get3A_464, %max3A_461 : vector<40x128xf32>
    %get3A_471 = arith.constant 2080 : index
    %get3A_472 = arith.constant 0 : index
    %get3A_473 = vector.load %arg1[%get3A_471, %get3A_472] : memref<10000x128xf32, #tpu.memory_space<vmem>>, vector<40x128xf32>
    %gt3A_474 = arith.cmpf ogt, %get3A_473, %max3A_470 : vector<40x128xf32>
    %add3A_475 = arith.constant 2080 : i32
    %add3A_476 = arith.addi %mul3A_7, %add3A_475 : i32
    %broadcast_in_dim3A_477 = vector.broadcast %add3A_476 : i32 to vector<40x128xi32>
    %select_n3A_478 = arith.select %gt3A_474, %broadcast_in_dim3A_477, %select_n3A_469 : vector<40x128xi1>, vector<40x128xi32>
    %max3A_479 = arith.maximumf %get3A_473, %max3A_470 : vector<40x128xf32>
    %get3A_480 = arith.constant 2120 : index
    %get3A_481 = arith.constant 0 : index
    %get3A_482 = vector.load %arg1[%get3A_480, %get3A_481] : memref<10000x128xf32, #tpu.memory_space<vmem>>, vector<40x128xf32>
    %gt3A_483 = arith.cmpf ogt, %get3A_482, %max3A_479 : vector<40x128xf32>
    %add3A_484 = arith.constant 2120 : i32
    %add3A_485 = arith.addi %mul3A_7, %add3A_484 : i32
    %broadcast_in_dim3A_486 = vector.broadcast %add3A_485 : i32 to vector<40x128xi32>
    %select_n3A_487 = arith.select %gt3A_483, %broadcast_in_dim3A_486, %select_n3A_478 : vector<40x128xi1>, vector<40x128xi32>
    %max3A_488 = arith.maximumf %get3A_482, %max3A_479 : vector<40x128xf32>
    %get3A_489 = arith.constant 2160 : index
    %get3A_490 = arith.constant 0 : index
    %get3A_491 = vector.load %arg1[%get3A_489, %get3A_490] : memref<10000x128xf32, #tpu.memory_space<vmem>>, vector<40x128xf32>
    %gt3A_492 = arith.cmpf ogt, %get3A_491, %max3A_488 : vector<40x128xf32>
    %add3A_493 = arith.constant 2160 : i32
    %add3A_494 = arith.addi %mul3A_7, %add3A_493 : i32
    %broadcast_in_dim3A_495 = vector.broadcast %add3A_494 : i32 to vector<40x128xi32>
    %select_n3A_496 = arith.select %gt3A_492, %broadcast_in_dim3A_495, %select_n3A_487 : vector<40x128xi1>, vector<40x128xi32>
    %max3A_497 = arith.maximumf %get3A_491, %max3A_488 : vector<40x128xf32>
    %get3A_498 = arith.constant 2200 : index
    %get3A_499 = arith.constant 0 : index
    %get3A_500 = vector.load %arg1[%get3A_498, %get3A_499] : memref<10000x128xf32, #tpu.memory_space<vmem>>, vector<40x128xf32>
    %gt3A_501 = arith.cmpf ogt, %get3A_500, %max3A_497 : vector<40x128xf32>
    %add3A_502 = arith.constant 2200 : i32
    %add3A_503 = arith.addi %mul3A_7, %add3A_502 : i32
    %broadcast_in_dim3A_504 = vector.broadcast %add3A_503 : i32 to vector<40x128xi32>
    %select_n3A_505 = arith.select %gt3A_501, %broadcast_in_dim3A_504, %select_n3A_496 : vector<40x128xi1>, vector<40x128xi32>
    %max3A_506 = arith.maximumf %get3A_500, %max3A_497 : vector<40x128xf32>
    %get3A_507 = arith.constant 2240 : index
    %get3A_508 = arith.constant 0 : index
    %get3A_509 = vector.load %arg1[%get3A_507, %get3A_508] : memref<10000x128xf32, #tpu.memory_space<vmem>>, vector<40x128xf32>
    %gt3A_510 = arith.cmpf ogt, %get3A_509, %max3A_506 : vector<40x128xf32>
    %add3A_511 = arith.constant 2240 : i32
    %add3A_512 = arith.addi %mul3A_7, %add3A_511 : i32
    %broadcast_in_dim3A_513 = vector.broadcast %add3A_512 : i32 to vector<40x128xi32>
    %select_n3A_514 = arith.select %gt3A_510, %broadcast_in_dim3A_513, %select_n3A_505 : vector<40x128xi1>, vector<40x128xi32>
    %max3A_515 = arith.maximumf %get3A_509, %max3A_506 : vector<40x128xf32>
    %get3A_516 = arith.constant 2280 : index
    %get3A_517 = arith.constant 0 : index
    %get3A_518 = vector.load %arg1[%get3A_516, %get3A_517] : memref<10000x128xf32, #tpu.memory_space<vmem>>, vector<40x128xf32>
    %gt3A_519 = arith.cmpf ogt, %get3A_518, %max3A_515 : vector<40x128xf32>
    %add3A_520 = arith.constant 2280 : i32
    %add3A_521 = arith.addi %mul3A_7, %add3A_520 : i32
    %broadcast_in_dim3A_522 = vector.broadcast %add3A_521 : i32 to vector<40x128xi32>
    %select_n3A_523 = arith.select %gt3A_519, %broadcast_in_dim3A_522, %select_n3A_514 : vector<40x128xi1>, vector<40x128xi32>
    %max3A_524 = arith.maximumf %get3A_518, %max3A_515 : vector<40x128xf32>
    %get3A_525 = arith.constant 2320 : index
    %get3A_526 = arith.constant 0 : index
    %get3A_527 = vector.load %arg1[%get3A_525, %get3A_526] : memref<10000x128xf32, #tpu.memory_space<vmem>>, vector<40x128xf32>
    %gt3A_528 = arith.cmpf ogt, %get3A_527, %max3A_524 : vector<40x128xf32>
    %add3A_529 = arith.constant 2320 : i32
    %add3A_530 = arith.addi %mul3A_7, %add3A_529 : i32
    %broadcast_in_dim3A_531 = vector.broadcast %add3A_530 : i32 to vector<40x128xi32>
    %select_n3A_532 = arith.select %gt3A_528, %broadcast_in_dim3A_531, %select_n3A_523 : vector<40x128xi1>, vector<40x128xi32>
    %max3A_533 = arith.maximumf %get3A_527, %max3A_524 : vector<40x128xf32>
    %get3A_534 = arith.constant 2360 : index
    %get3A_535 = arith.constant 0 : index
    %get3A_536 = vector.load %arg1[%get3A_534, %get3A_535] : memref<10000x128xf32, #tpu.memory_space<vmem>>, vector<40x128xf32>
    %gt3A_537 = arith.cmpf ogt, %get3A_536, %max3A_533 : vector<40x128xf32>
    %add3A_538 = arith.constant 2360 : i32
    %add3A_539 = arith.addi %mul3A_7, %add3A_538 : i32
    %broadcast_in_dim3A_540 = vector.broadcast %add3A_539 : i32 to vector<40x128xi32>
    %select_n3A_541 = arith.select %gt3A_537, %broadcast_in_dim3A_540, %select_n3A_532 : vector<40x128xi1>, vector<40x128xi32>
    %max3A_542 = arith.maximumf %get3A_536, %max3A_533 : vector<40x128xf32>
    %get3A_543 = arith.constant 2400 : index
    %get3A_544 = arith.constant 0 : index
    %get3A_545 = vector.load %arg1[%get3A_543, %get3A_544] : memref<10000x128xf32, #tpu.memory_space<vmem>>, vector<40x128xf32>
    %gt3A_546 = arith.cmpf ogt, %get3A_545, %max3A_542 : vector<40x128xf32>
    %add3A_547 = arith.constant 2400 : i32
    %add3A_548 = arith.addi %mul3A_7, %add3A_547 : i32
    %broadcast_in_dim3A_549 = vector.broadcast %add3A_548 : i32 to vector<40x128xi32>
    %select_n3A_550 = arith.select %gt3A_546, %broadcast_in_dim3A_549, %select_n3A_541 : vector<40x128xi1>, vector<40x128xi32>
    %max3A_551 = arith.maximumf %get3A_545, %max3A_542 : vector<40x128xf32>
    %get3A_552 = arith.constant 2440 : index
    %get3A_553 = arith.constant 0 : index
    %get3A_554 = vector.load %arg1[%get3A_552, %get3A_553] : memref<10000x128xf32, #tpu.memory_space<vmem>>, vector<40x128xf32>
    %gt3A_555 = arith.cmpf ogt, %get3A_554, %max3A_551 : vector<40x128xf32>
    %add3A_556 = arith.constant 2440 : i32
    %add3A_557 = arith.addi %mul3A_7, %add3A_556 : i32
    %broadcast_in_dim3A_558 = vector.broadcast %add3A_557 : i32 to vector<40x128xi32>
    %select_n3A_559 = arith.select %gt3A_555, %broadcast_in_dim3A_558, %select_n3A_550 : vector<40x128xi1>, vector<40x128xi32>
    %max3A_560 = arith.maximumf %get3A_554, %max3A_551 : vector<40x128xf32>
    %get3A_561 = arith.constant 2480 : index
    %get3A_562 = arith.constant 0 : index
    %get3A_563 = vector.load %arg1[%get3A_561, %get3A_562] : memref<10000x128xf32, #tpu.memory_space<vmem>>, vector<40x128xf32>
    %gt3A_564 = arith.cmpf ogt, %get3A_563, %max3A_560 : vector<40x128xf32>
    %add3A_565 = arith.constant 2480 : i32
    %add3A_566 = arith.addi %mul3A_7, %add3A_565 : i32
    %broadcast_in_dim3A_567 = vector.broadcast %add3A_566 : i32 to vector<40x128xi32>
    %select_n3A_568 = arith.select %gt3A_564, %broadcast_in_dim3A_567, %select_n3A_559 : vector<40x128xi1>, vector<40x128xi32>
    %max3A_569 = arith.maximumf %get3A_563, %max3A_560 : vector<40x128xf32>
    %get3A_570 = arith.constant 2520 : index
    %get3A_571 = arith.constant 0 : index
    %get3A_572 = vector.load %arg1[%get3A_570, %get3A_571] : memref<10000x128xf32, #tpu.memory_space<vmem>>, vector<40x128xf32>
    %gt3A_573 = arith.cmpf ogt, %get3A_572, %max3A_569 : vector<40x128xf32>
    %add3A_574 = arith.constant 2520 : i32
    %add3A_575 = arith.addi %mul3A_7, %add3A_574 : i32
    %broadcast_in_dim3A_576 = vector.broadcast %add3A_575 : i32 to vector<40x128xi32>
    %select_n3A_577 = arith.select %gt3A_573, %broadcast_in_dim3A_576, %select_n3A_568 : vector<40x128xi1>, vector<40x128xi32>
    %max3A_578 = arith.maximumf %get3A_572, %max3A_569 : vector<40x128xf32>
    %get3A_579 = arith.constant 2560 : index
    %get3A_580 = arith.constant 0 : index
    %get3A_581 = vector.load %arg1[%get3A_579, %get3A_580] : memref<10000x128xf32, #tpu.memory_space<vmem>>, vector<40x128xf32>
    %gt3A_582 = arith.cmpf ogt, %get3A_581, %max3A_578 : vector<40x128xf32>
    %add3A_583 = arith.constant 2560 : i32
    %add3A_584 = arith.addi %mul3A_7, %add3A_583 : i32
    %broadcast_in_dim3A_585 = vector.broadcast %add3A_584 : i32 to vector<40x128xi32>
    %select_n3A_586 = arith.select %gt3A_582, %broadcast_in_dim3A_585, %select_n3A_577 : vector<40x128xi1>, vector<40x128xi32>
    %max3A_587 = arith.maximumf %get3A_581, %max3A_578 : vector<40x128xf32>
    %get3A_588 = arith.constant 2600 : index
    %get3A_589 = arith.constant 0 : index
    %get3A_590 = vector.load %arg1[%get3A_588, %get3A_589] : memref<10000x128xf32, #tpu.memory_space<vmem>>, vector<40x128xf32>
    %gt3A_591 = arith.cmpf ogt, %get3A_590, %max3A_587 : vector<40x128xf32>
    %add3A_592 = arith.constant 2600 : i32
    %add3A_593 = arith.addi %mul3A_7, %add3A_592 : i32
    %broadcast_in_dim3A_594 = vector.broadcast %add3A_593 : i32 to vector<40x128xi32>
    %select_n3A_595 = arith.select %gt3A_591, %broadcast_in_dim3A_594, %select_n3A_586 : vector<40x128xi1>, vector<40x128xi32>
    %max3A_596 = arith.maximumf %get3A_590, %max3A_587 : vector<40x128xf32>
    %get3A_597 = arith.constant 2640 : index
    %get3A_598 = arith.constant 0 : index
    %get3A_599 = vector.load %arg1[%get3A_597, %get3A_598] : memref<10000x128xf32, #tpu.memory_space<vmem>>, vector<40x128xf32>
    %gt3A_600 = arith.cmpf ogt, %get3A_599, %max3A_596 : vector<40x128xf32>
    %add3A_601 = arith.constant 2640 : i32
    %add3A_602 = arith.addi %mul3A_7, %add3A_601 : i32
    %broadcast_in_dim3A_603 = vector.broadcast %add3A_602 : i32 to vector<40x128xi32>
    %select_n3A_604 = arith.select %gt3A_600, %broadcast_in_dim3A_603, %select_n3A_595 : vector<40x128xi1>, vector<40x128xi32>
    %max3A_605 = arith.maximumf %get3A_599, %max3A_596 : vector<40x128xf32>
    %get3A_606 = arith.constant 2680 : index
    %get3A_607 = arith.constant 0 : index
    %get3A_608 = vector.load %arg1[%get3A_606, %get3A_607] : memref<10000x128xf32, #tpu.memory_space<vmem>>, vector<40x128xf32>
    %gt3A_609 = arith.cmpf ogt, %get3A_608, %max3A_605 : vector<40x128xf32>
    %add3A_610 = arith.constant 2680 : i32
    %add3A_611 = arith.addi %mul3A_7, %add3A_610 : i32
    %broadcast_in_dim3A_612 = vector.broadcast %add3A_611 : i32 to vector<40x128xi32>
    %select_n3A_613 = arith.select %gt3A_609, %broadcast_in_dim3A_612, %select_n3A_604 : vector<40x128xi1>, vector<40x128xi32>
    %max3A_614 = arith.maximumf %get3A_608, %max3A_605 : vector<40x128xf32>
    %get3A_615 = arith.constant 2720 : index
    %get3A_616 = arith.constant 0 : index
    %get3A_617 = vector.load %arg1[%get3A_615, %get3A_616] : memref<10000x128xf32, #tpu.memory_space<vmem>>, vector<40x128xf32>
    %gt3A_618 = arith.cmpf ogt, %get3A_617, %max3A_614 : vector<40x128xf32>
    %add3A_619 = arith.constant 2720 : i32
    %add3A_620 = arith.addi %mul3A_7, %add3A_619 : i32
    %broadcast_in_dim3A_621 = vector.broadcast %add3A_620 : i32 to vector<40x128xi32>
    %select_n3A_622 = arith.select %gt3A_618, %broadcast_in_dim3A_621, %select_n3A_613 : vector<40x128xi1>, vector<40x128xi32>
    %max3A_623 = arith.maximumf %get3A_617, %max3A_614 : vector<40x128xf32>
    %get3A_624 = arith.constant 2760 : index
    %get3A_625 = arith.constant 0 : index
    %get3A_626 = vector.load %arg1[%get3A_624, %get3A_625] : memref<10000x128xf32, #tpu.memory_space<vmem>>, vector<40x128xf32>
    %gt3A_627 = arith.cmpf ogt, %get3A_626, %max3A_623 : vector<40x128xf32>
    %add3A_628 = arith.constant 2760 : i32
    %add3A_629 = arith.addi %mul3A_7, %add3A_628 : i32
    %broadcast_in_dim3A_630 = vector.broadcast %add3A_629 : i32 to vector<40x128xi32>
    %select_n3A_631 = arith.select %gt3A_627, %broadcast_in_dim3A_630, %select_n3A_622 : vector<40x128xi1>, vector<40x128xi32>
    %max3A_632 = arith.maximumf %get3A_626, %max3A_623 : vector<40x128xf32>
    %get3A_633 = arith.constant 2800 : index
    %get3A_634 = arith.constant 0 : index
    %get3A_635 = vector.load %arg1[%get3A_633, %get3A_634] : memref<10000x128xf32, #tpu.memory_space<vmem>>, vector<40x128xf32>
    %gt3A_636 = arith.cmpf ogt, %get3A_635, %max3A_632 : vector<40x128xf32>
    %add3A_637 = arith.constant 2800 : i32
    %add3A_638 = arith.addi %mul3A_7, %add3A_637 : i32
    %broadcast_in_dim3A_639 = vector.broadcast %add3A_638 : i32 to vector<40x128xi32>
    %select_n3A_640 = arith.select %gt3A_636, %broadcast_in_dim3A_639, %select_n3A_631 : vector<40x128xi1>, vector<40x128xi32>
    %max3A_641 = arith.maximumf %get3A_635, %max3A_632 : vector<40x128xf32>
    %get3A_642 = arith.constant 2840 : index
    %get3A_643 = arith.constant 0 : index
    %get3A_644 = vector.load %arg1[%get3A_642, %get3A_643] : memref<10000x128xf32, #tpu.memory_space<vmem>>, vector<40x128xf32>
    %gt3A_645 = arith.cmpf ogt, %get3A_644, %max3A_641 : vector<40x128xf32>
    %add3A_646 = arith.constant 2840 : i32
    %add3A_647 = arith.addi %mul3A_7, %add3A_646 : i32
    %broadcast_in_dim3A_648 = vector.broadcast %add3A_647 : i32 to vector<40x128xi32>
    %select_n3A_649 = arith.select %gt3A_645, %broadcast_in_dim3A_648, %select_n3A_640 : vector<40x128xi1>, vector<40x128xi32>
    %max3A_650 = arith.maximumf %get3A_644, %max3A_641 : vector<40x128xf32>
    %get3A_651 = arith.constant 2880 : index
    %get3A_652 = arith.constant 0 : index
    %get3A_653 = vector.load %arg1[%get3A_651, %get3A_652] : memref<10000x128xf32, #tpu.memory_space<vmem>>, vector<40x128xf32>
    %gt3A_654 = arith.cmpf ogt, %get3A_653, %max3A_650 : vector<40x128xf32>
    %add3A_655 = arith.constant 2880 : i32
    %add3A_656 = arith.addi %mul3A_7, %add3A_655 : i32
    %broadcast_in_dim3A_657 = vector.broadcast %add3A_656 : i32 to vector<40x128xi32>
    %select_n3A_658 = arith.select %gt3A_654, %broadcast_in_dim3A_657, %select_n3A_649 : vector<40x128xi1>, vector<40x128xi32>
    %max3A_659 = arith.maximumf %get3A_653, %max3A_650 : vector<40x128xf32>
    %get3A_660 = arith.constant 2920 : index
    %get3A_661 = arith.constant 0 : index
    %get3A_662 = vector.load %arg1[%get3A_660, %get3A_661] : memref<10000x128xf32, #tpu.memory_space<vmem>>, vector<40x128xf32>
    %gt3A_663 = arith.cmpf ogt, %get3A_662, %max3A_659 : vector<40x128xf32>
    %add3A_664 = arith.constant 2920 : i32
    %add3A_665 = arith.addi %mul3A_7, %add3A_664 : i32
    %broadcast_in_dim3A_666 = vector.broadcast %add3A_665 : i32 to vector<40x128xi32>
    %select_n3A_667 = arith.select %gt3A_663, %broadcast_in_dim3A_666, %select_n3A_658 : vector<40x128xi1>, vector<40x128xi32>
    %max3A_668 = arith.maximumf %get3A_662, %max3A_659 : vector<40x128xf32>
    %get3A_669 = arith.constant 2960 : index
    %get3A_670 = arith.constant 0 : index
    %get3A_671 = vector.load %arg1[%get3A_669, %get3A_670] : memref<10000x128xf32, #tpu.memory_space<vmem>>, vector<40x128xf32>
    %gt3A_672 = arith.cmpf ogt, %get3A_671, %max3A_668 : vector<40x128xf32>
    %add3A_673 = arith.constant 2960 : i32
    %add3A_674 = arith.addi %mul3A_7, %add3A_673 : i32
    %broadcast_in_dim3A_675 = vector.broadcast %add3A_674 : i32 to vector<40x128xi32>
    %select_n3A_676 = arith.select %gt3A_672, %broadcast_in_dim3A_675, %select_n3A_667 : vector<40x128xi1>, vector<40x128xi32>
    %max3A_677 = arith.maximumf %get3A_671, %max3A_668 : vector<40x128xf32>
    %get3A_678 = arith.constant 3000 : index
    %get3A_679 = arith.constant 0 : index
    %get3A_680 = vector.load %arg1[%get3A_678, %get3A_679] : memref<10000x128xf32, #tpu.memory_space<vmem>>, vector<40x128xf32>
    %gt3A_681 = arith.cmpf ogt, %get3A_680, %max3A_677 : vector<40x128xf32>
    %add3A_682 = arith.constant 3000 : i32
    %add3A_683 = arith.addi %mul3A_7, %add3A_682 : i32
    %broadcast_in_dim3A_684 = vector.broadcast %add3A_683 : i32 to vector<40x128xi32>
    %select_n3A_685 = arith.select %gt3A_681, %broadcast_in_dim3A_684, %select_n3A_676 : vector<40x128xi1>, vector<40x128xi32>
    %max3A_686 = arith.maximumf %get3A_680, %max3A_677 : vector<40x128xf32>
    %get3A_687 = arith.constant 3040 : index
    %get3A_688 = arith.constant 0 : index
    %get3A_689 = vector.load %arg1[%get3A_687, %get3A_688] : memref<10000x128xf32, #tpu.memory_space<vmem>>, vector<40x128xf32>
    %gt3A_690 = arith.cmpf ogt, %get3A_689, %max3A_686 : vector<40x128xf32>
    %add3A_691 = arith.constant 3040 : i32
    %add3A_692 = arith.addi %mul3A_7, %add3A_691 : i32
    %broadcast_in_dim3A_693 = vector.broadcast %add3A_692 : i32 to vector<40x128xi32>
    %select_n3A_694 = arith.select %gt3A_690, %broadcast_in_dim3A_693, %select_n3A_685 : vector<40x128xi1>, vector<40x128xi32>
    %max3A_695 = arith.maximumf %get3A_689, %max3A_686 : vector<40x128xf32>
    %get3A_696 = arith.constant 3080 : index
    %get3A_697 = arith.constant 0 : index
    %get3A_698 = vector.load %arg1[%get3A_696, %get3A_697] : memref<10000x128xf32, #tpu.memory_space<vmem>>, vector<40x128xf32>
    %gt3A_699 = arith.cmpf ogt, %get3A_698, %max3A_695 : vector<40x128xf32>
    %add3A_700 = arith.constant 3080 : i32
    %add3A_701 = arith.addi %mul3A_7, %add3A_700 : i32
    %broadcast_in_dim3A_702 = vector.broadcast %add3A_701 : i32 to vector<40x128xi32>
    %select_n3A_703 = arith.select %gt3A_699, %broadcast_in_dim3A_702, %select_n3A_694 : vector<40x128xi1>, vector<40x128xi32>
    %max3A_704 = arith.maximumf %get3A_698, %max3A_695 : vector<40x128xf32>
    %get3A_705 = arith.constant 3120 : index
    %get3A_706 = arith.constant 0 : index
    %get3A_707 = vector.load %arg1[%get3A_705, %get3A_706] : memref<10000x128xf32, #tpu.memory_space<vmem>>, vector<40x128xf32>
    %gt3A_708 = arith.cmpf ogt, %get3A_707, %max3A_704 : vector<40x128xf32>
    %add3A_709 = arith.constant 3120 : i32
    %add3A_710 = arith.addi %mul3A_7, %add3A_709 : i32
    %broadcast_in_dim3A_711 = vector.broadcast %add3A_710 : i32 to vector<40x128xi32>
    %select_n3A_712 = arith.select %gt3A_708, %broadcast_in_dim3A_711, %select_n3A_703 : vector<40x128xi1>, vector<40x128xi32>
    %max3A_713 = arith.maximumf %get3A_707, %max3A_704 : vector<40x128xf32>
    %get3A_714 = arith.constant 3160 : index
    %get3A_715 = arith.constant 0 : index
    %get3A_716 = vector.load %arg1[%get3A_714, %get3A_715] : memref<10000x128xf32, #tpu.memory_space<vmem>>, vector<40x128xf32>
    %gt3A_717 = arith.cmpf ogt, %get3A_716, %max3A_713 : vector<40x128xf32>
    %add3A_718 = arith.constant 3160 : i32
    %add3A_719 = arith.addi %mul3A_7, %add3A_718 : i32
    %broadcast_in_dim3A_720 = vector.broadcast %add3A_719 : i32 to vector<40x128xi32>
    %select_n3A_721 = arith.select %gt3A_717, %broadcast_in_dim3A_720, %select_n3A_712 : vector<40x128xi1>, vector<40x128xi32>
    %max3A_722 = arith.maximumf %get3A_716, %max3A_713 : vector<40x128xf32>
    %get3A_723 = arith.constant 3200 : index
    %get3A_724 = arith.constant 0 : index
    %get3A_725 = vector.load %arg1[%get3A_723, %get3A_724] : memref<10000x128xf32, #tpu.memory_space<vmem>>, vector<40x128xf32>
    %gt3A_726 = arith.cmpf ogt, %get3A_725, %max3A_722 : vector<40x128xf32>
    %add3A_727 = arith.constant 3200 : i32
    %add3A_728 = arith.addi %mul3A_7, %add3A_727 : i32
    %broadcast_in_dim3A_729 = vector.broadcast %add3A_728 : i32 to vector<40x128xi32>
    %select_n3A_730 = arith.select %gt3A_726, %broadcast_in_dim3A_729, %select_n3A_721 : vector<40x128xi1>, vector<40x128xi32>
    %max3A_731 = arith.maximumf %get3A_725, %max3A_722 : vector<40x128xf32>
    %get3A_732 = arith.constant 3240 : index
    %get3A_733 = arith.constant 0 : index
    %get3A_734 = vector.load %arg1[%get3A_732, %get3A_733] : memref<10000x128xf32, #tpu.memory_space<vmem>>, vector<40x128xf32>
    %gt3A_735 = arith.cmpf ogt, %get3A_734, %max3A_731 : vector<40x128xf32>
    %add3A_736 = arith.constant 3240 : i32
    %add3A_737 = arith.addi %mul3A_7, %add3A_736 : i32
    %broadcast_in_dim3A_738 = vector.broadcast %add3A_737 : i32 to vector<40x128xi32>
    %select_n3A_739 = arith.select %gt3A_735, %broadcast_in_dim3A_738, %select_n3A_730 : vector<40x128xi1>, vector<40x128xi32>
    %max3A_740 = arith.maximumf %get3A_734, %max3A_731 : vector<40x128xf32>
    %get3A_741 = arith.constant 3280 : index
    %get3A_742 = arith.constant 0 : index
    %get3A_743 = vector.load %arg1[%get3A_741, %get3A_742] : memref<10000x128xf32, #tpu.memory_space<vmem>>, vector<40x128xf32>
    %gt3A_744 = arith.cmpf ogt, %get3A_743, %max3A_740 : vector<40x128xf32>
    %add3A_745 = arith.constant 3280 : i32
    %add3A_746 = arith.addi %mul3A_7, %add3A_745 : i32
    %broadcast_in_dim3A_747 = vector.broadcast %add3A_746 : i32 to vector<40x128xi32>
    %select_n3A_748 = arith.select %gt3A_744, %broadcast_in_dim3A_747, %select_n3A_739 : vector<40x128xi1>, vector<40x128xi32>
    %max3A_749 = arith.maximumf %get3A_743, %max3A_740 : vector<40x128xf32>
    %get3A_750 = arith.constant 3320 : index
    %get3A_751 = arith.constant 0 : index
    %get3A_752 = vector.load %arg1[%get3A_750, %get3A_751] : memref<10000x128xf32, #tpu.memory_space<vmem>>, vector<40x128xf32>
    %gt3A_753 = arith.cmpf ogt, %get3A_752, %max3A_749 : vector<40x128xf32>
    %add3A_754 = arith.constant 3320 : i32
    %add3A_755 = arith.addi %mul3A_7, %add3A_754 : i32
    %broadcast_in_dim3A_756 = vector.broadcast %add3A_755 : i32 to vector<40x128xi32>
    %select_n3A_757 = arith.select %gt3A_753, %broadcast_in_dim3A_756, %select_n3A_748 : vector<40x128xi1>, vector<40x128xi32>
    %max3A_758 = arith.maximumf %get3A_752, %max3A_749 : vector<40x128xf32>
    %get3A_759 = arith.constant 3360 : index
    %get3A_760 = arith.constant 0 : index
    %get3A_761 = vector.load %arg1[%get3A_759, %get3A_760] : memref<10000x128xf32, #tpu.memory_space<vmem>>, vector<40x128xf32>
    %gt3A_762 = arith.cmpf ogt, %get3A_761, %max3A_758 : vector<40x128xf32>
    %add3A_763 = arith.constant 3360 : i32
    %add3A_764 = arith.addi %mul3A_7, %add3A_763 : i32
    %broadcast_in_dim3A_765 = vector.broadcast %add3A_764 : i32 to vector<40x128xi32>
    %select_n3A_766 = arith.select %gt3A_762, %broadcast_in_dim3A_765, %select_n3A_757 : vector<40x128xi1>, vector<40x128xi32>
    %max3A_767 = arith.maximumf %get3A_761, %max3A_758 : vector<40x128xf32>
    %get3A_768 = arith.constant 3400 : index
    %get3A_769 = arith.constant 0 : index
    %get3A_770 = vector.load %arg1[%get3A_768, %get3A_769] : memref<10000x128xf32, #tpu.memory_space<vmem>>, vector<40x128xf32>
    %gt3A_771 = arith.cmpf ogt, %get3A_770, %max3A_767 : vector<40x128xf32>
    %add3A_772 = arith.constant 3400 : i32
    %add3A_773 = arith.addi %mul3A_7, %add3A_772 : i32
    %broadcast_in_dim3A_774 = vector.broadcast %add3A_773 : i32 to vector<40x128xi32>
    %select_n3A_775 = arith.select %gt3A_771, %broadcast_in_dim3A_774, %select_n3A_766 : vector<40x128xi1>, vector<40x128xi32>
    %max3A_776 = arith.maximumf %get3A_770, %max3A_767 : vector<40x128xf32>
    %get3A_777 = arith.constant 3440 : index
    %get3A_778 = arith.constant 0 : index
    %get3A_779 = vector.load %arg1[%get3A_777, %get3A_778] : memref<10000x128xf32, #tpu.memory_space<vmem>>, vector<40x128xf32>
    %gt3A_780 = arith.cmpf ogt, %get3A_779, %max3A_776 : vector<40x128xf32>
    %add3A_781 = arith.constant 3440 : i32
    %add3A_782 = arith.addi %mul3A_7, %add3A_781 : i32
    %broadcast_in_dim3A_783 = vector.broadcast %add3A_782 : i32 to vector<40x128xi32>
    %select_n3A_784 = arith.select %gt3A_780, %broadcast_in_dim3A_783, %select_n3A_775 : vector<40x128xi1>, vector<40x128xi32>
    %max3A_785 = arith.maximumf %get3A_779, %max3A_776 : vector<40x128xf32>
    %get3A_786 = arith.constant 3480 : index
    %get3A_787 = arith.constant 0 : index
    %get3A_788 = vector.load %arg1[%get3A_786, %get3A_787] : memref<10000x128xf32, #tpu.memory_space<vmem>>, vector<40x128xf32>
    %gt3A_789 = arith.cmpf ogt, %get3A_788, %max3A_785 : vector<40x128xf32>
    %add3A_790 = arith.constant 3480 : i32
    %add3A_791 = arith.addi %mul3A_7, %add3A_790 : i32
    %broadcast_in_dim3A_792 = vector.broadcast %add3A_791 : i32 to vector<40x128xi32>
    %select_n3A_793 = arith.select %gt3A_789, %broadcast_in_dim3A_792, %select_n3A_784 : vector<40x128xi1>, vector<40x128xi32>
    %max3A_794 = arith.maximumf %get3A_788, %max3A_785 : vector<40x128xf32>
    %get3A_795 = arith.constant 3520 : index
    %get3A_796 = arith.constant 0 : index
    %get3A_797 = vector.load %arg1[%get3A_795, %get3A_796] : memref<10000x128xf32, #tpu.memory_space<vmem>>, vector<40x128xf32>
    %gt3A_798 = arith.cmpf ogt, %get3A_797, %max3A_794 : vector<40x128xf32>
    %add3A_799 = arith.constant 3520 : i32
    %add3A_800 = arith.addi %mul3A_7, %add3A_799 : i32
    %broadcast_in_dim3A_801 = vector.broadcast %add3A_800 : i32 to vector<40x128xi32>
    %select_n3A_802 = arith.select %gt3A_798, %broadcast_in_dim3A_801, %select_n3A_793 : vector<40x128xi1>, vector<40x128xi32>
    %max3A_803 = arith.maximumf %get3A_797, %max3A_794 : vector<40x128xf32>
    %get3A_804 = arith.constant 3560 : index
    %get3A_805 = arith.constant 0 : index
    %get3A_806 = vector.load %arg1[%get3A_804, %get3A_805] : memref<10000x128xf32, #tpu.memory_space<vmem>>, vector<40x128xf32>
    %gt3A_807 = arith.cmpf ogt, %get3A_806, %max3A_803 : vector<40x128xf32>
    %add3A_808 = arith.constant 3560 : i32
    %add3A_809 = arith.addi %mul3A_7, %add3A_808 : i32
    %broadcast_in_dim3A_810 = vector.broadcast %add3A_809 : i32 to vector<40x128xi32>
    %select_n3A_811 = arith.select %gt3A_807, %broadcast_in_dim3A_810, %select_n3A_802 : vector<40x128xi1>, vector<40x128xi32>
    %max3A_812 = arith.maximumf %get3A_806, %max3A_803 : vector<40x128xf32>
    %get3A_813 = arith.constant 3600 : index
    %get3A_814 = arith.constant 0 : index
    %get3A_815 = vector.load %arg1[%get3A_813, %get3A_814] : memref<10000x128xf32, #tpu.memory_space<vmem>>, vector<40x128xf32>
    %gt3A_816 = arith.cmpf ogt, %get3A_815, %max3A_812 : vector<40x128xf32>
    %add3A_817 = arith.constant 3600 : i32
    %add3A_818 = arith.addi %mul3A_7, %add3A_817 : i32
    %broadcast_in_dim3A_819 = vector.broadcast %add3A_818 : i32 to vector<40x128xi32>
    %select_n3A_820 = arith.select %gt3A_816, %broadcast_in_dim3A_819, %select_n3A_811 : vector<40x128xi1>, vector<40x128xi32>
    %max3A_821 = arith.maximumf %get3A_815, %max3A_812 : vector<40x128xf32>
    %get3A_822 = arith.constant 3640 : index
    %get3A_823 = arith.constant 0 : index
    %get3A_824 = vector.load %arg1[%get3A_822, %get3A_823] : memref<10000x128xf32, #tpu.memory_space<vmem>>, vector<40x128xf32>
    %gt3A_825 = arith.cmpf ogt, %get3A_824, %max3A_821 : vector<40x128xf32>
    %add3A_826 = arith.constant 3640 : i32
    %add3A_827 = arith.addi %mul3A_7, %add3A_826 : i32
    %broadcast_in_dim3A_828 = vector.broadcast %add3A_827 : i32 to vector<40x128xi32>
    %select_n3A_829 = arith.select %gt3A_825, %broadcast_in_dim3A_828, %select_n3A_820 : vector<40x128xi1>, vector<40x128xi32>
    %max3A_830 = arith.maximumf %get3A_824, %max3A_821 : vector<40x128xf32>
    %get3A_831 = arith.constant 3680 : index
    %get3A_832 = arith.constant 0 : index
    %get3A_833 = vector.load %arg1[%get3A_831, %get3A_832] : memref<10000x128xf32, #tpu.memory_space<vmem>>, vector<40x128xf32>
    %gt3A_834 = arith.cmpf ogt, %get3A_833, %max3A_830 : vector<40x128xf32>
    %add3A_835 = arith.constant 3680 : i32
    %add3A_836 = arith.addi %mul3A_7, %add3A_835 : i32
    %broadcast_in_dim3A_837 = vector.broadcast %add3A_836 : i32 to vector<40x128xi32>
    %select_n3A_838 = arith.select %gt3A_834, %broadcast_in_dim3A_837, %select_n3A_829 : vector<40x128xi1>, vector<40x128xi32>
    %max3A_839 = arith.maximumf %get3A_833, %max3A_830 : vector<40x128xf32>
    %get3A_840 = arith.constant 3720 : index
    %get3A_841 = arith.constant 0 : index
    %get3A_842 = vector.load %arg1[%get3A_840, %get3A_841] : memref<10000x128xf32, #tpu.memory_space<vmem>>, vector<40x128xf32>
    %gt3A_843 = arith.cmpf ogt, %get3A_842, %max3A_839 : vector<40x128xf32>
    %add3A_844 = arith.constant 3720 : i32
    %add3A_845 = arith.addi %mul3A_7, %add3A_844 : i32
    %broadcast_in_dim3A_846 = vector.broadcast %add3A_845 : i32 to vector<40x128xi32>
    %select_n3A_847 = arith.select %gt3A_843, %broadcast_in_dim3A_846, %select_n3A_838 : vector<40x128xi1>, vector<40x128xi32>
    %max3A_848 = arith.maximumf %get3A_842, %max3A_839 : vector<40x128xf32>
    %get3A_849 = arith.constant 3760 : index
    %get3A_850 = arith.constant 0 : index
    %get3A_851 = vector.load %arg1[%get3A_849, %get3A_850] : memref<10000x128xf32, #tpu.memory_space<vmem>>, vector<40x128xf32>
    %gt3A_852 = arith.cmpf ogt, %get3A_851, %max3A_848 : vector<40x128xf32>
    %add3A_853 = arith.constant 3760 : i32
    %add3A_854 = arith.addi %mul3A_7, %add3A_853 : i32
    %broadcast_in_dim3A_855 = vector.broadcast %add3A_854 : i32 to vector<40x128xi32>
    %select_n3A_856 = arith.select %gt3A_852, %broadcast_in_dim3A_855, %select_n3A_847 : vector<40x128xi1>, vector<40x128xi32>
    %max3A_857 = arith.maximumf %get3A_851, %max3A_848 : vector<40x128xf32>
    %get3A_858 = arith.constant 3800 : index
    %get3A_859 = arith.constant 0 : index
    %get3A_860 = vector.load %arg1[%get3A_858, %get3A_859] : memref<10000x128xf32, #tpu.memory_space<vmem>>, vector<40x128xf32>
    %gt3A_861 = arith.cmpf ogt, %get3A_860, %max3A_857 : vector<40x128xf32>
    %add3A_862 = arith.constant 3800 : i32
    %add3A_863 = arith.addi %mul3A_7, %add3A_862 : i32
    %broadcast_in_dim3A_864 = vector.broadcast %add3A_863 : i32 to vector<40x128xi32>
    %select_n3A_865 = arith.select %gt3A_861, %broadcast_in_dim3A_864, %select_n3A_856 : vector<40x128xi1>, vector<40x128xi32>
    %max3A_866 = arith.maximumf %get3A_860, %max3A_857 : vector<40x128xf32>
    %get3A_867 = arith.constant 3840 : index
    %get3A_868 = arith.constant 0 : index
    %get3A_869 = vector.load %arg1[%get3A_867, %get3A_868] : memref<10000x128xf32, #tpu.memory_space<vmem>>, vector<40x128xf32>
    %gt3A_870 = arith.cmpf ogt, %get3A_869, %max3A_866 : vector<40x128xf32>
    %add3A_871 = arith.constant 3840 : i32
    %add3A_872 = arith.addi %mul3A_7, %add3A_871 : i32
    %broadcast_in_dim3A_873 = vector.broadcast %add3A_872 : i32 to vector<40x128xi32>
    %select_n3A_874 = arith.select %gt3A_870, %broadcast_in_dim3A_873, %select_n3A_865 : vector<40x128xi1>, vector<40x128xi32>
    %max3A_875 = arith.maximumf %get3A_869, %max3A_866 : vector<40x128xf32>
    %get3A_876 = arith.constant 3880 : index
    %get3A_877 = arith.constant 0 : index
    %get3A_878 = vector.load %arg1[%get3A_876, %get3A_877] : memref<10000x128xf32, #tpu.memory_space<vmem>>, vector<40x128xf32>
    %gt3A_879 = arith.cmpf ogt, %get3A_878, %max3A_875 : vector<40x128xf32>
    %add3A_880 = arith.constant 3880 : i32
    %add3A_881 = arith.addi %mul3A_7, %add3A_880 : i32
    %broadcast_in_dim3A_882 = vector.broadcast %add3A_881 : i32 to vector<40x128xi32>
    %select_n3A_883 = arith.select %gt3A_879, %broadcast_in_dim3A_882, %select_n3A_874 : vector<40x128xi1>, vector<40x128xi32>
    %max3A_884 = arith.maximumf %get3A_878, %max3A_875 : vector<40x128xf32>
    %get3A_885 = arith.constant 3920 : index
    %get3A_886 = arith.constant 0 : index
    %get3A_887 = vector.load %arg1[%get3A_885, %get3A_886] : memref<10000x128xf32, #tpu.memory_space<vmem>>, vector<40x128xf32>
    %gt3A_888 = arith.cmpf ogt, %get3A_887, %max3A_884 : vector<40x128xf32>
    %add3A_889 = arith.constant 3920 : i32
    %add3A_890 = arith.addi %mul3A_7, %add3A_889 : i32
    %broadcast_in_dim3A_891 = vector.broadcast %add3A_890 : i32 to vector<40x128xi32>
    %select_n3A_892 = arith.select %gt3A_888, %broadcast_in_dim3A_891, %select_n3A_883 : vector<40x128xi1>, vector<40x128xi32>
    %max3A_893 = arith.maximumf %get3A_887, %max3A_884 : vector<40x128xf32>
    %get3A_894 = arith.constant 3960 : index
    %get3A_895 = arith.constant 0 : index
    %get3A_896 = vector.load %arg1[%get3A_894, %get3A_895] : memref<10000x128xf32, #tpu.memory_space<vmem>>, vector<40x128xf32>
    %gt3A_897 = arith.cmpf ogt, %get3A_896, %max3A_893 : vector<40x128xf32>
    %add3A_898 = arith.constant 3960 : i32
    %add3A_899 = arith.addi %mul3A_7, %add3A_898 : i32
    %broadcast_in_dim3A_900 = vector.broadcast %add3A_899 : i32 to vector<40x128xi32>
    %select_n3A_901 = arith.select %gt3A_897, %broadcast_in_dim3A_900, %select_n3A_892 : vector<40x128xi1>, vector<40x128xi32>
    %max3A_902 = arith.maximumf %get3A_896, %max3A_893 : vector<40x128xf32>
    %get3A_903 = arith.constant 4000 : index
    %get3A_904 = arith.constant 0 : index
    %get3A_905 = vector.load %arg1[%get3A_903, %get3A_904] : memref<10000x128xf32, #tpu.memory_space<vmem>>, vector<40x128xf32>
    %gt3A_906 = arith.cmpf ogt, %get3A_905, %max3A_902 : vector<40x128xf32>
    %add3A_907 = arith.constant 4000 : i32
    %add3A_908 = arith.addi %mul3A_7, %add3A_907 : i32
    %broadcast_in_dim3A_909 = vector.broadcast %add3A_908 : i32 to vector<40x128xi32>
    %select_n3A_910 = arith.select %gt3A_906, %broadcast_in_dim3A_909, %select_n3A_901 : vector<40x128xi1>, vector<40x128xi32>
    %max3A_911 = arith.maximumf %get3A_905, %max3A_902 : vector<40x128xf32>
    %get3A_912 = arith.constant 4040 : index
    %get3A_913 = arith.constant 0 : index
    %get3A_914 = vector.load %arg1[%get3A_912, %get3A_913] : memref<10000x128xf32, #tpu.memory_space<vmem>>, vector<40x128xf32>
    %gt3A_915 = arith.cmpf ogt, %get3A_914, %max3A_911 : vector<40x128xf32>
    %add3A_916 = arith.constant 4040 : i32
    %add3A_917 = arith.addi %mul3A_7, %add3A_916 : i32
    %broadcast_in_dim3A_918 = vector.broadcast %add3A_917 : i32 to vector<40x128xi32>
    %select_n3A_919 = arith.select %gt3A_915, %broadcast_in_dim3A_918, %select_n3A_910 : vector<40x128xi1>, vector<40x128xi32>
    %max3A_920 = arith.maximumf %get3A_914, %max3A_911 : vector<40x128xf32>
    %get3A_921 = arith.constant 4080 : index
    %get3A_922 = arith.constant 0 : index
    %get3A_923 = vector.load %arg1[%get3A_921, %get3A_922] : memref<10000x128xf32, #tpu.memory_space<vmem>>, vector<40x128xf32>
    %gt3A_924 = arith.cmpf ogt, %get3A_923, %max3A_920 : vector<40x128xf32>
    %add3A_925 = arith.constant 4080 : i32
    %add3A_926 = arith.addi %mul3A_7, %add3A_925 : i32
    %broadcast_in_dim3A_927 = vector.broadcast %add3A_926 : i32 to vector<40x128xi32>
    %select_n3A_928 = arith.select %gt3A_924, %broadcast_in_dim3A_927, %select_n3A_919 : vector<40x128xi1>, vector<40x128xi32>
    %max3A_929 = arith.maximumf %get3A_923, %max3A_920 : vector<40x128xf32>
    %get3A_930 = arith.constant 4120 : index
    %get3A_931 = arith.constant 0 : index
    %get3A_932 = vector.load %arg1[%get3A_930, %get3A_931] : memref<10000x128xf32, #tpu.memory_space<vmem>>, vector<40x128xf32>
    %gt3A_933 = arith.cmpf ogt, %get3A_932, %max3A_929 : vector<40x128xf32>
    %add3A_934 = arith.constant 4120 : i32
    %add3A_935 = arith.addi %mul3A_7, %add3A_934 : i32
    %broadcast_in_dim3A_936 = vector.broadcast %add3A_935 : i32 to vector<40x128xi32>
    %select_n3A_937 = arith.select %gt3A_933, %broadcast_in_dim3A_936, %select_n3A_928 : vector<40x128xi1>, vector<40x128xi32>
    %max3A_938 = arith.maximumf %get3A_932, %max3A_929 : vector<40x128xf32>
    %get3A_939 = arith.constant 4160 : index
    %get3A_940 = arith.constant 0 : index
    %get3A_941 = vector.load %arg1[%get3A_939, %get3A_940] : memref<10000x128xf32, #tpu.memory_space<vmem>>, vector<40x128xf32>
    %gt3A_942 = arith.cmpf ogt, %get3A_941, %max3A_938 : vector<40x128xf32>
    %add3A_943 = arith.constant 4160 : i32
    %add3A_944 = arith.addi %mul3A_7, %add3A_943 : i32
    %broadcast_in_dim3A_945 = vector.broadcast %add3A_944 : i32 to vector<40x128xi32>
    %select_n3A_946 = arith.select %gt3A_942, %broadcast_in_dim3A_945, %select_n3A_937 : vector<40x128xi1>, vector<40x128xi32>
    %max3A_947 = arith.maximumf %get3A_941, %max3A_938 : vector<40x128xf32>
    %get3A_948 = arith.constant 4200 : index
    %get3A_949 = arith.constant 0 : index
    %get3A_950 = vector.load %arg1[%get3A_948, %get3A_949] : memref<10000x128xf32, #tpu.memory_space<vmem>>, vector<40x128xf32>
    %gt3A_951 = arith.cmpf ogt, %get3A_950, %max3A_947 : vector<40x128xf32>
    %add3A_952 = arith.constant 4200 : i32
    %add3A_953 = arith.addi %mul3A_7, %add3A_952 : i32
    %broadcast_in_dim3A_954 = vector.broadcast %add3A_953 : i32 to vector<40x128xi32>
    %select_n3A_955 = arith.select %gt3A_951, %broadcast_in_dim3A_954, %select_n3A_946 : vector<40x128xi1>, vector<40x128xi32>
    %max3A_956 = arith.maximumf %get3A_950, %max3A_947 : vector<40x128xf32>
    %get3A_957 = arith.constant 4240 : index
    %get3A_958 = arith.constant 0 : index
    %get3A_959 = vector.load %arg1[%get3A_957, %get3A_958] : memref<10000x128xf32, #tpu.memory_space<vmem>>, vector<40x128xf32>
    %gt3A_960 = arith.cmpf ogt, %get3A_959, %max3A_956 : vector<40x128xf32>
    %add3A_961 = arith.constant 4240 : i32
    %add3A_962 = arith.addi %mul3A_7, %add3A_961 : i32
    %broadcast_in_dim3A_963 = vector.broadcast %add3A_962 : i32 to vector<40x128xi32>
    %select_n3A_964 = arith.select %gt3A_960, %broadcast_in_dim3A_963, %select_n3A_955 : vector<40x128xi1>, vector<40x128xi32>
    %max3A_965 = arith.maximumf %get3A_959, %max3A_956 : vector<40x128xf32>
    %get3A_966 = arith.constant 4280 : index
    %get3A_967 = arith.constant 0 : index
    %get3A_968 = vector.load %arg1[%get3A_966, %get3A_967] : memref<10000x128xf32, #tpu.memory_space<vmem>>, vector<40x128xf32>
    %gt3A_969 = arith.cmpf ogt, %get3A_968, %max3A_965 : vector<40x128xf32>
    %add3A_970 = arith.constant 4280 : i32
    %add3A_971 = arith.addi %mul3A_7, %add3A_970 : i32
    %broadcast_in_dim3A_972 = vector.broadcast %add3A_971 : i32 to vector<40x128xi32>
    %select_n3A_973 = arith.select %gt3A_969, %broadcast_in_dim3A_972, %select_n3A_964 : vector<40x128xi1>, vector<40x128xi32>
    %max3A_974 = arith.maximumf %get3A_968, %max3A_965 : vector<40x128xf32>
    %get3A_975 = arith.constant 4320 : index
    %get3A_976 = arith.constant 0 : index
    %get3A_977 = vector.load %arg1[%get3A_975, %get3A_976] : memref<10000x128xf32, #tpu.memory_space<vmem>>, vector<40x128xf32>
    %gt3A_978 = arith.cmpf ogt, %get3A_977, %max3A_974 : vector<40x128xf32>
    %add3A_979 = arith.constant 4320 : i32
    %add3A_980 = arith.addi %mul3A_7, %add3A_979 : i32
    %broadcast_in_dim3A_981 = vector.broadcast %add3A_980 : i32 to vector<40x128xi32>
    %select_n3A_982 = arith.select %gt3A_978, %broadcast_in_dim3A_981, %select_n3A_973 : vector<40x128xi1>, vector<40x128xi32>
    %max3A_983 = arith.maximumf %get3A_977, %max3A_974 : vector<40x128xf32>
    %get3A_984 = arith.constant 4360 : index
    %get3A_985 = arith.constant 0 : index
    %get3A_986 = vector.load %arg1[%get3A_984, %get3A_985] : memref<10000x128xf32, #tpu.memory_space<vmem>>, vector<40x128xf32>
    %gt3A_987 = arith.cmpf ogt, %get3A_986, %max3A_983 : vector<40x128xf32>
    %add3A_988 = arith.constant 4360 : i32
    %add3A_989 = arith.addi %mul3A_7, %add3A_988 : i32
    %broadcast_in_dim3A_990 = vector.broadcast %add3A_989 : i32 to vector<40x128xi32>
    %select_n3A_991 = arith.select %gt3A_987, %broadcast_in_dim3A_990, %select_n3A_982 : vector<40x128xi1>, vector<40x128xi32>
    %max3A_992 = arith.maximumf %get3A_986, %max3A_983 : vector<40x128xf32>
    %get3A_993 = arith.constant 4400 : index
    %get3A_994 = arith.constant 0 : index
    %get3A_995 = vector.load %arg1[%get3A_993, %get3A_994] : memref<10000x128xf32, #tpu.memory_space<vmem>>, vector<40x128xf32>
    %gt3A_996 = arith.cmpf ogt, %get3A_995, %max3A_992 : vector<40x128xf32>
    %add3A_997 = arith.constant 4400 : i32
    %add3A_998 = arith.addi %mul3A_7, %add3A_997 : i32
    %broadcast_in_dim3A_999 = vector.broadcast %add3A_998 : i32 to vector<40x128xi32>
    %select_n3A_1000 = arith.select %gt3A_996, %broadcast_in_dim3A_999, %select_n3A_991 : vector<40x128xi1>, vector<40x128xi32>
    %max3A_1001 = arith.maximumf %get3A_995, %max3A_992 : vector<40x128xf32>
    %get3A_1002 = arith.constant 4440 : index
    %get3A_1003 = arith.constant 0 : index
    %get3A_1004 = vector.load %arg1[%get3A_1002, %get3A_1003] : memref<10000x128xf32, #tpu.memory_space<vmem>>, vector<40x128xf32>
    %gt3A_1005 = arith.cmpf ogt, %get3A_1004, %max3A_1001 : vector<40x128xf32>
    %add3A_1006 = arith.constant 4440 : i32
    %add3A_1007 = arith.addi %mul3A_7, %add3A_1006 : i32
    %broadcast_in_dim3A_1008 = vector.broadcast %add3A_1007 : i32 to vector<40x128xi32>
    %select_n3A_1009 = arith.select %gt3A_1005, %broadcast_in_dim3A_1008, %select_n3A_1000 : vector<40x128xi1>, vector<40x128xi32>
    %max3A_1010 = arith.maximumf %get3A_1004, %max3A_1001 : vector<40x128xf32>
    %get3A_1011 = arith.constant 4480 : index
    %get3A_1012 = arith.constant 0 : index
    %get3A_1013 = vector.load %arg1[%get3A_1011, %get3A_1012] : memref<10000x128xf32, #tpu.memory_space<vmem>>, vector<40x128xf32>
    %gt3A_1014 = arith.cmpf ogt, %get3A_1013, %max3A_1010 : vector<40x128xf32>
    %add3A_1015 = arith.constant 4480 : i32
    %add3A_1016 = arith.addi %mul3A_7, %add3A_1015 : i32
    %broadcast_in_dim3A_1017 = vector.broadcast %add3A_1016 : i32 to vector<40x128xi32>
    %select_n3A_1018 = arith.select %gt3A_1014, %broadcast_in_dim3A_1017, %select_n3A_1009 : vector<40x128xi1>, vector<40x128xi32>
    %max3A_1019 = arith.maximumf %get3A_1013, %max3A_1010 : vector<40x128xf32>
    %get3A_1020 = arith.constant 4520 : index
    %get3A_1021 = arith.constant 0 : index
    %get3A_1022 = vector.load %arg1[%get3A_1020, %get3A_1021] : memref<10000x128xf32, #tpu.memory_space<vmem>>, vector<40x128xf32>
    %gt3A_1023 = arith.cmpf ogt, %get3A_1022, %max3A_1019 : vector<40x128xf32>
    %add3A_1024 = arith.constant 4520 : i32
    %add3A_1025 = arith.addi %mul3A_7, %add3A_1024 : i32
    %broadcast_in_dim3A_1026 = vector.broadcast %add3A_1025 : i32 to vector<40x128xi32>
    %select_n3A_1027 = arith.select %gt3A_1023, %broadcast_in_dim3A_1026, %select_n3A_1018 : vector<40x128xi1>, vector<40x128xi32>
    %max3A_1028 = arith.maximumf %get3A_1022, %max3A_1019 : vector<40x128xf32>
    %get3A_1029 = arith.constant 4560 : index
    %get3A_1030 = arith.constant 0 : index
    %get3A_1031 = vector.load %arg1[%get3A_1029, %get3A_1030] : memref<10000x128xf32, #tpu.memory_space<vmem>>, vector<40x128xf32>
    %gt3A_1032 = arith.cmpf ogt, %get3A_1031, %max3A_1028 : vector<40x128xf32>
    %add3A_1033 = arith.constant 4560 : i32
    %add3A_1034 = arith.addi %mul3A_7, %add3A_1033 : i32
    %broadcast_in_dim3A_1035 = vector.broadcast %add3A_1034 : i32 to vector<40x128xi32>
    %select_n3A_1036 = arith.select %gt3A_1032, %broadcast_in_dim3A_1035, %select_n3A_1027 : vector<40x128xi1>, vector<40x128xi32>
    %max3A_1037 = arith.maximumf %get3A_1031, %max3A_1028 : vector<40x128xf32>
    %get3A_1038 = arith.constant 4600 : index
    %get3A_1039 = arith.constant 0 : index
    %get3A_1040 = vector.load %arg1[%get3A_1038, %get3A_1039] : memref<10000x128xf32, #tpu.memory_space<vmem>>, vector<40x128xf32>
    %gt3A_1041 = arith.cmpf ogt, %get3A_1040, %max3A_1037 : vector<40x128xf32>
    %add3A_1042 = arith.constant 4600 : i32
    %add3A_1043 = arith.addi %mul3A_7, %add3A_1042 : i32
    %broadcast_in_dim3A_1044 = vector.broadcast %add3A_1043 : i32 to vector<40x128xi32>
    %select_n3A_1045 = arith.select %gt3A_1041, %broadcast_in_dim3A_1044, %select_n3A_1036 : vector<40x128xi1>, vector<40x128xi32>
    %max3A_1046 = arith.maximumf %get3A_1040, %max3A_1037 : vector<40x128xf32>
    %get3A_1047 = arith.constant 4640 : index
    %get3A_1048 = arith.constant 0 : index
    %get3A_1049 = vector.load %arg1[%get3A_1047, %get3A_1048] : memref<10000x128xf32, #tpu.memory_space<vmem>>, vector<40x128xf32>
    %gt3A_1050 = arith.cmpf ogt, %get3A_1049, %max3A_1046 : vector<40x128xf32>
    %add3A_1051 = arith.constant 4640 : i32
    %add3A_1052 = arith.addi %mul3A_7, %add3A_1051 : i32
    %broadcast_in_dim3A_1053 = vector.broadcast %add3A_1052 : i32 to vector<40x128xi32>
    %select_n3A_1054 = arith.select %gt3A_1050, %broadcast_in_dim3A_1053, %select_n3A_1045 : vector<40x128xi1>, vector<40x128xi32>
    %max3A_1055 = arith.maximumf %get3A_1049, %max3A_1046 : vector<40x128xf32>
    %get3A_1056 = arith.constant 4680 : index
    %get3A_1057 = arith.constant 0 : index
    %get3A_1058 = vector.load %arg1[%get3A_1056, %get3A_1057] : memref<10000x128xf32, #tpu.memory_space<vmem>>, vector<40x128xf32>
    %gt3A_1059 = arith.cmpf ogt, %get3A_1058, %max3A_1055 : vector<40x128xf32>
    %add3A_1060 = arith.constant 4680 : i32
    %add3A_1061 = arith.addi %mul3A_7, %add3A_1060 : i32
    %broadcast_in_dim3A_1062 = vector.broadcast %add3A_1061 : i32 to vector<40x128xi32>
    %select_n3A_1063 = arith.select %gt3A_1059, %broadcast_in_dim3A_1062, %select_n3A_1054 : vector<40x128xi1>, vector<40x128xi32>
    %max3A_1064 = arith.maximumf %get3A_1058, %max3A_1055 : vector<40x128xf32>
    %get3A_1065 = arith.constant 4720 : index
    %get3A_1066 = arith.constant 0 : index
    %get3A_1067 = vector.load %arg1[%get3A_1065, %get3A_1066] : memref<10000x128xf32, #tpu.memory_space<vmem>>, vector<40x128xf32>
    %gt3A_1068 = arith.cmpf ogt, %get3A_1067, %max3A_1064 : vector<40x128xf32>
    %add3A_1069 = arith.constant 4720 : i32
    %add3A_1070 = arith.addi %mul3A_7, %add3A_1069 : i32
    %broadcast_in_dim3A_1071 = vector.broadcast %add3A_1070 : i32 to vector<40x128xi32>
    %select_n3A_1072 = arith.select %gt3A_1068, %broadcast_in_dim3A_1071, %select_n3A_1063 : vector<40x128xi1>, vector<40x128xi32>
    %max3A_1073 = arith.maximumf %get3A_1067, %max3A_1064 : vector<40x128xf32>
    %get3A_1074 = arith.constant 4760 : index
    %get3A_1075 = arith.constant 0 : index
    %get3A_1076 = vector.load %arg1[%get3A_1074, %get3A_1075] : memref<10000x128xf32, #tpu.memory_space<vmem>>, vector<40x128xf32>
    %gt3A_1077 = arith.cmpf ogt, %get3A_1076, %max3A_1073 : vector<40x128xf32>
    %add3A_1078 = arith.constant 4760 : i32
    %add3A_1079 = arith.addi %mul3A_7, %add3A_1078 : i32
    %broadcast_in_dim3A_1080 = vector.broadcast %add3A_1079 : i32 to vector<40x128xi32>
    %select_n3A_1081 = arith.select %gt3A_1077, %broadcast_in_dim3A_1080, %select_n3A_1072 : vector<40x128xi1>, vector<40x128xi32>
    %max3A_1082 = arith.maximumf %get3A_1076, %max3A_1073 : vector<40x128xf32>
    %get3A_1083 = arith.constant 4800 : index
    %get3A_1084 = arith.constant 0 : index
    %get3A_1085 = vector.load %arg1[%get3A_1083, %get3A_1084] : memref<10000x128xf32, #tpu.memory_space<vmem>>, vector<40x128xf32>
    %gt3A_1086 = arith.cmpf ogt, %get3A_1085, %max3A_1082 : vector<40x128xf32>
    %add3A_1087 = arith.constant 4800 : i32
    %add3A_1088 = arith.addi %mul3A_7, %add3A_1087 : i32
    %broadcast_in_dim3A_1089 = vector.broadcast %add3A_1088 : i32 to vector<40x128xi32>
    %select_n3A_1090 = arith.select %gt3A_1086, %broadcast_in_dim3A_1089, %select_n3A_1081 : vector<40x128xi1>, vector<40x128xi32>
    %max3A_1091 = arith.maximumf %get3A_1085, %max3A_1082 : vector<40x128xf32>
    %get3A_1092 = arith.constant 4840 : index
    %get3A_1093 = arith.constant 0 : index
    %get3A_1094 = vector.load %arg1[%get3A_1092, %get3A_1093] : memref<10000x128xf32, #tpu.memory_space<vmem>>, vector<40x128xf32>
    %gt3A_1095 = arith.cmpf ogt, %get3A_1094, %max3A_1091 : vector<40x128xf32>
    %add3A_1096 = arith.constant 4840 : i32
    %add3A_1097 = arith.addi %mul3A_7, %add3A_1096 : i32
    %broadcast_in_dim3A_1098 = vector.broadcast %add3A_1097 : i32 to vector<40x128xi32>
    %select_n3A_1099 = arith.select %gt3A_1095, %broadcast_in_dim3A_1098, %select_n3A_1090 : vector<40x128xi1>, vector<40x128xi32>
    %max3A_1100 = arith.maximumf %get3A_1094, %max3A_1091 : vector<40x128xf32>
    %get3A_1101 = arith.constant 4880 : index
    %get3A_1102 = arith.constant 0 : index
    %get3A_1103 = vector.load %arg1[%get3A_1101, %get3A_1102] : memref<10000x128xf32, #tpu.memory_space<vmem>>, vector<40x128xf32>
    %gt3A_1104 = arith.cmpf ogt, %get3A_1103, %max3A_1100 : vector<40x128xf32>
    %add3A_1105 = arith.constant 4880 : i32
    %add3A_1106 = arith.addi %mul3A_7, %add3A_1105 : i32
    %broadcast_in_dim3A_1107 = vector.broadcast %add3A_1106 : i32 to vector<40x128xi32>
    %select_n3A_1108 = arith.select %gt3A_1104, %broadcast_in_dim3A_1107, %select_n3A_1099 : vector<40x128xi1>, vector<40x128xi32>
    %max3A_1109 = arith.maximumf %get3A_1103, %max3A_1100 : vector<40x128xf32>
    %get3A_1110 = arith.constant 4920 : index
    %get3A_1111 = arith.constant 0 : index
    %get3A_1112 = vector.load %arg1[%get3A_1110, %get3A_1111] : memref<10000x128xf32, #tpu.memory_space<vmem>>, vector<40x128xf32>
    %gt3A_1113 = arith.cmpf ogt, %get3A_1112, %max3A_1109 : vector<40x128xf32>
    %add3A_1114 = arith.constant 4920 : i32
    %add3A_1115 = arith.addi %mul3A_7, %add3A_1114 : i32
    %broadcast_in_dim3A_1116 = vector.broadcast %add3A_1115 : i32 to vector<40x128xi32>
    %select_n3A_1117 = arith.select %gt3A_1113, %broadcast_in_dim3A_1116, %select_n3A_1108 : vector<40x128xi1>, vector<40x128xi32>
    %max3A_1118 = arith.maximumf %get3A_1112, %max3A_1109 : vector<40x128xf32>
    %get3A_1119 = arith.constant 4960 : index
    %get3A_1120 = arith.constant 0 : index
    %get3A_1121 = vector.load %arg1[%get3A_1119, %get3A_1120] : memref<10000x128xf32, #tpu.memory_space<vmem>>, vector<40x128xf32>
    %gt3A_1122 = arith.cmpf ogt, %get3A_1121, %max3A_1118 : vector<40x128xf32>
    %add3A_1123 = arith.constant 4960 : i32
    %add3A_1124 = arith.addi %mul3A_7, %add3A_1123 : i32
    %broadcast_in_dim3A_1125 = vector.broadcast %add3A_1124 : i32 to vector<40x128xi32>
    %select_n3A_1126 = arith.select %gt3A_1122, %broadcast_in_dim3A_1125, %select_n3A_1117 : vector<40x128xi1>, vector<40x128xi32>
    %max3A_1127 = arith.maximumf %get3A_1121, %max3A_1118 : vector<40x128xf32>
    %get3A_1128 = arith.constant 5000 : index
    %get3A_1129 = arith.constant 0 : index
    %get3A_1130 = vector.load %arg1[%get3A_1128, %get3A_1129] : memref<10000x128xf32, #tpu.memory_space<vmem>>, vector<40x128xf32>
    %gt3A_1131 = arith.cmpf ogt, %get3A_1130, %max3A_1127 : vector<40x128xf32>
    %add3A_1132 = arith.constant 5000 : i32
    %add3A_1133 = arith.addi %mul3A_7, %add3A_1132 : i32
    %broadcast_in_dim3A_1134 = vector.broadcast %add3A_1133 : i32 to vector<40x128xi32>
    %select_n3A_1135 = arith.select %gt3A_1131, %broadcast_in_dim3A_1134, %select_n3A_1126 : vector<40x128xi1>, vector<40x128xi32>
    %max3A_1136 = arith.maximumf %get3A_1130, %max3A_1127 : vector<40x128xf32>
    %get3A_1137 = arith.constant 5040 : index
    %get3A_1138 = arith.constant 0 : index
    %get3A_1139 = vector.load %arg1[%get3A_1137, %get3A_1138] : memref<10000x128xf32, #tpu.memory_space<vmem>>, vector<40x128xf32>
    %gt3A_1140 = arith.cmpf ogt, %get3A_1139, %max3A_1136 : vector<40x128xf32>
    %add3A_1141 = arith.constant 5040 : i32
    %add3A_1142 = arith.addi %mul3A_7, %add3A_1141 : i32
    %broadcast_in_dim3A_1143 = vector.broadcast %add3A_1142 : i32 to vector<40x128xi32>
    %select_n3A_1144 = arith.select %gt3A_1140, %broadcast_in_dim3A_1143, %select_n3A_1135 : vector<40x128xi1>, vector<40x128xi32>
    %max3A_1145 = arith.maximumf %get3A_1139, %max3A_1136 : vector<40x128xf32>
    %get3A_1146 = arith.constant 5080 : index
    %get3A_1147 = arith.constant 0 : index
    %get3A_1148 = vector.load %arg1[%get3A_1146, %get3A_1147] : memref<10000x128xf32, #tpu.memory_space<vmem>>, vector<40x128xf32>
    %gt3A_1149 = arith.cmpf ogt, %get3A_1148, %max3A_1145 : vector<40x128xf32>
    %add3A_1150 = arith.constant 5080 : i32
    %add3A_1151 = arith.addi %mul3A_7, %add3A_1150 : i32
    %broadcast_in_dim3A_1152 = vector.broadcast %add3A_1151 : i32 to vector<40x128xi32>
    %select_n3A_1153 = arith.select %gt3A_1149, %broadcast_in_dim3A_1152, %select_n3A_1144 : vector<40x128xi1>, vector<40x128xi32>
    %max3A_1154 = arith.maximumf %get3A_1148, %max3A_1145 : vector<40x128xf32>
    %get3A_1155 = arith.constant 5120 : index
    %get3A_1156 = arith.constant 0 : index
    %get3A_1157 = vector.load %arg1[%get3A_1155, %get3A_1156] : memref<10000x128xf32, #tpu.memory_space<vmem>>, vector<40x128xf32>
    %gt3A_1158 = arith.cmpf ogt, %get3A_1157, %max3A_1154 : vector<40x128xf32>
    %add3A_1159 = arith.constant 5120 : i32
    %add3A_1160 = arith.addi %mul3A_7, %add3A_1159 : i32
    %broadcast_in_dim3A_1161 = vector.broadcast %add3A_1160 : i32 to vector<40x128xi32>
    %select_n3A_1162 = arith.select %gt3A_1158, %broadcast_in_dim3A_1161, %select_n3A_1153 : vector<40x128xi1>, vector<40x128xi32>
    %max3A_1163 = arith.maximumf %get3A_1157, %max3A_1154 : vector<40x128xf32>
    %get3A_1164 = arith.constant 5160 : index
    %get3A_1165 = arith.constant 0 : index
    %get3A_1166 = vector.load %arg1[%get3A_1164, %get3A_1165] : memref<10000x128xf32, #tpu.memory_space<vmem>>, vector<40x128xf32>
    %gt3A_1167 = arith.cmpf ogt, %get3A_1166, %max3A_1163 : vector<40x128xf32>
    %add3A_1168 = arith.constant 5160 : i32
    %add3A_1169 = arith.addi %mul3A_7, %add3A_1168 : i32
    %broadcast_in_dim3A_1170 = vector.broadcast %add3A_1169 : i32 to vector<40x128xi32>
    %select_n3A_1171 = arith.select %gt3A_1167, %broadcast_in_dim3A_1170, %select_n3A_1162 : vector<40x128xi1>, vector<40x128xi32>
    %max3A_1172 = arith.maximumf %get3A_1166, %max3A_1163 : vector<40x128xf32>
    %get3A_1173 = arith.constant 5200 : index
    %get3A_1174 = arith.constant 0 : index
    %get3A_1175 = vector.load %arg1[%get3A_1173, %get3A_1174] : memref<10000x128xf32, #tpu.memory_space<vmem>>, vector<40x128xf32>
    %gt3A_1176 = arith.cmpf ogt, %get3A_1175, %max3A_1172 : vector<40x128xf32>
    %add3A_1177 = arith.constant 5200 : i32
    %add3A_1178 = arith.addi %mul3A_7, %add3A_1177 : i32
    %broadcast_in_dim3A_1179 = vector.broadcast %add3A_1178 : i32 to vector<40x128xi32>
    %select_n3A_1180 = arith.select %gt3A_1176, %broadcast_in_dim3A_1179, %select_n3A_1171 : vector<40x128xi1>, vector<40x128xi32>
    %max3A_1181 = arith.maximumf %get3A_1175, %max3A_1172 : vector<40x128xf32>
    %get3A_1182 = arith.constant 5240 : index
    %get3A_1183 = arith.constant 0 : index
    %get3A_1184 = vector.load %arg1[%get3A_1182, %get3A_1183] : memref<10000x128xf32, #tpu.memory_space<vmem>>, vector<40x128xf32>
    %gt3A_1185 = arith.cmpf ogt, %get3A_1184, %max3A_1181 : vector<40x128xf32>
    %add3A_1186 = arith.constant 5240 : i32
    %add3A_1187 = arith.addi %mul3A_7, %add3A_1186 : i32
    %broadcast_in_dim3A_1188 = vector.broadcast %add3A_1187 : i32 to vector<40x128xi32>
    %select_n3A_1189 = arith.select %gt3A_1185, %broadcast_in_dim3A_1188, %select_n3A_1180 : vector<40x128xi1>, vector<40x128xi32>
    %max3A_1190 = arith.maximumf %get3A_1184, %max3A_1181 : vector<40x128xf32>
    %get3A_1191 = arith.constant 5280 : index
    %get3A_1192 = arith.constant 0 : index
    %get3A_1193 = vector.load %arg1[%get3A_1191, %get3A_1192] : memref<10000x128xf32, #tpu.memory_space<vmem>>, vector<40x128xf32>
    %gt3A_1194 = arith.cmpf ogt, %get3A_1193, %max3A_1190 : vector<40x128xf32>
    %add3A_1195 = arith.constant 5280 : i32
    %add3A_1196 = arith.addi %mul3A_7, %add3A_1195 : i32
    %broadcast_in_dim3A_1197 = vector.broadcast %add3A_1196 : i32 to vector<40x128xi32>
    %select_n3A_1198 = arith.select %gt3A_1194, %broadcast_in_dim3A_1197, %select_n3A_1189 : vector<40x128xi1>, vector<40x128xi32>
    %max3A_1199 = arith.maximumf %get3A_1193, %max3A_1190 : vector<40x128xf32>
    %get3A_1200 = arith.constant 5320 : index
    %get3A_1201 = arith.constant 0 : index
    %get3A_1202 = vector.load %arg1[%get3A_1200, %get3A_1201] : memref<10000x128xf32, #tpu.memory_space<vmem>>, vector<40x128xf32>
    %gt3A_1203 = arith.cmpf ogt, %get3A_1202, %max3A_1199 : vector<40x128xf32>
    %add3A_1204 = arith.constant 5320 : i32
    %add3A_1205 = arith.addi %mul3A_7, %add3A_1204 : i32
    %broadcast_in_dim3A_1206 = vector.broadcast %add3A_1205 : i32 to vector<40x128xi32>
    %select_n3A_1207 = arith.select %gt3A_1203, %broadcast_in_dim3A_1206, %select_n3A_1198 : vector<40x128xi1>, vector<40x128xi32>
    %max3A_1208 = arith.maximumf %get3A_1202, %max3A_1199 : vector<40x128xf32>
    %get3A_1209 = arith.constant 5360 : index
    %get3A_1210 = arith.constant 0 : index
    %get3A_1211 = vector.load %arg1[%get3A_1209, %get3A_1210] : memref<10000x128xf32, #tpu.memory_space<vmem>>, vector<40x128xf32>
    %gt3A_1212 = arith.cmpf ogt, %get3A_1211, %max3A_1208 : vector<40x128xf32>
    %add3A_1213 = arith.constant 5360 : i32
    %add3A_1214 = arith.addi %mul3A_7, %add3A_1213 : i32
    %broadcast_in_dim3A_1215 = vector.broadcast %add3A_1214 : i32 to vector<40x128xi32>
    %select_n3A_1216 = arith.select %gt3A_1212, %broadcast_in_dim3A_1215, %select_n3A_1207 : vector<40x128xi1>, vector<40x128xi32>
    %max3A_1217 = arith.maximumf %get3A_1211, %max3A_1208 : vector<40x128xf32>
    %get3A_1218 = arith.constant 5400 : index
    %get3A_1219 = arith.constant 0 : index
    %get3A_1220 = vector.load %arg1[%get3A_1218, %get3A_1219] : memref<10000x128xf32, #tpu.memory_space<vmem>>, vector<40x128xf32>
    %gt3A_1221 = arith.cmpf ogt, %get3A_1220, %max3A_1217 : vector<40x128xf32>
    %add3A_1222 = arith.constant 5400 : i32
    %add3A_1223 = arith.addi %mul3A_7, %add3A_1222 : i32
    %broadcast_in_dim3A_1224 = vector.broadcast %add3A_1223 : i32 to vector<40x128xi32>
    %select_n3A_1225 = arith.select %gt3A_1221, %broadcast_in_dim3A_1224, %select_n3A_1216 : vector<40x128xi1>, vector<40x128xi32>
    %max3A_1226 = arith.maximumf %get3A_1220, %max3A_1217 : vector<40x128xf32>
    %get3A_1227 = arith.constant 5440 : index
    %get3A_1228 = arith.constant 0 : index
    %get3A_1229 = vector.load %arg1[%get3A_1227, %get3A_1228] : memref<10000x128xf32, #tpu.memory_space<vmem>>, vector<40x128xf32>
    %gt3A_1230 = arith.cmpf ogt, %get3A_1229, %max3A_1226 : vector<40x128xf32>
    %add3A_1231 = arith.constant 5440 : i32
    %add3A_1232 = arith.addi %mul3A_7, %add3A_1231 : i32
    %broadcast_in_dim3A_1233 = vector.broadcast %add3A_1232 : i32 to vector<40x128xi32>
    %select_n3A_1234 = arith.select %gt3A_1230, %broadcast_in_dim3A_1233, %select_n3A_1225 : vector<40x128xi1>, vector<40x128xi32>
    %max3A_1235 = arith.maximumf %get3A_1229, %max3A_1226 : vector<40x128xf32>
    %get3A_1236 = arith.constant 5480 : index
    %get3A_1237 = arith.constant 0 : index
    %get3A_1238 = vector.load %arg1[%get3A_1236, %get3A_1237] : memref<10000x128xf32, #tpu.memory_space<vmem>>, vector<40x128xf32>
    %gt3A_1239 = arith.cmpf ogt, %get3A_1238, %max3A_1235 : vector<40x128xf32>
    %add3A_1240 = arith.constant 5480 : i32
    %add3A_1241 = arith.addi %mul3A_7, %add3A_1240 : i32
    %broadcast_in_dim3A_1242 = vector.broadcast %add3A_1241 : i32 to vector<40x128xi32>
    %select_n3A_1243 = arith.select %gt3A_1239, %broadcast_in_dim3A_1242, %select_n3A_1234 : vector<40x128xi1>, vector<40x128xi32>
    %max3A_1244 = arith.maximumf %get3A_1238, %max3A_1235 : vector<40x128xf32>
    %get3A_1245 = arith.constant 5520 : index
    %get3A_1246 = arith.constant 0 : index
    %get3A_1247 = vector.load %arg1[%get3A_1245, %get3A_1246] : memref<10000x128xf32, #tpu.memory_space<vmem>>, vector<40x128xf32>
    %gt3A_1248 = arith.cmpf ogt, %get3A_1247, %max3A_1244 : vector<40x128xf32>
    %add3A_1249 = arith.constant 5520 : i32
    %add3A_1250 = arith.addi %mul3A_7, %add3A_1249 : i32
    %broadcast_in_dim3A_1251 = vector.broadcast %add3A_1250 : i32 to vector<40x128xi32>
    %select_n3A_1252 = arith.select %gt3A_1248, %broadcast_in_dim3A_1251, %select_n3A_1243 : vector<40x128xi1>, vector<40x128xi32>
    %max3A_1253 = arith.maximumf %get3A_1247, %max3A_1244 : vector<40x128xf32>
    %get3A_1254 = arith.constant 5560 : index
    %get3A_1255 = arith.constant 0 : index
    %get3A_1256 = vector.load %arg1[%get3A_1254, %get3A_1255] : memref<10000x128xf32, #tpu.memory_space<vmem>>, vector<40x128xf32>
    %gt3A_1257 = arith.cmpf ogt, %get3A_1256, %max3A_1253 : vector<40x128xf32>
    %add3A_1258 = arith.constant 5560 : i32
    %add3A_1259 = arith.addi %mul3A_7, %add3A_1258 : i32
    %broadcast_in_dim3A_1260 = vector.broadcast %add3A_1259 : i32 to vector<40x128xi32>
    %select_n3A_1261 = arith.select %gt3A_1257, %broadcast_in_dim3A_1260, %select_n3A_1252 : vector<40x128xi1>, vector<40x128xi32>
    %max3A_1262 = arith.maximumf %get3A_1256, %max3A_1253 : vector<40x128xf32>
    %get3A_1263 = arith.constant 5600 : index
    %get3A_1264 = arith.constant 0 : index
    %get3A_1265 = vector.load %arg1[%get3A_1263, %get3A_1264] : memref<10000x128xf32, #tpu.memory_space<vmem>>, vector<40x128xf32>
    %gt3A_1266 = arith.cmpf ogt, %get3A_1265, %max3A_1262 : vector<40x128xf32>
    %add3A_1267 = arith.constant 5600 : i32
    %add3A_1268 = arith.addi %mul3A_7, %add3A_1267 : i32
    %broadcast_in_dim3A_1269 = vector.broadcast %add3A_1268 : i32 to vector<40x128xi32>
    %select_n3A_1270 = arith.select %gt3A_1266, %broadcast_in_dim3A_1269, %select_n3A_1261 : vector<40x128xi1>, vector<40x128xi32>
    %max3A_1271 = arith.maximumf %get3A_1265, %max3A_1262 : vector<40x128xf32>
    %get3A_1272 = arith.constant 5640 : index
    %get3A_1273 = arith.constant 0 : index
    %get3A_1274 = vector.load %arg1[%get3A_1272, %get3A_1273] : memref<10000x128xf32, #tpu.memory_space<vmem>>, vector<40x128xf32>
    %gt3A_1275 = arith.cmpf ogt, %get3A_1274, %max3A_1271 : vector<40x128xf32>
    %add3A_1276 = arith.constant 5640 : i32
    %add3A_1277 = arith.addi %mul3A_7, %add3A_1276 : i32
    %broadcast_in_dim3A_1278 = vector.broadcast %add3A_1277 : i32 to vector<40x128xi32>
    %select_n3A_1279 = arith.select %gt3A_1275, %broadcast_in_dim3A_1278, %select_n3A_1270 : vector<40x128xi1>, vector<40x128xi32>
    %max3A_1280 = arith.maximumf %get3A_1274, %max3A_1271 : vector<40x128xf32>
    %get3A_1281 = arith.constant 5680 : index
    %get3A_1282 = arith.constant 0 : index
    %get3A_1283 = vector.load %arg1[%get3A_1281, %get3A_1282] : memref<10000x128xf32, #tpu.memory_space<vmem>>, vector<40x128xf32>
    %gt3A_1284 = arith.cmpf ogt, %get3A_1283, %max3A_1280 : vector<40x128xf32>
    %add3A_1285 = arith.constant 5680 : i32
    %add3A_1286 = arith.addi %mul3A_7, %add3A_1285 : i32
    %broadcast_in_dim3A_1287 = vector.broadcast %add3A_1286 : i32 to vector<40x128xi32>
    %select_n3A_1288 = arith.select %gt3A_1284, %broadcast_in_dim3A_1287, %select_n3A_1279 : vector<40x128xi1>, vector<40x128xi32>
    %max3A_1289 = arith.maximumf %get3A_1283, %max3A_1280 : vector<40x128xf32>
    %get3A_1290 = arith.constant 5720 : index
    %get3A_1291 = arith.constant 0 : index
    %get3A_1292 = vector.load %arg1[%get3A_1290, %get3A_1291] : memref<10000x128xf32, #tpu.memory_space<vmem>>, vector<40x128xf32>
    %gt3A_1293 = arith.cmpf ogt, %get3A_1292, %max3A_1289 : vector<40x128xf32>
    %add3A_1294 = arith.constant 5720 : i32
    %add3A_1295 = arith.addi %mul3A_7, %add3A_1294 : i32
    %broadcast_in_dim3A_1296 = vector.broadcast %add3A_1295 : i32 to vector<40x128xi32>
    %select_n3A_1297 = arith.select %gt3A_1293, %broadcast_in_dim3A_1296, %select_n3A_1288 : vector<40x128xi1>, vector<40x128xi32>
    %max3A_1298 = arith.maximumf %get3A_1292, %max3A_1289 : vector<40x128xf32>
    %get3A_1299 = arith.constant 5760 : index
    %get3A_1300 = arith.constant 0 : index
    %get3A_1301 = vector.load %arg1[%get3A_1299, %get3A_1300] : memref<10000x128xf32, #tpu.memory_space<vmem>>, vector<40x128xf32>
    %gt3A_1302 = arith.cmpf ogt, %get3A_1301, %max3A_1298 : vector<40x128xf32>
    %add3A_1303 = arith.constant 5760 : i32
    %add3A_1304 = arith.addi %mul3A_7, %add3A_1303 : i32
    %broadcast_in_dim3A_1305 = vector.broadcast %add3A_1304 : i32 to vector<40x128xi32>
    %select_n3A_1306 = arith.select %gt3A_1302, %broadcast_in_dim3A_1305, %select_n3A_1297 : vector<40x128xi1>, vector<40x128xi32>
    %max3A_1307 = arith.maximumf %get3A_1301, %max3A_1298 : vector<40x128xf32>
    %get3A_1308 = arith.constant 5800 : index
    %get3A_1309 = arith.constant 0 : index
    %get3A_1310 = vector.load %arg1[%get3A_1308, %get3A_1309] : memref<10000x128xf32, #tpu.memory_space<vmem>>, vector<40x128xf32>
    %gt3A_1311 = arith.cmpf ogt, %get3A_1310, %max3A_1307 : vector<40x128xf32>
    %add3A_1312 = arith.constant 5800 : i32
    %add3A_1313 = arith.addi %mul3A_7, %add3A_1312 : i32
    %broadcast_in_dim3A_1314 = vector.broadcast %add3A_1313 : i32 to vector<40x128xi32>
    %select_n3A_1315 = arith.select %gt3A_1311, %broadcast_in_dim3A_1314, %select_n3A_1306 : vector<40x128xi1>, vector<40x128xi32>
    %max3A_1316 = arith.maximumf %get3A_1310, %max3A_1307 : vector<40x128xf32>
    %get3A_1317 = arith.constant 5840 : index
    %get3A_1318 = arith.constant 0 : index
    %get3A_1319 = vector.load %arg1[%get3A_1317, %get3A_1318] : memref<10000x128xf32, #tpu.memory_space<vmem>>, vector<40x128xf32>
    %gt3A_1320 = arith.cmpf ogt, %get3A_1319, %max3A_1316 : vector<40x128xf32>
    %add3A_1321 = arith.constant 5840 : i32
    %add3A_1322 = arith.addi %mul3A_7, %add3A_1321 : i32
    %broadcast_in_dim3A_1323 = vector.broadcast %add3A_1322 : i32 to vector<40x128xi32>
    %select_n3A_1324 = arith.select %gt3A_1320, %broadcast_in_dim3A_1323, %select_n3A_1315 : vector<40x128xi1>, vector<40x128xi32>
    %max3A_1325 = arith.maximumf %get3A_1319, %max3A_1316 : vector<40x128xf32>
    %get3A_1326 = arith.constant 5880 : index
    %get3A_1327 = arith.constant 0 : index
    %get3A_1328 = vector.load %arg1[%get3A_1326, %get3A_1327] : memref<10000x128xf32, #tpu.memory_space<vmem>>, vector<40x128xf32>
    %gt3A_1329 = arith.cmpf ogt, %get3A_1328, %max3A_1325 : vector<40x128xf32>
    %add3A_1330 = arith.constant 5880 : i32
    %add3A_1331 = arith.addi %mul3A_7, %add3A_1330 : i32
    %broadcast_in_dim3A_1332 = vector.broadcast %add3A_1331 : i32 to vector<40x128xi32>
    %select_n3A_1333 = arith.select %gt3A_1329, %broadcast_in_dim3A_1332, %select_n3A_1324 : vector<40x128xi1>, vector<40x128xi32>
    %max3A_1334 = arith.maximumf %get3A_1328, %max3A_1325 : vector<40x128xf32>
    %get3A_1335 = arith.constant 5920 : index
    %get3A_1336 = arith.constant 0 : index
    %get3A_1337 = vector.load %arg1[%get3A_1335, %get3A_1336] : memref<10000x128xf32, #tpu.memory_space<vmem>>, vector<40x128xf32>
    %gt3A_1338 = arith.cmpf ogt, %get3A_1337, %max3A_1334 : vector<40x128xf32>
    %add3A_1339 = arith.constant 5920 : i32
    %add3A_1340 = arith.addi %mul3A_7, %add3A_1339 : i32
    %broadcast_in_dim3A_1341 = vector.broadcast %add3A_1340 : i32 to vector<40x128xi32>
    %select_n3A_1342 = arith.select %gt3A_1338, %broadcast_in_dim3A_1341, %select_n3A_1333 : vector<40x128xi1>, vector<40x128xi32>
    %max3A_1343 = arith.maximumf %get3A_1337, %max3A_1334 : vector<40x128xf32>
    %get3A_1344 = arith.constant 5960 : index
    %get3A_1345 = arith.constant 0 : index
    %get3A_1346 = vector.load %arg1[%get3A_1344, %get3A_1345] : memref<10000x128xf32, #tpu.memory_space<vmem>>, vector<40x128xf32>
    %gt3A_1347 = arith.cmpf ogt, %get3A_1346, %max3A_1343 : vector<40x128xf32>
    %add3A_1348 = arith.constant 5960 : i32
    %add3A_1349 = arith.addi %mul3A_7, %add3A_1348 : i32
    %broadcast_in_dim3A_1350 = vector.broadcast %add3A_1349 : i32 to vector<40x128xi32>
    %select_n3A_1351 = arith.select %gt3A_1347, %broadcast_in_dim3A_1350, %select_n3A_1342 : vector<40x128xi1>, vector<40x128xi32>
    %max3A_1352 = arith.maximumf %get3A_1346, %max3A_1343 : vector<40x128xf32>
    %get3A_1353 = arith.constant 6000 : index
    %get3A_1354 = arith.constant 0 : index
    %get3A_1355 = vector.load %arg1[%get3A_1353, %get3A_1354] : memref<10000x128xf32, #tpu.memory_space<vmem>>, vector<40x128xf32>
    %gt3A_1356 = arith.cmpf ogt, %get3A_1355, %max3A_1352 : vector<40x128xf32>
    %add3A_1357 = arith.constant 6000 : i32
    %add3A_1358 = arith.addi %mul3A_7, %add3A_1357 : i32
    %broadcast_in_dim3A_1359 = vector.broadcast %add3A_1358 : i32 to vector<40x128xi32>
    %select_n3A_1360 = arith.select %gt3A_1356, %broadcast_in_dim3A_1359, %select_n3A_1351 : vector<40x128xi1>, vector<40x128xi32>
    %max3A_1361 = arith.maximumf %get3A_1355, %max3A_1352 : vector<40x128xf32>
    %get3A_1362 = arith.constant 6040 : index
    %get3A_1363 = arith.constant 0 : index
    %get3A_1364 = vector.load %arg1[%get3A_1362, %get3A_1363] : memref<10000x128xf32, #tpu.memory_space<vmem>>, vector<40x128xf32>
    %gt3A_1365 = arith.cmpf ogt, %get3A_1364, %max3A_1361 : vector<40x128xf32>
    %add3A_1366 = arith.constant 6040 : i32
    %add3A_1367 = arith.addi %mul3A_7, %add3A_1366 : i32
    %broadcast_in_dim3A_1368 = vector.broadcast %add3A_1367 : i32 to vector<40x128xi32>
    %select_n3A_1369 = arith.select %gt3A_1365, %broadcast_in_dim3A_1368, %select_n3A_1360 : vector<40x128xi1>, vector<40x128xi32>
    %max3A_1370 = arith.maximumf %get3A_1364, %max3A_1361 : vector<40x128xf32>
    %get3A_1371 = arith.constant 6080 : index
    %get3A_1372 = arith.constant 0 : index
    %get3A_1373 = vector.load %arg1[%get3A_1371, %get3A_1372] : memref<10000x128xf32, #tpu.memory_space<vmem>>, vector<40x128xf32>
    %gt3A_1374 = arith.cmpf ogt, %get3A_1373, %max3A_1370 : vector<40x128xf32>
    %add3A_1375 = arith.constant 6080 : i32
    %add3A_1376 = arith.addi %mul3A_7, %add3A_1375 : i32
    %broadcast_in_dim3A_1377 = vector.broadcast %add3A_1376 : i32 to vector<40x128xi32>
    %select_n3A_1378 = arith.select %gt3A_1374, %broadcast_in_dim3A_1377, %select_n3A_1369 : vector<40x128xi1>, vector<40x128xi32>
    %max3A_1379 = arith.maximumf %get3A_1373, %max3A_1370 : vector<40x128xf32>
    %get3A_1380 = arith.constant 6120 : index
    %get3A_1381 = arith.constant 0 : index
    %get3A_1382 = vector.load %arg1[%get3A_1380, %get3A_1381] : memref<10000x128xf32, #tpu.memory_space<vmem>>, vector<40x128xf32>
    %gt3A_1383 = arith.cmpf ogt, %get3A_1382, %max3A_1379 : vector<40x128xf32>
    %add3A_1384 = arith.constant 6120 : i32
    %add3A_1385 = arith.addi %mul3A_7, %add3A_1384 : i32
    %broadcast_in_dim3A_1386 = vector.broadcast %add3A_1385 : i32 to vector<40x128xi32>
    %select_n3A_1387 = arith.select %gt3A_1383, %broadcast_in_dim3A_1386, %select_n3A_1378 : vector<40x128xi1>, vector<40x128xi32>
    %max3A_1388 = arith.maximumf %get3A_1382, %max3A_1379 : vector<40x128xf32>
    %get3A_1389 = arith.constant 6160 : index
    %get3A_1390 = arith.constant 0 : index
    %get3A_1391 = vector.load %arg1[%get3A_1389, %get3A_1390] : memref<10000x128xf32, #tpu.memory_space<vmem>>, vector<40x128xf32>
    %gt3A_1392 = arith.cmpf ogt, %get3A_1391, %max3A_1388 : vector<40x128xf32>
    %add3A_1393 = arith.constant 6160 : i32
    %add3A_1394 = arith.addi %mul3A_7, %add3A_1393 : i32
    %broadcast_in_dim3A_1395 = vector.broadcast %add3A_1394 : i32 to vector<40x128xi32>
    %select_n3A_1396 = arith.select %gt3A_1392, %broadcast_in_dim3A_1395, %select_n3A_1387 : vector<40x128xi1>, vector<40x128xi32>
    %max3A_1397 = arith.maximumf %get3A_1391, %max3A_1388 : vector<40x128xf32>
    %get3A_1398 = arith.constant 6200 : index
    %get3A_1399 = arith.constant 0 : index
    %get3A_1400 = vector.load %arg1[%get3A_1398, %get3A_1399] : memref<10000x128xf32, #tpu.memory_space<vmem>>, vector<40x128xf32>
    %gt3A_1401 = arith.cmpf ogt, %get3A_1400, %max3A_1397 : vector<40x128xf32>
    %add3A_1402 = arith.constant 6200 : i32
    %add3A_1403 = arith.addi %mul3A_7, %add3A_1402 : i32
    %broadcast_in_dim3A_1404 = vector.broadcast %add3A_1403 : i32 to vector<40x128xi32>
    %select_n3A_1405 = arith.select %gt3A_1401, %broadcast_in_dim3A_1404, %select_n3A_1396 : vector<40x128xi1>, vector<40x128xi32>
    %max3A_1406 = arith.maximumf %get3A_1400, %max3A_1397 : vector<40x128xf32>
    %get3A_1407 = arith.constant 6240 : index
    %get3A_1408 = arith.constant 0 : index
    %get3A_1409 = vector.load %arg1[%get3A_1407, %get3A_1408] : memref<10000x128xf32, #tpu.memory_space<vmem>>, vector<40x128xf32>
    %gt3A_1410 = arith.cmpf ogt, %get3A_1409, %max3A_1406 : vector<40x128xf32>
    %add3A_1411 = arith.constant 6240 : i32
    %add3A_1412 = arith.addi %mul3A_7, %add3A_1411 : i32
    %broadcast_in_dim3A_1413 = vector.broadcast %add3A_1412 : i32 to vector<40x128xi32>
    %select_n3A_1414 = arith.select %gt3A_1410, %broadcast_in_dim3A_1413, %select_n3A_1405 : vector<40x128xi1>, vector<40x128xi32>
    %max3A_1415 = arith.maximumf %get3A_1409, %max3A_1406 : vector<40x128xf32>
    %get3A_1416 = arith.constant 6280 : index
    %get3A_1417 = arith.constant 0 : index
    %get3A_1418 = vector.load %arg1[%get3A_1416, %get3A_1417] : memref<10000x128xf32, #tpu.memory_space<vmem>>, vector<40x128xf32>
    %gt3A_1419 = arith.cmpf ogt, %get3A_1418, %max3A_1415 : vector<40x128xf32>
    %add3A_1420 = arith.constant 6280 : i32
    %add3A_1421 = arith.addi %mul3A_7, %add3A_1420 : i32
    %broadcast_in_dim3A_1422 = vector.broadcast %add3A_1421 : i32 to vector<40x128xi32>
    %select_n3A_1423 = arith.select %gt3A_1419, %broadcast_in_dim3A_1422, %select_n3A_1414 : vector<40x128xi1>, vector<40x128xi32>
    %max3A_1424 = arith.maximumf %get3A_1418, %max3A_1415 : vector<40x128xf32>
    %get3A_1425 = arith.constant 6320 : index
    %get3A_1426 = arith.constant 0 : index
    %get3A_1427 = vector.load %arg1[%get3A_1425, %get3A_1426] : memref<10000x128xf32, #tpu.memory_space<vmem>>, vector<40x128xf32>
    %gt3A_1428 = arith.cmpf ogt, %get3A_1427, %max3A_1424 : vector<40x128xf32>
    %add3A_1429 = arith.constant 6320 : i32
    %add3A_1430 = arith.addi %mul3A_7, %add3A_1429 : i32
    %broadcast_in_dim3A_1431 = vector.broadcast %add3A_1430 : i32 to vector<40x128xi32>
    %select_n3A_1432 = arith.select %gt3A_1428, %broadcast_in_dim3A_1431, %select_n3A_1423 : vector<40x128xi1>, vector<40x128xi32>
    %max3A_1433 = arith.maximumf %get3A_1427, %max3A_1424 : vector<40x128xf32>
    %get3A_1434 = arith.constant 6360 : index
    %get3A_1435 = arith.constant 0 : index
    %get3A_1436 = vector.load %arg1[%get3A_1434, %get3A_1435] : memref<10000x128xf32, #tpu.memory_space<vmem>>, vector<40x128xf32>
    %gt3A_1437 = arith.cmpf ogt, %get3A_1436, %max3A_1433 : vector<40x128xf32>
    %add3A_1438 = arith.constant 6360 : i32
    %add3A_1439 = arith.addi %mul3A_7, %add3A_1438 : i32
    %broadcast_in_dim3A_1440 = vector.broadcast %add3A_1439 : i32 to vector<40x128xi32>
    %select_n3A_1441 = arith.select %gt3A_1437, %broadcast_in_dim3A_1440, %select_n3A_1432 : vector<40x128xi1>, vector<40x128xi32>
    %max3A_1442 = arith.maximumf %get3A_1436, %max3A_1433 : vector<40x128xf32>
    %get3A_1443 = arith.constant 6400 : index
    %get3A_1444 = arith.constant 0 : index
    %get3A_1445 = vector.load %arg1[%get3A_1443, %get3A_1444] : memref<10000x128xf32, #tpu.memory_space<vmem>>, vector<40x128xf32>
    %gt3A_1446 = arith.cmpf ogt, %get3A_1445, %max3A_1442 : vector<40x128xf32>
    %add3A_1447 = arith.constant 6400 : i32
    %add3A_1448 = arith.addi %mul3A_7, %add3A_1447 : i32
    %broadcast_in_dim3A_1449 = vector.broadcast %add3A_1448 : i32 to vector<40x128xi32>
    %select_n3A_1450 = arith.select %gt3A_1446, %broadcast_in_dim3A_1449, %select_n3A_1441 : vector<40x128xi1>, vector<40x128xi32>
    %max3A_1451 = arith.maximumf %get3A_1445, %max3A_1442 : vector<40x128xf32>
    %get3A_1452 = arith.constant 6440 : index
    %get3A_1453 = arith.constant 0 : index
    %get3A_1454 = vector.load %arg1[%get3A_1452, %get3A_1453] : memref<10000x128xf32, #tpu.memory_space<vmem>>, vector<40x128xf32>
    %gt3A_1455 = arith.cmpf ogt, %get3A_1454, %max3A_1451 : vector<40x128xf32>
    %add3A_1456 = arith.constant 6440 : i32
    %add3A_1457 = arith.addi %mul3A_7, %add3A_1456 : i32
    %broadcast_in_dim3A_1458 = vector.broadcast %add3A_1457 : i32 to vector<40x128xi32>
    %select_n3A_1459 = arith.select %gt3A_1455, %broadcast_in_dim3A_1458, %select_n3A_1450 : vector<40x128xi1>, vector<40x128xi32>
    %max3A_1460 = arith.maximumf %get3A_1454, %max3A_1451 : vector<40x128xf32>
    %get3A_1461 = arith.constant 6480 : index
    %get3A_1462 = arith.constant 0 : index
    %get3A_1463 = vector.load %arg1[%get3A_1461, %get3A_1462] : memref<10000x128xf32, #tpu.memory_space<vmem>>, vector<40x128xf32>
    %gt3A_1464 = arith.cmpf ogt, %get3A_1463, %max3A_1460 : vector<40x128xf32>
    %add3A_1465 = arith.constant 6480 : i32
    %add3A_1466 = arith.addi %mul3A_7, %add3A_1465 : i32
    %broadcast_in_dim3A_1467 = vector.broadcast %add3A_1466 : i32 to vector<40x128xi32>
    %select_n3A_1468 = arith.select %gt3A_1464, %broadcast_in_dim3A_1467, %select_n3A_1459 : vector<40x128xi1>, vector<40x128xi32>
    %max3A_1469 = arith.maximumf %get3A_1463, %max3A_1460 : vector<40x128xf32>
    %get3A_1470 = arith.constant 6520 : index
    %get3A_1471 = arith.constant 0 : index
    %get3A_1472 = vector.load %arg1[%get3A_1470, %get3A_1471] : memref<10000x128xf32, #tpu.memory_space<vmem>>, vector<40x128xf32>
    %gt3A_1473 = arith.cmpf ogt, %get3A_1472, %max3A_1469 : vector<40x128xf32>
    %add3A_1474 = arith.constant 6520 : i32
    %add3A_1475 = arith.addi %mul3A_7, %add3A_1474 : i32
    %broadcast_in_dim3A_1476 = vector.broadcast %add3A_1475 : i32 to vector<40x128xi32>
    %select_n3A_1477 = arith.select %gt3A_1473, %broadcast_in_dim3A_1476, %select_n3A_1468 : vector<40x128xi1>, vector<40x128xi32>
    %max3A_1478 = arith.maximumf %get3A_1472, %max3A_1469 : vector<40x128xf32>
    %get3A_1479 = arith.constant 6560 : index
    %get3A_1480 = arith.constant 0 : index
    %get3A_1481 = vector.load %arg1[%get3A_1479, %get3A_1480] : memref<10000x128xf32, #tpu.memory_space<vmem>>, vector<40x128xf32>
    %gt3A_1482 = arith.cmpf ogt, %get3A_1481, %max3A_1478 : vector<40x128xf32>
    %add3A_1483 = arith.constant 6560 : i32
    %add3A_1484 = arith.addi %mul3A_7, %add3A_1483 : i32
    %broadcast_in_dim3A_1485 = vector.broadcast %add3A_1484 : i32 to vector<40x128xi32>
    %select_n3A_1486 = arith.select %gt3A_1482, %broadcast_in_dim3A_1485, %select_n3A_1477 : vector<40x128xi1>, vector<40x128xi32>
    %max3A_1487 = arith.maximumf %get3A_1481, %max3A_1478 : vector<40x128xf32>
    %get3A_1488 = arith.constant 6600 : index
    %get3A_1489 = arith.constant 0 : index
    %get3A_1490 = vector.load %arg1[%get3A_1488, %get3A_1489] : memref<10000x128xf32, #tpu.memory_space<vmem>>, vector<40x128xf32>
    %gt3A_1491 = arith.cmpf ogt, %get3A_1490, %max3A_1487 : vector<40x128xf32>
    %add3A_1492 = arith.constant 6600 : i32
    %add3A_1493 = arith.addi %mul3A_7, %add3A_1492 : i32
    %broadcast_in_dim3A_1494 = vector.broadcast %add3A_1493 : i32 to vector<40x128xi32>
    %select_n3A_1495 = arith.select %gt3A_1491, %broadcast_in_dim3A_1494, %select_n3A_1486 : vector<40x128xi1>, vector<40x128xi32>
    %max3A_1496 = arith.maximumf %get3A_1490, %max3A_1487 : vector<40x128xf32>
    %get3A_1497 = arith.constant 6640 : index
    %get3A_1498 = arith.constant 0 : index
    %get3A_1499 = vector.load %arg1[%get3A_1497, %get3A_1498] : memref<10000x128xf32, #tpu.memory_space<vmem>>, vector<40x128xf32>
    %gt3A_1500 = arith.cmpf ogt, %get3A_1499, %max3A_1496 : vector<40x128xf32>
    %add3A_1501 = arith.constant 6640 : i32
    %add3A_1502 = arith.addi %mul3A_7, %add3A_1501 : i32
    %broadcast_in_dim3A_1503 = vector.broadcast %add3A_1502 : i32 to vector<40x128xi32>
    %select_n3A_1504 = arith.select %gt3A_1500, %broadcast_in_dim3A_1503, %select_n3A_1495 : vector<40x128xi1>, vector<40x128xi32>
    %max3A_1505 = arith.maximumf %get3A_1499, %max3A_1496 : vector<40x128xf32>
    %get3A_1506 = arith.constant 6680 : index
    %get3A_1507 = arith.constant 0 : index
    %get3A_1508 = vector.load %arg1[%get3A_1506, %get3A_1507] : memref<10000x128xf32, #tpu.memory_space<vmem>>, vector<40x128xf32>
    %gt3A_1509 = arith.cmpf ogt, %get3A_1508, %max3A_1505 : vector<40x128xf32>
    %add3A_1510 = arith.constant 6680 : i32
    %add3A_1511 = arith.addi %mul3A_7, %add3A_1510 : i32
    %broadcast_in_dim3A_1512 = vector.broadcast %add3A_1511 : i32 to vector<40x128xi32>
    %select_n3A_1513 = arith.select %gt3A_1509, %broadcast_in_dim3A_1512, %select_n3A_1504 : vector<40x128xi1>, vector<40x128xi32>
    %max3A_1514 = arith.maximumf %get3A_1508, %max3A_1505 : vector<40x128xf32>
    %get3A_1515 = arith.constant 6720 : index
    %get3A_1516 = arith.constant 0 : index
    %get3A_1517 = vector.load %arg1[%get3A_1515, %get3A_1516] : memref<10000x128xf32, #tpu.memory_space<vmem>>, vector<40x128xf32>
    %gt3A_1518 = arith.cmpf ogt, %get3A_1517, %max3A_1514 : vector<40x128xf32>
    %add3A_1519 = arith.constant 6720 : i32
    %add3A_1520 = arith.addi %mul3A_7, %add3A_1519 : i32
    %broadcast_in_dim3A_1521 = vector.broadcast %add3A_1520 : i32 to vector<40x128xi32>
    %select_n3A_1522 = arith.select %gt3A_1518, %broadcast_in_dim3A_1521, %select_n3A_1513 : vector<40x128xi1>, vector<40x128xi32>
    %max3A_1523 = arith.maximumf %get3A_1517, %max3A_1514 : vector<40x128xf32>
    %get3A_1524 = arith.constant 6760 : index
    %get3A_1525 = arith.constant 0 : index
    %get3A_1526 = vector.load %arg1[%get3A_1524, %get3A_1525] : memref<10000x128xf32, #tpu.memory_space<vmem>>, vector<40x128xf32>
    %gt3A_1527 = arith.cmpf ogt, %get3A_1526, %max3A_1523 : vector<40x128xf32>
    %add3A_1528 = arith.constant 6760 : i32
    %add3A_1529 = arith.addi %mul3A_7, %add3A_1528 : i32
    %broadcast_in_dim3A_1530 = vector.broadcast %add3A_1529 : i32 to vector<40x128xi32>
    %select_n3A_1531 = arith.select %gt3A_1527, %broadcast_in_dim3A_1530, %select_n3A_1522 : vector<40x128xi1>, vector<40x128xi32>
    %max3A_1532 = arith.maximumf %get3A_1526, %max3A_1523 : vector<40x128xf32>
    %get3A_1533 = arith.constant 6800 : index
    %get3A_1534 = arith.constant 0 : index
    %get3A_1535 = vector.load %arg1[%get3A_1533, %get3A_1534] : memref<10000x128xf32, #tpu.memory_space<vmem>>, vector<40x128xf32>
    %gt3A_1536 = arith.cmpf ogt, %get3A_1535, %max3A_1532 : vector<40x128xf32>
    %add3A_1537 = arith.constant 6800 : i32
    %add3A_1538 = arith.addi %mul3A_7, %add3A_1537 : i32
    %broadcast_in_dim3A_1539 = vector.broadcast %add3A_1538 : i32 to vector<40x128xi32>
    %select_n3A_1540 = arith.select %gt3A_1536, %broadcast_in_dim3A_1539, %select_n3A_1531 : vector<40x128xi1>, vector<40x128xi32>
    %max3A_1541 = arith.maximumf %get3A_1535, %max3A_1532 : vector<40x128xf32>
    %get3A_1542 = arith.constant 6840 : index
    %get3A_1543 = arith.constant 0 : index
    %get3A_1544 = vector.load %arg1[%get3A_1542, %get3A_1543] : memref<10000x128xf32, #tpu.memory_space<vmem>>, vector<40x128xf32>
    %gt3A_1545 = arith.cmpf ogt, %get3A_1544, %max3A_1541 : vector<40x128xf32>
    %add3A_1546 = arith.constant 6840 : i32
    %add3A_1547 = arith.addi %mul3A_7, %add3A_1546 : i32
    %broadcast_in_dim3A_1548 = vector.broadcast %add3A_1547 : i32 to vector<40x128xi32>
    %select_n3A_1549 = arith.select %gt3A_1545, %broadcast_in_dim3A_1548, %select_n3A_1540 : vector<40x128xi1>, vector<40x128xi32>
    %max3A_1550 = arith.maximumf %get3A_1544, %max3A_1541 : vector<40x128xf32>
    %get3A_1551 = arith.constant 6880 : index
    %get3A_1552 = arith.constant 0 : index
    %get3A_1553 = vector.load %arg1[%get3A_1551, %get3A_1552] : memref<10000x128xf32, #tpu.memory_space<vmem>>, vector<40x128xf32>
    %gt3A_1554 = arith.cmpf ogt, %get3A_1553, %max3A_1550 : vector<40x128xf32>
    %add3A_1555 = arith.constant 6880 : i32
    %add3A_1556 = arith.addi %mul3A_7, %add3A_1555 : i32
    %broadcast_in_dim3A_1557 = vector.broadcast %add3A_1556 : i32 to vector<40x128xi32>
    %select_n3A_1558 = arith.select %gt3A_1554, %broadcast_in_dim3A_1557, %select_n3A_1549 : vector<40x128xi1>, vector<40x128xi32>
    %max3A_1559 = arith.maximumf %get3A_1553, %max3A_1550 : vector<40x128xf32>
    %get3A_1560 = arith.constant 6920 : index
    %get3A_1561 = arith.constant 0 : index
    %get3A_1562 = vector.load %arg1[%get3A_1560, %get3A_1561] : memref<10000x128xf32, #tpu.memory_space<vmem>>, vector<40x128xf32>
    %gt3A_1563 = arith.cmpf ogt, %get3A_1562, %max3A_1559 : vector<40x128xf32>
    %add3A_1564 = arith.constant 6920 : i32
    %add3A_1565 = arith.addi %mul3A_7, %add3A_1564 : i32
    %broadcast_in_dim3A_1566 = vector.broadcast %add3A_1565 : i32 to vector<40x128xi32>
    %select_n3A_1567 = arith.select %gt3A_1563, %broadcast_in_dim3A_1566, %select_n3A_1558 : vector<40x128xi1>, vector<40x128xi32>
    %max3A_1568 = arith.maximumf %get3A_1562, %max3A_1559 : vector<40x128xf32>
    %get3A_1569 = arith.constant 6960 : index
    %get3A_1570 = arith.constant 0 : index
    %get3A_1571 = vector.load %arg1[%get3A_1569, %get3A_1570] : memref<10000x128xf32, #tpu.memory_space<vmem>>, vector<40x128xf32>
    %gt3A_1572 = arith.cmpf ogt, %get3A_1571, %max3A_1568 : vector<40x128xf32>
    %add3A_1573 = arith.constant 6960 : i32
    %add3A_1574 = arith.addi %mul3A_7, %add3A_1573 : i32
    %broadcast_in_dim3A_1575 = vector.broadcast %add3A_1574 : i32 to vector<40x128xi32>
    %select_n3A_1576 = arith.select %gt3A_1572, %broadcast_in_dim3A_1575, %select_n3A_1567 : vector<40x128xi1>, vector<40x128xi32>
    %max3A_1577 = arith.maximumf %get3A_1571, %max3A_1568 : vector<40x128xf32>
    %get3A_1578 = arith.constant 7000 : index
    %get3A_1579 = arith.constant 0 : index
    %get3A_1580 = vector.load %arg1[%get3A_1578, %get3A_1579] : memref<10000x128xf32, #tpu.memory_space<vmem>>, vector<40x128xf32>
    %gt3A_1581 = arith.cmpf ogt, %get3A_1580, %max3A_1577 : vector<40x128xf32>
    %add3A_1582 = arith.constant 7000 : i32
    %add3A_1583 = arith.addi %mul3A_7, %add3A_1582 : i32
    %broadcast_in_dim3A_1584 = vector.broadcast %add3A_1583 : i32 to vector<40x128xi32>
    %select_n3A_1585 = arith.select %gt3A_1581, %broadcast_in_dim3A_1584, %select_n3A_1576 : vector<40x128xi1>, vector<40x128xi32>
    %max3A_1586 = arith.maximumf %get3A_1580, %max3A_1577 : vector<40x128xf32>
    %get3A_1587 = arith.constant 7040 : index
    %get3A_1588 = arith.constant 0 : index
    %get3A_1589 = vector.load %arg1[%get3A_1587, %get3A_1588] : memref<10000x128xf32, #tpu.memory_space<vmem>>, vector<40x128xf32>
    %gt3A_1590 = arith.cmpf ogt, %get3A_1589, %max3A_1586 : vector<40x128xf32>
    %add3A_1591 = arith.constant 7040 : i32
    %add3A_1592 = arith.addi %mul3A_7, %add3A_1591 : i32
    %broadcast_in_dim3A_1593 = vector.broadcast %add3A_1592 : i32 to vector<40x128xi32>
    %select_n3A_1594 = arith.select %gt3A_1590, %broadcast_in_dim3A_1593, %select_n3A_1585 : vector<40x128xi1>, vector<40x128xi32>
    %max3A_1595 = arith.maximumf %get3A_1589, %max3A_1586 : vector<40x128xf32>
    %get3A_1596 = arith.constant 7080 : index
    %get3A_1597 = arith.constant 0 : index
    %get3A_1598 = vector.load %arg1[%get3A_1596, %get3A_1597] : memref<10000x128xf32, #tpu.memory_space<vmem>>, vector<40x128xf32>
    %gt3A_1599 = arith.cmpf ogt, %get3A_1598, %max3A_1595 : vector<40x128xf32>
    %add3A_1600 = arith.constant 7080 : i32
    %add3A_1601 = arith.addi %mul3A_7, %add3A_1600 : i32
    %broadcast_in_dim3A_1602 = vector.broadcast %add3A_1601 : i32 to vector<40x128xi32>
    %select_n3A_1603 = arith.select %gt3A_1599, %broadcast_in_dim3A_1602, %select_n3A_1594 : vector<40x128xi1>, vector<40x128xi32>
    %max3A_1604 = arith.maximumf %get3A_1598, %max3A_1595 : vector<40x128xf32>
    %get3A_1605 = arith.constant 7120 : index
    %get3A_1606 = arith.constant 0 : index
    %get3A_1607 = vector.load %arg1[%get3A_1605, %get3A_1606] : memref<10000x128xf32, #tpu.memory_space<vmem>>, vector<40x128xf32>
    %gt3A_1608 = arith.cmpf ogt, %get3A_1607, %max3A_1604 : vector<40x128xf32>
    %add3A_1609 = arith.constant 7120 : i32
    %add3A_1610 = arith.addi %mul3A_7, %add3A_1609 : i32
    %broadcast_in_dim3A_1611 = vector.broadcast %add3A_1610 : i32 to vector<40x128xi32>
    %select_n3A_1612 = arith.select %gt3A_1608, %broadcast_in_dim3A_1611, %select_n3A_1603 : vector<40x128xi1>, vector<40x128xi32>
    %max3A_1613 = arith.maximumf %get3A_1607, %max3A_1604 : vector<40x128xf32>
    %get3A_1614 = arith.constant 7160 : index
    %get3A_1615 = arith.constant 0 : index
    %get3A_1616 = vector.load %arg1[%get3A_1614, %get3A_1615] : memref<10000x128xf32, #tpu.memory_space<vmem>>, vector<40x128xf32>
    %gt3A_1617 = arith.cmpf ogt, %get3A_1616, %max3A_1613 : vector<40x128xf32>
    %add3A_1618 = arith.constant 7160 : i32
    %add3A_1619 = arith.addi %mul3A_7, %add3A_1618 : i32
    %broadcast_in_dim3A_1620 = vector.broadcast %add3A_1619 : i32 to vector<40x128xi32>
    %select_n3A_1621 = arith.select %gt3A_1617, %broadcast_in_dim3A_1620, %select_n3A_1612 : vector<40x128xi1>, vector<40x128xi32>
    %max3A_1622 = arith.maximumf %get3A_1616, %max3A_1613 : vector<40x128xf32>
    %get3A_1623 = arith.constant 7200 : index
    %get3A_1624 = arith.constant 0 : index
    %get3A_1625 = vector.load %arg1[%get3A_1623, %get3A_1624] : memref<10000x128xf32, #tpu.memory_space<vmem>>, vector<40x128xf32>
    %gt3A_1626 = arith.cmpf ogt, %get3A_1625, %max3A_1622 : vector<40x128xf32>
    %add3A_1627 = arith.constant 7200 : i32
    %add3A_1628 = arith.addi %mul3A_7, %add3A_1627 : i32
    %broadcast_in_dim3A_1629 = vector.broadcast %add3A_1628 : i32 to vector<40x128xi32>
    %select_n3A_1630 = arith.select %gt3A_1626, %broadcast_in_dim3A_1629, %select_n3A_1621 : vector<40x128xi1>, vector<40x128xi32>
    %max3A_1631 = arith.maximumf %get3A_1625, %max3A_1622 : vector<40x128xf32>
    %get3A_1632 = arith.constant 7240 : index
    %get3A_1633 = arith.constant 0 : index
    %get3A_1634 = vector.load %arg1[%get3A_1632, %get3A_1633] : memref<10000x128xf32, #tpu.memory_space<vmem>>, vector<40x128xf32>
    %gt3A_1635 = arith.cmpf ogt, %get3A_1634, %max3A_1631 : vector<40x128xf32>
    %add3A_1636 = arith.constant 7240 : i32
    %add3A_1637 = arith.addi %mul3A_7, %add3A_1636 : i32
    %broadcast_in_dim3A_1638 = vector.broadcast %add3A_1637 : i32 to vector<40x128xi32>
    %select_n3A_1639 = arith.select %gt3A_1635, %broadcast_in_dim3A_1638, %select_n3A_1630 : vector<40x128xi1>, vector<40x128xi32>
    %max3A_1640 = arith.maximumf %get3A_1634, %max3A_1631 : vector<40x128xf32>
    %get3A_1641 = arith.constant 7280 : index
    %get3A_1642 = arith.constant 0 : index
    %get3A_1643 = vector.load %arg1[%get3A_1641, %get3A_1642] : memref<10000x128xf32, #tpu.memory_space<vmem>>, vector<40x128xf32>
    %gt3A_1644 = arith.cmpf ogt, %get3A_1643, %max3A_1640 : vector<40x128xf32>
    %add3A_1645 = arith.constant 7280 : i32
    %add3A_1646 = arith.addi %mul3A_7, %add3A_1645 : i32
    %broadcast_in_dim3A_1647 = vector.broadcast %add3A_1646 : i32 to vector<40x128xi32>
    %select_n3A_1648 = arith.select %gt3A_1644, %broadcast_in_dim3A_1647, %select_n3A_1639 : vector<40x128xi1>, vector<40x128xi32>
    %max3A_1649 = arith.maximumf %get3A_1643, %max3A_1640 : vector<40x128xf32>
    %get3A_1650 = arith.constant 7320 : index
    %get3A_1651 = arith.constant 0 : index
    %get3A_1652 = vector.load %arg1[%get3A_1650, %get3A_1651] : memref<10000x128xf32, #tpu.memory_space<vmem>>, vector<40x128xf32>
    %gt3A_1653 = arith.cmpf ogt, %get3A_1652, %max3A_1649 : vector<40x128xf32>
    %add3A_1654 = arith.constant 7320 : i32
    %add3A_1655 = arith.addi %mul3A_7, %add3A_1654 : i32
    %broadcast_in_dim3A_1656 = vector.broadcast %add3A_1655 : i32 to vector<40x128xi32>
    %select_n3A_1657 = arith.select %gt3A_1653, %broadcast_in_dim3A_1656, %select_n3A_1648 : vector<40x128xi1>, vector<40x128xi32>
    %max3A_1658 = arith.maximumf %get3A_1652, %max3A_1649 : vector<40x128xf32>
    %get3A_1659 = arith.constant 7360 : index
    %get3A_1660 = arith.constant 0 : index
    %get3A_1661 = vector.load %arg1[%get3A_1659, %get3A_1660] : memref<10000x128xf32, #tpu.memory_space<vmem>>, vector<40x128xf32>
    %gt3A_1662 = arith.cmpf ogt, %get3A_1661, %max3A_1658 : vector<40x128xf32>
    %add3A_1663 = arith.constant 7360 : i32
    %add3A_1664 = arith.addi %mul3A_7, %add3A_1663 : i32
    %broadcast_in_dim3A_1665 = vector.broadcast %add3A_1664 : i32 to vector<40x128xi32>
    %select_n3A_1666 = arith.select %gt3A_1662, %broadcast_in_dim3A_1665, %select_n3A_1657 : vector<40x128xi1>, vector<40x128xi32>
    %max3A_1667 = arith.maximumf %get3A_1661, %max3A_1658 : vector<40x128xf32>
    %get3A_1668 = arith.constant 7400 : index
    %get3A_1669 = arith.constant 0 : index
    %get3A_1670 = vector.load %arg1[%get3A_1668, %get3A_1669] : memref<10000x128xf32, #tpu.memory_space<vmem>>, vector<40x128xf32>
    %gt3A_1671 = arith.cmpf ogt, %get3A_1670, %max3A_1667 : vector<40x128xf32>
    %add3A_1672 = arith.constant 7400 : i32
    %add3A_1673 = arith.addi %mul3A_7, %add3A_1672 : i32
    %broadcast_in_dim3A_1674 = vector.broadcast %add3A_1673 : i32 to vector<40x128xi32>
    %select_n3A_1675 = arith.select %gt3A_1671, %broadcast_in_dim3A_1674, %select_n3A_1666 : vector<40x128xi1>, vector<40x128xi32>
    %max3A_1676 = arith.maximumf %get3A_1670, %max3A_1667 : vector<40x128xf32>
    %get3A_1677 = arith.constant 7440 : index
    %get3A_1678 = arith.constant 0 : index
    %get3A_1679 = vector.load %arg1[%get3A_1677, %get3A_1678] : memref<10000x128xf32, #tpu.memory_space<vmem>>, vector<40x128xf32>
    %gt3A_1680 = arith.cmpf ogt, %get3A_1679, %max3A_1676 : vector<40x128xf32>
    %add3A_1681 = arith.constant 7440 : i32
    %add3A_1682 = arith.addi %mul3A_7, %add3A_1681 : i32
    %broadcast_in_dim3A_1683 = vector.broadcast %add3A_1682 : i32 to vector<40x128xi32>
    %select_n3A_1684 = arith.select %gt3A_1680, %broadcast_in_dim3A_1683, %select_n3A_1675 : vector<40x128xi1>, vector<40x128xi32>
    %max3A_1685 = arith.maximumf %get3A_1679, %max3A_1676 : vector<40x128xf32>
    %get3A_1686 = arith.constant 7480 : index
    %get3A_1687 = arith.constant 0 : index
    %get3A_1688 = vector.load %arg1[%get3A_1686, %get3A_1687] : memref<10000x128xf32, #tpu.memory_space<vmem>>, vector<40x128xf32>
    %gt3A_1689 = arith.cmpf ogt, %get3A_1688, %max3A_1685 : vector<40x128xf32>
    %add3A_1690 = arith.constant 7480 : i32
    %add3A_1691 = arith.addi %mul3A_7, %add3A_1690 : i32
    %broadcast_in_dim3A_1692 = vector.broadcast %add3A_1691 : i32 to vector<40x128xi32>
    %select_n3A_1693 = arith.select %gt3A_1689, %broadcast_in_dim3A_1692, %select_n3A_1684 : vector<40x128xi1>, vector<40x128xi32>
    %max3A_1694 = arith.maximumf %get3A_1688, %max3A_1685 : vector<40x128xf32>
    %get3A_1695 = arith.constant 7520 : index
    %get3A_1696 = arith.constant 0 : index
    %get3A_1697 = vector.load %arg1[%get3A_1695, %get3A_1696] : memref<10000x128xf32, #tpu.memory_space<vmem>>, vector<40x128xf32>
    %gt3A_1698 = arith.cmpf ogt, %get3A_1697, %max3A_1694 : vector<40x128xf32>
    %add3A_1699 = arith.constant 7520 : i32
    %add3A_1700 = arith.addi %mul3A_7, %add3A_1699 : i32
    %broadcast_in_dim3A_1701 = vector.broadcast %add3A_1700 : i32 to vector<40x128xi32>
    %select_n3A_1702 = arith.select %gt3A_1698, %broadcast_in_dim3A_1701, %select_n3A_1693 : vector<40x128xi1>, vector<40x128xi32>
    %max3A_1703 = arith.maximumf %get3A_1697, %max3A_1694 : vector<40x128xf32>
    %get3A_1704 = arith.constant 7560 : index
    %get3A_1705 = arith.constant 0 : index
    %get3A_1706 = vector.load %arg1[%get3A_1704, %get3A_1705] : memref<10000x128xf32, #tpu.memory_space<vmem>>, vector<40x128xf32>
    %gt3A_1707 = arith.cmpf ogt, %get3A_1706, %max3A_1703 : vector<40x128xf32>
    %add3A_1708 = arith.constant 7560 : i32
    %add3A_1709 = arith.addi %mul3A_7, %add3A_1708 : i32
    %broadcast_in_dim3A_1710 = vector.broadcast %add3A_1709 : i32 to vector<40x128xi32>
    %select_n3A_1711 = arith.select %gt3A_1707, %broadcast_in_dim3A_1710, %select_n3A_1702 : vector<40x128xi1>, vector<40x128xi32>
    %max3A_1712 = arith.maximumf %get3A_1706, %max3A_1703 : vector<40x128xf32>
    %get3A_1713 = arith.constant 7600 : index
    %get3A_1714 = arith.constant 0 : index
    %get3A_1715 = vector.load %arg1[%get3A_1713, %get3A_1714] : memref<10000x128xf32, #tpu.memory_space<vmem>>, vector<40x128xf32>
    %gt3A_1716 = arith.cmpf ogt, %get3A_1715, %max3A_1712 : vector<40x128xf32>
    %add3A_1717 = arith.constant 7600 : i32
    %add3A_1718 = arith.addi %mul3A_7, %add3A_1717 : i32
    %broadcast_in_dim3A_1719 = vector.broadcast %add3A_1718 : i32 to vector<40x128xi32>
    %select_n3A_1720 = arith.select %gt3A_1716, %broadcast_in_dim3A_1719, %select_n3A_1711 : vector<40x128xi1>, vector<40x128xi32>
    %max3A_1721 = arith.maximumf %get3A_1715, %max3A_1712 : vector<40x128xf32>
    %get3A_1722 = arith.constant 7640 : index
    %get3A_1723 = arith.constant 0 : index
    %get3A_1724 = vector.load %arg1[%get3A_1722, %get3A_1723] : memref<10000x128xf32, #tpu.memory_space<vmem>>, vector<40x128xf32>
    %gt3A_1725 = arith.cmpf ogt, %get3A_1724, %max3A_1721 : vector<40x128xf32>
    %add3A_1726 = arith.constant 7640 : i32
    %add3A_1727 = arith.addi %mul3A_7, %add3A_1726 : i32
    %broadcast_in_dim3A_1728 = vector.broadcast %add3A_1727 : i32 to vector<40x128xi32>
    %select_n3A_1729 = arith.select %gt3A_1725, %broadcast_in_dim3A_1728, %select_n3A_1720 : vector<40x128xi1>, vector<40x128xi32>
    %max3A_1730 = arith.maximumf %get3A_1724, %max3A_1721 : vector<40x128xf32>
    %get3A_1731 = arith.constant 7680 : index
    %get3A_1732 = arith.constant 0 : index
    %get3A_1733 = vector.load %arg1[%get3A_1731, %get3A_1732] : memref<10000x128xf32, #tpu.memory_space<vmem>>, vector<40x128xf32>
    %gt3A_1734 = arith.cmpf ogt, %get3A_1733, %max3A_1730 : vector<40x128xf32>
    %add3A_1735 = arith.constant 7680 : i32
    %add3A_1736 = arith.addi %mul3A_7, %add3A_1735 : i32
    %broadcast_in_dim3A_1737 = vector.broadcast %add3A_1736 : i32 to vector<40x128xi32>
    %select_n3A_1738 = arith.select %gt3A_1734, %broadcast_in_dim3A_1737, %select_n3A_1729 : vector<40x128xi1>, vector<40x128xi32>
    %max3A_1739 = arith.maximumf %get3A_1733, %max3A_1730 : vector<40x128xf32>
    %get3A_1740 = arith.constant 7720 : index
    %get3A_1741 = arith.constant 0 : index
    %get3A_1742 = vector.load %arg1[%get3A_1740, %get3A_1741] : memref<10000x128xf32, #tpu.memory_space<vmem>>, vector<40x128xf32>
    %gt3A_1743 = arith.cmpf ogt, %get3A_1742, %max3A_1739 : vector<40x128xf32>
    %add3A_1744 = arith.constant 7720 : i32
    %add3A_1745 = arith.addi %mul3A_7, %add3A_1744 : i32
    %broadcast_in_dim3A_1746 = vector.broadcast %add3A_1745 : i32 to vector<40x128xi32>
    %select_n3A_1747 = arith.select %gt3A_1743, %broadcast_in_dim3A_1746, %select_n3A_1738 : vector<40x128xi1>, vector<40x128xi32>
    %max3A_1748 = arith.maximumf %get3A_1742, %max3A_1739 : vector<40x128xf32>
    %get3A_1749 = arith.constant 7760 : index
    %get3A_1750 = arith.constant 0 : index
    %get3A_1751 = vector.load %arg1[%get3A_1749, %get3A_1750] : memref<10000x128xf32, #tpu.memory_space<vmem>>, vector<40x128xf32>
    %gt3A_1752 = arith.cmpf ogt, %get3A_1751, %max3A_1748 : vector<40x128xf32>
    %add3A_1753 = arith.constant 7760 : i32
    %add3A_1754 = arith.addi %mul3A_7, %add3A_1753 : i32
    %broadcast_in_dim3A_1755 = vector.broadcast %add3A_1754 : i32 to vector<40x128xi32>
    %select_n3A_1756 = arith.select %gt3A_1752, %broadcast_in_dim3A_1755, %select_n3A_1747 : vector<40x128xi1>, vector<40x128xi32>
    %max3A_1757 = arith.maximumf %get3A_1751, %max3A_1748 : vector<40x128xf32>
    %get3A_1758 = arith.constant 7800 : index
    %get3A_1759 = arith.constant 0 : index
    %get3A_1760 = vector.load %arg1[%get3A_1758, %get3A_1759] : memref<10000x128xf32, #tpu.memory_space<vmem>>, vector<40x128xf32>
    %gt3A_1761 = arith.cmpf ogt, %get3A_1760, %max3A_1757 : vector<40x128xf32>
    %add3A_1762 = arith.constant 7800 : i32
    %add3A_1763 = arith.addi %mul3A_7, %add3A_1762 : i32
    %broadcast_in_dim3A_1764 = vector.broadcast %add3A_1763 : i32 to vector<40x128xi32>
    %select_n3A_1765 = arith.select %gt3A_1761, %broadcast_in_dim3A_1764, %select_n3A_1756 : vector<40x128xi1>, vector<40x128xi32>
    %max3A_1766 = arith.maximumf %get3A_1760, %max3A_1757 : vector<40x128xf32>
    %get3A_1767 = arith.constant 7840 : index
    %get3A_1768 = arith.constant 0 : index
    %get3A_1769 = vector.load %arg1[%get3A_1767, %get3A_1768] : memref<10000x128xf32, #tpu.memory_space<vmem>>, vector<40x128xf32>
    %gt3A_1770 = arith.cmpf ogt, %get3A_1769, %max3A_1766 : vector<40x128xf32>
    %add3A_1771 = arith.constant 7840 : i32
    %add3A_1772 = arith.addi %mul3A_7, %add3A_1771 : i32
    %broadcast_in_dim3A_1773 = vector.broadcast %add3A_1772 : i32 to vector<40x128xi32>
    %select_n3A_1774 = arith.select %gt3A_1770, %broadcast_in_dim3A_1773, %select_n3A_1765 : vector<40x128xi1>, vector<40x128xi32>
    %max3A_1775 = arith.maximumf %get3A_1769, %max3A_1766 : vector<40x128xf32>
    %get3A_1776 = arith.constant 7880 : index
    %get3A_1777 = arith.constant 0 : index
    %get3A_1778 = vector.load %arg1[%get3A_1776, %get3A_1777] : memref<10000x128xf32, #tpu.memory_space<vmem>>, vector<40x128xf32>
    %gt3A_1779 = arith.cmpf ogt, %get3A_1778, %max3A_1775 : vector<40x128xf32>
    %add3A_1780 = arith.constant 7880 : i32
    %add3A_1781 = arith.addi %mul3A_7, %add3A_1780 : i32
    %broadcast_in_dim3A_1782 = vector.broadcast %add3A_1781 : i32 to vector<40x128xi32>
    %select_n3A_1783 = arith.select %gt3A_1779, %broadcast_in_dim3A_1782, %select_n3A_1774 : vector<40x128xi1>, vector<40x128xi32>
    %max3A_1784 = arith.maximumf %get3A_1778, %max3A_1775 : vector<40x128xf32>
    %get3A_1785 = arith.constant 7920 : index
    %get3A_1786 = arith.constant 0 : index
    %get3A_1787 = vector.load %arg1[%get3A_1785, %get3A_1786] : memref<10000x128xf32, #tpu.memory_space<vmem>>, vector<40x128xf32>
    %gt3A_1788 = arith.cmpf ogt, %get3A_1787, %max3A_1784 : vector<40x128xf32>
    %add3A_1789 = arith.constant 7920 : i32
    %add3A_1790 = arith.addi %mul3A_7, %add3A_1789 : i32
    %broadcast_in_dim3A_1791 = vector.broadcast %add3A_1790 : i32 to vector<40x128xi32>
    %select_n3A_1792 = arith.select %gt3A_1788, %broadcast_in_dim3A_1791, %select_n3A_1783 : vector<40x128xi1>, vector<40x128xi32>
    %max3A_1793 = arith.maximumf %get3A_1787, %max3A_1784 : vector<40x128xf32>
    %get3A_1794 = arith.constant 7960 : index
    %get3A_1795 = arith.constant 0 : index
    %get3A_1796 = vector.load %arg1[%get3A_1794, %get3A_1795] : memref<10000x128xf32, #tpu.memory_space<vmem>>, vector<40x128xf32>
    %gt3A_1797 = arith.cmpf ogt, %get3A_1796, %max3A_1793 : vector<40x128xf32>
    %add3A_1798 = arith.constant 7960 : i32
    %add3A_1799 = arith.addi %mul3A_7, %add3A_1798 : i32
    %broadcast_in_dim3A_1800 = vector.broadcast %add3A_1799 : i32 to vector<40x128xi32>
    %select_n3A_1801 = arith.select %gt3A_1797, %broadcast_in_dim3A_1800, %select_n3A_1792 : vector<40x128xi1>, vector<40x128xi32>
    %max3A_1802 = arith.maximumf %get3A_1796, %max3A_1793 : vector<40x128xf32>
    %get3A_1803 = arith.constant 8000 : index
    %get3A_1804 = arith.constant 0 : index
    %get3A_1805 = vector.load %arg1[%get3A_1803, %get3A_1804] : memref<10000x128xf32, #tpu.memory_space<vmem>>, vector<40x128xf32>
    %gt3A_1806 = arith.cmpf ogt, %get3A_1805, %max3A_1802 : vector<40x128xf32>
    %add3A_1807 = arith.constant 8000 : i32
    %add3A_1808 = arith.addi %mul3A_7, %add3A_1807 : i32
    %broadcast_in_dim3A_1809 = vector.broadcast %add3A_1808 : i32 to vector<40x128xi32>
    %select_n3A_1810 = arith.select %gt3A_1806, %broadcast_in_dim3A_1809, %select_n3A_1801 : vector<40x128xi1>, vector<40x128xi32>
    %max3A_1811 = arith.maximumf %get3A_1805, %max3A_1802 : vector<40x128xf32>
    %get3A_1812 = arith.constant 8040 : index
    %get3A_1813 = arith.constant 0 : index
    %get3A_1814 = vector.load %arg1[%get3A_1812, %get3A_1813] : memref<10000x128xf32, #tpu.memory_space<vmem>>, vector<40x128xf32>
    %gt3A_1815 = arith.cmpf ogt, %get3A_1814, %max3A_1811 : vector<40x128xf32>
    %add3A_1816 = arith.constant 8040 : i32
    %add3A_1817 = arith.addi %mul3A_7, %add3A_1816 : i32
    %broadcast_in_dim3A_1818 = vector.broadcast %add3A_1817 : i32 to vector<40x128xi32>
    %select_n3A_1819 = arith.select %gt3A_1815, %broadcast_in_dim3A_1818, %select_n3A_1810 : vector<40x128xi1>, vector<40x128xi32>
    %max3A_1820 = arith.maximumf %get3A_1814, %max3A_1811 : vector<40x128xf32>
    %get3A_1821 = arith.constant 8080 : index
    %get3A_1822 = arith.constant 0 : index
    %get3A_1823 = vector.load %arg1[%get3A_1821, %get3A_1822] : memref<10000x128xf32, #tpu.memory_space<vmem>>, vector<40x128xf32>
    %gt3A_1824 = arith.cmpf ogt, %get3A_1823, %max3A_1820 : vector<40x128xf32>
    %add3A_1825 = arith.constant 8080 : i32
    %add3A_1826 = arith.addi %mul3A_7, %add3A_1825 : i32
    %broadcast_in_dim3A_1827 = vector.broadcast %add3A_1826 : i32 to vector<40x128xi32>
    %select_n3A_1828 = arith.select %gt3A_1824, %broadcast_in_dim3A_1827, %select_n3A_1819 : vector<40x128xi1>, vector<40x128xi32>
    %max3A_1829 = arith.maximumf %get3A_1823, %max3A_1820 : vector<40x128xf32>
    %get3A_1830 = arith.constant 8120 : index
    %get3A_1831 = arith.constant 0 : index
    %get3A_1832 = vector.load %arg1[%get3A_1830, %get3A_1831] : memref<10000x128xf32, #tpu.memory_space<vmem>>, vector<40x128xf32>
    %gt3A_1833 = arith.cmpf ogt, %get3A_1832, %max3A_1829 : vector<40x128xf32>
    %add3A_1834 = arith.constant 8120 : i32
    %add3A_1835 = arith.addi %mul3A_7, %add3A_1834 : i32
    %broadcast_in_dim3A_1836 = vector.broadcast %add3A_1835 : i32 to vector<40x128xi32>
    %select_n3A_1837 = arith.select %gt3A_1833, %broadcast_in_dim3A_1836, %select_n3A_1828 : vector<40x128xi1>, vector<40x128xi32>
    %max3A_1838 = arith.maximumf %get3A_1832, %max3A_1829 : vector<40x128xf32>
    %get3A_1839 = arith.constant 8160 : index
    %get3A_1840 = arith.constant 0 : index
    %get3A_1841 = vector.load %arg1[%get3A_1839, %get3A_1840] : memref<10000x128xf32, #tpu.memory_space<vmem>>, vector<40x128xf32>
    %gt3A_1842 = arith.cmpf ogt, %get3A_1841, %max3A_1838 : vector<40x128xf32>
    %add3A_1843 = arith.constant 8160 : i32
    %add3A_1844 = arith.addi %mul3A_7, %add3A_1843 : i32
    %broadcast_in_dim3A_1845 = vector.broadcast %add3A_1844 : i32 to vector<40x128xi32>
    %select_n3A_1846 = arith.select %gt3A_1842, %broadcast_in_dim3A_1845, %select_n3A_1837 : vector<40x128xi1>, vector<40x128xi32>
    %max3A_1847 = arith.maximumf %get3A_1841, %max3A_1838 : vector<40x128xf32>
    %get3A_1848 = arith.constant 8200 : index
    %get3A_1849 = arith.constant 0 : index
    %get3A_1850 = vector.load %arg1[%get3A_1848, %get3A_1849] : memref<10000x128xf32, #tpu.memory_space<vmem>>, vector<40x128xf32>
    %gt3A_1851 = arith.cmpf ogt, %get3A_1850, %max3A_1847 : vector<40x128xf32>
    %add3A_1852 = arith.constant 8200 : i32
    %add3A_1853 = arith.addi %mul3A_7, %add3A_1852 : i32
    %broadcast_in_dim3A_1854 = vector.broadcast %add3A_1853 : i32 to vector<40x128xi32>
    %select_n3A_1855 = arith.select %gt3A_1851, %broadcast_in_dim3A_1854, %select_n3A_1846 : vector<40x128xi1>, vector<40x128xi32>
    %max3A_1856 = arith.maximumf %get3A_1850, %max3A_1847 : vector<40x128xf32>
    %get3A_1857 = arith.constant 8240 : index
    %get3A_1858 = arith.constant 0 : index
    %get3A_1859 = vector.load %arg1[%get3A_1857, %get3A_1858] : memref<10000x128xf32, #tpu.memory_space<vmem>>, vector<40x128xf32>
    %gt3A_1860 = arith.cmpf ogt, %get3A_1859, %max3A_1856 : vector<40x128xf32>
    %add3A_1861 = arith.constant 8240 : i32
    %add3A_1862 = arith.addi %mul3A_7, %add3A_1861 : i32
    %broadcast_in_dim3A_1863 = vector.broadcast %add3A_1862 : i32 to vector<40x128xi32>
    %select_n3A_1864 = arith.select %gt3A_1860, %broadcast_in_dim3A_1863, %select_n3A_1855 : vector<40x128xi1>, vector<40x128xi32>
    %max3A_1865 = arith.maximumf %get3A_1859, %max3A_1856 : vector<40x128xf32>
    %get3A_1866 = arith.constant 8280 : index
    %get3A_1867 = arith.constant 0 : index
    %get3A_1868 = vector.load %arg1[%get3A_1866, %get3A_1867] : memref<10000x128xf32, #tpu.memory_space<vmem>>, vector<40x128xf32>
    %gt3A_1869 = arith.cmpf ogt, %get3A_1868, %max3A_1865 : vector<40x128xf32>
    %add3A_1870 = arith.constant 8280 : i32
    %add3A_1871 = arith.addi %mul3A_7, %add3A_1870 : i32
    %broadcast_in_dim3A_1872 = vector.broadcast %add3A_1871 : i32 to vector<40x128xi32>
    %select_n3A_1873 = arith.select %gt3A_1869, %broadcast_in_dim3A_1872, %select_n3A_1864 : vector<40x128xi1>, vector<40x128xi32>
    %max3A_1874 = arith.maximumf %get3A_1868, %max3A_1865 : vector<40x128xf32>
    %get3A_1875 = arith.constant 8320 : index
    %get3A_1876 = arith.constant 0 : index
    %get3A_1877 = vector.load %arg1[%get3A_1875, %get3A_1876] : memref<10000x128xf32, #tpu.memory_space<vmem>>, vector<40x128xf32>
    %gt3A_1878 = arith.cmpf ogt, %get3A_1877, %max3A_1874 : vector<40x128xf32>
    %add3A_1879 = arith.constant 8320 : i32
    %add3A_1880 = arith.addi %mul3A_7, %add3A_1879 : i32
    %broadcast_in_dim3A_1881 = vector.broadcast %add3A_1880 : i32 to vector<40x128xi32>
    %select_n3A_1882 = arith.select %gt3A_1878, %broadcast_in_dim3A_1881, %select_n3A_1873 : vector<40x128xi1>, vector<40x128xi32>
    %max3A_1883 = arith.maximumf %get3A_1877, %max3A_1874 : vector<40x128xf32>
    %get3A_1884 = arith.constant 8360 : index
    %get3A_1885 = arith.constant 0 : index
    %get3A_1886 = vector.load %arg1[%get3A_1884, %get3A_1885] : memref<10000x128xf32, #tpu.memory_space<vmem>>, vector<40x128xf32>
    %gt3A_1887 = arith.cmpf ogt, %get3A_1886, %max3A_1883 : vector<40x128xf32>
    %add3A_1888 = arith.constant 8360 : i32
    %add3A_1889 = arith.addi %mul3A_7, %add3A_1888 : i32
    %broadcast_in_dim3A_1890 = vector.broadcast %add3A_1889 : i32 to vector<40x128xi32>
    %select_n3A_1891 = arith.select %gt3A_1887, %broadcast_in_dim3A_1890, %select_n3A_1882 : vector<40x128xi1>, vector<40x128xi32>
    %max3A_1892 = arith.maximumf %get3A_1886, %max3A_1883 : vector<40x128xf32>
    %get3A_1893 = arith.constant 8400 : index
    %get3A_1894 = arith.constant 0 : index
    %get3A_1895 = vector.load %arg1[%get3A_1893, %get3A_1894] : memref<10000x128xf32, #tpu.memory_space<vmem>>, vector<40x128xf32>
    %gt3A_1896 = arith.cmpf ogt, %get3A_1895, %max3A_1892 : vector<40x128xf32>
    %add3A_1897 = arith.constant 8400 : i32
    %add3A_1898 = arith.addi %mul3A_7, %add3A_1897 : i32
    %broadcast_in_dim3A_1899 = vector.broadcast %add3A_1898 : i32 to vector<40x128xi32>
    %select_n3A_1900 = arith.select %gt3A_1896, %broadcast_in_dim3A_1899, %select_n3A_1891 : vector<40x128xi1>, vector<40x128xi32>
    %max3A_1901 = arith.maximumf %get3A_1895, %max3A_1892 : vector<40x128xf32>
    %get3A_1902 = arith.constant 8440 : index
    %get3A_1903 = arith.constant 0 : index
    %get3A_1904 = vector.load %arg1[%get3A_1902, %get3A_1903] : memref<10000x128xf32, #tpu.memory_space<vmem>>, vector<40x128xf32>
    %gt3A_1905 = arith.cmpf ogt, %get3A_1904, %max3A_1901 : vector<40x128xf32>
    %add3A_1906 = arith.constant 8440 : i32
    %add3A_1907 = arith.addi %mul3A_7, %add3A_1906 : i32
    %broadcast_in_dim3A_1908 = vector.broadcast %add3A_1907 : i32 to vector<40x128xi32>
    %select_n3A_1909 = arith.select %gt3A_1905, %broadcast_in_dim3A_1908, %select_n3A_1900 : vector<40x128xi1>, vector<40x128xi32>
    %max3A_1910 = arith.maximumf %get3A_1904, %max3A_1901 : vector<40x128xf32>
    %get3A_1911 = arith.constant 8480 : index
    %get3A_1912 = arith.constant 0 : index
    %get3A_1913 = vector.load %arg1[%get3A_1911, %get3A_1912] : memref<10000x128xf32, #tpu.memory_space<vmem>>, vector<40x128xf32>
    %gt3A_1914 = arith.cmpf ogt, %get3A_1913, %max3A_1910 : vector<40x128xf32>
    %add3A_1915 = arith.constant 8480 : i32
    %add3A_1916 = arith.addi %mul3A_7, %add3A_1915 : i32
    %broadcast_in_dim3A_1917 = vector.broadcast %add3A_1916 : i32 to vector<40x128xi32>
    %select_n3A_1918 = arith.select %gt3A_1914, %broadcast_in_dim3A_1917, %select_n3A_1909 : vector<40x128xi1>, vector<40x128xi32>
    %max3A_1919 = arith.maximumf %get3A_1913, %max3A_1910 : vector<40x128xf32>
    %get3A_1920 = arith.constant 8520 : index
    %get3A_1921 = arith.constant 0 : index
    %get3A_1922 = vector.load %arg1[%get3A_1920, %get3A_1921] : memref<10000x128xf32, #tpu.memory_space<vmem>>, vector<40x128xf32>
    %gt3A_1923 = arith.cmpf ogt, %get3A_1922, %max3A_1919 : vector<40x128xf32>
    %add3A_1924 = arith.constant 8520 : i32
    %add3A_1925 = arith.addi %mul3A_7, %add3A_1924 : i32
    %broadcast_in_dim3A_1926 = vector.broadcast %add3A_1925 : i32 to vector<40x128xi32>
    %select_n3A_1927 = arith.select %gt3A_1923, %broadcast_in_dim3A_1926, %select_n3A_1918 : vector<40x128xi1>, vector<40x128xi32>
    %max3A_1928 = arith.maximumf %get3A_1922, %max3A_1919 : vector<40x128xf32>
    %get3A_1929 = arith.constant 8560 : index
    %get3A_1930 = arith.constant 0 : index
    %get3A_1931 = vector.load %arg1[%get3A_1929, %get3A_1930] : memref<10000x128xf32, #tpu.memory_space<vmem>>, vector<40x128xf32>
    %gt3A_1932 = arith.cmpf ogt, %get3A_1931, %max3A_1928 : vector<40x128xf32>
    %add3A_1933 = arith.constant 8560 : i32
    %add3A_1934 = arith.addi %mul3A_7, %add3A_1933 : i32
    %broadcast_in_dim3A_1935 = vector.broadcast %add3A_1934 : i32 to vector<40x128xi32>
    %select_n3A_1936 = arith.select %gt3A_1932, %broadcast_in_dim3A_1935, %select_n3A_1927 : vector<40x128xi1>, vector<40x128xi32>
    %max3A_1937 = arith.maximumf %get3A_1931, %max3A_1928 : vector<40x128xf32>
    %get3A_1938 = arith.constant 8600 : index
    %get3A_1939 = arith.constant 0 : index
    %get3A_1940 = vector.load %arg1[%get3A_1938, %get3A_1939] : memref<10000x128xf32, #tpu.memory_space<vmem>>, vector<40x128xf32>
    %gt3A_1941 = arith.cmpf ogt, %get3A_1940, %max3A_1937 : vector<40x128xf32>
    %add3A_1942 = arith.constant 8600 : i32
    %add3A_1943 = arith.addi %mul3A_7, %add3A_1942 : i32
    %broadcast_in_dim3A_1944 = vector.broadcast %add3A_1943 : i32 to vector<40x128xi32>
    %select_n3A_1945 = arith.select %gt3A_1941, %broadcast_in_dim3A_1944, %select_n3A_1936 : vector<40x128xi1>, vector<40x128xi32>
    %max3A_1946 = arith.maximumf %get3A_1940, %max3A_1937 : vector<40x128xf32>
    %get3A_1947 = arith.constant 8640 : index
    %get3A_1948 = arith.constant 0 : index
    %get3A_1949 = vector.load %arg1[%get3A_1947, %get3A_1948] : memref<10000x128xf32, #tpu.memory_space<vmem>>, vector<40x128xf32>
    %gt3A_1950 = arith.cmpf ogt, %get3A_1949, %max3A_1946 : vector<40x128xf32>
    %add3A_1951 = arith.constant 8640 : i32
    %add3A_1952 = arith.addi %mul3A_7, %add3A_1951 : i32
    %broadcast_in_dim3A_1953 = vector.broadcast %add3A_1952 : i32 to vector<40x128xi32>
    %select_n3A_1954 = arith.select %gt3A_1950, %broadcast_in_dim3A_1953, %select_n3A_1945 : vector<40x128xi1>, vector<40x128xi32>
    %max3A_1955 = arith.maximumf %get3A_1949, %max3A_1946 : vector<40x128xf32>
    %get3A_1956 = arith.constant 8680 : index
    %get3A_1957 = arith.constant 0 : index
    %get3A_1958 = vector.load %arg1[%get3A_1956, %get3A_1957] : memref<10000x128xf32, #tpu.memory_space<vmem>>, vector<40x128xf32>
    %gt3A_1959 = arith.cmpf ogt, %get3A_1958, %max3A_1955 : vector<40x128xf32>
    %add3A_1960 = arith.constant 8680 : i32
    %add3A_1961 = arith.addi %mul3A_7, %add3A_1960 : i32
    %broadcast_in_dim3A_1962 = vector.broadcast %add3A_1961 : i32 to vector<40x128xi32>
    %select_n3A_1963 = arith.select %gt3A_1959, %broadcast_in_dim3A_1962, %select_n3A_1954 : vector<40x128xi1>, vector<40x128xi32>
    %max3A_1964 = arith.maximumf %get3A_1958, %max3A_1955 : vector<40x128xf32>
    %get3A_1965 = arith.constant 8720 : index
    %get3A_1966 = arith.constant 0 : index
    %get3A_1967 = vector.load %arg1[%get3A_1965, %get3A_1966] : memref<10000x128xf32, #tpu.memory_space<vmem>>, vector<40x128xf32>
    %gt3A_1968 = arith.cmpf ogt, %get3A_1967, %max3A_1964 : vector<40x128xf32>
    %add3A_1969 = arith.constant 8720 : i32
    %add3A_1970 = arith.addi %mul3A_7, %add3A_1969 : i32
    %broadcast_in_dim3A_1971 = vector.broadcast %add3A_1970 : i32 to vector<40x128xi32>
    %select_n3A_1972 = arith.select %gt3A_1968, %broadcast_in_dim3A_1971, %select_n3A_1963 : vector<40x128xi1>, vector<40x128xi32>
    %max3A_1973 = arith.maximumf %get3A_1967, %max3A_1964 : vector<40x128xf32>
    %get3A_1974 = arith.constant 8760 : index
    %get3A_1975 = arith.constant 0 : index
    %get3A_1976 = vector.load %arg1[%get3A_1974, %get3A_1975] : memref<10000x128xf32, #tpu.memory_space<vmem>>, vector<40x128xf32>
    %gt3A_1977 = arith.cmpf ogt, %get3A_1976, %max3A_1973 : vector<40x128xf32>
    %add3A_1978 = arith.constant 8760 : i32
    %add3A_1979 = arith.addi %mul3A_7, %add3A_1978 : i32
    %broadcast_in_dim3A_1980 = vector.broadcast %add3A_1979 : i32 to vector<40x128xi32>
    %select_n3A_1981 = arith.select %gt3A_1977, %broadcast_in_dim3A_1980, %select_n3A_1972 : vector<40x128xi1>, vector<40x128xi32>
    %max3A_1982 = arith.maximumf %get3A_1976, %max3A_1973 : vector<40x128xf32>
    %get3A_1983 = arith.constant 8800 : index
    %get3A_1984 = arith.constant 0 : index
    %get3A_1985 = vector.load %arg1[%get3A_1983, %get3A_1984] : memref<10000x128xf32, #tpu.memory_space<vmem>>, vector<40x128xf32>
    %gt3A_1986 = arith.cmpf ogt, %get3A_1985, %max3A_1982 : vector<40x128xf32>
    %add3A_1987 = arith.constant 8800 : i32
    %add3A_1988 = arith.addi %mul3A_7, %add3A_1987 : i32
    %broadcast_in_dim3A_1989 = vector.broadcast %add3A_1988 : i32 to vector<40x128xi32>
    %select_n3A_1990 = arith.select %gt3A_1986, %broadcast_in_dim3A_1989, %select_n3A_1981 : vector<40x128xi1>, vector<40x128xi32>
    %max3A_1991 = arith.maximumf %get3A_1985, %max3A_1982 : vector<40x128xf32>
    %get3A_1992 = arith.constant 8840 : index
    %get3A_1993 = arith.constant 0 : index
    %get3A_1994 = vector.load %arg1[%get3A_1992, %get3A_1993] : memref<10000x128xf32, #tpu.memory_space<vmem>>, vector<40x128xf32>
    %gt3A_1995 = arith.cmpf ogt, %get3A_1994, %max3A_1991 : vector<40x128xf32>
    %add3A_1996 = arith.constant 8840 : i32
    %add3A_1997 = arith.addi %mul3A_7, %add3A_1996 : i32
    %broadcast_in_dim3A_1998 = vector.broadcast %add3A_1997 : i32 to vector<40x128xi32>
    %select_n3A_1999 = arith.select %gt3A_1995, %broadcast_in_dim3A_1998, %select_n3A_1990 : vector<40x128xi1>, vector<40x128xi32>
    %max3A_2000 = arith.maximumf %get3A_1994, %max3A_1991 : vector<40x128xf32>
    %get3A_2001 = arith.constant 8880 : index
    %get3A_2002 = arith.constant 0 : index
    %get3A_2003 = vector.load %arg1[%get3A_2001, %get3A_2002] : memref<10000x128xf32, #tpu.memory_space<vmem>>, vector<40x128xf32>
    %gt3A_2004 = arith.cmpf ogt, %get3A_2003, %max3A_2000 : vector<40x128xf32>
    %add3A_2005 = arith.constant 8880 : i32
    %add3A_2006 = arith.addi %mul3A_7, %add3A_2005 : i32
    %broadcast_in_dim3A_2007 = vector.broadcast %add3A_2006 : i32 to vector<40x128xi32>
    %select_n3A_2008 = arith.select %gt3A_2004, %broadcast_in_dim3A_2007, %select_n3A_1999 : vector<40x128xi1>, vector<40x128xi32>
    %max3A_2009 = arith.maximumf %get3A_2003, %max3A_2000 : vector<40x128xf32>
    %get3A_2010 = arith.constant 8920 : index
    %get3A_2011 = arith.constant 0 : index
    %get3A_2012 = vector.load %arg1[%get3A_2010, %get3A_2011] : memref<10000x128xf32, #tpu.memory_space<vmem>>, vector<40x128xf32>
    %gt3A_2013 = arith.cmpf ogt, %get3A_2012, %max3A_2009 : vector<40x128xf32>
    %add3A_2014 = arith.constant 8920 : i32
    %add3A_2015 = arith.addi %mul3A_7, %add3A_2014 : i32
    %broadcast_in_dim3A_2016 = vector.broadcast %add3A_2015 : i32 to vector<40x128xi32>
    %select_n3A_2017 = arith.select %gt3A_2013, %broadcast_in_dim3A_2016, %select_n3A_2008 : vector<40x128xi1>, vector<40x128xi32>
    %max3A_2018 = arith.maximumf %get3A_2012, %max3A_2009 : vector<40x128xf32>
    %get3A_2019 = arith.constant 8960 : index
    %get3A_2020 = arith.constant 0 : index
    %get3A_2021 = vector.load %arg1[%get3A_2019, %get3A_2020] : memref<10000x128xf32, #tpu.memory_space<vmem>>, vector<40x128xf32>
    %gt3A_2022 = arith.cmpf ogt, %get3A_2021, %max3A_2018 : vector<40x128xf32>
    %add3A_2023 = arith.constant 8960 : i32
    %add3A_2024 = arith.addi %mul3A_7, %add3A_2023 : i32
    %broadcast_in_dim3A_2025 = vector.broadcast %add3A_2024 : i32 to vector<40x128xi32>
    %select_n3A_2026 = arith.select %gt3A_2022, %broadcast_in_dim3A_2025, %select_n3A_2017 : vector<40x128xi1>, vector<40x128xi32>
    %max3A_2027 = arith.maximumf %get3A_2021, %max3A_2018 : vector<40x128xf32>
    %get3A_2028 = arith.constant 9000 : index
    %get3A_2029 = arith.constant 0 : index
    %get3A_2030 = vector.load %arg1[%get3A_2028, %get3A_2029] : memref<10000x128xf32, #tpu.memory_space<vmem>>, vector<40x128xf32>
    %gt3A_2031 = arith.cmpf ogt, %get3A_2030, %max3A_2027 : vector<40x128xf32>
    %add3A_2032 = arith.constant 9000 : i32
    %add3A_2033 = arith.addi %mul3A_7, %add3A_2032 : i32
    %broadcast_in_dim3A_2034 = vector.broadcast %add3A_2033 : i32 to vector<40x128xi32>
    %select_n3A_2035 = arith.select %gt3A_2031, %broadcast_in_dim3A_2034, %select_n3A_2026 : vector<40x128xi1>, vector<40x128xi32>
    %max3A_2036 = arith.maximumf %get3A_2030, %max3A_2027 : vector<40x128xf32>
    %get3A_2037 = arith.constant 9040 : index
    %get3A_2038 = arith.constant 0 : index
    %get3A_2039 = vector.load %arg1[%get3A_2037, %get3A_2038] : memref<10000x128xf32, #tpu.memory_space<vmem>>, vector<40x128xf32>
    %gt3A_2040 = arith.cmpf ogt, %get3A_2039, %max3A_2036 : vector<40x128xf32>
    %add3A_2041 = arith.constant 9040 : i32
    %add3A_2042 = arith.addi %mul3A_7, %add3A_2041 : i32
    %broadcast_in_dim3A_2043 = vector.broadcast %add3A_2042 : i32 to vector<40x128xi32>
    %select_n3A_2044 = arith.select %gt3A_2040, %broadcast_in_dim3A_2043, %select_n3A_2035 : vector<40x128xi1>, vector<40x128xi32>
    %max3A_2045 = arith.maximumf %get3A_2039, %max3A_2036 : vector<40x128xf32>
    %get3A_2046 = arith.constant 9080 : index
    %get3A_2047 = arith.constant 0 : index
    %get3A_2048 = vector.load %arg1[%get3A_2046, %get3A_2047] : memref<10000x128xf32, #tpu.memory_space<vmem>>, vector<40x128xf32>
    %gt3A_2049 = arith.cmpf ogt, %get3A_2048, %max3A_2045 : vector<40x128xf32>
    %add3A_2050 = arith.constant 9080 : i32
    %add3A_2051 = arith.addi %mul3A_7, %add3A_2050 : i32
    %broadcast_in_dim3A_2052 = vector.broadcast %add3A_2051 : i32 to vector<40x128xi32>
    %select_n3A_2053 = arith.select %gt3A_2049, %broadcast_in_dim3A_2052, %select_n3A_2044 : vector<40x128xi1>, vector<40x128xi32>
    %max3A_2054 = arith.maximumf %get3A_2048, %max3A_2045 : vector<40x128xf32>
    %get3A_2055 = arith.constant 9120 : index
    %get3A_2056 = arith.constant 0 : index
    %get3A_2057 = vector.load %arg1[%get3A_2055, %get3A_2056] : memref<10000x128xf32, #tpu.memory_space<vmem>>, vector<40x128xf32>
    %gt3A_2058 = arith.cmpf ogt, %get3A_2057, %max3A_2054 : vector<40x128xf32>
    %add3A_2059 = arith.constant 9120 : i32
    %add3A_2060 = arith.addi %mul3A_7, %add3A_2059 : i32
    %broadcast_in_dim3A_2061 = vector.broadcast %add3A_2060 : i32 to vector<40x128xi32>
    %select_n3A_2062 = arith.select %gt3A_2058, %broadcast_in_dim3A_2061, %select_n3A_2053 : vector<40x128xi1>, vector<40x128xi32>
    %max3A_2063 = arith.maximumf %get3A_2057, %max3A_2054 : vector<40x128xf32>
    %get3A_2064 = arith.constant 9160 : index
    %get3A_2065 = arith.constant 0 : index
    %get3A_2066 = vector.load %arg1[%get3A_2064, %get3A_2065] : memref<10000x128xf32, #tpu.memory_space<vmem>>, vector<40x128xf32>
    %gt3A_2067 = arith.cmpf ogt, %get3A_2066, %max3A_2063 : vector<40x128xf32>
    %add3A_2068 = arith.constant 9160 : i32
    %add3A_2069 = arith.addi %mul3A_7, %add3A_2068 : i32
    %broadcast_in_dim3A_2070 = vector.broadcast %add3A_2069 : i32 to vector<40x128xi32>
    %select_n3A_2071 = arith.select %gt3A_2067, %broadcast_in_dim3A_2070, %select_n3A_2062 : vector<40x128xi1>, vector<40x128xi32>
    %max3A_2072 = arith.maximumf %get3A_2066, %max3A_2063 : vector<40x128xf32>
    %get3A_2073 = arith.constant 9200 : index
    %get3A_2074 = arith.constant 0 : index
    %get3A_2075 = vector.load %arg1[%get3A_2073, %get3A_2074] : memref<10000x128xf32, #tpu.memory_space<vmem>>, vector<40x128xf32>
    %gt3A_2076 = arith.cmpf ogt, %get3A_2075, %max3A_2072 : vector<40x128xf32>
    %add3A_2077 = arith.constant 9200 : i32
    %add3A_2078 = arith.addi %mul3A_7, %add3A_2077 : i32
    %broadcast_in_dim3A_2079 = vector.broadcast %add3A_2078 : i32 to vector<40x128xi32>
    %select_n3A_2080 = arith.select %gt3A_2076, %broadcast_in_dim3A_2079, %select_n3A_2071 : vector<40x128xi1>, vector<40x128xi32>
    %max3A_2081 = arith.maximumf %get3A_2075, %max3A_2072 : vector<40x128xf32>
    %get3A_2082 = arith.constant 9240 : index
    %get3A_2083 = arith.constant 0 : index
    %get3A_2084 = vector.load %arg1[%get3A_2082, %get3A_2083] : memref<10000x128xf32, #tpu.memory_space<vmem>>, vector<40x128xf32>
    %gt3A_2085 = arith.cmpf ogt, %get3A_2084, %max3A_2081 : vector<40x128xf32>
    %add3A_2086 = arith.constant 9240 : i32
    %add3A_2087 = arith.addi %mul3A_7, %add3A_2086 : i32
    %broadcast_in_dim3A_2088 = vector.broadcast %add3A_2087 : i32 to vector<40x128xi32>
    %select_n3A_2089 = arith.select %gt3A_2085, %broadcast_in_dim3A_2088, %select_n3A_2080 : vector<40x128xi1>, vector<40x128xi32>
    %max3A_2090 = arith.maximumf %get3A_2084, %max3A_2081 : vector<40x128xf32>
    %get3A_2091 = arith.constant 9280 : index
    %get3A_2092 = arith.constant 0 : index
    %get3A_2093 = vector.load %arg1[%get3A_2091, %get3A_2092] : memref<10000x128xf32, #tpu.memory_space<vmem>>, vector<40x128xf32>
    %gt3A_2094 = arith.cmpf ogt, %get3A_2093, %max3A_2090 : vector<40x128xf32>
    %add3A_2095 = arith.constant 9280 : i32
    %add3A_2096 = arith.addi %mul3A_7, %add3A_2095 : i32
    %broadcast_in_dim3A_2097 = vector.broadcast %add3A_2096 : i32 to vector<40x128xi32>
    %select_n3A_2098 = arith.select %gt3A_2094, %broadcast_in_dim3A_2097, %select_n3A_2089 : vector<40x128xi1>, vector<40x128xi32>
    %max3A_2099 = arith.maximumf %get3A_2093, %max3A_2090 : vector<40x128xf32>
    %get3A_2100 = arith.constant 9320 : index
    %get3A_2101 = arith.constant 0 : index
    %get3A_2102 = vector.load %arg1[%get3A_2100, %get3A_2101] : memref<10000x128xf32, #tpu.memory_space<vmem>>, vector<40x128xf32>
    %gt3A_2103 = arith.cmpf ogt, %get3A_2102, %max3A_2099 : vector<40x128xf32>
    %add3A_2104 = arith.constant 9320 : i32
    %add3A_2105 = arith.addi %mul3A_7, %add3A_2104 : i32
    %broadcast_in_dim3A_2106 = vector.broadcast %add3A_2105 : i32 to vector<40x128xi32>
    %select_n3A_2107 = arith.select %gt3A_2103, %broadcast_in_dim3A_2106, %select_n3A_2098 : vector<40x128xi1>, vector<40x128xi32>
    %max3A_2108 = arith.maximumf %get3A_2102, %max3A_2099 : vector<40x128xf32>
    %get3A_2109 = arith.constant 9360 : index
    %get3A_2110 = arith.constant 0 : index
    %get3A_2111 = vector.load %arg1[%get3A_2109, %get3A_2110] : memref<10000x128xf32, #tpu.memory_space<vmem>>, vector<40x128xf32>
    %gt3A_2112 = arith.cmpf ogt, %get3A_2111, %max3A_2108 : vector<40x128xf32>
    %add3A_2113 = arith.constant 9360 : i32
    %add3A_2114 = arith.addi %mul3A_7, %add3A_2113 : i32
    %broadcast_in_dim3A_2115 = vector.broadcast %add3A_2114 : i32 to vector<40x128xi32>
    %select_n3A_2116 = arith.select %gt3A_2112, %broadcast_in_dim3A_2115, %select_n3A_2107 : vector<40x128xi1>, vector<40x128xi32>
    %max3A_2117 = arith.maximumf %get3A_2111, %max3A_2108 : vector<40x128xf32>
    %get3A_2118 = arith.constant 9400 : index
    %get3A_2119 = arith.constant 0 : index
    %get3A_2120 = vector.load %arg1[%get3A_2118, %get3A_2119] : memref<10000x128xf32, #tpu.memory_space<vmem>>, vector<40x128xf32>
    %gt3A_2121 = arith.cmpf ogt, %get3A_2120, %max3A_2117 : vector<40x128xf32>
    %add3A_2122 = arith.constant 9400 : i32
    %add3A_2123 = arith.addi %mul3A_7, %add3A_2122 : i32
    %broadcast_in_dim3A_2124 = vector.broadcast %add3A_2123 : i32 to vector<40x128xi32>
    %select_n3A_2125 = arith.select %gt3A_2121, %broadcast_in_dim3A_2124, %select_n3A_2116 : vector<40x128xi1>, vector<40x128xi32>
    %max3A_2126 = arith.maximumf %get3A_2120, %max3A_2117 : vector<40x128xf32>
    %get3A_2127 = arith.constant 9440 : index
    %get3A_2128 = arith.constant 0 : index
    %get3A_2129 = vector.load %arg1[%get3A_2127, %get3A_2128] : memref<10000x128xf32, #tpu.memory_space<vmem>>, vector<40x128xf32>
    %gt3A_2130 = arith.cmpf ogt, %get3A_2129, %max3A_2126 : vector<40x128xf32>
    %add3A_2131 = arith.constant 9440 : i32
    %add3A_2132 = arith.addi %mul3A_7, %add3A_2131 : i32
    %broadcast_in_dim3A_2133 = vector.broadcast %add3A_2132 : i32 to vector<40x128xi32>
    %select_n3A_2134 = arith.select %gt3A_2130, %broadcast_in_dim3A_2133, %select_n3A_2125 : vector<40x128xi1>, vector<40x128xi32>
    %max3A_2135 = arith.maximumf %get3A_2129, %max3A_2126 : vector<40x128xf32>
    %get3A_2136 = arith.constant 9480 : index
    %get3A_2137 = arith.constant 0 : index
    %get3A_2138 = vector.load %arg1[%get3A_2136, %get3A_2137] : memref<10000x128xf32, #tpu.memory_space<vmem>>, vector<40x128xf32>
    %gt3A_2139 = arith.cmpf ogt, %get3A_2138, %max3A_2135 : vector<40x128xf32>
    %add3A_2140 = arith.constant 9480 : i32
    %add3A_2141 = arith.addi %mul3A_7, %add3A_2140 : i32
    %broadcast_in_dim3A_2142 = vector.broadcast %add3A_2141 : i32 to vector<40x128xi32>
    %select_n3A_2143 = arith.select %gt3A_2139, %broadcast_in_dim3A_2142, %select_n3A_2134 : vector<40x128xi1>, vector<40x128xi32>
    %max3A_2144 = arith.maximumf %get3A_2138, %max3A_2135 : vector<40x128xf32>
    %get3A_2145 = arith.constant 9520 : index
    %get3A_2146 = arith.constant 0 : index
    %get3A_2147 = vector.load %arg1[%get3A_2145, %get3A_2146] : memref<10000x128xf32, #tpu.memory_space<vmem>>, vector<40x128xf32>
    %gt3A_2148 = arith.cmpf ogt, %get3A_2147, %max3A_2144 : vector<40x128xf32>
    %add3A_2149 = arith.constant 9520 : i32
    %add3A_2150 = arith.addi %mul3A_7, %add3A_2149 : i32
    %broadcast_in_dim3A_2151 = vector.broadcast %add3A_2150 : i32 to vector<40x128xi32>
    %select_n3A_2152 = arith.select %gt3A_2148, %broadcast_in_dim3A_2151, %select_n3A_2143 : vector<40x128xi1>, vector<40x128xi32>
    %max3A_2153 = arith.maximumf %get3A_2147, %max3A_2144 : vector<40x128xf32>
    %get3A_2154 = arith.constant 9560 : index
    %get3A_2155 = arith.constant 0 : index
    %get3A_2156 = vector.load %arg1[%get3A_2154, %get3A_2155] : memref<10000x128xf32, #tpu.memory_space<vmem>>, vector<40x128xf32>
    %gt3A_2157 = arith.cmpf ogt, %get3A_2156, %max3A_2153 : vector<40x128xf32>
    %add3A_2158 = arith.constant 9560 : i32
    %add3A_2159 = arith.addi %mul3A_7, %add3A_2158 : i32
    %broadcast_in_dim3A_2160 = vector.broadcast %add3A_2159 : i32 to vector<40x128xi32>
    %select_n3A_2161 = arith.select %gt3A_2157, %broadcast_in_dim3A_2160, %select_n3A_2152 : vector<40x128xi1>, vector<40x128xi32>
    %max3A_2162 = arith.maximumf %get3A_2156, %max3A_2153 : vector<40x128xf32>
    %get3A_2163 = arith.constant 9600 : index
    %get3A_2164 = arith.constant 0 : index
    %get3A_2165 = vector.load %arg1[%get3A_2163, %get3A_2164] : memref<10000x128xf32, #tpu.memory_space<vmem>>, vector<40x128xf32>
    %gt3A_2166 = arith.cmpf ogt, %get3A_2165, %max3A_2162 : vector<40x128xf32>
    %add3A_2167 = arith.constant 9600 : i32
    %add3A_2168 = arith.addi %mul3A_7, %add3A_2167 : i32
    %broadcast_in_dim3A_2169 = vector.broadcast %add3A_2168 : i32 to vector<40x128xi32>
    %select_n3A_2170 = arith.select %gt3A_2166, %broadcast_in_dim3A_2169, %select_n3A_2161 : vector<40x128xi1>, vector<40x128xi32>
    %max3A_2171 = arith.maximumf %get3A_2165, %max3A_2162 : vector<40x128xf32>
    %get3A_2172 = arith.constant 9640 : index
    %get3A_2173 = arith.constant 0 : index
    %get3A_2174 = vector.load %arg1[%get3A_2172, %get3A_2173] : memref<10000x128xf32, #tpu.memory_space<vmem>>, vector<40x128xf32>
    %gt3A_2175 = arith.cmpf ogt, %get3A_2174, %max3A_2171 : vector<40x128xf32>
    %add3A_2176 = arith.constant 9640 : i32
    %add3A_2177 = arith.addi %mul3A_7, %add3A_2176 : i32
    %broadcast_in_dim3A_2178 = vector.broadcast %add3A_2177 : i32 to vector<40x128xi32>
    %select_n3A_2179 = arith.select %gt3A_2175, %broadcast_in_dim3A_2178, %select_n3A_2170 : vector<40x128xi1>, vector<40x128xi32>
    %max3A_2180 = arith.maximumf %get3A_2174, %max3A_2171 : vector<40x128xf32>
    %get3A_2181 = arith.constant 9680 : index
    %get3A_2182 = arith.constant 0 : index
    %get3A_2183 = vector.load %arg1[%get3A_2181, %get3A_2182] : memref<10000x128xf32, #tpu.memory_space<vmem>>, vector<40x128xf32>
    %gt3A_2184 = arith.cmpf ogt, %get3A_2183, %max3A_2180 : vector<40x128xf32>
    %add3A_2185 = arith.constant 9680 : i32
    %add3A_2186 = arith.addi %mul3A_7, %add3A_2185 : i32
    %broadcast_in_dim3A_2187 = vector.broadcast %add3A_2186 : i32 to vector<40x128xi32>
    %select_n3A_2188 = arith.select %gt3A_2184, %broadcast_in_dim3A_2187, %select_n3A_2179 : vector<40x128xi1>, vector<40x128xi32>
    %max3A_2189 = arith.maximumf %get3A_2183, %max3A_2180 : vector<40x128xf32>
    %get3A_2190 = arith.constant 9720 : index
    %get3A_2191 = arith.constant 0 : index
    %get3A_2192 = vector.load %arg1[%get3A_2190, %get3A_2191] : memref<10000x128xf32, #tpu.memory_space<vmem>>, vector<40x128xf32>
    %gt3A_2193 = arith.cmpf ogt, %get3A_2192, %max3A_2189 : vector<40x128xf32>
    %add3A_2194 = arith.constant 9720 : i32
    %add3A_2195 = arith.addi %mul3A_7, %add3A_2194 : i32
    %broadcast_in_dim3A_2196 = vector.broadcast %add3A_2195 : i32 to vector<40x128xi32>
    %select_n3A_2197 = arith.select %gt3A_2193, %broadcast_in_dim3A_2196, %select_n3A_2188 : vector<40x128xi1>, vector<40x128xi32>
    %max3A_2198 = arith.maximumf %get3A_2192, %max3A_2189 : vector<40x128xf32>
    %get3A_2199 = arith.constant 9760 : index
    %get3A_2200 = arith.constant 0 : index
    %get3A_2201 = vector.load %arg1[%get3A_2199, %get3A_2200] : memref<10000x128xf32, #tpu.memory_space<vmem>>, vector<40x128xf32>
    %gt3A_2202 = arith.cmpf ogt, %get3A_2201, %max3A_2198 : vector<40x128xf32>
    %add3A_2203 = arith.constant 9760 : i32
    %add3A_2204 = arith.addi %mul3A_7, %add3A_2203 : i32
    %broadcast_in_dim3A_2205 = vector.broadcast %add3A_2204 : i32 to vector<40x128xi32>
    %select_n3A_2206 = arith.select %gt3A_2202, %broadcast_in_dim3A_2205, %select_n3A_2197 : vector<40x128xi1>, vector<40x128xi32>
    %max3A_2207 = arith.maximumf %get3A_2201, %max3A_2198 : vector<40x128xf32>
    %get3A_2208 = arith.constant 9800 : index
    %get3A_2209 = arith.constant 0 : index
    %get3A_2210 = vector.load %arg1[%get3A_2208, %get3A_2209] : memref<10000x128xf32, #tpu.memory_space<vmem>>, vector<40x128xf32>
    %gt3A_2211 = arith.cmpf ogt, %get3A_2210, %max3A_2207 : vector<40x128xf32>
    %add3A_2212 = arith.constant 9800 : i32
    %add3A_2213 = arith.addi %mul3A_7, %add3A_2212 : i32
    %broadcast_in_dim3A_2214 = vector.broadcast %add3A_2213 : i32 to vector<40x128xi32>
    %select_n3A_2215 = arith.select %gt3A_2211, %broadcast_in_dim3A_2214, %select_n3A_2206 : vector<40x128xi1>, vector<40x128xi32>
    %max3A_2216 = arith.maximumf %get3A_2210, %max3A_2207 : vector<40x128xf32>
    %get3A_2217 = arith.constant 9840 : index
    %get3A_2218 = arith.constant 0 : index
    %get3A_2219 = vector.load %arg1[%get3A_2217, %get3A_2218] : memref<10000x128xf32, #tpu.memory_space<vmem>>, vector<40x128xf32>
    %gt3A_2220 = arith.cmpf ogt, %get3A_2219, %max3A_2216 : vector<40x128xf32>
    %add3A_2221 = arith.constant 9840 : i32
    %add3A_2222 = arith.addi %mul3A_7, %add3A_2221 : i32
    %broadcast_in_dim3A_2223 = vector.broadcast %add3A_2222 : i32 to vector<40x128xi32>
    %select_n3A_2224 = arith.select %gt3A_2220, %broadcast_in_dim3A_2223, %select_n3A_2215 : vector<40x128xi1>, vector<40x128xi32>
    %max3A_2225 = arith.maximumf %get3A_2219, %max3A_2216 : vector<40x128xf32>
    %get3A_2226 = arith.constant 9880 : index
    %get3A_2227 = arith.constant 0 : index
    %get3A_2228 = vector.load %arg1[%get3A_2226, %get3A_2227] : memref<10000x128xf32, #tpu.memory_space<vmem>>, vector<40x128xf32>
    %gt3A_2229 = arith.cmpf ogt, %get3A_2228, %max3A_2225 : vector<40x128xf32>
    %add3A_2230 = arith.constant 9880 : i32
    %add3A_2231 = arith.addi %mul3A_7, %add3A_2230 : i32
    %broadcast_in_dim3A_2232 = vector.broadcast %add3A_2231 : i32 to vector<40x128xi32>
    %select_n3A_2233 = arith.select %gt3A_2229, %broadcast_in_dim3A_2232, %select_n3A_2224 : vector<40x128xi1>, vector<40x128xi32>
    %max3A_2234 = arith.maximumf %get3A_2228, %max3A_2225 : vector<40x128xf32>
    %get3A_2235 = arith.constant 9920 : index
    %get3A_2236 = arith.constant 0 : index
    %get3A_2237 = vector.load %arg1[%get3A_2235, %get3A_2236] : memref<10000x128xf32, #tpu.memory_space<vmem>>, vector<40x128xf32>
    %gt3A_2238 = arith.cmpf ogt, %get3A_2237, %max3A_2234 : vector<40x128xf32>
    %add3A_2239 = arith.constant 9920 : i32
    %add3A_2240 = arith.addi %mul3A_7, %add3A_2239 : i32
    %broadcast_in_dim3A_2241 = vector.broadcast %add3A_2240 : i32 to vector<40x128xi32>
    %select_n3A_2242 = arith.select %gt3A_2238, %broadcast_in_dim3A_2241, %select_n3A_2233 : vector<40x128xi1>, vector<40x128xi32>
    %max3A_2243 = arith.maximumf %get3A_2237, %max3A_2234 : vector<40x128xf32>
    %get3A_2244 = arith.constant 9960 : index
    %get3A_2245 = arith.constant 0 : index
    %get3A_2246 = vector.load %arg1[%get3A_2244, %get3A_2245] : memref<10000x128xf32, #tpu.memory_space<vmem>>, vector<40x128xf32>
    %gt3A_2247 = arith.cmpf ogt, %get3A_2246, %max3A_2243 : vector<40x128xf32>
    %add3A_2248 = arith.constant 9960 : i32
    %add3A_2249 = arith.addi %mul3A_7, %add3A_2248 : i32
    %broadcast_in_dim3A_2250 = vector.broadcast %add3A_2249 : i32 to vector<40x128xi32>
    %select_n3A_2251 = arith.select %gt3A_2247, %broadcast_in_dim3A_2250, %select_n3A_2242 : vector<40x128xi1>, vector<40x128xi32>
    %max3A_2252 = arith.maximumf %get3A_2246, %max3A_2243 : vector<40x128xf32>
    %get3A_2253 = arith.constant 0 : index
    %get3A_2254 = arith.constant 0 : index
    %get3A_2255 = vector.load %arg6[%get3A_2253, %get3A_2254] : memref<40x128xf32, #tpu.memory_space<vmem>>, vector<40x128xf32>
    %sub3A = arith.subf %get3A_3, %max3A_2252 : vector<40x128xf32>
    %mul3A_2256 = arith.constant 1.44269502 : f32
    %mul3A_2257 = vector.broadcast %mul3A_2256 : f32 to vector<40x128xf32>
    %mul3A_2258 = arith.mulf %sub3A, %mul3A_2257 : vector<40x128xf32>
    %exp23A = math.exp2 %mul3A_2258 : vector<40x128xf32>
    %mul3A_2259 = arith.mulf %get3A_2255, %exp23A : vector<40x128xf32>
    %mul3A_2260 = arith.constant 1.44269502 : f32
    %mul3A_2261 = vector.broadcast %mul3A_2260 : f32 to vector<40x128xf32>
    %mul3A_2262 = arith.mulf %max3A_2252, %mul3A_2261 : vector<40x128xf32>
    %get3A_2263 = arith.constant 0 : index
    %get3A_2264 = arith.constant 0 : index
    %get3A_2265 = vector.load %arg1[%get3A_2263, %get3A_2264] : memref<10000x128xf32, #tpu.memory_space<vmem>>, vector<40x128xf32>
    %mul3A_2266 = arith.constant 1.44269502 : f32
    %mul3A_2267 = vector.broadcast %mul3A_2266 : f32 to vector<40x128xf32>
    %mul3A_2268 = arith.mulf %get3A_2265, %mul3A_2267 : vector<40x128xf32>
    %sub3A_2269 = arith.subf %mul3A_2268, %mul3A_2262 : vector<40x128xf32>
    %exp23A_2270 = math.exp2 %sub3A_2269 : vector<40x128xf32>
    %add3A_2271 = arith.addf %mul3A_2259, %exp23A_2270 : vector<40x128xf32>
    %get3A_2272 = arith.constant 40 : index
    %get3A_2273 = arith.constant 0 : index
    %get3A_2274 = vector.load %arg1[%get3A_2272, %get3A_2273] : memref<10000x128xf32, #tpu.memory_space<vmem>>, vector<40x128xf32>
    %mul3A_2275 = arith.constant 1.44269502 : f32
    %mul3A_2276 = vector.broadcast %mul3A_2275 : f32 to vector<40x128xf32>
    %mul3A_2277 = arith.mulf %get3A_2274, %mul3A_2276 : vector<40x128xf32>
    %sub3A_2278 = arith.subf %mul3A_2277, %mul3A_2262 : vector<40x128xf32>
    %exp23A_2279 = math.exp2 %sub3A_2278 : vector<40x128xf32>
    %add3A_2280 = arith.addf %add3A_2271, %exp23A_2279 : vector<40x128xf32>
    %get3A_2281 = arith.constant 80 : index
    %get3A_2282 = arith.constant 0 : index
    %get3A_2283 = vector.load %arg1[%get3A_2281, %get3A_2282] : memref<10000x128xf32, #tpu.memory_space<vmem>>, vector<40x128xf32>
    %mul3A_2284 = arith.constant 1.44269502 : f32
    %mul3A_2285 = vector.broadcast %mul3A_2284 : f32 to vector<40x128xf32>
    %mul3A_2286 = arith.mulf %get3A_2283, %mul3A_2285 : vector<40x128xf32>
    %sub3A_2287 = arith.subf %mul3A_2286, %mul3A_2262 : vector<40x128xf32>
    %exp23A_2288 = math.exp2 %sub3A_2287 : vector<40x128xf32>
    %add3A_2289 = arith.addf %add3A_2280, %exp23A_2288 : vector<40x128xf32>
    %get3A_2290 = arith.constant 120 : index
    %get3A_2291 = arith.constant 0 : index
    %get3A_2292 = vector.load %arg1[%get3A_2290, %get3A_2291] : memref<10000x128xf32, #tpu.memory_space<vmem>>, vector<40x128xf32>
    %mul3A_2293 = arith.constant 1.44269502 : f32
    %mul3A_2294 = vector.broadcast %mul3A_2293 : f32 to vector<40x128xf32>
    %mul3A_2295 = arith.mulf %get3A_2292, %mul3A_2294 : vector<40x128xf32>
    %sub3A_2296 = arith.subf %mul3A_2295, %mul3A_2262 : vector<40x128xf32>
    %exp23A_2297 = math.exp2 %sub3A_2296 : vector<40x128xf32>
    %add3A_2298 = arith.addf %add3A_2289, %exp23A_2297 : vector<40x128xf32>
    %get3A_2299 = arith.constant 160 : index
    %get3A_2300 = arith.constant 0 : index
    %get3A_2301 = vector.load %arg1[%get3A_2299, %get3A_2300] : memref<10000x128xf32, #tpu.memory_space<vmem>>, vector<40x128xf32>
    %mul3A_2302 = arith.constant 1.44269502 : f32
    %mul3A_2303 = vector.broadcast %mul3A_2302 : f32 to vector<40x128xf32>
    %mul3A_2304 = arith.mulf %get3A_2301, %mul3A_2303 : vector<40x128xf32>
    %sub3A_2305 = arith.subf %mul3A_2304, %mul3A_2262 : vector<40x128xf32>
    %exp23A_2306 = math.exp2 %sub3A_2305 : vector<40x128xf32>
    %add3A_2307 = arith.addf %add3A_2298, %exp23A_2306 : vector<40x128xf32>
    %get3A_2308 = arith.constant 200 : index
    %get3A_2309 = arith.constant 0 : index
    %get3A_2310 = vector.load %arg1[%get3A_2308, %get3A_2309] : memref<10000x128xf32, #tpu.memory_space<vmem>>, vector<40x128xf32>
    %mul3A_2311 = arith.constant 1.44269502 : f32
    %mul3A_2312 = vector.broadcast %mul3A_2311 : f32 to vector<40x128xf32>
    %mul3A_2313 = arith.mulf %get3A_2310, %mul3A_2312 : vector<40x128xf32>
    %sub3A_2314 = arith.subf %mul3A_2313, %mul3A_2262 : vector<40x128xf32>
    %exp23A_2315 = math.exp2 %sub3A_2314 : vector<40x128xf32>
    %add3A_2316 = arith.addf %add3A_2307, %exp23A_2315 : vector<40x128xf32>
    %get3A_2317 = arith.constant 240 : index
    %get3A_2318 = arith.constant 0 : index
    %get3A_2319 = vector.load %arg1[%get3A_2317, %get3A_2318] : memref<10000x128xf32, #tpu.memory_space<vmem>>, vector<40x128xf32>
    %mul3A_2320 = arith.constant 1.44269502 : f32
    %mul3A_2321 = vector.broadcast %mul3A_2320 : f32 to vector<40x128xf32>
    %mul3A_2322 = arith.mulf %get3A_2319, %mul3A_2321 : vector<40x128xf32>
    %sub3A_2323 = arith.subf %mul3A_2322, %mul3A_2262 : vector<40x128xf32>
    %exp23A_2324 = math.exp2 %sub3A_2323 : vector<40x128xf32>
    %add3A_2325 = arith.addf %add3A_2316, %exp23A_2324 : vector<40x128xf32>
    %get3A_2326 = arith.constant 280 : index
    %get3A_2327 = arith.constant 0 : index
    %get3A_2328 = vector.load %arg1[%get3A_2326, %get3A_2327] : memref<10000x128xf32, #tpu.memory_space<vmem>>, vector<40x128xf32>
    %mul3A_2329 = arith.constant 1.44269502 : f32
    %mul3A_2330 = vector.broadcast %mul3A_2329 : f32 to vector<40x128xf32>
    %mul3A_2331 = arith.mulf %get3A_2328, %mul3A_2330 : vector<40x128xf32>
    %sub3A_2332 = arith.subf %mul3A_2331, %mul3A_2262 : vector<40x128xf32>
    %exp23A_2333 = math.exp2 %sub3A_2332 : vector<40x128xf32>
    %add3A_2334 = arith.addf %add3A_2325, %exp23A_2333 : vector<40x128xf32>
    %get3A_2335 = arith.constant 320 : index
    %get3A_2336 = arith.constant 0 : index
    %get3A_2337 = vector.load %arg1[%get3A_2335, %get3A_2336] : memref<10000x128xf32, #tpu.memory_space<vmem>>, vector<40x128xf32>
    %mul3A_2338 = arith.constant 1.44269502 : f32
    %mul3A_2339 = vector.broadcast %mul3A_2338 : f32 to vector<40x128xf32>
    %mul3A_2340 = arith.mulf %get3A_2337, %mul3A_2339 : vector<40x128xf32>
    %sub3A_2341 = arith.subf %mul3A_2340, %mul3A_2262 : vector<40x128xf32>
    %exp23A_2342 = math.exp2 %sub3A_2341 : vector<40x128xf32>
    %add3A_2343 = arith.addf %add3A_2334, %exp23A_2342 : vector<40x128xf32>
    %get3A_2344 = arith.constant 360 : index
    %get3A_2345 = arith.constant 0 : index
    %get3A_2346 = vector.load %arg1[%get3A_2344, %get3A_2345] : memref<10000x128xf32, #tpu.memory_space<vmem>>, vector<40x128xf32>
    %mul3A_2347 = arith.constant 1.44269502 : f32
    %mul3A_2348 = vector.broadcast %mul3A_2347 : f32 to vector<40x128xf32>
    %mul3A_2349 = arith.mulf %get3A_2346, %mul3A_2348 : vector<40x128xf32>
    %sub3A_2350 = arith.subf %mul3A_2349, %mul3A_2262 : vector<40x128xf32>
    %exp23A_2351 = math.exp2 %sub3A_2350 : vector<40x128xf32>
    %add3A_2352 = arith.addf %add3A_2343, %exp23A_2351 : vector<40x128xf32>
    %get3A_2353 = arith.constant 400 : index
    %get3A_2354 = arith.constant 0 : index
    %get3A_2355 = vector.load %arg1[%get3A_2353, %get3A_2354] : memref<10000x128xf32, #tpu.memory_space<vmem>>, vector<40x128xf32>
    %mul3A_2356 = arith.constant 1.44269502 : f32
    %mul3A_2357 = vector.broadcast %mul3A_2356 : f32 to vector<40x128xf32>
    %mul3A_2358 = arith.mulf %get3A_2355, %mul3A_2357 : vector<40x128xf32>
    %sub3A_2359 = arith.subf %mul3A_2358, %mul3A_2262 : vector<40x128xf32>
    %exp23A_2360 = math.exp2 %sub3A_2359 : vector<40x128xf32>
    %add3A_2361 = arith.addf %add3A_2352, %exp23A_2360 : vector<40x128xf32>
    %get3A_2362 = arith.constant 440 : index
    %get3A_2363 = arith.constant 0 : index
    %get3A_2364 = vector.load %arg1[%get3A_2362, %get3A_2363] : memref<10000x128xf32, #tpu.memory_space<vmem>>, vector<40x128xf32>
    %mul3A_2365 = arith.constant 1.44269502 : f32
    %mul3A_2366 = vector.broadcast %mul3A_2365 : f32 to vector<40x128xf32>
    %mul3A_2367 = arith.mulf %get3A_2364, %mul3A_2366 : vector<40x128xf32>
    %sub3A_2368 = arith.subf %mul3A_2367, %mul3A_2262 : vector<40x128xf32>
    %exp23A_2369 = math.exp2 %sub3A_2368 : vector<40x128xf32>
    %add3A_2370 = arith.addf %add3A_2361, %exp23A_2369 : vector<40x128xf32>
    %get3A_2371 = arith.constant 480 : index
    %get3A_2372 = arith.constant 0 : index
    %get3A_2373 = vector.load %arg1[%get3A_2371, %get3A_2372] : memref<10000x128xf32, #tpu.memory_space<vmem>>, vector<40x128xf32>
    %mul3A_2374 = arith.constant 1.44269502 : f32
    %mul3A_2375 = vector.broadcast %mul3A_2374 : f32 to vector<40x128xf32>
    %mul3A_2376 = arith.mulf %get3A_2373, %mul3A_2375 : vector<40x128xf32>
    %sub3A_2377 = arith.subf %mul3A_2376, %mul3A_2262 : vector<40x128xf32>
    %exp23A_2378 = math.exp2 %sub3A_2377 : vector<40x128xf32>
    %add3A_2379 = arith.addf %add3A_2370, %exp23A_2378 : vector<40x128xf32>
    %get3A_2380 = arith.constant 520 : index
    %get3A_2381 = arith.constant 0 : index
    %get3A_2382 = vector.load %arg1[%get3A_2380, %get3A_2381] : memref<10000x128xf32, #tpu.memory_space<vmem>>, vector<40x128xf32>
    %mul3A_2383 = arith.constant 1.44269502 : f32
    %mul3A_2384 = vector.broadcast %mul3A_2383 : f32 to vector<40x128xf32>
    %mul3A_2385 = arith.mulf %get3A_2382, %mul3A_2384 : vector<40x128xf32>
    %sub3A_2386 = arith.subf %mul3A_2385, %mul3A_2262 : vector<40x128xf32>
    %exp23A_2387 = math.exp2 %sub3A_2386 : vector<40x128xf32>
    %add3A_2388 = arith.addf %add3A_2379, %exp23A_2387 : vector<40x128xf32>
    %get3A_2389 = arith.constant 560 : index
    %get3A_2390 = arith.constant 0 : index
    %get3A_2391 = vector.load %arg1[%get3A_2389, %get3A_2390] : memref<10000x128xf32, #tpu.memory_space<vmem>>, vector<40x128xf32>
    %mul3A_2392 = arith.constant 1.44269502 : f32
    %mul3A_2393 = vector.broadcast %mul3A_2392 : f32 to vector<40x128xf32>
    %mul3A_2394 = arith.mulf %get3A_2391, %mul3A_2393 : vector<40x128xf32>
    %sub3A_2395 = arith.subf %mul3A_2394, %mul3A_2262 : vector<40x128xf32>
    %exp23A_2396 = math.exp2 %sub3A_2395 : vector<40x128xf32>
    %add3A_2397 = arith.addf %add3A_2388, %exp23A_2396 : vector<40x128xf32>
    %get3A_2398 = arith.constant 600 : index
    %get3A_2399 = arith.constant 0 : index
    %get3A_2400 = vector.load %arg1[%get3A_2398, %get3A_2399] : memref<10000x128xf32, #tpu.memory_space<vmem>>, vector<40x128xf32>
    %mul3A_2401 = arith.constant 1.44269502 : f32
    %mul3A_2402 = vector.broadcast %mul3A_2401 : f32 to vector<40x128xf32>
    %mul3A_2403 = arith.mulf %get3A_2400, %mul3A_2402 : vector<40x128xf32>
    %sub3A_2404 = arith.subf %mul3A_2403, %mul3A_2262 : vector<40x128xf32>
    %exp23A_2405 = math.exp2 %sub3A_2404 : vector<40x128xf32>
    %add3A_2406 = arith.addf %add3A_2397, %exp23A_2405 : vector<40x128xf32>
    %get3A_2407 = arith.constant 640 : index
    %get3A_2408 = arith.constant 0 : index
    %get3A_2409 = vector.load %arg1[%get3A_2407, %get3A_2408] : memref<10000x128xf32, #tpu.memory_space<vmem>>, vector<40x128xf32>
    %mul3A_2410 = arith.constant 1.44269502 : f32
    %mul3A_2411 = vector.broadcast %mul3A_2410 : f32 to vector<40x128xf32>
    %mul3A_2412 = arith.mulf %get3A_2409, %mul3A_2411 : vector<40x128xf32>
    %sub3A_2413 = arith.subf %mul3A_2412, %mul3A_2262 : vector<40x128xf32>
    %exp23A_2414 = math.exp2 %sub3A_2413 : vector<40x128xf32>
    %add3A_2415 = arith.addf %add3A_2406, %exp23A_2414 : vector<40x128xf32>
    %get3A_2416 = arith.constant 680 : index
    %get3A_2417 = arith.constant 0 : index
    %get3A_2418 = vector.load %arg1[%get3A_2416, %get3A_2417] : memref<10000x128xf32, #tpu.memory_space<vmem>>, vector<40x128xf32>
    %mul3A_2419 = arith.constant 1.44269502 : f32
    %mul3A_2420 = vector.broadcast %mul3A_2419 : f32 to vector<40x128xf32>
    %mul3A_2421 = arith.mulf %get3A_2418, %mul3A_2420 : vector<40x128xf32>
    %sub3A_2422 = arith.subf %mul3A_2421, %mul3A_2262 : vector<40x128xf32>
    %exp23A_2423 = math.exp2 %sub3A_2422 : vector<40x128xf32>
    %add3A_2424 = arith.addf %add3A_2415, %exp23A_2423 : vector<40x128xf32>
    %get3A_2425 = arith.constant 720 : index
    %get3A_2426 = arith.constant 0 : index
    %get3A_2427 = vector.load %arg1[%get3A_2425, %get3A_2426] : memref<10000x128xf32, #tpu.memory_space<vmem>>, vector<40x128xf32>
    %mul3A_2428 = arith.constant 1.44269502 : f32
    %mul3A_2429 = vector.broadcast %mul3A_2428 : f32 to vector<40x128xf32>
    %mul3A_2430 = arith.mulf %get3A_2427, %mul3A_2429 : vector<40x128xf32>
    %sub3A_2431 = arith.subf %mul3A_2430, %mul3A_2262 : vector<40x128xf32>
    %exp23A_2432 = math.exp2 %sub3A_2431 : vector<40x128xf32>
    %add3A_2433 = arith.addf %add3A_2424, %exp23A_2432 : vector<40x128xf32>
    %get3A_2434 = arith.constant 760 : index
    %get3A_2435 = arith.constant 0 : index
    %get3A_2436 = vector.load %arg1[%get3A_2434, %get3A_2435] : memref<10000x128xf32, #tpu.memory_space<vmem>>, vector<40x128xf32>
    %mul3A_2437 = arith.constant 1.44269502 : f32
    %mul3A_2438 = vector.broadcast %mul3A_2437 : f32 to vector<40x128xf32>
    %mul3A_2439 = arith.mulf %get3A_2436, %mul3A_2438 : vector<40x128xf32>
    %sub3A_2440 = arith.subf %mul3A_2439, %mul3A_2262 : vector<40x128xf32>
    %exp23A_2441 = math.exp2 %sub3A_2440 : vector<40x128xf32>
    %add3A_2442 = arith.addf %add3A_2433, %exp23A_2441 : vector<40x128xf32>
    %get3A_2443 = arith.constant 800 : index
    %get3A_2444 = arith.constant 0 : index
    %get3A_2445 = vector.load %arg1[%get3A_2443, %get3A_2444] : memref<10000x128xf32, #tpu.memory_space<vmem>>, vector<40x128xf32>
    %mul3A_2446 = arith.constant 1.44269502 : f32
    %mul3A_2447 = vector.broadcast %mul3A_2446 : f32 to vector<40x128xf32>
    %mul3A_2448 = arith.mulf %get3A_2445, %mul3A_2447 : vector<40x128xf32>
    %sub3A_2449 = arith.subf %mul3A_2448, %mul3A_2262 : vector<40x128xf32>
    %exp23A_2450 = math.exp2 %sub3A_2449 : vector<40x128xf32>
    %add3A_2451 = arith.addf %add3A_2442, %exp23A_2450 : vector<40x128xf32>
    %get3A_2452 = arith.constant 840 : index
    %get3A_2453 = arith.constant 0 : index
    %get3A_2454 = vector.load %arg1[%get3A_2452, %get3A_2453] : memref<10000x128xf32, #tpu.memory_space<vmem>>, vector<40x128xf32>
    %mul3A_2455 = arith.constant 1.44269502 : f32
    %mul3A_2456 = vector.broadcast %mul3A_2455 : f32 to vector<40x128xf32>
    %mul3A_2457 = arith.mulf %get3A_2454, %mul3A_2456 : vector<40x128xf32>
    %sub3A_2458 = arith.subf %mul3A_2457, %mul3A_2262 : vector<40x128xf32>
    %exp23A_2459 = math.exp2 %sub3A_2458 : vector<40x128xf32>
    %add3A_2460 = arith.addf %add3A_2451, %exp23A_2459 : vector<40x128xf32>
    %get3A_2461 = arith.constant 880 : index
    %get3A_2462 = arith.constant 0 : index
    %get3A_2463 = vector.load %arg1[%get3A_2461, %get3A_2462] : memref<10000x128xf32, #tpu.memory_space<vmem>>, vector<40x128xf32>
    %mul3A_2464 = arith.constant 1.44269502 : f32
    %mul3A_2465 = vector.broadcast %mul3A_2464 : f32 to vector<40x128xf32>
    %mul3A_2466 = arith.mulf %get3A_2463, %mul3A_2465 : vector<40x128xf32>
    %sub3A_2467 = arith.subf %mul3A_2466, %mul3A_2262 : vector<40x128xf32>
    %exp23A_2468 = math.exp2 %sub3A_2467 : vector<40x128xf32>
    %add3A_2469 = arith.addf %add3A_2460, %exp23A_2468 : vector<40x128xf32>
    %get3A_2470 = arith.constant 920 : index
    %get3A_2471 = arith.constant 0 : index
    %get3A_2472 = vector.load %arg1[%get3A_2470, %get3A_2471] : memref<10000x128xf32, #tpu.memory_space<vmem>>, vector<40x128xf32>
    %mul3A_2473 = arith.constant 1.44269502 : f32
    %mul3A_2474 = vector.broadcast %mul3A_2473 : f32 to vector<40x128xf32>
    %mul3A_2475 = arith.mulf %get3A_2472, %mul3A_2474 : vector<40x128xf32>
    %sub3A_2476 = arith.subf %mul3A_2475, %mul3A_2262 : vector<40x128xf32>
    %exp23A_2477 = math.exp2 %sub3A_2476 : vector<40x128xf32>
    %add3A_2478 = arith.addf %add3A_2469, %exp23A_2477 : vector<40x128xf32>
    %get3A_2479 = arith.constant 960 : index
    %get3A_2480 = arith.constant 0 : index
    %get3A_2481 = vector.load %arg1[%get3A_2479, %get3A_2480] : memref<10000x128xf32, #tpu.memory_space<vmem>>, vector<40x128xf32>
    %mul3A_2482 = arith.constant 1.44269502 : f32
    %mul3A_2483 = vector.broadcast %mul3A_2482 : f32 to vector<40x128xf32>
    %mul3A_2484 = arith.mulf %get3A_2481, %mul3A_2483 : vector<40x128xf32>
    %sub3A_2485 = arith.subf %mul3A_2484, %mul3A_2262 : vector<40x128xf32>
    %exp23A_2486 = math.exp2 %sub3A_2485 : vector<40x128xf32>
    %add3A_2487 = arith.addf %add3A_2478, %exp23A_2486 : vector<40x128xf32>
    %get3A_2488 = arith.constant 1000 : index
    %get3A_2489 = arith.constant 0 : index
    %get3A_2490 = vector.load %arg1[%get3A_2488, %get3A_2489] : memref<10000x128xf32, #tpu.memory_space<vmem>>, vector<40x128xf32>
    %mul3A_2491 = arith.constant 1.44269502 : f32
    %mul3A_2492 = vector.broadcast %mul3A_2491 : f32 to vector<40x128xf32>
    %mul3A_2493 = arith.mulf %get3A_2490, %mul3A_2492 : vector<40x128xf32>
    %sub3A_2494 = arith.subf %mul3A_2493, %mul3A_2262 : vector<40x128xf32>
    %exp23A_2495 = math.exp2 %sub3A_2494 : vector<40x128xf32>
    %add3A_2496 = arith.addf %add3A_2487, %exp23A_2495 : vector<40x128xf32>
    %get3A_2497 = arith.constant 1040 : index
    %get3A_2498 = arith.constant 0 : index
    %get3A_2499 = vector.load %arg1[%get3A_2497, %get3A_2498] : memref<10000x128xf32, #tpu.memory_space<vmem>>, vector<40x128xf32>
    %mul3A_2500 = arith.constant 1.44269502 : f32
    %mul3A_2501 = vector.broadcast %mul3A_2500 : f32 to vector<40x128xf32>
    %mul3A_2502 = arith.mulf %get3A_2499, %mul3A_2501 : vector<40x128xf32>
    %sub3A_2503 = arith.subf %mul3A_2502, %mul3A_2262 : vector<40x128xf32>
    %exp23A_2504 = math.exp2 %sub3A_2503 : vector<40x128xf32>
    %add3A_2505 = arith.addf %add3A_2496, %exp23A_2504 : vector<40x128xf32>
    %get3A_2506 = arith.constant 1080 : index
    %get3A_2507 = arith.constant 0 : index
    %get3A_2508 = vector.load %arg1[%get3A_2506, %get3A_2507] : memref<10000x128xf32, #tpu.memory_space<vmem>>, vector<40x128xf32>
    %mul3A_2509 = arith.constant 1.44269502 : f32
    %mul3A_2510 = vector.broadcast %mul3A_2509 : f32 to vector<40x128xf32>
    %mul3A_2511 = arith.mulf %get3A_2508, %mul3A_2510 : vector<40x128xf32>
    %sub3A_2512 = arith.subf %mul3A_2511, %mul3A_2262 : vector<40x128xf32>
    %exp23A_2513 = math.exp2 %sub3A_2512 : vector<40x128xf32>
    %add3A_2514 = arith.addf %add3A_2505, %exp23A_2513 : vector<40x128xf32>
    %get3A_2515 = arith.constant 1120 : index
    %get3A_2516 = arith.constant 0 : index
    %get3A_2517 = vector.load %arg1[%get3A_2515, %get3A_2516] : memref<10000x128xf32, #tpu.memory_space<vmem>>, vector<40x128xf32>
    %mul3A_2518 = arith.constant 1.44269502 : f32
    %mul3A_2519 = vector.broadcast %mul3A_2518 : f32 to vector<40x128xf32>
    %mul3A_2520 = arith.mulf %get3A_2517, %mul3A_2519 : vector<40x128xf32>
    %sub3A_2521 = arith.subf %mul3A_2520, %mul3A_2262 : vector<40x128xf32>
    %exp23A_2522 = math.exp2 %sub3A_2521 : vector<40x128xf32>
    %add3A_2523 = arith.addf %add3A_2514, %exp23A_2522 : vector<40x128xf32>
    %get3A_2524 = arith.constant 1160 : index
    %get3A_2525 = arith.constant 0 : index
    %get3A_2526 = vector.load %arg1[%get3A_2524, %get3A_2525] : memref<10000x128xf32, #tpu.memory_space<vmem>>, vector<40x128xf32>
    %mul3A_2527 = arith.constant 1.44269502 : f32
    %mul3A_2528 = vector.broadcast %mul3A_2527 : f32 to vector<40x128xf32>
    %mul3A_2529 = arith.mulf %get3A_2526, %mul3A_2528 : vector<40x128xf32>
    %sub3A_2530 = arith.subf %mul3A_2529, %mul3A_2262 : vector<40x128xf32>
    %exp23A_2531 = math.exp2 %sub3A_2530 : vector<40x128xf32>
    %add3A_2532 = arith.addf %add3A_2523, %exp23A_2531 : vector<40x128xf32>
    %get3A_2533 = arith.constant 1200 : index
    %get3A_2534 = arith.constant 0 : index
    %get3A_2535 = vector.load %arg1[%get3A_2533, %get3A_2534] : memref<10000x128xf32, #tpu.memory_space<vmem>>, vector<40x128xf32>
    %mul3A_2536 = arith.constant 1.44269502 : f32
    %mul3A_2537 = vector.broadcast %mul3A_2536 : f32 to vector<40x128xf32>
    %mul3A_2538 = arith.mulf %get3A_2535, %mul3A_2537 : vector<40x128xf32>
    %sub3A_2539 = arith.subf %mul3A_2538, %mul3A_2262 : vector<40x128xf32>
    %exp23A_2540 = math.exp2 %sub3A_2539 : vector<40x128xf32>
    %add3A_2541 = arith.addf %add3A_2532, %exp23A_2540 : vector<40x128xf32>
    %get3A_2542 = arith.constant 1240 : index
    %get3A_2543 = arith.constant 0 : index
    %get3A_2544 = vector.load %arg1[%get3A_2542, %get3A_2543] : memref<10000x128xf32, #tpu.memory_space<vmem>>, vector<40x128xf32>
    %mul3A_2545 = arith.constant 1.44269502 : f32
    %mul3A_2546 = vector.broadcast %mul3A_2545 : f32 to vector<40x128xf32>
    %mul3A_2547 = arith.mulf %get3A_2544, %mul3A_2546 : vector<40x128xf32>
    %sub3A_2548 = arith.subf %mul3A_2547, %mul3A_2262 : vector<40x128xf32>
    %exp23A_2549 = math.exp2 %sub3A_2548 : vector<40x128xf32>
    %add3A_2550 = arith.addf %add3A_2541, %exp23A_2549 : vector<40x128xf32>
    %get3A_2551 = arith.constant 1280 : index
    %get3A_2552 = arith.constant 0 : index
    %get3A_2553 = vector.load %arg1[%get3A_2551, %get3A_2552] : memref<10000x128xf32, #tpu.memory_space<vmem>>, vector<40x128xf32>
    %mul3A_2554 = arith.constant 1.44269502 : f32
    %mul3A_2555 = vector.broadcast %mul3A_2554 : f32 to vector<40x128xf32>
    %mul3A_2556 = arith.mulf %get3A_2553, %mul3A_2555 : vector<40x128xf32>
    %sub3A_2557 = arith.subf %mul3A_2556, %mul3A_2262 : vector<40x128xf32>
    %exp23A_2558 = math.exp2 %sub3A_2557 : vector<40x128xf32>
    %add3A_2559 = arith.addf %add3A_2550, %exp23A_2558 : vector<40x128xf32>
    %get3A_2560 = arith.constant 1320 : index
    %get3A_2561 = arith.constant 0 : index
    %get3A_2562 = vector.load %arg1[%get3A_2560, %get3A_2561] : memref<10000x128xf32, #tpu.memory_space<vmem>>, vector<40x128xf32>
    %mul3A_2563 = arith.constant 1.44269502 : f32
    %mul3A_2564 = vector.broadcast %mul3A_2563 : f32 to vector<40x128xf32>
    %mul3A_2565 = arith.mulf %get3A_2562, %mul3A_2564 : vector<40x128xf32>
    %sub3A_2566 = arith.subf %mul3A_2565, %mul3A_2262 : vector<40x128xf32>
    %exp23A_2567 = math.exp2 %sub3A_2566 : vector<40x128xf32>
    %add3A_2568 = arith.addf %add3A_2559, %exp23A_2567 : vector<40x128xf32>
    %get3A_2569 = arith.constant 1360 : index
    %get3A_2570 = arith.constant 0 : index
    %get3A_2571 = vector.load %arg1[%get3A_2569, %get3A_2570] : memref<10000x128xf32, #tpu.memory_space<vmem>>, vector<40x128xf32>
    %mul3A_2572 = arith.constant 1.44269502 : f32
    %mul3A_2573 = vector.broadcast %mul3A_2572 : f32 to vector<40x128xf32>
    %mul3A_2574 = arith.mulf %get3A_2571, %mul3A_2573 : vector<40x128xf32>
    %sub3A_2575 = arith.subf %mul3A_2574, %mul3A_2262 : vector<40x128xf32>
    %exp23A_2576 = math.exp2 %sub3A_2575 : vector<40x128xf32>
    %add3A_2577 = arith.addf %add3A_2568, %exp23A_2576 : vector<40x128xf32>
    %get3A_2578 = arith.constant 1400 : index
    %get3A_2579 = arith.constant 0 : index
    %get3A_2580 = vector.load %arg1[%get3A_2578, %get3A_2579] : memref<10000x128xf32, #tpu.memory_space<vmem>>, vector<40x128xf32>
    %mul3A_2581 = arith.constant 1.44269502 : f32
    %mul3A_2582 = vector.broadcast %mul3A_2581 : f32 to vector<40x128xf32>
    %mul3A_2583 = arith.mulf %get3A_2580, %mul3A_2582 : vector<40x128xf32>
    %sub3A_2584 = arith.subf %mul3A_2583, %mul3A_2262 : vector<40x128xf32>
    %exp23A_2585 = math.exp2 %sub3A_2584 : vector<40x128xf32>
    %add3A_2586 = arith.addf %add3A_2577, %exp23A_2585 : vector<40x128xf32>
    %get3A_2587 = arith.constant 1440 : index
    %get3A_2588 = arith.constant 0 : index
    %get3A_2589 = vector.load %arg1[%get3A_2587, %get3A_2588] : memref<10000x128xf32, #tpu.memory_space<vmem>>, vector<40x128xf32>
    %mul3A_2590 = arith.constant 1.44269502 : f32
    %mul3A_2591 = vector.broadcast %mul3A_2590 : f32 to vector<40x128xf32>
    %mul3A_2592 = arith.mulf %get3A_2589, %mul3A_2591 : vector<40x128xf32>
    %sub3A_2593 = arith.subf %mul3A_2592, %mul3A_2262 : vector<40x128xf32>
    %exp23A_2594 = math.exp2 %sub3A_2593 : vector<40x128xf32>
    %add3A_2595 = arith.addf %add3A_2586, %exp23A_2594 : vector<40x128xf32>
    %get3A_2596 = arith.constant 1480 : index
    %get3A_2597 = arith.constant 0 : index
    %get3A_2598 = vector.load %arg1[%get3A_2596, %get3A_2597] : memref<10000x128xf32, #tpu.memory_space<vmem>>, vector<40x128xf32>
    %mul3A_2599 = arith.constant 1.44269502 : f32
    %mul3A_2600 = vector.broadcast %mul3A_2599 : f32 to vector<40x128xf32>
    %mul3A_2601 = arith.mulf %get3A_2598, %mul3A_2600 : vector<40x128xf32>
    %sub3A_2602 = arith.subf %mul3A_2601, %mul3A_2262 : vector<40x128xf32>
    %exp23A_2603 = math.exp2 %sub3A_2602 : vector<40x128xf32>
    %add3A_2604 = arith.addf %add3A_2595, %exp23A_2603 : vector<40x128xf32>
    %get3A_2605 = arith.constant 1520 : index
    %get3A_2606 = arith.constant 0 : index
    %get3A_2607 = vector.load %arg1[%get3A_2605, %get3A_2606] : memref<10000x128xf32, #tpu.memory_space<vmem>>, vector<40x128xf32>
    %mul3A_2608 = arith.constant 1.44269502 : f32
    %mul3A_2609 = vector.broadcast %mul3A_2608 : f32 to vector<40x128xf32>
    %mul3A_2610 = arith.mulf %get3A_2607, %mul3A_2609 : vector<40x128xf32>
    %sub3A_2611 = arith.subf %mul3A_2610, %mul3A_2262 : vector<40x128xf32>
    %exp23A_2612 = math.exp2 %sub3A_2611 : vector<40x128xf32>
    %add3A_2613 = arith.addf %add3A_2604, %exp23A_2612 : vector<40x128xf32>
    %get3A_2614 = arith.constant 1560 : index
    %get3A_2615 = arith.constant 0 : index
    %get3A_2616 = vector.load %arg1[%get3A_2614, %get3A_2615] : memref<10000x128xf32, #tpu.memory_space<vmem>>, vector<40x128xf32>
    %mul3A_2617 = arith.constant 1.44269502 : f32
    %mul3A_2618 = vector.broadcast %mul3A_2617 : f32 to vector<40x128xf32>
    %mul3A_2619 = arith.mulf %get3A_2616, %mul3A_2618 : vector<40x128xf32>
    %sub3A_2620 = arith.subf %mul3A_2619, %mul3A_2262 : vector<40x128xf32>
    %exp23A_2621 = math.exp2 %sub3A_2620 : vector<40x128xf32>
    %add3A_2622 = arith.addf %add3A_2613, %exp23A_2621 : vector<40x128xf32>
    %get3A_2623 = arith.constant 1600 : index
    %get3A_2624 = arith.constant 0 : index
    %get3A_2625 = vector.load %arg1[%get3A_2623, %get3A_2624] : memref<10000x128xf32, #tpu.memory_space<vmem>>, vector<40x128xf32>
    %mul3A_2626 = arith.constant 1.44269502 : f32
    %mul3A_2627 = vector.broadcast %mul3A_2626 : f32 to vector<40x128xf32>
    %mul3A_2628 = arith.mulf %get3A_2625, %mul3A_2627 : vector<40x128xf32>
    %sub3A_2629 = arith.subf %mul3A_2628, %mul3A_2262 : vector<40x128xf32>
    %exp23A_2630 = math.exp2 %sub3A_2629 : vector<40x128xf32>
    %add3A_2631 = arith.addf %add3A_2622, %exp23A_2630 : vector<40x128xf32>
    %get3A_2632 = arith.constant 1640 : index
    %get3A_2633 = arith.constant 0 : index
    %get3A_2634 = vector.load %arg1[%get3A_2632, %get3A_2633] : memref<10000x128xf32, #tpu.memory_space<vmem>>, vector<40x128xf32>
    %mul3A_2635 = arith.constant 1.44269502 : f32
    %mul3A_2636 = vector.broadcast %mul3A_2635 : f32 to vector<40x128xf32>
    %mul3A_2637 = arith.mulf %get3A_2634, %mul3A_2636 : vector<40x128xf32>
    %sub3A_2638 = arith.subf %mul3A_2637, %mul3A_2262 : vector<40x128xf32>
    %exp23A_2639 = math.exp2 %sub3A_2638 : vector<40x128xf32>
    %add3A_2640 = arith.addf %add3A_2631, %exp23A_2639 : vector<40x128xf32>
    %get3A_2641 = arith.constant 1680 : index
    %get3A_2642 = arith.constant 0 : index
    %get3A_2643 = vector.load %arg1[%get3A_2641, %get3A_2642] : memref<10000x128xf32, #tpu.memory_space<vmem>>, vector<40x128xf32>
    %mul3A_2644 = arith.constant 1.44269502 : f32
    %mul3A_2645 = vector.broadcast %mul3A_2644 : f32 to vector<40x128xf32>
    %mul3A_2646 = arith.mulf %get3A_2643, %mul3A_2645 : vector<40x128xf32>
    %sub3A_2647 = arith.subf %mul3A_2646, %mul3A_2262 : vector<40x128xf32>
    %exp23A_2648 = math.exp2 %sub3A_2647 : vector<40x128xf32>
    %add3A_2649 = arith.addf %add3A_2640, %exp23A_2648 : vector<40x128xf32>
    %get3A_2650 = arith.constant 1720 : index
    %get3A_2651 = arith.constant 0 : index
    %get3A_2652 = vector.load %arg1[%get3A_2650, %get3A_2651] : memref<10000x128xf32, #tpu.memory_space<vmem>>, vector<40x128xf32>
    %mul3A_2653 = arith.constant 1.44269502 : f32
    %mul3A_2654 = vector.broadcast %mul3A_2653 : f32 to vector<40x128xf32>
    %mul3A_2655 = arith.mulf %get3A_2652, %mul3A_2654 : vector<40x128xf32>
    %sub3A_2656 = arith.subf %mul3A_2655, %mul3A_2262 : vector<40x128xf32>
    %exp23A_2657 = math.exp2 %sub3A_2656 : vector<40x128xf32>
    %add3A_2658 = arith.addf %add3A_2649, %exp23A_2657 : vector<40x128xf32>
    %get3A_2659 = arith.constant 1760 : index
    %get3A_2660 = arith.constant 0 : index
    %get3A_2661 = vector.load %arg1[%get3A_2659, %get3A_2660] : memref<10000x128xf32, #tpu.memory_space<vmem>>, vector<40x128xf32>
    %mul3A_2662 = arith.constant 1.44269502 : f32
    %mul3A_2663 = vector.broadcast %mul3A_2662 : f32 to vector<40x128xf32>
    %mul3A_2664 = arith.mulf %get3A_2661, %mul3A_2663 : vector<40x128xf32>
    %sub3A_2665 = arith.subf %mul3A_2664, %mul3A_2262 : vector<40x128xf32>
    %exp23A_2666 = math.exp2 %sub3A_2665 : vector<40x128xf32>
    %add3A_2667 = arith.addf %add3A_2658, %exp23A_2666 : vector<40x128xf32>
    %get3A_2668 = arith.constant 1800 : index
    %get3A_2669 = arith.constant 0 : index
    %get3A_2670 = vector.load %arg1[%get3A_2668, %get3A_2669] : memref<10000x128xf32, #tpu.memory_space<vmem>>, vector<40x128xf32>
    %mul3A_2671 = arith.constant 1.44269502 : f32
    %mul3A_2672 = vector.broadcast %mul3A_2671 : f32 to vector<40x128xf32>
    %mul3A_2673 = arith.mulf %get3A_2670, %mul3A_2672 : vector<40x128xf32>
    %sub3A_2674 = arith.subf %mul3A_2673, %mul3A_2262 : vector<40x128xf32>
    %exp23A_2675 = math.exp2 %sub3A_2674 : vector<40x128xf32>
    %add3A_2676 = arith.addf %add3A_2667, %exp23A_2675 : vector<40x128xf32>
    %get3A_2677 = arith.constant 1840 : index
    %get3A_2678 = arith.constant 0 : index
    %get3A_2679 = vector.load %arg1[%get3A_2677, %get3A_2678] : memref<10000x128xf32, #tpu.memory_space<vmem>>, vector<40x128xf32>
    %mul3A_2680 = arith.constant 1.44269502 : f32
    %mul3A_2681 = vector.broadcast %mul3A_2680 : f32 to vector<40x128xf32>
    %mul3A_2682 = arith.mulf %get3A_2679, %mul3A_2681 : vector<40x128xf32>
    %sub3A_2683 = arith.subf %mul3A_2682, %mul3A_2262 : vector<40x128xf32>
    %exp23A_2684 = math.exp2 %sub3A_2683 : vector<40x128xf32>
    %add3A_2685 = arith.addf %add3A_2676, %exp23A_2684 : vector<40x128xf32>
    %get3A_2686 = arith.constant 1880 : index
    %get3A_2687 = arith.constant 0 : index
    %get3A_2688 = vector.load %arg1[%get3A_2686, %get3A_2687] : memref<10000x128xf32, #tpu.memory_space<vmem>>, vector<40x128xf32>
    %mul3A_2689 = arith.constant 1.44269502 : f32
    %mul3A_2690 = vector.broadcast %mul3A_2689 : f32 to vector<40x128xf32>
    %mul3A_2691 = arith.mulf %get3A_2688, %mul3A_2690 : vector<40x128xf32>
    %sub3A_2692 = arith.subf %mul3A_2691, %mul3A_2262 : vector<40x128xf32>
    %exp23A_2693 = math.exp2 %sub3A_2692 : vector<40x128xf32>
    %add3A_2694 = arith.addf %add3A_2685, %exp23A_2693 : vector<40x128xf32>
    %get3A_2695 = arith.constant 1920 : index
    %get3A_2696 = arith.constant 0 : index
    %get3A_2697 = vector.load %arg1[%get3A_2695, %get3A_2696] : memref<10000x128xf32, #tpu.memory_space<vmem>>, vector<40x128xf32>
    %mul3A_2698 = arith.constant 1.44269502 : f32
    %mul3A_2699 = vector.broadcast %mul3A_2698 : f32 to vector<40x128xf32>
    %mul3A_2700 = arith.mulf %get3A_2697, %mul3A_2699 : vector<40x128xf32>
    %sub3A_2701 = arith.subf %mul3A_2700, %mul3A_2262 : vector<40x128xf32>
    %exp23A_2702 = math.exp2 %sub3A_2701 : vector<40x128xf32>
    %add3A_2703 = arith.addf %add3A_2694, %exp23A_2702 : vector<40x128xf32>
    %get3A_2704 = arith.constant 1960 : index
    %get3A_2705 = arith.constant 0 : index
    %get3A_2706 = vector.load %arg1[%get3A_2704, %get3A_2705] : memref<10000x128xf32, #tpu.memory_space<vmem>>, vector<40x128xf32>
    %mul3A_2707 = arith.constant 1.44269502 : f32
    %mul3A_2708 = vector.broadcast %mul3A_2707 : f32 to vector<40x128xf32>
    %mul3A_2709 = arith.mulf %get3A_2706, %mul3A_2708 : vector<40x128xf32>
    %sub3A_2710 = arith.subf %mul3A_2709, %mul3A_2262 : vector<40x128xf32>
    %exp23A_2711 = math.exp2 %sub3A_2710 : vector<40x128xf32>
    %add3A_2712 = arith.addf %add3A_2703, %exp23A_2711 : vector<40x128xf32>
    %get3A_2713 = arith.constant 2000 : index
    %get3A_2714 = arith.constant 0 : index
    %get3A_2715 = vector.load %arg1[%get3A_2713, %get3A_2714] : memref<10000x128xf32, #tpu.memory_space<vmem>>, vector<40x128xf32>
    %mul3A_2716 = arith.constant 1.44269502 : f32
    %mul3A_2717 = vector.broadcast %mul3A_2716 : f32 to vector<40x128xf32>
    %mul3A_2718 = arith.mulf %get3A_2715, %mul3A_2717 : vector<40x128xf32>
    %sub3A_2719 = arith.subf %mul3A_2718, %mul3A_2262 : vector<40x128xf32>
    %exp23A_2720 = math.exp2 %sub3A_2719 : vector<40x128xf32>
    %add3A_2721 = arith.addf %add3A_2712, %exp23A_2720 : vector<40x128xf32>
    %get3A_2722 = arith.constant 2040 : index
    %get3A_2723 = arith.constant 0 : index
    %get3A_2724 = vector.load %arg1[%get3A_2722, %get3A_2723] : memref<10000x128xf32, #tpu.memory_space<vmem>>, vector<40x128xf32>
    %mul3A_2725 = arith.constant 1.44269502 : f32
    %mul3A_2726 = vector.broadcast %mul3A_2725 : f32 to vector<40x128xf32>
    %mul3A_2727 = arith.mulf %get3A_2724, %mul3A_2726 : vector<40x128xf32>
    %sub3A_2728 = arith.subf %mul3A_2727, %mul3A_2262 : vector<40x128xf32>
    %exp23A_2729 = math.exp2 %sub3A_2728 : vector<40x128xf32>
    %add3A_2730 = arith.addf %add3A_2721, %exp23A_2729 : vector<40x128xf32>
    %get3A_2731 = arith.constant 2080 : index
    %get3A_2732 = arith.constant 0 : index
    %get3A_2733 = vector.load %arg1[%get3A_2731, %get3A_2732] : memref<10000x128xf32, #tpu.memory_space<vmem>>, vector<40x128xf32>
    %mul3A_2734 = arith.constant 1.44269502 : f32
    %mul3A_2735 = vector.broadcast %mul3A_2734 : f32 to vector<40x128xf32>
    %mul3A_2736 = arith.mulf %get3A_2733, %mul3A_2735 : vector<40x128xf32>
    %sub3A_2737 = arith.subf %mul3A_2736, %mul3A_2262 : vector<40x128xf32>
    %exp23A_2738 = math.exp2 %sub3A_2737 : vector<40x128xf32>
    %add3A_2739 = arith.addf %add3A_2730, %exp23A_2738 : vector<40x128xf32>
    %get3A_2740 = arith.constant 2120 : index
    %get3A_2741 = arith.constant 0 : index
    %get3A_2742 = vector.load %arg1[%get3A_2740, %get3A_2741] : memref<10000x128xf32, #tpu.memory_space<vmem>>, vector<40x128xf32>
    %mul3A_2743 = arith.constant 1.44269502 : f32
    %mul3A_2744 = vector.broadcast %mul3A_2743 : f32 to vector<40x128xf32>
    %mul3A_2745 = arith.mulf %get3A_2742, %mul3A_2744 : vector<40x128xf32>
    %sub3A_2746 = arith.subf %mul3A_2745, %mul3A_2262 : vector<40x128xf32>
    %exp23A_2747 = math.exp2 %sub3A_2746 : vector<40x128xf32>
    %add3A_2748 = arith.addf %add3A_2739, %exp23A_2747 : vector<40x128xf32>
    %get3A_2749 = arith.constant 2160 : index
    %get3A_2750 = arith.constant 0 : index
    %get3A_2751 = vector.load %arg1[%get3A_2749, %get3A_2750] : memref<10000x128xf32, #tpu.memory_space<vmem>>, vector<40x128xf32>
    %mul3A_2752 = arith.constant 1.44269502 : f32
    %mul3A_2753 = vector.broadcast %mul3A_2752 : f32 to vector<40x128xf32>
    %mul3A_2754 = arith.mulf %get3A_2751, %mul3A_2753 : vector<40x128xf32>
    %sub3A_2755 = arith.subf %mul3A_2754, %mul3A_2262 : vector<40x128xf32>
    %exp23A_2756 = math.exp2 %sub3A_2755 : vector<40x128xf32>
    %add3A_2757 = arith.addf %add3A_2748, %exp23A_2756 : vector<40x128xf32>
    %get3A_2758 = arith.constant 2200 : index
    %get3A_2759 = arith.constant 0 : index
    %get3A_2760 = vector.load %arg1[%get3A_2758, %get3A_2759] : memref<10000x128xf32, #tpu.memory_space<vmem>>, vector<40x128xf32>
    %mul3A_2761 = arith.constant 1.44269502 : f32
    %mul3A_2762 = vector.broadcast %mul3A_2761 : f32 to vector<40x128xf32>
    %mul3A_2763 = arith.mulf %get3A_2760, %mul3A_2762 : vector<40x128xf32>
    %sub3A_2764 = arith.subf %mul3A_2763, %mul3A_2262 : vector<40x128xf32>
    %exp23A_2765 = math.exp2 %sub3A_2764 : vector<40x128xf32>
    %add3A_2766 = arith.addf %add3A_2757, %exp23A_2765 : vector<40x128xf32>
    %get3A_2767 = arith.constant 2240 : index
    %get3A_2768 = arith.constant 0 : index
    %get3A_2769 = vector.load %arg1[%get3A_2767, %get3A_2768] : memref<10000x128xf32, #tpu.memory_space<vmem>>, vector<40x128xf32>
    %mul3A_2770 = arith.constant 1.44269502 : f32
    %mul3A_2771 = vector.broadcast %mul3A_2770 : f32 to vector<40x128xf32>
    %mul3A_2772 = arith.mulf %get3A_2769, %mul3A_2771 : vector<40x128xf32>
    %sub3A_2773 = arith.subf %mul3A_2772, %mul3A_2262 : vector<40x128xf32>
    %exp23A_2774 = math.exp2 %sub3A_2773 : vector<40x128xf32>
    %add3A_2775 = arith.addf %add3A_2766, %exp23A_2774 : vector<40x128xf32>
    %get3A_2776 = arith.constant 2280 : index
    %get3A_2777 = arith.constant 0 : index
    %get3A_2778 = vector.load %arg1[%get3A_2776, %get3A_2777] : memref<10000x128xf32, #tpu.memory_space<vmem>>, vector<40x128xf32>
    %mul3A_2779 = arith.constant 1.44269502 : f32
    %mul3A_2780 = vector.broadcast %mul3A_2779 : f32 to vector<40x128xf32>
    %mul3A_2781 = arith.mulf %get3A_2778, %mul3A_2780 : vector<40x128xf32>
    %sub3A_2782 = arith.subf %mul3A_2781, %mul3A_2262 : vector<40x128xf32>
    %exp23A_2783 = math.exp2 %sub3A_2782 : vector<40x128xf32>
    %add3A_2784 = arith.addf %add3A_2775, %exp23A_2783 : vector<40x128xf32>
    %get3A_2785 = arith.constant 2320 : index
    %get3A_2786 = arith.constant 0 : index
    %get3A_2787 = vector.load %arg1[%get3A_2785, %get3A_2786] : memref<10000x128xf32, #tpu.memory_space<vmem>>, vector<40x128xf32>
    %mul3A_2788 = arith.constant 1.44269502 : f32
    %mul3A_2789 = vector.broadcast %mul3A_2788 : f32 to vector<40x128xf32>
    %mul3A_2790 = arith.mulf %get3A_2787, %mul3A_2789 : vector<40x128xf32>
    %sub3A_2791 = arith.subf %mul3A_2790, %mul3A_2262 : vector<40x128xf32>
    %exp23A_2792 = math.exp2 %sub3A_2791 : vector<40x128xf32>
    %add3A_2793 = arith.addf %add3A_2784, %exp23A_2792 : vector<40x128xf32>
    %get3A_2794 = arith.constant 2360 : index
    %get3A_2795 = arith.constant 0 : index
    %get3A_2796 = vector.load %arg1[%get3A_2794, %get3A_2795] : memref<10000x128xf32, #tpu.memory_space<vmem>>, vector<40x128xf32>
    %mul3A_2797 = arith.constant 1.44269502 : f32
    %mul3A_2798 = vector.broadcast %mul3A_2797 : f32 to vector<40x128xf32>
    %mul3A_2799 = arith.mulf %get3A_2796, %mul3A_2798 : vector<40x128xf32>
    %sub3A_2800 = arith.subf %mul3A_2799, %mul3A_2262 : vector<40x128xf32>
    %exp23A_2801 = math.exp2 %sub3A_2800 : vector<40x128xf32>
    %add3A_2802 = arith.addf %add3A_2793, %exp23A_2801 : vector<40x128xf32>
    %get3A_2803 = arith.constant 2400 : index
    %get3A_2804 = arith.constant 0 : index
    %get3A_2805 = vector.load %arg1[%get3A_2803, %get3A_2804] : memref<10000x128xf32, #tpu.memory_space<vmem>>, vector<40x128xf32>
    %mul3A_2806 = arith.constant 1.44269502 : f32
    %mul3A_2807 = vector.broadcast %mul3A_2806 : f32 to vector<40x128xf32>
    %mul3A_2808 = arith.mulf %get3A_2805, %mul3A_2807 : vector<40x128xf32>
    %sub3A_2809 = arith.subf %mul3A_2808, %mul3A_2262 : vector<40x128xf32>
    %exp23A_2810 = math.exp2 %sub3A_2809 : vector<40x128xf32>
    %add3A_2811 = arith.addf %add3A_2802, %exp23A_2810 : vector<40x128xf32>
    %get3A_2812 = arith.constant 2440 : index
    %get3A_2813 = arith.constant 0 : index
    %get3A_2814 = vector.load %arg1[%get3A_2812, %get3A_2813] : memref<10000x128xf32, #tpu.memory_space<vmem>>, vector<40x128xf32>
    %mul3A_2815 = arith.constant 1.44269502 : f32
    %mul3A_2816 = vector.broadcast %mul3A_2815 : f32 to vector<40x128xf32>
    %mul3A_2817 = arith.mulf %get3A_2814, %mul3A_2816 : vector<40x128xf32>
    %sub3A_2818 = arith.subf %mul3A_2817, %mul3A_2262 : vector<40x128xf32>
    %exp23A_2819 = math.exp2 %sub3A_2818 : vector<40x128xf32>
    %add3A_2820 = arith.addf %add3A_2811, %exp23A_2819 : vector<40x128xf32>
    %get3A_2821 = arith.constant 2480 : index
    %get3A_2822 = arith.constant 0 : index
    %get3A_2823 = vector.load %arg1[%get3A_2821, %get3A_2822] : memref<10000x128xf32, #tpu.memory_space<vmem>>, vector<40x128xf32>
    %mul3A_2824 = arith.constant 1.44269502 : f32
    %mul3A_2825 = vector.broadcast %mul3A_2824 : f32 to vector<40x128xf32>
    %mul3A_2826 = arith.mulf %get3A_2823, %mul3A_2825 : vector<40x128xf32>
    %sub3A_2827 = arith.subf %mul3A_2826, %mul3A_2262 : vector<40x128xf32>
    %exp23A_2828 = math.exp2 %sub3A_2827 : vector<40x128xf32>
    %add3A_2829 = arith.addf %add3A_2820, %exp23A_2828 : vector<40x128xf32>
    %get3A_2830 = arith.constant 2520 : index
    %get3A_2831 = arith.constant 0 : index
    %get3A_2832 = vector.load %arg1[%get3A_2830, %get3A_2831] : memref<10000x128xf32, #tpu.memory_space<vmem>>, vector<40x128xf32>
    %mul3A_2833 = arith.constant 1.44269502 : f32
    %mul3A_2834 = vector.broadcast %mul3A_2833 : f32 to vector<40x128xf32>
    %mul3A_2835 = arith.mulf %get3A_2832, %mul3A_2834 : vector<40x128xf32>
    %sub3A_2836 = arith.subf %mul3A_2835, %mul3A_2262 : vector<40x128xf32>
    %exp23A_2837 = math.exp2 %sub3A_2836 : vector<40x128xf32>
    %add3A_2838 = arith.addf %add3A_2829, %exp23A_2837 : vector<40x128xf32>
    %get3A_2839 = arith.constant 2560 : index
    %get3A_2840 = arith.constant 0 : index
    %get3A_2841 = vector.load %arg1[%get3A_2839, %get3A_2840] : memref<10000x128xf32, #tpu.memory_space<vmem>>, vector<40x128xf32>
    %mul3A_2842 = arith.constant 1.44269502 : f32
    %mul3A_2843 = vector.broadcast %mul3A_2842 : f32 to vector<40x128xf32>
    %mul3A_2844 = arith.mulf %get3A_2841, %mul3A_2843 : vector<40x128xf32>
    %sub3A_2845 = arith.subf %mul3A_2844, %mul3A_2262 : vector<40x128xf32>
    %exp23A_2846 = math.exp2 %sub3A_2845 : vector<40x128xf32>
    %add3A_2847 = arith.addf %add3A_2838, %exp23A_2846 : vector<40x128xf32>
    %get3A_2848 = arith.constant 2600 : index
    %get3A_2849 = arith.constant 0 : index
    %get3A_2850 = vector.load %arg1[%get3A_2848, %get3A_2849] : memref<10000x128xf32, #tpu.memory_space<vmem>>, vector<40x128xf32>
    %mul3A_2851 = arith.constant 1.44269502 : f32
    %mul3A_2852 = vector.broadcast %mul3A_2851 : f32 to vector<40x128xf32>
    %mul3A_2853 = arith.mulf %get3A_2850, %mul3A_2852 : vector<40x128xf32>
    %sub3A_2854 = arith.subf %mul3A_2853, %mul3A_2262 : vector<40x128xf32>
    %exp23A_2855 = math.exp2 %sub3A_2854 : vector<40x128xf32>
    %add3A_2856 = arith.addf %add3A_2847, %exp23A_2855 : vector<40x128xf32>
    %get3A_2857 = arith.constant 2640 : index
    %get3A_2858 = arith.constant 0 : index
    %get3A_2859 = vector.load %arg1[%get3A_2857, %get3A_2858] : memref<10000x128xf32, #tpu.memory_space<vmem>>, vector<40x128xf32>
    %mul3A_2860 = arith.constant 1.44269502 : f32
    %mul3A_2861 = vector.broadcast %mul3A_2860 : f32 to vector<40x128xf32>
    %mul3A_2862 = arith.mulf %get3A_2859, %mul3A_2861 : vector<40x128xf32>
    %sub3A_2863 = arith.subf %mul3A_2862, %mul3A_2262 : vector<40x128xf32>
    %exp23A_2864 = math.exp2 %sub3A_2863 : vector<40x128xf32>
    %add3A_2865 = arith.addf %add3A_2856, %exp23A_2864 : vector<40x128xf32>
    %get3A_2866 = arith.constant 2680 : index
    %get3A_2867 = arith.constant 0 : index
    %get3A_2868 = vector.load %arg1[%get3A_2866, %get3A_2867] : memref<10000x128xf32, #tpu.memory_space<vmem>>, vector<40x128xf32>
    %mul3A_2869 = arith.constant 1.44269502 : f32
    %mul3A_2870 = vector.broadcast %mul3A_2869 : f32 to vector<40x128xf32>
    %mul3A_2871 = arith.mulf %get3A_2868, %mul3A_2870 : vector<40x128xf32>
    %sub3A_2872 = arith.subf %mul3A_2871, %mul3A_2262 : vector<40x128xf32>
    %exp23A_2873 = math.exp2 %sub3A_2872 : vector<40x128xf32>
    %add3A_2874 = arith.addf %add3A_2865, %exp23A_2873 : vector<40x128xf32>
    %get3A_2875 = arith.constant 2720 : index
    %get3A_2876 = arith.constant 0 : index
    %get3A_2877 = vector.load %arg1[%get3A_2875, %get3A_2876] : memref<10000x128xf32, #tpu.memory_space<vmem>>, vector<40x128xf32>
    %mul3A_2878 = arith.constant 1.44269502 : f32
    %mul3A_2879 = vector.broadcast %mul3A_2878 : f32 to vector<40x128xf32>
    %mul3A_2880 = arith.mulf %get3A_2877, %mul3A_2879 : vector<40x128xf32>
    %sub3A_2881 = arith.subf %mul3A_2880, %mul3A_2262 : vector<40x128xf32>
    %exp23A_2882 = math.exp2 %sub3A_2881 : vector<40x128xf32>
    %add3A_2883 = arith.addf %add3A_2874, %exp23A_2882 : vector<40x128xf32>
    %get3A_2884 = arith.constant 2760 : index
    %get3A_2885 = arith.constant 0 : index
    %get3A_2886 = vector.load %arg1[%get3A_2884, %get3A_2885] : memref<10000x128xf32, #tpu.memory_space<vmem>>, vector<40x128xf32>
    %mul3A_2887 = arith.constant 1.44269502 : f32
    %mul3A_2888 = vector.broadcast %mul3A_2887 : f32 to vector<40x128xf32>
    %mul3A_2889 = arith.mulf %get3A_2886, %mul3A_2888 : vector<40x128xf32>
    %sub3A_2890 = arith.subf %mul3A_2889, %mul3A_2262 : vector<40x128xf32>
    %exp23A_2891 = math.exp2 %sub3A_2890 : vector<40x128xf32>
    %add3A_2892 = arith.addf %add3A_2883, %exp23A_2891 : vector<40x128xf32>
    %get3A_2893 = arith.constant 2800 : index
    %get3A_2894 = arith.constant 0 : index
    %get3A_2895 = vector.load %arg1[%get3A_2893, %get3A_2894] : memref<10000x128xf32, #tpu.memory_space<vmem>>, vector<40x128xf32>
    %mul3A_2896 = arith.constant 1.44269502 : f32
    %mul3A_2897 = vector.broadcast %mul3A_2896 : f32 to vector<40x128xf32>
    %mul3A_2898 = arith.mulf %get3A_2895, %mul3A_2897 : vector<40x128xf32>
    %sub3A_2899 = arith.subf %mul3A_2898, %mul3A_2262 : vector<40x128xf32>
    %exp23A_2900 = math.exp2 %sub3A_2899 : vector<40x128xf32>
    %add3A_2901 = arith.addf %add3A_2892, %exp23A_2900 : vector<40x128xf32>
    %get3A_2902 = arith.constant 2840 : index
    %get3A_2903 = arith.constant 0 : index
    %get3A_2904 = vector.load %arg1[%get3A_2902, %get3A_2903] : memref<10000x128xf32, #tpu.memory_space<vmem>>, vector<40x128xf32>
    %mul3A_2905 = arith.constant 1.44269502 : f32
    %mul3A_2906 = vector.broadcast %mul3A_2905 : f32 to vector<40x128xf32>
    %mul3A_2907 = arith.mulf %get3A_2904, %mul3A_2906 : vector<40x128xf32>
    %sub3A_2908 = arith.subf %mul3A_2907, %mul3A_2262 : vector<40x128xf32>
    %exp23A_2909 = math.exp2 %sub3A_2908 : vector<40x128xf32>
    %add3A_2910 = arith.addf %add3A_2901, %exp23A_2909 : vector<40x128xf32>
    %get3A_2911 = arith.constant 2880 : index
    %get3A_2912 = arith.constant 0 : index
    %get3A_2913 = vector.load %arg1[%get3A_2911, %get3A_2912] : memref<10000x128xf32, #tpu.memory_space<vmem>>, vector<40x128xf32>
    %mul3A_2914 = arith.constant 1.44269502 : f32
    %mul3A_2915 = vector.broadcast %mul3A_2914 : f32 to vector<40x128xf32>
    %mul3A_2916 = arith.mulf %get3A_2913, %mul3A_2915 : vector<40x128xf32>
    %sub3A_2917 = arith.subf %mul3A_2916, %mul3A_2262 : vector<40x128xf32>
    %exp23A_2918 = math.exp2 %sub3A_2917 : vector<40x128xf32>
    %add3A_2919 = arith.addf %add3A_2910, %exp23A_2918 : vector<40x128xf32>
    %get3A_2920 = arith.constant 2920 : index
    %get3A_2921 = arith.constant 0 : index
    %get3A_2922 = vector.load %arg1[%get3A_2920, %get3A_2921] : memref<10000x128xf32, #tpu.memory_space<vmem>>, vector<40x128xf32>
    %mul3A_2923 = arith.constant 1.44269502 : f32
    %mul3A_2924 = vector.broadcast %mul3A_2923 : f32 to vector<40x128xf32>
    %mul3A_2925 = arith.mulf %get3A_2922, %mul3A_2924 : vector<40x128xf32>
    %sub3A_2926 = arith.subf %mul3A_2925, %mul3A_2262 : vector<40x128xf32>
    %exp23A_2927 = math.exp2 %sub3A_2926 : vector<40x128xf32>
    %add3A_2928 = arith.addf %add3A_2919, %exp23A_2927 : vector<40x128xf32>
    %get3A_2929 = arith.constant 2960 : index
    %get3A_2930 = arith.constant 0 : index
    %get3A_2931 = vector.load %arg1[%get3A_2929, %get3A_2930] : memref<10000x128xf32, #tpu.memory_space<vmem>>, vector<40x128xf32>
    %mul3A_2932 = arith.constant 1.44269502 : f32
    %mul3A_2933 = vector.broadcast %mul3A_2932 : f32 to vector<40x128xf32>
    %mul3A_2934 = arith.mulf %get3A_2931, %mul3A_2933 : vector<40x128xf32>
    %sub3A_2935 = arith.subf %mul3A_2934, %mul3A_2262 : vector<40x128xf32>
    %exp23A_2936 = math.exp2 %sub3A_2935 : vector<40x128xf32>
    %add3A_2937 = arith.addf %add3A_2928, %exp23A_2936 : vector<40x128xf32>
    %get3A_2938 = arith.constant 3000 : index
    %get3A_2939 = arith.constant 0 : index
    %get3A_2940 = vector.load %arg1[%get3A_2938, %get3A_2939] : memref<10000x128xf32, #tpu.memory_space<vmem>>, vector<40x128xf32>
    %mul3A_2941 = arith.constant 1.44269502 : f32
    %mul3A_2942 = vector.broadcast %mul3A_2941 : f32 to vector<40x128xf32>
    %mul3A_2943 = arith.mulf %get3A_2940, %mul3A_2942 : vector<40x128xf32>
    %sub3A_2944 = arith.subf %mul3A_2943, %mul3A_2262 : vector<40x128xf32>
    %exp23A_2945 = math.exp2 %sub3A_2944 : vector<40x128xf32>
    %add3A_2946 = arith.addf %add3A_2937, %exp23A_2945 : vector<40x128xf32>
    %get3A_2947 = arith.constant 3040 : index
    %get3A_2948 = arith.constant 0 : index
    %get3A_2949 = vector.load %arg1[%get3A_2947, %get3A_2948] : memref<10000x128xf32, #tpu.memory_space<vmem>>, vector<40x128xf32>
    %mul3A_2950 = arith.constant 1.44269502 : f32
    %mul3A_2951 = vector.broadcast %mul3A_2950 : f32 to vector<40x128xf32>
    %mul3A_2952 = arith.mulf %get3A_2949, %mul3A_2951 : vector<40x128xf32>
    %sub3A_2953 = arith.subf %mul3A_2952, %mul3A_2262 : vector<40x128xf32>
    %exp23A_2954 = math.exp2 %sub3A_2953 : vector<40x128xf32>
    %add3A_2955 = arith.addf %add3A_2946, %exp23A_2954 : vector<40x128xf32>
    %get3A_2956 = arith.constant 3080 : index
    %get3A_2957 = arith.constant 0 : index
    %get3A_2958 = vector.load %arg1[%get3A_2956, %get3A_2957] : memref<10000x128xf32, #tpu.memory_space<vmem>>, vector<40x128xf32>
    %mul3A_2959 = arith.constant 1.44269502 : f32
    %mul3A_2960 = vector.broadcast %mul3A_2959 : f32 to vector<40x128xf32>
    %mul3A_2961 = arith.mulf %get3A_2958, %mul3A_2960 : vector<40x128xf32>
    %sub3A_2962 = arith.subf %mul3A_2961, %mul3A_2262 : vector<40x128xf32>
    %exp23A_2963 = math.exp2 %sub3A_2962 : vector<40x128xf32>
    %add3A_2964 = arith.addf %add3A_2955, %exp23A_2963 : vector<40x128xf32>
    %get3A_2965 = arith.constant 3120 : index
    %get3A_2966 = arith.constant 0 : index
    %get3A_2967 = vector.load %arg1[%get3A_2965, %get3A_2966] : memref<10000x128xf32, #tpu.memory_space<vmem>>, vector<40x128xf32>
    %mul3A_2968 = arith.constant 1.44269502 : f32
    %mul3A_2969 = vector.broadcast %mul3A_2968 : f32 to vector<40x128xf32>
    %mul3A_2970 = arith.mulf %get3A_2967, %mul3A_2969 : vector<40x128xf32>
    %sub3A_2971 = arith.subf %mul3A_2970, %mul3A_2262 : vector<40x128xf32>
    %exp23A_2972 = math.exp2 %sub3A_2971 : vector<40x128xf32>
    %add3A_2973 = arith.addf %add3A_2964, %exp23A_2972 : vector<40x128xf32>
    %get3A_2974 = arith.constant 3160 : index
    %get3A_2975 = arith.constant 0 : index
    %get3A_2976 = vector.load %arg1[%get3A_2974, %get3A_2975] : memref<10000x128xf32, #tpu.memory_space<vmem>>, vector<40x128xf32>
    %mul3A_2977 = arith.constant 1.44269502 : f32
    %mul3A_2978 = vector.broadcast %mul3A_2977 : f32 to vector<40x128xf32>
    %mul3A_2979 = arith.mulf %get3A_2976, %mul3A_2978 : vector<40x128xf32>
    %sub3A_2980 = arith.subf %mul3A_2979, %mul3A_2262 : vector<40x128xf32>
    %exp23A_2981 = math.exp2 %sub3A_2980 : vector<40x128xf32>
    %add3A_2982 = arith.addf %add3A_2973, %exp23A_2981 : vector<40x128xf32>
    %get3A_2983 = arith.constant 3200 : index
    %get3A_2984 = arith.constant 0 : index
    %get3A_2985 = vector.load %arg1[%get3A_2983, %get3A_2984] : memref<10000x128xf32, #tpu.memory_space<vmem>>, vector<40x128xf32>
    %mul3A_2986 = arith.constant 1.44269502 : f32
    %mul3A_2987 = vector.broadcast %mul3A_2986 : f32 to vector<40x128xf32>
    %mul3A_2988 = arith.mulf %get3A_2985, %mul3A_2987 : vector<40x128xf32>
    %sub3A_2989 = arith.subf %mul3A_2988, %mul3A_2262 : vector<40x128xf32>
    %exp23A_2990 = math.exp2 %sub3A_2989 : vector<40x128xf32>
    %add3A_2991 = arith.addf %add3A_2982, %exp23A_2990 : vector<40x128xf32>
    %get3A_2992 = arith.constant 3240 : index
    %get3A_2993 = arith.constant 0 : index
    %get3A_2994 = vector.load %arg1[%get3A_2992, %get3A_2993] : memref<10000x128xf32, #tpu.memory_space<vmem>>, vector<40x128xf32>
    %mul3A_2995 = arith.constant 1.44269502 : f32
    %mul3A_2996 = vector.broadcast %mul3A_2995 : f32 to vector<40x128xf32>
    %mul3A_2997 = arith.mulf %get3A_2994, %mul3A_2996 : vector<40x128xf32>
    %sub3A_2998 = arith.subf %mul3A_2997, %mul3A_2262 : vector<40x128xf32>
    %exp23A_2999 = math.exp2 %sub3A_2998 : vector<40x128xf32>
    %add3A_3000 = arith.addf %add3A_2991, %exp23A_2999 : vector<40x128xf32>
    %get3A_3001 = arith.constant 3280 : index
    %get3A_3002 = arith.constant 0 : index
    %get3A_3003 = vector.load %arg1[%get3A_3001, %get3A_3002] : memref<10000x128xf32, #tpu.memory_space<vmem>>, vector<40x128xf32>
    %mul3A_3004 = arith.constant 1.44269502 : f32
    %mul3A_3005 = vector.broadcast %mul3A_3004 : f32 to vector<40x128xf32>
    %mul3A_3006 = arith.mulf %get3A_3003, %mul3A_3005 : vector<40x128xf32>
    %sub3A_3007 = arith.subf %mul3A_3006, %mul3A_2262 : vector<40x128xf32>
    %exp23A_3008 = math.exp2 %sub3A_3007 : vector<40x128xf32>
    %add3A_3009 = arith.addf %add3A_3000, %exp23A_3008 : vector<40x128xf32>
    %get3A_3010 = arith.constant 3320 : index
    %get3A_3011 = arith.constant 0 : index
    %get3A_3012 = vector.load %arg1[%get3A_3010, %get3A_3011] : memref<10000x128xf32, #tpu.memory_space<vmem>>, vector<40x128xf32>
    %mul3A_3013 = arith.constant 1.44269502 : f32
    %mul3A_3014 = vector.broadcast %mul3A_3013 : f32 to vector<40x128xf32>
    %mul3A_3015 = arith.mulf %get3A_3012, %mul3A_3014 : vector<40x128xf32>
    %sub3A_3016 = arith.subf %mul3A_3015, %mul3A_2262 : vector<40x128xf32>
    %exp23A_3017 = math.exp2 %sub3A_3016 : vector<40x128xf32>
    %add3A_3018 = arith.addf %add3A_3009, %exp23A_3017 : vector<40x128xf32>
    %get3A_3019 = arith.constant 3360 : index
    %get3A_3020 = arith.constant 0 : index
    %get3A_3021 = vector.load %arg1[%get3A_3019, %get3A_3020] : memref<10000x128xf32, #tpu.memory_space<vmem>>, vector<40x128xf32>
    %mul3A_3022 = arith.constant 1.44269502 : f32
    %mul3A_3023 = vector.broadcast %mul3A_3022 : f32 to vector<40x128xf32>
    %mul3A_3024 = arith.mulf %get3A_3021, %mul3A_3023 : vector<40x128xf32>
    %sub3A_3025 = arith.subf %mul3A_3024, %mul3A_2262 : vector<40x128xf32>
    %exp23A_3026 = math.exp2 %sub3A_3025 : vector<40x128xf32>
    %add3A_3027 = arith.addf %add3A_3018, %exp23A_3026 : vector<40x128xf32>
    %get3A_3028 = arith.constant 3400 : index
    %get3A_3029 = arith.constant 0 : index
    %get3A_3030 = vector.load %arg1[%get3A_3028, %get3A_3029] : memref<10000x128xf32, #tpu.memory_space<vmem>>, vector<40x128xf32>
    %mul3A_3031 = arith.constant 1.44269502 : f32
    %mul3A_3032 = vector.broadcast %mul3A_3031 : f32 to vector<40x128xf32>
    %mul3A_3033 = arith.mulf %get3A_3030, %mul3A_3032 : vector<40x128xf32>
    %sub3A_3034 = arith.subf %mul3A_3033, %mul3A_2262 : vector<40x128xf32>
    %exp23A_3035 = math.exp2 %sub3A_3034 : vector<40x128xf32>
    %add3A_3036 = arith.addf %add3A_3027, %exp23A_3035 : vector<40x128xf32>
    %get3A_3037 = arith.constant 3440 : index
    %get3A_3038 = arith.constant 0 : index
    %get3A_3039 = vector.load %arg1[%get3A_3037, %get3A_3038] : memref<10000x128xf32, #tpu.memory_space<vmem>>, vector<40x128xf32>
    %mul3A_3040 = arith.constant 1.44269502 : f32
    %mul3A_3041 = vector.broadcast %mul3A_3040 : f32 to vector<40x128xf32>
    %mul3A_3042 = arith.mulf %get3A_3039, %mul3A_3041 : vector<40x128xf32>
    %sub3A_3043 = arith.subf %mul3A_3042, %mul3A_2262 : vector<40x128xf32>
    %exp23A_3044 = math.exp2 %sub3A_3043 : vector<40x128xf32>
    %add3A_3045 = arith.addf %add3A_3036, %exp23A_3044 : vector<40x128xf32>
    %get3A_3046 = arith.constant 3480 : index
    %get3A_3047 = arith.constant 0 : index
    %get3A_3048 = vector.load %arg1[%get3A_3046, %get3A_3047] : memref<10000x128xf32, #tpu.memory_space<vmem>>, vector<40x128xf32>
    %mul3A_3049 = arith.constant 1.44269502 : f32
    %mul3A_3050 = vector.broadcast %mul3A_3049 : f32 to vector<40x128xf32>
    %mul3A_3051 = arith.mulf %get3A_3048, %mul3A_3050 : vector<40x128xf32>
    %sub3A_3052 = arith.subf %mul3A_3051, %mul3A_2262 : vector<40x128xf32>
    %exp23A_3053 = math.exp2 %sub3A_3052 : vector<40x128xf32>
    %add3A_3054 = arith.addf %add3A_3045, %exp23A_3053 : vector<40x128xf32>
    %get3A_3055 = arith.constant 3520 : index
    %get3A_3056 = arith.constant 0 : index
    %get3A_3057 = vector.load %arg1[%get3A_3055, %get3A_3056] : memref<10000x128xf32, #tpu.memory_space<vmem>>, vector<40x128xf32>
    %mul3A_3058 = arith.constant 1.44269502 : f32
    %mul3A_3059 = vector.broadcast %mul3A_3058 : f32 to vector<40x128xf32>
    %mul3A_3060 = arith.mulf %get3A_3057, %mul3A_3059 : vector<40x128xf32>
    %sub3A_3061 = arith.subf %mul3A_3060, %mul3A_2262 : vector<40x128xf32>
    %exp23A_3062 = math.exp2 %sub3A_3061 : vector<40x128xf32>
    %add3A_3063 = arith.addf %add3A_3054, %exp23A_3062 : vector<40x128xf32>
    %get3A_3064 = arith.constant 3560 : index
    %get3A_3065 = arith.constant 0 : index
    %get3A_3066 = vector.load %arg1[%get3A_3064, %get3A_3065] : memref<10000x128xf32, #tpu.memory_space<vmem>>, vector<40x128xf32>
    %mul3A_3067 = arith.constant 1.44269502 : f32
    %mul3A_3068 = vector.broadcast %mul3A_3067 : f32 to vector<40x128xf32>
    %mul3A_3069 = arith.mulf %get3A_3066, %mul3A_3068 : vector<40x128xf32>
    %sub3A_3070 = arith.subf %mul3A_3069, %mul3A_2262 : vector<40x128xf32>
    %exp23A_3071 = math.exp2 %sub3A_3070 : vector<40x128xf32>
    %add3A_3072 = arith.addf %add3A_3063, %exp23A_3071 : vector<40x128xf32>
    %get3A_3073 = arith.constant 3600 : index
    %get3A_3074 = arith.constant 0 : index
    %get3A_3075 = vector.load %arg1[%get3A_3073, %get3A_3074] : memref<10000x128xf32, #tpu.memory_space<vmem>>, vector<40x128xf32>
    %mul3A_3076 = arith.constant 1.44269502 : f32
    %mul3A_3077 = vector.broadcast %mul3A_3076 : f32 to vector<40x128xf32>
    %mul3A_3078 = arith.mulf %get3A_3075, %mul3A_3077 : vector<40x128xf32>
    %sub3A_3079 = arith.subf %mul3A_3078, %mul3A_2262 : vector<40x128xf32>
    %exp23A_3080 = math.exp2 %sub3A_3079 : vector<40x128xf32>
    %add3A_3081 = arith.addf %add3A_3072, %exp23A_3080 : vector<40x128xf32>
    %get3A_3082 = arith.constant 3640 : index
    %get3A_3083 = arith.constant 0 : index
    %get3A_3084 = vector.load %arg1[%get3A_3082, %get3A_3083] : memref<10000x128xf32, #tpu.memory_space<vmem>>, vector<40x128xf32>
    %mul3A_3085 = arith.constant 1.44269502 : f32
    %mul3A_3086 = vector.broadcast %mul3A_3085 : f32 to vector<40x128xf32>
    %mul3A_3087 = arith.mulf %get3A_3084, %mul3A_3086 : vector<40x128xf32>
    %sub3A_3088 = arith.subf %mul3A_3087, %mul3A_2262 : vector<40x128xf32>
    %exp23A_3089 = math.exp2 %sub3A_3088 : vector<40x128xf32>
    %add3A_3090 = arith.addf %add3A_3081, %exp23A_3089 : vector<40x128xf32>
    %get3A_3091 = arith.constant 3680 : index
    %get3A_3092 = arith.constant 0 : index
    %get3A_3093 = vector.load %arg1[%get3A_3091, %get3A_3092] : memref<10000x128xf32, #tpu.memory_space<vmem>>, vector<40x128xf32>
    %mul3A_3094 = arith.constant 1.44269502 : f32
    %mul3A_3095 = vector.broadcast %mul3A_3094 : f32 to vector<40x128xf32>
    %mul3A_3096 = arith.mulf %get3A_3093, %mul3A_3095 : vector<40x128xf32>
    %sub3A_3097 = arith.subf %mul3A_3096, %mul3A_2262 : vector<40x128xf32>
    %exp23A_3098 = math.exp2 %sub3A_3097 : vector<40x128xf32>
    %add3A_3099 = arith.addf %add3A_3090, %exp23A_3098 : vector<40x128xf32>
    %get3A_3100 = arith.constant 3720 : index
    %get3A_3101 = arith.constant 0 : index
    %get3A_3102 = vector.load %arg1[%get3A_3100, %get3A_3101] : memref<10000x128xf32, #tpu.memory_space<vmem>>, vector<40x128xf32>
    %mul3A_3103 = arith.constant 1.44269502 : f32
    %mul3A_3104 = vector.broadcast %mul3A_3103 : f32 to vector<40x128xf32>
    %mul3A_3105 = arith.mulf %get3A_3102, %mul3A_3104 : vector<40x128xf32>
    %sub3A_3106 = arith.subf %mul3A_3105, %mul3A_2262 : vector<40x128xf32>
    %exp23A_3107 = math.exp2 %sub3A_3106 : vector<40x128xf32>
    %add3A_3108 = arith.addf %add3A_3099, %exp23A_3107 : vector<40x128xf32>
    %get3A_3109 = arith.constant 3760 : index
    %get3A_3110 = arith.constant 0 : index
    %get3A_3111 = vector.load %arg1[%get3A_3109, %get3A_3110] : memref<10000x128xf32, #tpu.memory_space<vmem>>, vector<40x128xf32>
    %mul3A_3112 = arith.constant 1.44269502 : f32
    %mul3A_3113 = vector.broadcast %mul3A_3112 : f32 to vector<40x128xf32>
    %mul3A_3114 = arith.mulf %get3A_3111, %mul3A_3113 : vector<40x128xf32>
    %sub3A_3115 = arith.subf %mul3A_3114, %mul3A_2262 : vector<40x128xf32>
    %exp23A_3116 = math.exp2 %sub3A_3115 : vector<40x128xf32>
    %add3A_3117 = arith.addf %add3A_3108, %exp23A_3116 : vector<40x128xf32>
    %get3A_3118 = arith.constant 3800 : index
    %get3A_3119 = arith.constant 0 : index
    %get3A_3120 = vector.load %arg1[%get3A_3118, %get3A_3119] : memref<10000x128xf32, #tpu.memory_space<vmem>>, vector<40x128xf32>
    %mul3A_3121 = arith.constant 1.44269502 : f32
    %mul3A_3122 = vector.broadcast %mul3A_3121 : f32 to vector<40x128xf32>
    %mul3A_3123 = arith.mulf %get3A_3120, %mul3A_3122 : vector<40x128xf32>
    %sub3A_3124 = arith.subf %mul3A_3123, %mul3A_2262 : vector<40x128xf32>
    %exp23A_3125 = math.exp2 %sub3A_3124 : vector<40x128xf32>
    %add3A_3126 = arith.addf %add3A_3117, %exp23A_3125 : vector<40x128xf32>
    %get3A_3127 = arith.constant 3840 : index
    %get3A_3128 = arith.constant 0 : index
    %get3A_3129 = vector.load %arg1[%get3A_3127, %get3A_3128] : memref<10000x128xf32, #tpu.memory_space<vmem>>, vector<40x128xf32>
    %mul3A_3130 = arith.constant 1.44269502 : f32
    %mul3A_3131 = vector.broadcast %mul3A_3130 : f32 to vector<40x128xf32>
    %mul3A_3132 = arith.mulf %get3A_3129, %mul3A_3131 : vector<40x128xf32>
    %sub3A_3133 = arith.subf %mul3A_3132, %mul3A_2262 : vector<40x128xf32>
    %exp23A_3134 = math.exp2 %sub3A_3133 : vector<40x128xf32>
    %add3A_3135 = arith.addf %add3A_3126, %exp23A_3134 : vector<40x128xf32>
    %get3A_3136 = arith.constant 3880 : index
    %get3A_3137 = arith.constant 0 : index
    %get3A_3138 = vector.load %arg1[%get3A_3136, %get3A_3137] : memref<10000x128xf32, #tpu.memory_space<vmem>>, vector<40x128xf32>
    %mul3A_3139 = arith.constant 1.44269502 : f32
    %mul3A_3140 = vector.broadcast %mul3A_3139 : f32 to vector<40x128xf32>
    %mul3A_3141 = arith.mulf %get3A_3138, %mul3A_3140 : vector<40x128xf32>
    %sub3A_3142 = arith.subf %mul3A_3141, %mul3A_2262 : vector<40x128xf32>
    %exp23A_3143 = math.exp2 %sub3A_3142 : vector<40x128xf32>
    %add3A_3144 = arith.addf %add3A_3135, %exp23A_3143 : vector<40x128xf32>
    %get3A_3145 = arith.constant 3920 : index
    %get3A_3146 = arith.constant 0 : index
    %get3A_3147 = vector.load %arg1[%get3A_3145, %get3A_3146] : memref<10000x128xf32, #tpu.memory_space<vmem>>, vector<40x128xf32>
    %mul3A_3148 = arith.constant 1.44269502 : f32
    %mul3A_3149 = vector.broadcast %mul3A_3148 : f32 to vector<40x128xf32>
    %mul3A_3150 = arith.mulf %get3A_3147, %mul3A_3149 : vector<40x128xf32>
    %sub3A_3151 = arith.subf %mul3A_3150, %mul3A_2262 : vector<40x128xf32>
    %exp23A_3152 = math.exp2 %sub3A_3151 : vector<40x128xf32>
    %add3A_3153 = arith.addf %add3A_3144, %exp23A_3152 : vector<40x128xf32>
    %get3A_3154 = arith.constant 3960 : index
    %get3A_3155 = arith.constant 0 : index
    %get3A_3156 = vector.load %arg1[%get3A_3154, %get3A_3155] : memref<10000x128xf32, #tpu.memory_space<vmem>>, vector<40x128xf32>
    %mul3A_3157 = arith.constant 1.44269502 : f32
    %mul3A_3158 = vector.broadcast %mul3A_3157 : f32 to vector<40x128xf32>
    %mul3A_3159 = arith.mulf %get3A_3156, %mul3A_3158 : vector<40x128xf32>
    %sub3A_3160 = arith.subf %mul3A_3159, %mul3A_2262 : vector<40x128xf32>
    %exp23A_3161 = math.exp2 %sub3A_3160 : vector<40x128xf32>
    %add3A_3162 = arith.addf %add3A_3153, %exp23A_3161 : vector<40x128xf32>
    %get3A_3163 = arith.constant 4000 : index
    %get3A_3164 = arith.constant 0 : index
    %get3A_3165 = vector.load %arg1[%get3A_3163, %get3A_3164] : memref<10000x128xf32, #tpu.memory_space<vmem>>, vector<40x128xf32>
    %mul3A_3166 = arith.constant 1.44269502 : f32
    %mul3A_3167 = vector.broadcast %mul3A_3166 : f32 to vector<40x128xf32>
    %mul3A_3168 = arith.mulf %get3A_3165, %mul3A_3167 : vector<40x128xf32>
    %sub3A_3169 = arith.subf %mul3A_3168, %mul3A_2262 : vector<40x128xf32>
    %exp23A_3170 = math.exp2 %sub3A_3169 : vector<40x128xf32>
    %add3A_3171 = arith.addf %add3A_3162, %exp23A_3170 : vector<40x128xf32>
    %get3A_3172 = arith.constant 4040 : index
    %get3A_3173 = arith.constant 0 : index
    %get3A_3174 = vector.load %arg1[%get3A_3172, %get3A_3173] : memref<10000x128xf32, #tpu.memory_space<vmem>>, vector<40x128xf32>
    %mul3A_3175 = arith.constant 1.44269502 : f32
    %mul3A_3176 = vector.broadcast %mul3A_3175 : f32 to vector<40x128xf32>
    %mul3A_3177 = arith.mulf %get3A_3174, %mul3A_3176 : vector<40x128xf32>
    %sub3A_3178 = arith.subf %mul3A_3177, %mul3A_2262 : vector<40x128xf32>
    %exp23A_3179 = math.exp2 %sub3A_3178 : vector<40x128xf32>
    %add3A_3180 = arith.addf %add3A_3171, %exp23A_3179 : vector<40x128xf32>
    %get3A_3181 = arith.constant 4080 : index
    %get3A_3182 = arith.constant 0 : index
    %get3A_3183 = vector.load %arg1[%get3A_3181, %get3A_3182] : memref<10000x128xf32, #tpu.memory_space<vmem>>, vector<40x128xf32>
    %mul3A_3184 = arith.constant 1.44269502 : f32
    %mul3A_3185 = vector.broadcast %mul3A_3184 : f32 to vector<40x128xf32>
    %mul3A_3186 = arith.mulf %get3A_3183, %mul3A_3185 : vector<40x128xf32>
    %sub3A_3187 = arith.subf %mul3A_3186, %mul3A_2262 : vector<40x128xf32>
    %exp23A_3188 = math.exp2 %sub3A_3187 : vector<40x128xf32>
    %add3A_3189 = arith.addf %add3A_3180, %exp23A_3188 : vector<40x128xf32>
    %get3A_3190 = arith.constant 4120 : index
    %get3A_3191 = arith.constant 0 : index
    %get3A_3192 = vector.load %arg1[%get3A_3190, %get3A_3191] : memref<10000x128xf32, #tpu.memory_space<vmem>>, vector<40x128xf32>
    %mul3A_3193 = arith.constant 1.44269502 : f32
    %mul3A_3194 = vector.broadcast %mul3A_3193 : f32 to vector<40x128xf32>
    %mul3A_3195 = arith.mulf %get3A_3192, %mul3A_3194 : vector<40x128xf32>
    %sub3A_3196 = arith.subf %mul3A_3195, %mul3A_2262 : vector<40x128xf32>
    %exp23A_3197 = math.exp2 %sub3A_3196 : vector<40x128xf32>
    %add3A_3198 = arith.addf %add3A_3189, %exp23A_3197 : vector<40x128xf32>
    %get3A_3199 = arith.constant 4160 : index
    %get3A_3200 = arith.constant 0 : index
    %get3A_3201 = vector.load %arg1[%get3A_3199, %get3A_3200] : memref<10000x128xf32, #tpu.memory_space<vmem>>, vector<40x128xf32>
    %mul3A_3202 = arith.constant 1.44269502 : f32
    %mul3A_3203 = vector.broadcast %mul3A_3202 : f32 to vector<40x128xf32>
    %mul3A_3204 = arith.mulf %get3A_3201, %mul3A_3203 : vector<40x128xf32>
    %sub3A_3205 = arith.subf %mul3A_3204, %mul3A_2262 : vector<40x128xf32>
    %exp23A_3206 = math.exp2 %sub3A_3205 : vector<40x128xf32>
    %add3A_3207 = arith.addf %add3A_3198, %exp23A_3206 : vector<40x128xf32>
    %get3A_3208 = arith.constant 4200 : index
    %get3A_3209 = arith.constant 0 : index
    %get3A_3210 = vector.load %arg1[%get3A_3208, %get3A_3209] : memref<10000x128xf32, #tpu.memory_space<vmem>>, vector<40x128xf32>
    %mul3A_3211 = arith.constant 1.44269502 : f32
    %mul3A_3212 = vector.broadcast %mul3A_3211 : f32 to vector<40x128xf32>
    %mul3A_3213 = arith.mulf %get3A_3210, %mul3A_3212 : vector<40x128xf32>
    %sub3A_3214 = arith.subf %mul3A_3213, %mul3A_2262 : vector<40x128xf32>
    %exp23A_3215 = math.exp2 %sub3A_3214 : vector<40x128xf32>
    %add3A_3216 = arith.addf %add3A_3207, %exp23A_3215 : vector<40x128xf32>
    %get3A_3217 = arith.constant 4240 : index
    %get3A_3218 = arith.constant 0 : index
    %get3A_3219 = vector.load %arg1[%get3A_3217, %get3A_3218] : memref<10000x128xf32, #tpu.memory_space<vmem>>, vector<40x128xf32>
    %mul3A_3220 = arith.constant 1.44269502 : f32
    %mul3A_3221 = vector.broadcast %mul3A_3220 : f32 to vector<40x128xf32>
    %mul3A_3222 = arith.mulf %get3A_3219, %mul3A_3221 : vector<40x128xf32>
    %sub3A_3223 = arith.subf %mul3A_3222, %mul3A_2262 : vector<40x128xf32>
    %exp23A_3224 = math.exp2 %sub3A_3223 : vector<40x128xf32>
    %add3A_3225 = arith.addf %add3A_3216, %exp23A_3224 : vector<40x128xf32>
    %get3A_3226 = arith.constant 4280 : index
    %get3A_3227 = arith.constant 0 : index
    %get3A_3228 = vector.load %arg1[%get3A_3226, %get3A_3227] : memref<10000x128xf32, #tpu.memory_space<vmem>>, vector<40x128xf32>
    %mul3A_3229 = arith.constant 1.44269502 : f32
    %mul3A_3230 = vector.broadcast %mul3A_3229 : f32 to vector<40x128xf32>
    %mul3A_3231 = arith.mulf %get3A_3228, %mul3A_3230 : vector<40x128xf32>
    %sub3A_3232 = arith.subf %mul3A_3231, %mul3A_2262 : vector<40x128xf32>
    %exp23A_3233 = math.exp2 %sub3A_3232 : vector<40x128xf32>
    %add3A_3234 = arith.addf %add3A_3225, %exp23A_3233 : vector<40x128xf32>
    %get3A_3235 = arith.constant 4320 : index
    %get3A_3236 = arith.constant 0 : index
    %get3A_3237 = vector.load %arg1[%get3A_3235, %get3A_3236] : memref<10000x128xf32, #tpu.memory_space<vmem>>, vector<40x128xf32>
    %mul3A_3238 = arith.constant 1.44269502 : f32
    %mul3A_3239 = vector.broadcast %mul3A_3238 : f32 to vector<40x128xf32>
    %mul3A_3240 = arith.mulf %get3A_3237, %mul3A_3239 : vector<40x128xf32>
    %sub3A_3241 = arith.subf %mul3A_3240, %mul3A_2262 : vector<40x128xf32>
    %exp23A_3242 = math.exp2 %sub3A_3241 : vector<40x128xf32>
    %add3A_3243 = arith.addf %add3A_3234, %exp23A_3242 : vector<40x128xf32>
    %get3A_3244 = arith.constant 4360 : index
    %get3A_3245 = arith.constant 0 : index
    %get3A_3246 = vector.load %arg1[%get3A_3244, %get3A_3245] : memref<10000x128xf32, #tpu.memory_space<vmem>>, vector<40x128xf32>
    %mul3A_3247 = arith.constant 1.44269502 : f32
    %mul3A_3248 = vector.broadcast %mul3A_3247 : f32 to vector<40x128xf32>
    %mul3A_3249 = arith.mulf %get3A_3246, %mul3A_3248 : vector<40x128xf32>
    %sub3A_3250 = arith.subf %mul3A_3249, %mul3A_2262 : vector<40x128xf32>
    %exp23A_3251 = math.exp2 %sub3A_3250 : vector<40x128xf32>
    %add3A_3252 = arith.addf %add3A_3243, %exp23A_3251 : vector<40x128xf32>
    %get3A_3253 = arith.constant 4400 : index
    %get3A_3254 = arith.constant 0 : index
    %get3A_3255 = vector.load %arg1[%get3A_3253, %get3A_3254] : memref<10000x128xf32, #tpu.memory_space<vmem>>, vector<40x128xf32>
    %mul3A_3256 = arith.constant 1.44269502 : f32
    %mul3A_3257 = vector.broadcast %mul3A_3256 : f32 to vector<40x128xf32>
    %mul3A_3258 = arith.mulf %get3A_3255, %mul3A_3257 : vector<40x128xf32>
    %sub3A_3259 = arith.subf %mul3A_3258, %mul3A_2262 : vector<40x128xf32>
    %exp23A_3260 = math.exp2 %sub3A_3259 : vector<40x128xf32>
    %add3A_3261 = arith.addf %add3A_3252, %exp23A_3260 : vector<40x128xf32>
    %get3A_3262 = arith.constant 4440 : index
    %get3A_3263 = arith.constant 0 : index
    %get3A_3264 = vector.load %arg1[%get3A_3262, %get3A_3263] : memref<10000x128xf32, #tpu.memory_space<vmem>>, vector<40x128xf32>
    %mul3A_3265 = arith.constant 1.44269502 : f32
    %mul3A_3266 = vector.broadcast %mul3A_3265 : f32 to vector<40x128xf32>
    %mul3A_3267 = arith.mulf %get3A_3264, %mul3A_3266 : vector<40x128xf32>
    %sub3A_3268 = arith.subf %mul3A_3267, %mul3A_2262 : vector<40x128xf32>
    %exp23A_3269 = math.exp2 %sub3A_3268 : vector<40x128xf32>
    %add3A_3270 = arith.addf %add3A_3261, %exp23A_3269 : vector<40x128xf32>
    %get3A_3271 = arith.constant 4480 : index
    %get3A_3272 = arith.constant 0 : index
    %get3A_3273 = vector.load %arg1[%get3A_3271, %get3A_3272] : memref<10000x128xf32, #tpu.memory_space<vmem>>, vector<40x128xf32>
    %mul3A_3274 = arith.constant 1.44269502 : f32
    %mul3A_3275 = vector.broadcast %mul3A_3274 : f32 to vector<40x128xf32>
    %mul3A_3276 = arith.mulf %get3A_3273, %mul3A_3275 : vector<40x128xf32>
    %sub3A_3277 = arith.subf %mul3A_3276, %mul3A_2262 : vector<40x128xf32>
    %exp23A_3278 = math.exp2 %sub3A_3277 : vector<40x128xf32>
    %add3A_3279 = arith.addf %add3A_3270, %exp23A_3278 : vector<40x128xf32>
    %get3A_3280 = arith.constant 4520 : index
    %get3A_3281 = arith.constant 0 : index
    %get3A_3282 = vector.load %arg1[%get3A_3280, %get3A_3281] : memref<10000x128xf32, #tpu.memory_space<vmem>>, vector<40x128xf32>
    %mul3A_3283 = arith.constant 1.44269502 : f32
    %mul3A_3284 = vector.broadcast %mul3A_3283 : f32 to vector<40x128xf32>
    %mul3A_3285 = arith.mulf %get3A_3282, %mul3A_3284 : vector<40x128xf32>
    %sub3A_3286 = arith.subf %mul3A_3285, %mul3A_2262 : vector<40x128xf32>
    %exp23A_3287 = math.exp2 %sub3A_3286 : vector<40x128xf32>
    %add3A_3288 = arith.addf %add3A_3279, %exp23A_3287 : vector<40x128xf32>
    %get3A_3289 = arith.constant 4560 : index
    %get3A_3290 = arith.constant 0 : index
    %get3A_3291 = vector.load %arg1[%get3A_3289, %get3A_3290] : memref<10000x128xf32, #tpu.memory_space<vmem>>, vector<40x128xf32>
    %mul3A_3292 = arith.constant 1.44269502 : f32
    %mul3A_3293 = vector.broadcast %mul3A_3292 : f32 to vector<40x128xf32>
    %mul3A_3294 = arith.mulf %get3A_3291, %mul3A_3293 : vector<40x128xf32>
    %sub3A_3295 = arith.subf %mul3A_3294, %mul3A_2262 : vector<40x128xf32>
    %exp23A_3296 = math.exp2 %sub3A_3295 : vector<40x128xf32>
    %add3A_3297 = arith.addf %add3A_3288, %exp23A_3296 : vector<40x128xf32>
    %get3A_3298 = arith.constant 4600 : index
    %get3A_3299 = arith.constant 0 : index
    %get3A_3300 = vector.load %arg1[%get3A_3298, %get3A_3299] : memref<10000x128xf32, #tpu.memory_space<vmem>>, vector<40x128xf32>
    %mul3A_3301 = arith.constant 1.44269502 : f32
    %mul3A_3302 = vector.broadcast %mul3A_3301 : f32 to vector<40x128xf32>
    %mul3A_3303 = arith.mulf %get3A_3300, %mul3A_3302 : vector<40x128xf32>
    %sub3A_3304 = arith.subf %mul3A_3303, %mul3A_2262 : vector<40x128xf32>
    %exp23A_3305 = math.exp2 %sub3A_3304 : vector<40x128xf32>
    %add3A_3306 = arith.addf %add3A_3297, %exp23A_3305 : vector<40x128xf32>
    %get3A_3307 = arith.constant 4640 : index
    %get3A_3308 = arith.constant 0 : index
    %get3A_3309 = vector.load %arg1[%get3A_3307, %get3A_3308] : memref<10000x128xf32, #tpu.memory_space<vmem>>, vector<40x128xf32>
    %mul3A_3310 = arith.constant 1.44269502 : f32
    %mul3A_3311 = vector.broadcast %mul3A_3310 : f32 to vector<40x128xf32>
    %mul3A_3312 = arith.mulf %get3A_3309, %mul3A_3311 : vector<40x128xf32>
    %sub3A_3313 = arith.subf %mul3A_3312, %mul3A_2262 : vector<40x128xf32>
    %exp23A_3314 = math.exp2 %sub3A_3313 : vector<40x128xf32>
    %add3A_3315 = arith.addf %add3A_3306, %exp23A_3314 : vector<40x128xf32>
    %get3A_3316 = arith.constant 4680 : index
    %get3A_3317 = arith.constant 0 : index
    %get3A_3318 = vector.load %arg1[%get3A_3316, %get3A_3317] : memref<10000x128xf32, #tpu.memory_space<vmem>>, vector<40x128xf32>
    %mul3A_3319 = arith.constant 1.44269502 : f32
    %mul3A_3320 = vector.broadcast %mul3A_3319 : f32 to vector<40x128xf32>
    %mul3A_3321 = arith.mulf %get3A_3318, %mul3A_3320 : vector<40x128xf32>
    %sub3A_3322 = arith.subf %mul3A_3321, %mul3A_2262 : vector<40x128xf32>
    %exp23A_3323 = math.exp2 %sub3A_3322 : vector<40x128xf32>
    %add3A_3324 = arith.addf %add3A_3315, %exp23A_3323 : vector<40x128xf32>
    %get3A_3325 = arith.constant 4720 : index
    %get3A_3326 = arith.constant 0 : index
    %get3A_3327 = vector.load %arg1[%get3A_3325, %get3A_3326] : memref<10000x128xf32, #tpu.memory_space<vmem>>, vector<40x128xf32>
    %mul3A_3328 = arith.constant 1.44269502 : f32
    %mul3A_3329 = vector.broadcast %mul3A_3328 : f32 to vector<40x128xf32>
    %mul3A_3330 = arith.mulf %get3A_3327, %mul3A_3329 : vector<40x128xf32>
    %sub3A_3331 = arith.subf %mul3A_3330, %mul3A_2262 : vector<40x128xf32>
    %exp23A_3332 = math.exp2 %sub3A_3331 : vector<40x128xf32>
    %add3A_3333 = arith.addf %add3A_3324, %exp23A_3332 : vector<40x128xf32>
    %get3A_3334 = arith.constant 4760 : index
    %get3A_3335 = arith.constant 0 : index
    %get3A_3336 = vector.load %arg1[%get3A_3334, %get3A_3335] : memref<10000x128xf32, #tpu.memory_space<vmem>>, vector<40x128xf32>
    %mul3A_3337 = arith.constant 1.44269502 : f32
    %mul3A_3338 = vector.broadcast %mul3A_3337 : f32 to vector<40x128xf32>
    %mul3A_3339 = arith.mulf %get3A_3336, %mul3A_3338 : vector<40x128xf32>
    %sub3A_3340 = arith.subf %mul3A_3339, %mul3A_2262 : vector<40x128xf32>
    %exp23A_3341 = math.exp2 %sub3A_3340 : vector<40x128xf32>
    %add3A_3342 = arith.addf %add3A_3333, %exp23A_3341 : vector<40x128xf32>
    %get3A_3343 = arith.constant 4800 : index
    %get3A_3344 = arith.constant 0 : index
    %get3A_3345 = vector.load %arg1[%get3A_3343, %get3A_3344] : memref<10000x128xf32, #tpu.memory_space<vmem>>, vector<40x128xf32>
    %mul3A_3346 = arith.constant 1.44269502 : f32
    %mul3A_3347 = vector.broadcast %mul3A_3346 : f32 to vector<40x128xf32>
    %mul3A_3348 = arith.mulf %get3A_3345, %mul3A_3347 : vector<40x128xf32>
    %sub3A_3349 = arith.subf %mul3A_3348, %mul3A_2262 : vector<40x128xf32>
    %exp23A_3350 = math.exp2 %sub3A_3349 : vector<40x128xf32>
    %add3A_3351 = arith.addf %add3A_3342, %exp23A_3350 : vector<40x128xf32>
    %get3A_3352 = arith.constant 4840 : index
    %get3A_3353 = arith.constant 0 : index
    %get3A_3354 = vector.load %arg1[%get3A_3352, %get3A_3353] : memref<10000x128xf32, #tpu.memory_space<vmem>>, vector<40x128xf32>
    %mul3A_3355 = arith.constant 1.44269502 : f32
    %mul3A_3356 = vector.broadcast %mul3A_3355 : f32 to vector<40x128xf32>
    %mul3A_3357 = arith.mulf %get3A_3354, %mul3A_3356 : vector<40x128xf32>
    %sub3A_3358 = arith.subf %mul3A_3357, %mul3A_2262 : vector<40x128xf32>
    %exp23A_3359 = math.exp2 %sub3A_3358 : vector<40x128xf32>
    %add3A_3360 = arith.addf %add3A_3351, %exp23A_3359 : vector<40x128xf32>
    %get3A_3361 = arith.constant 4880 : index
    %get3A_3362 = arith.constant 0 : index
    %get3A_3363 = vector.load %arg1[%get3A_3361, %get3A_3362] : memref<10000x128xf32, #tpu.memory_space<vmem>>, vector<40x128xf32>
    %mul3A_3364 = arith.constant 1.44269502 : f32
    %mul3A_3365 = vector.broadcast %mul3A_3364 : f32 to vector<40x128xf32>
    %mul3A_3366 = arith.mulf %get3A_3363, %mul3A_3365 : vector<40x128xf32>
    %sub3A_3367 = arith.subf %mul3A_3366, %mul3A_2262 : vector<40x128xf32>
    %exp23A_3368 = math.exp2 %sub3A_3367 : vector<40x128xf32>
    %add3A_3369 = arith.addf %add3A_3360, %exp23A_3368 : vector<40x128xf32>
    %get3A_3370 = arith.constant 4920 : index
    %get3A_3371 = arith.constant 0 : index
    %get3A_3372 = vector.load %arg1[%get3A_3370, %get3A_3371] : memref<10000x128xf32, #tpu.memory_space<vmem>>, vector<40x128xf32>
    %mul3A_3373 = arith.constant 1.44269502 : f32
    %mul3A_3374 = vector.broadcast %mul3A_3373 : f32 to vector<40x128xf32>
    %mul3A_3375 = arith.mulf %get3A_3372, %mul3A_3374 : vector<40x128xf32>
    %sub3A_3376 = arith.subf %mul3A_3375, %mul3A_2262 : vector<40x128xf32>
    %exp23A_3377 = math.exp2 %sub3A_3376 : vector<40x128xf32>
    %add3A_3378 = arith.addf %add3A_3369, %exp23A_3377 : vector<40x128xf32>
    %get3A_3379 = arith.constant 4960 : index
    %get3A_3380 = arith.constant 0 : index
    %get3A_3381 = vector.load %arg1[%get3A_3379, %get3A_3380] : memref<10000x128xf32, #tpu.memory_space<vmem>>, vector<40x128xf32>
    %mul3A_3382 = arith.constant 1.44269502 : f32
    %mul3A_3383 = vector.broadcast %mul3A_3382 : f32 to vector<40x128xf32>
    %mul3A_3384 = arith.mulf %get3A_3381, %mul3A_3383 : vector<40x128xf32>
    %sub3A_3385 = arith.subf %mul3A_3384, %mul3A_2262 : vector<40x128xf32>
    %exp23A_3386 = math.exp2 %sub3A_3385 : vector<40x128xf32>
    %add3A_3387 = arith.addf %add3A_3378, %exp23A_3386 : vector<40x128xf32>
    %get3A_3388 = arith.constant 5000 : index
    %get3A_3389 = arith.constant 0 : index
    %get3A_3390 = vector.load %arg1[%get3A_3388, %get3A_3389] : memref<10000x128xf32, #tpu.memory_space<vmem>>, vector<40x128xf32>
    %mul3A_3391 = arith.constant 1.44269502 : f32
    %mul3A_3392 = vector.broadcast %mul3A_3391 : f32 to vector<40x128xf32>
    %mul3A_3393 = arith.mulf %get3A_3390, %mul3A_3392 : vector<40x128xf32>
    %sub3A_3394 = arith.subf %mul3A_3393, %mul3A_2262 : vector<40x128xf32>
    %exp23A_3395 = math.exp2 %sub3A_3394 : vector<40x128xf32>
    %add3A_3396 = arith.addf %add3A_3387, %exp23A_3395 : vector<40x128xf32>
    %get3A_3397 = arith.constant 5040 : index
    %get3A_3398 = arith.constant 0 : index
    %get3A_3399 = vector.load %arg1[%get3A_3397, %get3A_3398] : memref<10000x128xf32, #tpu.memory_space<vmem>>, vector<40x128xf32>
    %mul3A_3400 = arith.constant 1.44269502 : f32
    %mul3A_3401 = vector.broadcast %mul3A_3400 : f32 to vector<40x128xf32>
    %mul3A_3402 = arith.mulf %get3A_3399, %mul3A_3401 : vector<40x128xf32>
    %sub3A_3403 = arith.subf %mul3A_3402, %mul3A_2262 : vector<40x128xf32>
    %exp23A_3404 = math.exp2 %sub3A_3403 : vector<40x128xf32>
    %add3A_3405 = arith.addf %add3A_3396, %exp23A_3404 : vector<40x128xf32>
    %get3A_3406 = arith.constant 5080 : index
    %get3A_3407 = arith.constant 0 : index
    %get3A_3408 = vector.load %arg1[%get3A_3406, %get3A_3407] : memref<10000x128xf32, #tpu.memory_space<vmem>>, vector<40x128xf32>
    %mul3A_3409 = arith.constant 1.44269502 : f32
    %mul3A_3410 = vector.broadcast %mul3A_3409 : f32 to vector<40x128xf32>
    %mul3A_3411 = arith.mulf %get3A_3408, %mul3A_3410 : vector<40x128xf32>
    %sub3A_3412 = arith.subf %mul3A_3411, %mul3A_2262 : vector<40x128xf32>
    %exp23A_3413 = math.exp2 %sub3A_3412 : vector<40x128xf32>
    %add3A_3414 = arith.addf %add3A_3405, %exp23A_3413 : vector<40x128xf32>
    %get3A_3415 = arith.constant 5120 : index
    %get3A_3416 = arith.constant 0 : index
    %get3A_3417 = vector.load %arg1[%get3A_3415, %get3A_3416] : memref<10000x128xf32, #tpu.memory_space<vmem>>, vector<40x128xf32>
    %mul3A_3418 = arith.constant 1.44269502 : f32
    %mul3A_3419 = vector.broadcast %mul3A_3418 : f32 to vector<40x128xf32>
    %mul3A_3420 = arith.mulf %get3A_3417, %mul3A_3419 : vector<40x128xf32>
    %sub3A_3421 = arith.subf %mul3A_3420, %mul3A_2262 : vector<40x128xf32>
    %exp23A_3422 = math.exp2 %sub3A_3421 : vector<40x128xf32>
    %add3A_3423 = arith.addf %add3A_3414, %exp23A_3422 : vector<40x128xf32>
    %get3A_3424 = arith.constant 5160 : index
    %get3A_3425 = arith.constant 0 : index
    %get3A_3426 = vector.load %arg1[%get3A_3424, %get3A_3425] : memref<10000x128xf32, #tpu.memory_space<vmem>>, vector<40x128xf32>
    %mul3A_3427 = arith.constant 1.44269502 : f32
    %mul3A_3428 = vector.broadcast %mul3A_3427 : f32 to vector<40x128xf32>
    %mul3A_3429 = arith.mulf %get3A_3426, %mul3A_3428 : vector<40x128xf32>
    %sub3A_3430 = arith.subf %mul3A_3429, %mul3A_2262 : vector<40x128xf32>
    %exp23A_3431 = math.exp2 %sub3A_3430 : vector<40x128xf32>
    %add3A_3432 = arith.addf %add3A_3423, %exp23A_3431 : vector<40x128xf32>
    %get3A_3433 = arith.constant 5200 : index
    %get3A_3434 = arith.constant 0 : index
    %get3A_3435 = vector.load %arg1[%get3A_3433, %get3A_3434] : memref<10000x128xf32, #tpu.memory_space<vmem>>, vector<40x128xf32>
    %mul3A_3436 = arith.constant 1.44269502 : f32
    %mul3A_3437 = vector.broadcast %mul3A_3436 : f32 to vector<40x128xf32>
    %mul3A_3438 = arith.mulf %get3A_3435, %mul3A_3437 : vector<40x128xf32>
    %sub3A_3439 = arith.subf %mul3A_3438, %mul3A_2262 : vector<40x128xf32>
    %exp23A_3440 = math.exp2 %sub3A_3439 : vector<40x128xf32>
    %add3A_3441 = arith.addf %add3A_3432, %exp23A_3440 : vector<40x128xf32>
    %get3A_3442 = arith.constant 5240 : index
    %get3A_3443 = arith.constant 0 : index
    %get3A_3444 = vector.load %arg1[%get3A_3442, %get3A_3443] : memref<10000x128xf32, #tpu.memory_space<vmem>>, vector<40x128xf32>
    %mul3A_3445 = arith.constant 1.44269502 : f32
    %mul3A_3446 = vector.broadcast %mul3A_3445 : f32 to vector<40x128xf32>
    %mul3A_3447 = arith.mulf %get3A_3444, %mul3A_3446 : vector<40x128xf32>
    %sub3A_3448 = arith.subf %mul3A_3447, %mul3A_2262 : vector<40x128xf32>
    %exp23A_3449 = math.exp2 %sub3A_3448 : vector<40x128xf32>
    %add3A_3450 = arith.addf %add3A_3441, %exp23A_3449 : vector<40x128xf32>
    %get3A_3451 = arith.constant 5280 : index
    %get3A_3452 = arith.constant 0 : index
    %get3A_3453 = vector.load %arg1[%get3A_3451, %get3A_3452] : memref<10000x128xf32, #tpu.memory_space<vmem>>, vector<40x128xf32>
    %mul3A_3454 = arith.constant 1.44269502 : f32
    %mul3A_3455 = vector.broadcast %mul3A_3454 : f32 to vector<40x128xf32>
    %mul3A_3456 = arith.mulf %get3A_3453, %mul3A_3455 : vector<40x128xf32>
    %sub3A_3457 = arith.subf %mul3A_3456, %mul3A_2262 : vector<40x128xf32>
    %exp23A_3458 = math.exp2 %sub3A_3457 : vector<40x128xf32>
    %add3A_3459 = arith.addf %add3A_3450, %exp23A_3458 : vector<40x128xf32>
    %get3A_3460 = arith.constant 5320 : index
    %get3A_3461 = arith.constant 0 : index
    %get3A_3462 = vector.load %arg1[%get3A_3460, %get3A_3461] : memref<10000x128xf32, #tpu.memory_space<vmem>>, vector<40x128xf32>
    %mul3A_3463 = arith.constant 1.44269502 : f32
    %mul3A_3464 = vector.broadcast %mul3A_3463 : f32 to vector<40x128xf32>
    %mul3A_3465 = arith.mulf %get3A_3462, %mul3A_3464 : vector<40x128xf32>
    %sub3A_3466 = arith.subf %mul3A_3465, %mul3A_2262 : vector<40x128xf32>
    %exp23A_3467 = math.exp2 %sub3A_3466 : vector<40x128xf32>
    %add3A_3468 = arith.addf %add3A_3459, %exp23A_3467 : vector<40x128xf32>
    %get3A_3469 = arith.constant 5360 : index
    %get3A_3470 = arith.constant 0 : index
    %get3A_3471 = vector.load %arg1[%get3A_3469, %get3A_3470] : memref<10000x128xf32, #tpu.memory_space<vmem>>, vector<40x128xf32>
    %mul3A_3472 = arith.constant 1.44269502 : f32
    %mul3A_3473 = vector.broadcast %mul3A_3472 : f32 to vector<40x128xf32>
    %mul3A_3474 = arith.mulf %get3A_3471, %mul3A_3473 : vector<40x128xf32>
    %sub3A_3475 = arith.subf %mul3A_3474, %mul3A_2262 : vector<40x128xf32>
    %exp23A_3476 = math.exp2 %sub3A_3475 : vector<40x128xf32>
    %add3A_3477 = arith.addf %add3A_3468, %exp23A_3476 : vector<40x128xf32>
    %get3A_3478 = arith.constant 5400 : index
    %get3A_3479 = arith.constant 0 : index
    %get3A_3480 = vector.load %arg1[%get3A_3478, %get3A_3479] : memref<10000x128xf32, #tpu.memory_space<vmem>>, vector<40x128xf32>
    %mul3A_3481 = arith.constant 1.44269502 : f32
    %mul3A_3482 = vector.broadcast %mul3A_3481 : f32 to vector<40x128xf32>
    %mul3A_3483 = arith.mulf %get3A_3480, %mul3A_3482 : vector<40x128xf32>
    %sub3A_3484 = arith.subf %mul3A_3483, %mul3A_2262 : vector<40x128xf32>
    %exp23A_3485 = math.exp2 %sub3A_3484 : vector<40x128xf32>
    %add3A_3486 = arith.addf %add3A_3477, %exp23A_3485 : vector<40x128xf32>
    %get3A_3487 = arith.constant 5440 : index
    %get3A_3488 = arith.constant 0 : index
    %get3A_3489 = vector.load %arg1[%get3A_3487, %get3A_3488] : memref<10000x128xf32, #tpu.memory_space<vmem>>, vector<40x128xf32>
    %mul3A_3490 = arith.constant 1.44269502 : f32
    %mul3A_3491 = vector.broadcast %mul3A_3490 : f32 to vector<40x128xf32>
    %mul3A_3492 = arith.mulf %get3A_3489, %mul3A_3491 : vector<40x128xf32>
    %sub3A_3493 = arith.subf %mul3A_3492, %mul3A_2262 : vector<40x128xf32>
    %exp23A_3494 = math.exp2 %sub3A_3493 : vector<40x128xf32>
    %add3A_3495 = arith.addf %add3A_3486, %exp23A_3494 : vector<40x128xf32>
    %get3A_3496 = arith.constant 5480 : index
    %get3A_3497 = arith.constant 0 : index
    %get3A_3498 = vector.load %arg1[%get3A_3496, %get3A_3497] : memref<10000x128xf32, #tpu.memory_space<vmem>>, vector<40x128xf32>
    %mul3A_3499 = arith.constant 1.44269502 : f32
    %mul3A_3500 = vector.broadcast %mul3A_3499 : f32 to vector<40x128xf32>
    %mul3A_3501 = arith.mulf %get3A_3498, %mul3A_3500 : vector<40x128xf32>
    %sub3A_3502 = arith.subf %mul3A_3501, %mul3A_2262 : vector<40x128xf32>
    %exp23A_3503 = math.exp2 %sub3A_3502 : vector<40x128xf32>
    %add3A_3504 = arith.addf %add3A_3495, %exp23A_3503 : vector<40x128xf32>
    %get3A_3505 = arith.constant 5520 : index
    %get3A_3506 = arith.constant 0 : index
    %get3A_3507 = vector.load %arg1[%get3A_3505, %get3A_3506] : memref<10000x128xf32, #tpu.memory_space<vmem>>, vector<40x128xf32>
    %mul3A_3508 = arith.constant 1.44269502 : f32
    %mul3A_3509 = vector.broadcast %mul3A_3508 : f32 to vector<40x128xf32>
    %mul3A_3510 = arith.mulf %get3A_3507, %mul3A_3509 : vector<40x128xf32>
    %sub3A_3511 = arith.subf %mul3A_3510, %mul3A_2262 : vector<40x128xf32>
    %exp23A_3512 = math.exp2 %sub3A_3511 : vector<40x128xf32>
    %add3A_3513 = arith.addf %add3A_3504, %exp23A_3512 : vector<40x128xf32>
    %get3A_3514 = arith.constant 5560 : index
    %get3A_3515 = arith.constant 0 : index
    %get3A_3516 = vector.load %arg1[%get3A_3514, %get3A_3515] : memref<10000x128xf32, #tpu.memory_space<vmem>>, vector<40x128xf32>
    %mul3A_3517 = arith.constant 1.44269502 : f32
    %mul3A_3518 = vector.broadcast %mul3A_3517 : f32 to vector<40x128xf32>
    %mul3A_3519 = arith.mulf %get3A_3516, %mul3A_3518 : vector<40x128xf32>
    %sub3A_3520 = arith.subf %mul3A_3519, %mul3A_2262 : vector<40x128xf32>
    %exp23A_3521 = math.exp2 %sub3A_3520 : vector<40x128xf32>
    %add3A_3522 = arith.addf %add3A_3513, %exp23A_3521 : vector<40x128xf32>
    %get3A_3523 = arith.constant 5600 : index
    %get3A_3524 = arith.constant 0 : index
    %get3A_3525 = vector.load %arg1[%get3A_3523, %get3A_3524] : memref<10000x128xf32, #tpu.memory_space<vmem>>, vector<40x128xf32>
    %mul3A_3526 = arith.constant 1.44269502 : f32
    %mul3A_3527 = vector.broadcast %mul3A_3526 : f32 to vector<40x128xf32>
    %mul3A_3528 = arith.mulf %get3A_3525, %mul3A_3527 : vector<40x128xf32>
    %sub3A_3529 = arith.subf %mul3A_3528, %mul3A_2262 : vector<40x128xf32>
    %exp23A_3530 = math.exp2 %sub3A_3529 : vector<40x128xf32>
    %add3A_3531 = arith.addf %add3A_3522, %exp23A_3530 : vector<40x128xf32>
    %get3A_3532 = arith.constant 5640 : index
    %get3A_3533 = arith.constant 0 : index
    %get3A_3534 = vector.load %arg1[%get3A_3532, %get3A_3533] : memref<10000x128xf32, #tpu.memory_space<vmem>>, vector<40x128xf32>
    %mul3A_3535 = arith.constant 1.44269502 : f32
    %mul3A_3536 = vector.broadcast %mul3A_3535 : f32 to vector<40x128xf32>
    %mul3A_3537 = arith.mulf %get3A_3534, %mul3A_3536 : vector<40x128xf32>
    %sub3A_3538 = arith.subf %mul3A_3537, %mul3A_2262 : vector<40x128xf32>
    %exp23A_3539 = math.exp2 %sub3A_3538 : vector<40x128xf32>
    %add3A_3540 = arith.addf %add3A_3531, %exp23A_3539 : vector<40x128xf32>
    %get3A_3541 = arith.constant 5680 : index
    %get3A_3542 = arith.constant 0 : index
    %get3A_3543 = vector.load %arg1[%get3A_3541, %get3A_3542] : memref<10000x128xf32, #tpu.memory_space<vmem>>, vector<40x128xf32>
    %mul3A_3544 = arith.constant 1.44269502 : f32
    %mul3A_3545 = vector.broadcast %mul3A_3544 : f32 to vector<40x128xf32>
    %mul3A_3546 = arith.mulf %get3A_3543, %mul3A_3545 : vector<40x128xf32>
    %sub3A_3547 = arith.subf %mul3A_3546, %mul3A_2262 : vector<40x128xf32>
    %exp23A_3548 = math.exp2 %sub3A_3547 : vector<40x128xf32>
    %add3A_3549 = arith.addf %add3A_3540, %exp23A_3548 : vector<40x128xf32>
    %get3A_3550 = arith.constant 5720 : index
    %get3A_3551 = arith.constant 0 : index
    %get3A_3552 = vector.load %arg1[%get3A_3550, %get3A_3551] : memref<10000x128xf32, #tpu.memory_space<vmem>>, vector<40x128xf32>
    %mul3A_3553 = arith.constant 1.44269502 : f32
    %mul3A_3554 = vector.broadcast %mul3A_3553 : f32 to vector<40x128xf32>
    %mul3A_3555 = arith.mulf %get3A_3552, %mul3A_3554 : vector<40x128xf32>
    %sub3A_3556 = arith.subf %mul3A_3555, %mul3A_2262 : vector<40x128xf32>
    %exp23A_3557 = math.exp2 %sub3A_3556 : vector<40x128xf32>
    %add3A_3558 = arith.addf %add3A_3549, %exp23A_3557 : vector<40x128xf32>
    %get3A_3559 = arith.constant 5760 : index
    %get3A_3560 = arith.constant 0 : index
    %get3A_3561 = vector.load %arg1[%get3A_3559, %get3A_3560] : memref<10000x128xf32, #tpu.memory_space<vmem>>, vector<40x128xf32>
    %mul3A_3562 = arith.constant 1.44269502 : f32
    %mul3A_3563 = vector.broadcast %mul3A_3562 : f32 to vector<40x128xf32>
    %mul3A_3564 = arith.mulf %get3A_3561, %mul3A_3563 : vector<40x128xf32>
    %sub3A_3565 = arith.subf %mul3A_3564, %mul3A_2262 : vector<40x128xf32>
    %exp23A_3566 = math.exp2 %sub3A_3565 : vector<40x128xf32>
    %add3A_3567 = arith.addf %add3A_3558, %exp23A_3566 : vector<40x128xf32>
    %get3A_3568 = arith.constant 5800 : index
    %get3A_3569 = arith.constant 0 : index
    %get3A_3570 = vector.load %arg1[%get3A_3568, %get3A_3569] : memref<10000x128xf32, #tpu.memory_space<vmem>>, vector<40x128xf32>
    %mul3A_3571 = arith.constant 1.44269502 : f32
    %mul3A_3572 = vector.broadcast %mul3A_3571 : f32 to vector<40x128xf32>
    %mul3A_3573 = arith.mulf %get3A_3570, %mul3A_3572 : vector<40x128xf32>
    %sub3A_3574 = arith.subf %mul3A_3573, %mul3A_2262 : vector<40x128xf32>
    %exp23A_3575 = math.exp2 %sub3A_3574 : vector<40x128xf32>
    %add3A_3576 = arith.addf %add3A_3567, %exp23A_3575 : vector<40x128xf32>
    %get3A_3577 = arith.constant 5840 : index
    %get3A_3578 = arith.constant 0 : index
    %get3A_3579 = vector.load %arg1[%get3A_3577, %get3A_3578] : memref<10000x128xf32, #tpu.memory_space<vmem>>, vector<40x128xf32>
    %mul3A_3580 = arith.constant 1.44269502 : f32
    %mul3A_3581 = vector.broadcast %mul3A_3580 : f32 to vector<40x128xf32>
    %mul3A_3582 = arith.mulf %get3A_3579, %mul3A_3581 : vector<40x128xf32>
    %sub3A_3583 = arith.subf %mul3A_3582, %mul3A_2262 : vector<40x128xf32>
    %exp23A_3584 = math.exp2 %sub3A_3583 : vector<40x128xf32>
    %add3A_3585 = arith.addf %add3A_3576, %exp23A_3584 : vector<40x128xf32>
    %get3A_3586 = arith.constant 5880 : index
    %get3A_3587 = arith.constant 0 : index
    %get3A_3588 = vector.load %arg1[%get3A_3586, %get3A_3587] : memref<10000x128xf32, #tpu.memory_space<vmem>>, vector<40x128xf32>
    %mul3A_3589 = arith.constant 1.44269502 : f32
    %mul3A_3590 = vector.broadcast %mul3A_3589 : f32 to vector<40x128xf32>
    %mul3A_3591 = arith.mulf %get3A_3588, %mul3A_3590 : vector<40x128xf32>
    %sub3A_3592 = arith.subf %mul3A_3591, %mul3A_2262 : vector<40x128xf32>
    %exp23A_3593 = math.exp2 %sub3A_3592 : vector<40x128xf32>
    %add3A_3594 = arith.addf %add3A_3585, %exp23A_3593 : vector<40x128xf32>
    %get3A_3595 = arith.constant 5920 : index
    %get3A_3596 = arith.constant 0 : index
    %get3A_3597 = vector.load %arg1[%get3A_3595, %get3A_3596] : memref<10000x128xf32, #tpu.memory_space<vmem>>, vector<40x128xf32>
    %mul3A_3598 = arith.constant 1.44269502 : f32
    %mul3A_3599 = vector.broadcast %mul3A_3598 : f32 to vector<40x128xf32>
    %mul3A_3600 = arith.mulf %get3A_3597, %mul3A_3599 : vector<40x128xf32>
    %sub3A_3601 = arith.subf %mul3A_3600, %mul3A_2262 : vector<40x128xf32>
    %exp23A_3602 = math.exp2 %sub3A_3601 : vector<40x128xf32>
    %add3A_3603 = arith.addf %add3A_3594, %exp23A_3602 : vector<40x128xf32>
    %get3A_3604 = arith.constant 5960 : index
    %get3A_3605 = arith.constant 0 : index
    %get3A_3606 = vector.load %arg1[%get3A_3604, %get3A_3605] : memref<10000x128xf32, #tpu.memory_space<vmem>>, vector<40x128xf32>
    %mul3A_3607 = arith.constant 1.44269502 : f32
    %mul3A_3608 = vector.broadcast %mul3A_3607 : f32 to vector<40x128xf32>
    %mul3A_3609 = arith.mulf %get3A_3606, %mul3A_3608 : vector<40x128xf32>
    %sub3A_3610 = arith.subf %mul3A_3609, %mul3A_2262 : vector<40x128xf32>
    %exp23A_3611 = math.exp2 %sub3A_3610 : vector<40x128xf32>
    %add3A_3612 = arith.addf %add3A_3603, %exp23A_3611 : vector<40x128xf32>
    %get3A_3613 = arith.constant 6000 : index
    %get3A_3614 = arith.constant 0 : index
    %get3A_3615 = vector.load %arg1[%get3A_3613, %get3A_3614] : memref<10000x128xf32, #tpu.memory_space<vmem>>, vector<40x128xf32>
    %mul3A_3616 = arith.constant 1.44269502 : f32
    %mul3A_3617 = vector.broadcast %mul3A_3616 : f32 to vector<40x128xf32>
    %mul3A_3618 = arith.mulf %get3A_3615, %mul3A_3617 : vector<40x128xf32>
    %sub3A_3619 = arith.subf %mul3A_3618, %mul3A_2262 : vector<40x128xf32>
    %exp23A_3620 = math.exp2 %sub3A_3619 : vector<40x128xf32>
    %add3A_3621 = arith.addf %add3A_3612, %exp23A_3620 : vector<40x128xf32>
    %get3A_3622 = arith.constant 6040 : index
    %get3A_3623 = arith.constant 0 : index
    %get3A_3624 = vector.load %arg1[%get3A_3622, %get3A_3623] : memref<10000x128xf32, #tpu.memory_space<vmem>>, vector<40x128xf32>
    %mul3A_3625 = arith.constant 1.44269502 : f32
    %mul3A_3626 = vector.broadcast %mul3A_3625 : f32 to vector<40x128xf32>
    %mul3A_3627 = arith.mulf %get3A_3624, %mul3A_3626 : vector<40x128xf32>
    %sub3A_3628 = arith.subf %mul3A_3627, %mul3A_2262 : vector<40x128xf32>
    %exp23A_3629 = math.exp2 %sub3A_3628 : vector<40x128xf32>
    %add3A_3630 = arith.addf %add3A_3621, %exp23A_3629 : vector<40x128xf32>
    %get3A_3631 = arith.constant 6080 : index
    %get3A_3632 = arith.constant 0 : index
    %get3A_3633 = vector.load %arg1[%get3A_3631, %get3A_3632] : memref<10000x128xf32, #tpu.memory_space<vmem>>, vector<40x128xf32>
    %mul3A_3634 = arith.constant 1.44269502 : f32
    %mul3A_3635 = vector.broadcast %mul3A_3634 : f32 to vector<40x128xf32>
    %mul3A_3636 = arith.mulf %get3A_3633, %mul3A_3635 : vector<40x128xf32>
    %sub3A_3637 = arith.subf %mul3A_3636, %mul3A_2262 : vector<40x128xf32>
    %exp23A_3638 = math.exp2 %sub3A_3637 : vector<40x128xf32>
    %add3A_3639 = arith.addf %add3A_3630, %exp23A_3638 : vector<40x128xf32>
    %get3A_3640 = arith.constant 6120 : index
    %get3A_3641 = arith.constant 0 : index
    %get3A_3642 = vector.load %arg1[%get3A_3640, %get3A_3641] : memref<10000x128xf32, #tpu.memory_space<vmem>>, vector<40x128xf32>
    %mul3A_3643 = arith.constant 1.44269502 : f32
    %mul3A_3644 = vector.broadcast %mul3A_3643 : f32 to vector<40x128xf32>
    %mul3A_3645 = arith.mulf %get3A_3642, %mul3A_3644 : vector<40x128xf32>
    %sub3A_3646 = arith.subf %mul3A_3645, %mul3A_2262 : vector<40x128xf32>
    %exp23A_3647 = math.exp2 %sub3A_3646 : vector<40x128xf32>
    %add3A_3648 = arith.addf %add3A_3639, %exp23A_3647 : vector<40x128xf32>
    %get3A_3649 = arith.constant 6160 : index
    %get3A_3650 = arith.constant 0 : index
    %get3A_3651 = vector.load %arg1[%get3A_3649, %get3A_3650] : memref<10000x128xf32, #tpu.memory_space<vmem>>, vector<40x128xf32>
    %mul3A_3652 = arith.constant 1.44269502 : f32
    %mul3A_3653 = vector.broadcast %mul3A_3652 : f32 to vector<40x128xf32>
    %mul3A_3654 = arith.mulf %get3A_3651, %mul3A_3653 : vector<40x128xf32>
    %sub3A_3655 = arith.subf %mul3A_3654, %mul3A_2262 : vector<40x128xf32>
    %exp23A_3656 = math.exp2 %sub3A_3655 : vector<40x128xf32>
    %add3A_3657 = arith.addf %add3A_3648, %exp23A_3656 : vector<40x128xf32>
    %get3A_3658 = arith.constant 6200 : index
    %get3A_3659 = arith.constant 0 : index
    %get3A_3660 = vector.load %arg1[%get3A_3658, %get3A_3659] : memref<10000x128xf32, #tpu.memory_space<vmem>>, vector<40x128xf32>
    %mul3A_3661 = arith.constant 1.44269502 : f32
    %mul3A_3662 = vector.broadcast %mul3A_3661 : f32 to vector<40x128xf32>
    %mul3A_3663 = arith.mulf %get3A_3660, %mul3A_3662 : vector<40x128xf32>
    %sub3A_3664 = arith.subf %mul3A_3663, %mul3A_2262 : vector<40x128xf32>
    %exp23A_3665 = math.exp2 %sub3A_3664 : vector<40x128xf32>
    %add3A_3666 = arith.addf %add3A_3657, %exp23A_3665 : vector<40x128xf32>
    %get3A_3667 = arith.constant 6240 : index
    %get3A_3668 = arith.constant 0 : index
    %get3A_3669 = vector.load %arg1[%get3A_3667, %get3A_3668] : memref<10000x128xf32, #tpu.memory_space<vmem>>, vector<40x128xf32>
    %mul3A_3670 = arith.constant 1.44269502 : f32
    %mul3A_3671 = vector.broadcast %mul3A_3670 : f32 to vector<40x128xf32>
    %mul3A_3672 = arith.mulf %get3A_3669, %mul3A_3671 : vector<40x128xf32>
    %sub3A_3673 = arith.subf %mul3A_3672, %mul3A_2262 : vector<40x128xf32>
    %exp23A_3674 = math.exp2 %sub3A_3673 : vector<40x128xf32>
    %add3A_3675 = arith.addf %add3A_3666, %exp23A_3674 : vector<40x128xf32>
    %get3A_3676 = arith.constant 6280 : index
    %get3A_3677 = arith.constant 0 : index
    %get3A_3678 = vector.load %arg1[%get3A_3676, %get3A_3677] : memref<10000x128xf32, #tpu.memory_space<vmem>>, vector<40x128xf32>
    %mul3A_3679 = arith.constant 1.44269502 : f32
    %mul3A_3680 = vector.broadcast %mul3A_3679 : f32 to vector<40x128xf32>
    %mul3A_3681 = arith.mulf %get3A_3678, %mul3A_3680 : vector<40x128xf32>
    %sub3A_3682 = arith.subf %mul3A_3681, %mul3A_2262 : vector<40x128xf32>
    %exp23A_3683 = math.exp2 %sub3A_3682 : vector<40x128xf32>
    %add3A_3684 = arith.addf %add3A_3675, %exp23A_3683 : vector<40x128xf32>
    %get3A_3685 = arith.constant 6320 : index
    %get3A_3686 = arith.constant 0 : index
    %get3A_3687 = vector.load %arg1[%get3A_3685, %get3A_3686] : memref<10000x128xf32, #tpu.memory_space<vmem>>, vector<40x128xf32>
    %mul3A_3688 = arith.constant 1.44269502 : f32
    %mul3A_3689 = vector.broadcast %mul3A_3688 : f32 to vector<40x128xf32>
    %mul3A_3690 = arith.mulf %get3A_3687, %mul3A_3689 : vector<40x128xf32>
    %sub3A_3691 = arith.subf %mul3A_3690, %mul3A_2262 : vector<40x128xf32>
    %exp23A_3692 = math.exp2 %sub3A_3691 : vector<40x128xf32>
    %add3A_3693 = arith.addf %add3A_3684, %exp23A_3692 : vector<40x128xf32>
    %get3A_3694 = arith.constant 6360 : index
    %get3A_3695 = arith.constant 0 : index
    %get3A_3696 = vector.load %arg1[%get3A_3694, %get3A_3695] : memref<10000x128xf32, #tpu.memory_space<vmem>>, vector<40x128xf32>
    %mul3A_3697 = arith.constant 1.44269502 : f32
    %mul3A_3698 = vector.broadcast %mul3A_3697 : f32 to vector<40x128xf32>
    %mul3A_3699 = arith.mulf %get3A_3696, %mul3A_3698 : vector<40x128xf32>
    %sub3A_3700 = arith.subf %mul3A_3699, %mul3A_2262 : vector<40x128xf32>
    %exp23A_3701 = math.exp2 %sub3A_3700 : vector<40x128xf32>
    %add3A_3702 = arith.addf %add3A_3693, %exp23A_3701 : vector<40x128xf32>
    %get3A_3703 = arith.constant 6400 : index
    %get3A_3704 = arith.constant 0 : index
    %get3A_3705 = vector.load %arg1[%get3A_3703, %get3A_3704] : memref<10000x128xf32, #tpu.memory_space<vmem>>, vector<40x128xf32>
    %mul3A_3706 = arith.constant 1.44269502 : f32
    %mul3A_3707 = vector.broadcast %mul3A_3706 : f32 to vector<40x128xf32>
    %mul3A_3708 = arith.mulf %get3A_3705, %mul3A_3707 : vector<40x128xf32>
    %sub3A_3709 = arith.subf %mul3A_3708, %mul3A_2262 : vector<40x128xf32>
    %exp23A_3710 = math.exp2 %sub3A_3709 : vector<40x128xf32>
    %add3A_3711 = arith.addf %add3A_3702, %exp23A_3710 : vector<40x128xf32>
    %get3A_3712 = arith.constant 6440 : index
    %get3A_3713 = arith.constant 0 : index
    %get3A_3714 = vector.load %arg1[%get3A_3712, %get3A_3713] : memref<10000x128xf32, #tpu.memory_space<vmem>>, vector<40x128xf32>
    %mul3A_3715 = arith.constant 1.44269502 : f32
    %mul3A_3716 = vector.broadcast %mul3A_3715 : f32 to vector<40x128xf32>
    %mul3A_3717 = arith.mulf %get3A_3714, %mul3A_3716 : vector<40x128xf32>
    %sub3A_3718 = arith.subf %mul3A_3717, %mul3A_2262 : vector<40x128xf32>
    %exp23A_3719 = math.exp2 %sub3A_3718 : vector<40x128xf32>
    %add3A_3720 = arith.addf %add3A_3711, %exp23A_3719 : vector<40x128xf32>
    %get3A_3721 = arith.constant 6480 : index
    %get3A_3722 = arith.constant 0 : index
    %get3A_3723 = vector.load %arg1[%get3A_3721, %get3A_3722] : memref<10000x128xf32, #tpu.memory_space<vmem>>, vector<40x128xf32>
    %mul3A_3724 = arith.constant 1.44269502 : f32
    %mul3A_3725 = vector.broadcast %mul3A_3724 : f32 to vector<40x128xf32>
    %mul3A_3726 = arith.mulf %get3A_3723, %mul3A_3725 : vector<40x128xf32>
    %sub3A_3727 = arith.subf %mul3A_3726, %mul3A_2262 : vector<40x128xf32>
    %exp23A_3728 = math.exp2 %sub3A_3727 : vector<40x128xf32>
    %add3A_3729 = arith.addf %add3A_3720, %exp23A_3728 : vector<40x128xf32>
    %get3A_3730 = arith.constant 6520 : index
    %get3A_3731 = arith.constant 0 : index
    %get3A_3732 = vector.load %arg1[%get3A_3730, %get3A_3731] : memref<10000x128xf32, #tpu.memory_space<vmem>>, vector<40x128xf32>
    %mul3A_3733 = arith.constant 1.44269502 : f32
    %mul3A_3734 = vector.broadcast %mul3A_3733 : f32 to vector<40x128xf32>
    %mul3A_3735 = arith.mulf %get3A_3732, %mul3A_3734 : vector<40x128xf32>
    %sub3A_3736 = arith.subf %mul3A_3735, %mul3A_2262 : vector<40x128xf32>
    %exp23A_3737 = math.exp2 %sub3A_3736 : vector<40x128xf32>
    %add3A_3738 = arith.addf %add3A_3729, %exp23A_3737 : vector<40x128xf32>
    %get3A_3739 = arith.constant 6560 : index
    %get3A_3740 = arith.constant 0 : index
    %get3A_3741 = vector.load %arg1[%get3A_3739, %get3A_3740] : memref<10000x128xf32, #tpu.memory_space<vmem>>, vector<40x128xf32>
    %mul3A_3742 = arith.constant 1.44269502 : f32
    %mul3A_3743 = vector.broadcast %mul3A_3742 : f32 to vector<40x128xf32>
    %mul3A_3744 = arith.mulf %get3A_3741, %mul3A_3743 : vector<40x128xf32>
    %sub3A_3745 = arith.subf %mul3A_3744, %mul3A_2262 : vector<40x128xf32>
    %exp23A_3746 = math.exp2 %sub3A_3745 : vector<40x128xf32>
    %add3A_3747 = arith.addf %add3A_3738, %exp23A_3746 : vector<40x128xf32>
    %get3A_3748 = arith.constant 6600 : index
    %get3A_3749 = arith.constant 0 : index
    %get3A_3750 = vector.load %arg1[%get3A_3748, %get3A_3749] : memref<10000x128xf32, #tpu.memory_space<vmem>>, vector<40x128xf32>
    %mul3A_3751 = arith.constant 1.44269502 : f32
    %mul3A_3752 = vector.broadcast %mul3A_3751 : f32 to vector<40x128xf32>
    %mul3A_3753 = arith.mulf %get3A_3750, %mul3A_3752 : vector<40x128xf32>
    %sub3A_3754 = arith.subf %mul3A_3753, %mul3A_2262 : vector<40x128xf32>
    %exp23A_3755 = math.exp2 %sub3A_3754 : vector<40x128xf32>
    %add3A_3756 = arith.addf %add3A_3747, %exp23A_3755 : vector<40x128xf32>
    %get3A_3757 = arith.constant 6640 : index
    %get3A_3758 = arith.constant 0 : index
    %get3A_3759 = vector.load %arg1[%get3A_3757, %get3A_3758] : memref<10000x128xf32, #tpu.memory_space<vmem>>, vector<40x128xf32>
    %mul3A_3760 = arith.constant 1.44269502 : f32
    %mul3A_3761 = vector.broadcast %mul3A_3760 : f32 to vector<40x128xf32>
    %mul3A_3762 = arith.mulf %get3A_3759, %mul3A_3761 : vector<40x128xf32>
    %sub3A_3763 = arith.subf %mul3A_3762, %mul3A_2262 : vector<40x128xf32>
    %exp23A_3764 = math.exp2 %sub3A_3763 : vector<40x128xf32>
    %add3A_3765 = arith.addf %add3A_3756, %exp23A_3764 : vector<40x128xf32>
    %get3A_3766 = arith.constant 6680 : index
    %get3A_3767 = arith.constant 0 : index
    %get3A_3768 = vector.load %arg1[%get3A_3766, %get3A_3767] : memref<10000x128xf32, #tpu.memory_space<vmem>>, vector<40x128xf32>
    %mul3A_3769 = arith.constant 1.44269502 : f32
    %mul3A_3770 = vector.broadcast %mul3A_3769 : f32 to vector<40x128xf32>
    %mul3A_3771 = arith.mulf %get3A_3768, %mul3A_3770 : vector<40x128xf32>
    %sub3A_3772 = arith.subf %mul3A_3771, %mul3A_2262 : vector<40x128xf32>
    %exp23A_3773 = math.exp2 %sub3A_3772 : vector<40x128xf32>
    %add3A_3774 = arith.addf %add3A_3765, %exp23A_3773 : vector<40x128xf32>
    %get3A_3775 = arith.constant 6720 : index
    %get3A_3776 = arith.constant 0 : index
    %get3A_3777 = vector.load %arg1[%get3A_3775, %get3A_3776] : memref<10000x128xf32, #tpu.memory_space<vmem>>, vector<40x128xf32>
    %mul3A_3778 = arith.constant 1.44269502 : f32
    %mul3A_3779 = vector.broadcast %mul3A_3778 : f32 to vector<40x128xf32>
    %mul3A_3780 = arith.mulf %get3A_3777, %mul3A_3779 : vector<40x128xf32>
    %sub3A_3781 = arith.subf %mul3A_3780, %mul3A_2262 : vector<40x128xf32>
    %exp23A_3782 = math.exp2 %sub3A_3781 : vector<40x128xf32>
    %add3A_3783 = arith.addf %add3A_3774, %exp23A_3782 : vector<40x128xf32>
    %get3A_3784 = arith.constant 6760 : index
    %get3A_3785 = arith.constant 0 : index
    %get3A_3786 = vector.load %arg1[%get3A_3784, %get3A_3785] : memref<10000x128xf32, #tpu.memory_space<vmem>>, vector<40x128xf32>
    %mul3A_3787 = arith.constant 1.44269502 : f32
    %mul3A_3788 = vector.broadcast %mul3A_3787 : f32 to vector<40x128xf32>
    %mul3A_3789 = arith.mulf %get3A_3786, %mul3A_3788 : vector<40x128xf32>
    %sub3A_3790 = arith.subf %mul3A_3789, %mul3A_2262 : vector<40x128xf32>
    %exp23A_3791 = math.exp2 %sub3A_3790 : vector<40x128xf32>
    %add3A_3792 = arith.addf %add3A_3783, %exp23A_3791 : vector<40x128xf32>
    %get3A_3793 = arith.constant 6800 : index
    %get3A_3794 = arith.constant 0 : index
    %get3A_3795 = vector.load %arg1[%get3A_3793, %get3A_3794] : memref<10000x128xf32, #tpu.memory_space<vmem>>, vector<40x128xf32>
    %mul3A_3796 = arith.constant 1.44269502 : f32
    %mul3A_3797 = vector.broadcast %mul3A_3796 : f32 to vector<40x128xf32>
    %mul3A_3798 = arith.mulf %get3A_3795, %mul3A_3797 : vector<40x128xf32>
    %sub3A_3799 = arith.subf %mul3A_3798, %mul3A_2262 : vector<40x128xf32>
    %exp23A_3800 = math.exp2 %sub3A_3799 : vector<40x128xf32>
    %add3A_3801 = arith.addf %add3A_3792, %exp23A_3800 : vector<40x128xf32>
    %get3A_3802 = arith.constant 6840 : index
    %get3A_3803 = arith.constant 0 : index
    %get3A_3804 = vector.load %arg1[%get3A_3802, %get3A_3803] : memref<10000x128xf32, #tpu.memory_space<vmem>>, vector<40x128xf32>
    %mul3A_3805 = arith.constant 1.44269502 : f32
    %mul3A_3806 = vector.broadcast %mul3A_3805 : f32 to vector<40x128xf32>
    %mul3A_3807 = arith.mulf %get3A_3804, %mul3A_3806 : vector<40x128xf32>
    %sub3A_3808 = arith.subf %mul3A_3807, %mul3A_2262 : vector<40x128xf32>
    %exp23A_3809 = math.exp2 %sub3A_3808 : vector<40x128xf32>
    %add3A_3810 = arith.addf %add3A_3801, %exp23A_3809 : vector<40x128xf32>
    %get3A_3811 = arith.constant 6880 : index
    %get3A_3812 = arith.constant 0 : index
    %get3A_3813 = vector.load %arg1[%get3A_3811, %get3A_3812] : memref<10000x128xf32, #tpu.memory_space<vmem>>, vector<40x128xf32>
    %mul3A_3814 = arith.constant 1.44269502 : f32
    %mul3A_3815 = vector.broadcast %mul3A_3814 : f32 to vector<40x128xf32>
    %mul3A_3816 = arith.mulf %get3A_3813, %mul3A_3815 : vector<40x128xf32>
    %sub3A_3817 = arith.subf %mul3A_3816, %mul3A_2262 : vector<40x128xf32>
    %exp23A_3818 = math.exp2 %sub3A_3817 : vector<40x128xf32>
    %add3A_3819 = arith.addf %add3A_3810, %exp23A_3818 : vector<40x128xf32>
    %get3A_3820 = arith.constant 6920 : index
    %get3A_3821 = arith.constant 0 : index
    %get3A_3822 = vector.load %arg1[%get3A_3820, %get3A_3821] : memref<10000x128xf32, #tpu.memory_space<vmem>>, vector<40x128xf32>
    %mul3A_3823 = arith.constant 1.44269502 : f32
    %mul3A_3824 = vector.broadcast %mul3A_3823 : f32 to vector<40x128xf32>
    %mul3A_3825 = arith.mulf %get3A_3822, %mul3A_3824 : vector<40x128xf32>
    %sub3A_3826 = arith.subf %mul3A_3825, %mul3A_2262 : vector<40x128xf32>
    %exp23A_3827 = math.exp2 %sub3A_3826 : vector<40x128xf32>
    %add3A_3828 = arith.addf %add3A_3819, %exp23A_3827 : vector<40x128xf32>
    %get3A_3829 = arith.constant 6960 : index
    %get3A_3830 = arith.constant 0 : index
    %get3A_3831 = vector.load %arg1[%get3A_3829, %get3A_3830] : memref<10000x128xf32, #tpu.memory_space<vmem>>, vector<40x128xf32>
    %mul3A_3832 = arith.constant 1.44269502 : f32
    %mul3A_3833 = vector.broadcast %mul3A_3832 : f32 to vector<40x128xf32>
    %mul3A_3834 = arith.mulf %get3A_3831, %mul3A_3833 : vector<40x128xf32>
    %sub3A_3835 = arith.subf %mul3A_3834, %mul3A_2262 : vector<40x128xf32>
    %exp23A_3836 = math.exp2 %sub3A_3835 : vector<40x128xf32>
    %add3A_3837 = arith.addf %add3A_3828, %exp23A_3836 : vector<40x128xf32>
    %get3A_3838 = arith.constant 7000 : index
    %get3A_3839 = arith.constant 0 : index
    %get3A_3840 = vector.load %arg1[%get3A_3838, %get3A_3839] : memref<10000x128xf32, #tpu.memory_space<vmem>>, vector<40x128xf32>
    %mul3A_3841 = arith.constant 1.44269502 : f32
    %mul3A_3842 = vector.broadcast %mul3A_3841 : f32 to vector<40x128xf32>
    %mul3A_3843 = arith.mulf %get3A_3840, %mul3A_3842 : vector<40x128xf32>
    %sub3A_3844 = arith.subf %mul3A_3843, %mul3A_2262 : vector<40x128xf32>
    %exp23A_3845 = math.exp2 %sub3A_3844 : vector<40x128xf32>
    %add3A_3846 = arith.addf %add3A_3837, %exp23A_3845 : vector<40x128xf32>
    %get3A_3847 = arith.constant 7040 : index
    %get3A_3848 = arith.constant 0 : index
    %get3A_3849 = vector.load %arg1[%get3A_3847, %get3A_3848] : memref<10000x128xf32, #tpu.memory_space<vmem>>, vector<40x128xf32>
    %mul3A_3850 = arith.constant 1.44269502 : f32
    %mul3A_3851 = vector.broadcast %mul3A_3850 : f32 to vector<40x128xf32>
    %mul3A_3852 = arith.mulf %get3A_3849, %mul3A_3851 : vector<40x128xf32>
    %sub3A_3853 = arith.subf %mul3A_3852, %mul3A_2262 : vector<40x128xf32>
    %exp23A_3854 = math.exp2 %sub3A_3853 : vector<40x128xf32>
    %add3A_3855 = arith.addf %add3A_3846, %exp23A_3854 : vector<40x128xf32>
    %get3A_3856 = arith.constant 7080 : index
    %get3A_3857 = arith.constant 0 : index
    %get3A_3858 = vector.load %arg1[%get3A_3856, %get3A_3857] : memref<10000x128xf32, #tpu.memory_space<vmem>>, vector<40x128xf32>
    %mul3A_3859 = arith.constant 1.44269502 : f32
    %mul3A_3860 = vector.broadcast %mul3A_3859 : f32 to vector<40x128xf32>
    %mul3A_3861 = arith.mulf %get3A_3858, %mul3A_3860 : vector<40x128xf32>
    %sub3A_3862 = arith.subf %mul3A_3861, %mul3A_2262 : vector<40x128xf32>
    %exp23A_3863 = math.exp2 %sub3A_3862 : vector<40x128xf32>
    %add3A_3864 = arith.addf %add3A_3855, %exp23A_3863 : vector<40x128xf32>
    %get3A_3865 = arith.constant 7120 : index
    %get3A_3866 = arith.constant 0 : index
    %get3A_3867 = vector.load %arg1[%get3A_3865, %get3A_3866] : memref<10000x128xf32, #tpu.memory_space<vmem>>, vector<40x128xf32>
    %mul3A_3868 = arith.constant 1.44269502 : f32
    %mul3A_3869 = vector.broadcast %mul3A_3868 : f32 to vector<40x128xf32>
    %mul3A_3870 = arith.mulf %get3A_3867, %mul3A_3869 : vector<40x128xf32>
    %sub3A_3871 = arith.subf %mul3A_3870, %mul3A_2262 : vector<40x128xf32>
    %exp23A_3872 = math.exp2 %sub3A_3871 : vector<40x128xf32>
    %add3A_3873 = arith.addf %add3A_3864, %exp23A_3872 : vector<40x128xf32>
    %get3A_3874 = arith.constant 7160 : index
    %get3A_3875 = arith.constant 0 : index
    %get3A_3876 = vector.load %arg1[%get3A_3874, %get3A_3875] : memref<10000x128xf32, #tpu.memory_space<vmem>>, vector<40x128xf32>
    %mul3A_3877 = arith.constant 1.44269502 : f32
    %mul3A_3878 = vector.broadcast %mul3A_3877 : f32 to vector<40x128xf32>
    %mul3A_3879 = arith.mulf %get3A_3876, %mul3A_3878 : vector<40x128xf32>
    %sub3A_3880 = arith.subf %mul3A_3879, %mul3A_2262 : vector<40x128xf32>
    %exp23A_3881 = math.exp2 %sub3A_3880 : vector<40x128xf32>
    %add3A_3882 = arith.addf %add3A_3873, %exp23A_3881 : vector<40x128xf32>
    %get3A_3883 = arith.constant 7200 : index
    %get3A_3884 = arith.constant 0 : index
    %get3A_3885 = vector.load %arg1[%get3A_3883, %get3A_3884] : memref<10000x128xf32, #tpu.memory_space<vmem>>, vector<40x128xf32>
    %mul3A_3886 = arith.constant 1.44269502 : f32
    %mul3A_3887 = vector.broadcast %mul3A_3886 : f32 to vector<40x128xf32>
    %mul3A_3888 = arith.mulf %get3A_3885, %mul3A_3887 : vector<40x128xf32>
    %sub3A_3889 = arith.subf %mul3A_3888, %mul3A_2262 : vector<40x128xf32>
    %exp23A_3890 = math.exp2 %sub3A_3889 : vector<40x128xf32>
    %add3A_3891 = arith.addf %add3A_3882, %exp23A_3890 : vector<40x128xf32>
    %get3A_3892 = arith.constant 7240 : index
    %get3A_3893 = arith.constant 0 : index
    %get3A_3894 = vector.load %arg1[%get3A_3892, %get3A_3893] : memref<10000x128xf32, #tpu.memory_space<vmem>>, vector<40x128xf32>
    %mul3A_3895 = arith.constant 1.44269502 : f32
    %mul3A_3896 = vector.broadcast %mul3A_3895 : f32 to vector<40x128xf32>
    %mul3A_3897 = arith.mulf %get3A_3894, %mul3A_3896 : vector<40x128xf32>
    %sub3A_3898 = arith.subf %mul3A_3897, %mul3A_2262 : vector<40x128xf32>
    %exp23A_3899 = math.exp2 %sub3A_3898 : vector<40x128xf32>
    %add3A_3900 = arith.addf %add3A_3891, %exp23A_3899 : vector<40x128xf32>
    %get3A_3901 = arith.constant 7280 : index
    %get3A_3902 = arith.constant 0 : index
    %get3A_3903 = vector.load %arg1[%get3A_3901, %get3A_3902] : memref<10000x128xf32, #tpu.memory_space<vmem>>, vector<40x128xf32>
    %mul3A_3904 = arith.constant 1.44269502 : f32
    %mul3A_3905 = vector.broadcast %mul3A_3904 : f32 to vector<40x128xf32>
    %mul3A_3906 = arith.mulf %get3A_3903, %mul3A_3905 : vector<40x128xf32>
    %sub3A_3907 = arith.subf %mul3A_3906, %mul3A_2262 : vector<40x128xf32>
    %exp23A_3908 = math.exp2 %sub3A_3907 : vector<40x128xf32>
    %add3A_3909 = arith.addf %add3A_3900, %exp23A_3908 : vector<40x128xf32>
    %get3A_3910 = arith.constant 7320 : index
    %get3A_3911 = arith.constant 0 : index
    %get3A_3912 = vector.load %arg1[%get3A_3910, %get3A_3911] : memref<10000x128xf32, #tpu.memory_space<vmem>>, vector<40x128xf32>
    %mul3A_3913 = arith.constant 1.44269502 : f32
    %mul3A_3914 = vector.broadcast %mul3A_3913 : f32 to vector<40x128xf32>
    %mul3A_3915 = arith.mulf %get3A_3912, %mul3A_3914 : vector<40x128xf32>
    %sub3A_3916 = arith.subf %mul3A_3915, %mul3A_2262 : vector<40x128xf32>
    %exp23A_3917 = math.exp2 %sub3A_3916 : vector<40x128xf32>
    %add3A_3918 = arith.addf %add3A_3909, %exp23A_3917 : vector<40x128xf32>
    %get3A_3919 = arith.constant 7360 : index
    %get3A_3920 = arith.constant 0 : index
    %get3A_3921 = vector.load %arg1[%get3A_3919, %get3A_3920] : memref<10000x128xf32, #tpu.memory_space<vmem>>, vector<40x128xf32>
    %mul3A_3922 = arith.constant 1.44269502 : f32
    %mul3A_3923 = vector.broadcast %mul3A_3922 : f32 to vector<40x128xf32>
    %mul3A_3924 = arith.mulf %get3A_3921, %mul3A_3923 : vector<40x128xf32>
    %sub3A_3925 = arith.subf %mul3A_3924, %mul3A_2262 : vector<40x128xf32>
    %exp23A_3926 = math.exp2 %sub3A_3925 : vector<40x128xf32>
    %add3A_3927 = arith.addf %add3A_3918, %exp23A_3926 : vector<40x128xf32>
    %get3A_3928 = arith.constant 7400 : index
    %get3A_3929 = arith.constant 0 : index
    %get3A_3930 = vector.load %arg1[%get3A_3928, %get3A_3929] : memref<10000x128xf32, #tpu.memory_space<vmem>>, vector<40x128xf32>
    %mul3A_3931 = arith.constant 1.44269502 : f32
    %mul3A_3932 = vector.broadcast %mul3A_3931 : f32 to vector<40x128xf32>
    %mul3A_3933 = arith.mulf %get3A_3930, %mul3A_3932 : vector<40x128xf32>
    %sub3A_3934 = arith.subf %mul3A_3933, %mul3A_2262 : vector<40x128xf32>
    %exp23A_3935 = math.exp2 %sub3A_3934 : vector<40x128xf32>
    %add3A_3936 = arith.addf %add3A_3927, %exp23A_3935 : vector<40x128xf32>
    %get3A_3937 = arith.constant 7440 : index
    %get3A_3938 = arith.constant 0 : index
    %get3A_3939 = vector.load %arg1[%get3A_3937, %get3A_3938] : memref<10000x128xf32, #tpu.memory_space<vmem>>, vector<40x128xf32>
    %mul3A_3940 = arith.constant 1.44269502 : f32
    %mul3A_3941 = vector.broadcast %mul3A_3940 : f32 to vector<40x128xf32>
    %mul3A_3942 = arith.mulf %get3A_3939, %mul3A_3941 : vector<40x128xf32>
    %sub3A_3943 = arith.subf %mul3A_3942, %mul3A_2262 : vector<40x128xf32>
    %exp23A_3944 = math.exp2 %sub3A_3943 : vector<40x128xf32>
    %add3A_3945 = arith.addf %add3A_3936, %exp23A_3944 : vector<40x128xf32>
    %get3A_3946 = arith.constant 7480 : index
    %get3A_3947 = arith.constant 0 : index
    %get3A_3948 = vector.load %arg1[%get3A_3946, %get3A_3947] : memref<10000x128xf32, #tpu.memory_space<vmem>>, vector<40x128xf32>
    %mul3A_3949 = arith.constant 1.44269502 : f32
    %mul3A_3950 = vector.broadcast %mul3A_3949 : f32 to vector<40x128xf32>
    %mul3A_3951 = arith.mulf %get3A_3948, %mul3A_3950 : vector<40x128xf32>
    %sub3A_3952 = arith.subf %mul3A_3951, %mul3A_2262 : vector<40x128xf32>
    %exp23A_3953 = math.exp2 %sub3A_3952 : vector<40x128xf32>
    %add3A_3954 = arith.addf %add3A_3945, %exp23A_3953 : vector<40x128xf32>
    %get3A_3955 = arith.constant 7520 : index
    %get3A_3956 = arith.constant 0 : index
    %get3A_3957 = vector.load %arg1[%get3A_3955, %get3A_3956] : memref<10000x128xf32, #tpu.memory_space<vmem>>, vector<40x128xf32>
    %mul3A_3958 = arith.constant 1.44269502 : f32
    %mul3A_3959 = vector.broadcast %mul3A_3958 : f32 to vector<40x128xf32>
    %mul3A_3960 = arith.mulf %get3A_3957, %mul3A_3959 : vector<40x128xf32>
    %sub3A_3961 = arith.subf %mul3A_3960, %mul3A_2262 : vector<40x128xf32>
    %exp23A_3962 = math.exp2 %sub3A_3961 : vector<40x128xf32>
    %add3A_3963 = arith.addf %add3A_3954, %exp23A_3962 : vector<40x128xf32>
    %get3A_3964 = arith.constant 7560 : index
    %get3A_3965 = arith.constant 0 : index
    %get3A_3966 = vector.load %arg1[%get3A_3964, %get3A_3965] : memref<10000x128xf32, #tpu.memory_space<vmem>>, vector<40x128xf32>
    %mul3A_3967 = arith.constant 1.44269502 : f32
    %mul3A_3968 = vector.broadcast %mul3A_3967 : f32 to vector<40x128xf32>
    %mul3A_3969 = arith.mulf %get3A_3966, %mul3A_3968 : vector<40x128xf32>
    %sub3A_3970 = arith.subf %mul3A_3969, %mul3A_2262 : vector<40x128xf32>
    %exp23A_3971 = math.exp2 %sub3A_3970 : vector<40x128xf32>
    %add3A_3972 = arith.addf %add3A_3963, %exp23A_3971 : vector<40x128xf32>
    %get3A_3973 = arith.constant 7600 : index
    %get3A_3974 = arith.constant 0 : index
    %get3A_3975 = vector.load %arg1[%get3A_3973, %get3A_3974] : memref<10000x128xf32, #tpu.memory_space<vmem>>, vector<40x128xf32>
    %mul3A_3976 = arith.constant 1.44269502 : f32
    %mul3A_3977 = vector.broadcast %mul3A_3976 : f32 to vector<40x128xf32>
    %mul3A_3978 = arith.mulf %get3A_3975, %mul3A_3977 : vector<40x128xf32>
    %sub3A_3979 = arith.subf %mul3A_3978, %mul3A_2262 : vector<40x128xf32>
    %exp23A_3980 = math.exp2 %sub3A_3979 : vector<40x128xf32>
    %add3A_3981 = arith.addf %add3A_3972, %exp23A_3980 : vector<40x128xf32>
    %get3A_3982 = arith.constant 7640 : index
    %get3A_3983 = arith.constant 0 : index
    %get3A_3984 = vector.load %arg1[%get3A_3982, %get3A_3983] : memref<10000x128xf32, #tpu.memory_space<vmem>>, vector<40x128xf32>
    %mul3A_3985 = arith.constant 1.44269502 : f32
    %mul3A_3986 = vector.broadcast %mul3A_3985 : f32 to vector<40x128xf32>
    %mul3A_3987 = arith.mulf %get3A_3984, %mul3A_3986 : vector<40x128xf32>
    %sub3A_3988 = arith.subf %mul3A_3987, %mul3A_2262 : vector<40x128xf32>
    %exp23A_3989 = math.exp2 %sub3A_3988 : vector<40x128xf32>
    %add3A_3990 = arith.addf %add3A_3981, %exp23A_3989 : vector<40x128xf32>
    %get3A_3991 = arith.constant 7680 : index
    %get3A_3992 = arith.constant 0 : index
    %get3A_3993 = vector.load %arg1[%get3A_3991, %get3A_3992] : memref<10000x128xf32, #tpu.memory_space<vmem>>, vector<40x128xf32>
    %mul3A_3994 = arith.constant 1.44269502 : f32
    %mul3A_3995 = vector.broadcast %mul3A_3994 : f32 to vector<40x128xf32>
    %mul3A_3996 = arith.mulf %get3A_3993, %mul3A_3995 : vector<40x128xf32>
    %sub3A_3997 = arith.subf %mul3A_3996, %mul3A_2262 : vector<40x128xf32>
    %exp23A_3998 = math.exp2 %sub3A_3997 : vector<40x128xf32>
    %add3A_3999 = arith.addf %add3A_3990, %exp23A_3998 : vector<40x128xf32>
    %get3A_4000 = arith.constant 7720 : index
    %get3A_4001 = arith.constant 0 : index
    %get3A_4002 = vector.load %arg1[%get3A_4000, %get3A_4001] : memref<10000x128xf32, #tpu.memory_space<vmem>>, vector<40x128xf32>
    %mul3A_4003 = arith.constant 1.44269502 : f32
    %mul3A_4004 = vector.broadcast %mul3A_4003 : f32 to vector<40x128xf32>
    %mul3A_4005 = arith.mulf %get3A_4002, %mul3A_4004 : vector<40x128xf32>
    %sub3A_4006 = arith.subf %mul3A_4005, %mul3A_2262 : vector<40x128xf32>
    %exp23A_4007 = math.exp2 %sub3A_4006 : vector<40x128xf32>
    %add3A_4008 = arith.addf %add3A_3999, %exp23A_4007 : vector<40x128xf32>
    %get3A_4009 = arith.constant 7760 : index
    %get3A_4010 = arith.constant 0 : index
    %get3A_4011 = vector.load %arg1[%get3A_4009, %get3A_4010] : memref<10000x128xf32, #tpu.memory_space<vmem>>, vector<40x128xf32>
    %mul3A_4012 = arith.constant 1.44269502 : f32
    %mul3A_4013 = vector.broadcast %mul3A_4012 : f32 to vector<40x128xf32>
    %mul3A_4014 = arith.mulf %get3A_4011, %mul3A_4013 : vector<40x128xf32>
    %sub3A_4015 = arith.subf %mul3A_4014, %mul3A_2262 : vector<40x128xf32>
    %exp23A_4016 = math.exp2 %sub3A_4015 : vector<40x128xf32>
    %add3A_4017 = arith.addf %add3A_4008, %exp23A_4016 : vector<40x128xf32>
    %get3A_4018 = arith.constant 7800 : index
    %get3A_4019 = arith.constant 0 : index
    %get3A_4020 = vector.load %arg1[%get3A_4018, %get3A_4019] : memref<10000x128xf32, #tpu.memory_space<vmem>>, vector<40x128xf32>
    %mul3A_4021 = arith.constant 1.44269502 : f32
    %mul3A_4022 = vector.broadcast %mul3A_4021 : f32 to vector<40x128xf32>
    %mul3A_4023 = arith.mulf %get3A_4020, %mul3A_4022 : vector<40x128xf32>
    %sub3A_4024 = arith.subf %mul3A_4023, %mul3A_2262 : vector<40x128xf32>
    %exp23A_4025 = math.exp2 %sub3A_4024 : vector<40x128xf32>
    %add3A_4026 = arith.addf %add3A_4017, %exp23A_4025 : vector<40x128xf32>
    %get3A_4027 = arith.constant 7840 : index
    %get3A_4028 = arith.constant 0 : index
    %get3A_4029 = vector.load %arg1[%get3A_4027, %get3A_4028] : memref<10000x128xf32, #tpu.memory_space<vmem>>, vector<40x128xf32>
    %mul3A_4030 = arith.constant 1.44269502 : f32
    %mul3A_4031 = vector.broadcast %mul3A_4030 : f32 to vector<40x128xf32>
    %mul3A_4032 = arith.mulf %get3A_4029, %mul3A_4031 : vector<40x128xf32>
    %sub3A_4033 = arith.subf %mul3A_4032, %mul3A_2262 : vector<40x128xf32>
    %exp23A_4034 = math.exp2 %sub3A_4033 : vector<40x128xf32>
    %add3A_4035 = arith.addf %add3A_4026, %exp23A_4034 : vector<40x128xf32>
    %get3A_4036 = arith.constant 7880 : index
    %get3A_4037 = arith.constant 0 : index
    %get3A_4038 = vector.load %arg1[%get3A_4036, %get3A_4037] : memref<10000x128xf32, #tpu.memory_space<vmem>>, vector<40x128xf32>
    %mul3A_4039 = arith.constant 1.44269502 : f32
    %mul3A_4040 = vector.broadcast %mul3A_4039 : f32 to vector<40x128xf32>
    %mul3A_4041 = arith.mulf %get3A_4038, %mul3A_4040 : vector<40x128xf32>
    %sub3A_4042 = arith.subf %mul3A_4041, %mul3A_2262 : vector<40x128xf32>
    %exp23A_4043 = math.exp2 %sub3A_4042 : vector<40x128xf32>
    %add3A_4044 = arith.addf %add3A_4035, %exp23A_4043 : vector<40x128xf32>
    %get3A_4045 = arith.constant 7920 : index
    %get3A_4046 = arith.constant 0 : index
    %get3A_4047 = vector.load %arg1[%get3A_4045, %get3A_4046] : memref<10000x128xf32, #tpu.memory_space<vmem>>, vector<40x128xf32>
    %mul3A_4048 = arith.constant 1.44269502 : f32
    %mul3A_4049 = vector.broadcast %mul3A_4048 : f32 to vector<40x128xf32>
    %mul3A_4050 = arith.mulf %get3A_4047, %mul3A_4049 : vector<40x128xf32>
    %sub3A_4051 = arith.subf %mul3A_4050, %mul3A_2262 : vector<40x128xf32>
    %exp23A_4052 = math.exp2 %sub3A_4051 : vector<40x128xf32>
    %add3A_4053 = arith.addf %add3A_4044, %exp23A_4052 : vector<40x128xf32>
    %get3A_4054 = arith.constant 7960 : index
    %get3A_4055 = arith.constant 0 : index
    %get3A_4056 = vector.load %arg1[%get3A_4054, %get3A_4055] : memref<10000x128xf32, #tpu.memory_space<vmem>>, vector<40x128xf32>
    %mul3A_4057 = arith.constant 1.44269502 : f32
    %mul3A_4058 = vector.broadcast %mul3A_4057 : f32 to vector<40x128xf32>
    %mul3A_4059 = arith.mulf %get3A_4056, %mul3A_4058 : vector<40x128xf32>
    %sub3A_4060 = arith.subf %mul3A_4059, %mul3A_2262 : vector<40x128xf32>
    %exp23A_4061 = math.exp2 %sub3A_4060 : vector<40x128xf32>
    %add3A_4062 = arith.addf %add3A_4053, %exp23A_4061 : vector<40x128xf32>
    %get3A_4063 = arith.constant 8000 : index
    %get3A_4064 = arith.constant 0 : index
    %get3A_4065 = vector.load %arg1[%get3A_4063, %get3A_4064] : memref<10000x128xf32, #tpu.memory_space<vmem>>, vector<40x128xf32>
    %mul3A_4066 = arith.constant 1.44269502 : f32
    %mul3A_4067 = vector.broadcast %mul3A_4066 : f32 to vector<40x128xf32>
    %mul3A_4068 = arith.mulf %get3A_4065, %mul3A_4067 : vector<40x128xf32>
    %sub3A_4069 = arith.subf %mul3A_4068, %mul3A_2262 : vector<40x128xf32>
    %exp23A_4070 = math.exp2 %sub3A_4069 : vector<40x128xf32>
    %add3A_4071 = arith.addf %add3A_4062, %exp23A_4070 : vector<40x128xf32>
    %get3A_4072 = arith.constant 8040 : index
    %get3A_4073 = arith.constant 0 : index
    %get3A_4074 = vector.load %arg1[%get3A_4072, %get3A_4073] : memref<10000x128xf32, #tpu.memory_space<vmem>>, vector<40x128xf32>
    %mul3A_4075 = arith.constant 1.44269502 : f32
    %mul3A_4076 = vector.broadcast %mul3A_4075 : f32 to vector<40x128xf32>
    %mul3A_4077 = arith.mulf %get3A_4074, %mul3A_4076 : vector<40x128xf32>
    %sub3A_4078 = arith.subf %mul3A_4077, %mul3A_2262 : vector<40x128xf32>
    %exp23A_4079 = math.exp2 %sub3A_4078 : vector<40x128xf32>
    %add3A_4080 = arith.addf %add3A_4071, %exp23A_4079 : vector<40x128xf32>
    %get3A_4081 = arith.constant 8080 : index
    %get3A_4082 = arith.constant 0 : index
    %get3A_4083 = vector.load %arg1[%get3A_4081, %get3A_4082] : memref<10000x128xf32, #tpu.memory_space<vmem>>, vector<40x128xf32>
    %mul3A_4084 = arith.constant 1.44269502 : f32
    %mul3A_4085 = vector.broadcast %mul3A_4084 : f32 to vector<40x128xf32>
    %mul3A_4086 = arith.mulf %get3A_4083, %mul3A_4085 : vector<40x128xf32>
    %sub3A_4087 = arith.subf %mul3A_4086, %mul3A_2262 : vector<40x128xf32>
    %exp23A_4088 = math.exp2 %sub3A_4087 : vector<40x128xf32>
    %add3A_4089 = arith.addf %add3A_4080, %exp23A_4088 : vector<40x128xf32>
    %get3A_4090 = arith.constant 8120 : index
    %get3A_4091 = arith.constant 0 : index
    %get3A_4092 = vector.load %arg1[%get3A_4090, %get3A_4091] : memref<10000x128xf32, #tpu.memory_space<vmem>>, vector<40x128xf32>
    %mul3A_4093 = arith.constant 1.44269502 : f32
    %mul3A_4094 = vector.broadcast %mul3A_4093 : f32 to vector<40x128xf32>
    %mul3A_4095 = arith.mulf %get3A_4092, %mul3A_4094 : vector<40x128xf32>
    %sub3A_4096 = arith.subf %mul3A_4095, %mul3A_2262 : vector<40x128xf32>
    %exp23A_4097 = math.exp2 %sub3A_4096 : vector<40x128xf32>
    %add3A_4098 = arith.addf %add3A_4089, %exp23A_4097 : vector<40x128xf32>
    %get3A_4099 = arith.constant 8160 : index
    %get3A_4100 = arith.constant 0 : index
    %get3A_4101 = vector.load %arg1[%get3A_4099, %get3A_4100] : memref<10000x128xf32, #tpu.memory_space<vmem>>, vector<40x128xf32>
    %mul3A_4102 = arith.constant 1.44269502 : f32
    %mul3A_4103 = vector.broadcast %mul3A_4102 : f32 to vector<40x128xf32>
    %mul3A_4104 = arith.mulf %get3A_4101, %mul3A_4103 : vector<40x128xf32>
    %sub3A_4105 = arith.subf %mul3A_4104, %mul3A_2262 : vector<40x128xf32>
    %exp23A_4106 = math.exp2 %sub3A_4105 : vector<40x128xf32>
    %add3A_4107 = arith.addf %add3A_4098, %exp23A_4106 : vector<40x128xf32>
    %get3A_4108 = arith.constant 8200 : index
    %get3A_4109 = arith.constant 0 : index
    %get3A_4110 = vector.load %arg1[%get3A_4108, %get3A_4109] : memref<10000x128xf32, #tpu.memory_space<vmem>>, vector<40x128xf32>
    %mul3A_4111 = arith.constant 1.44269502 : f32
    %mul3A_4112 = vector.broadcast %mul3A_4111 : f32 to vector<40x128xf32>
    %mul3A_4113 = arith.mulf %get3A_4110, %mul3A_4112 : vector<40x128xf32>
    %sub3A_4114 = arith.subf %mul3A_4113, %mul3A_2262 : vector<40x128xf32>
    %exp23A_4115 = math.exp2 %sub3A_4114 : vector<40x128xf32>
    %add3A_4116 = arith.addf %add3A_4107, %exp23A_4115 : vector<40x128xf32>
    %get3A_4117 = arith.constant 8240 : index
    %get3A_4118 = arith.constant 0 : index
    %get3A_4119 = vector.load %arg1[%get3A_4117, %get3A_4118] : memref<10000x128xf32, #tpu.memory_space<vmem>>, vector<40x128xf32>
    %mul3A_4120 = arith.constant 1.44269502 : f32
    %mul3A_4121 = vector.broadcast %mul3A_4120 : f32 to vector<40x128xf32>
    %mul3A_4122 = arith.mulf %get3A_4119, %mul3A_4121 : vector<40x128xf32>
    %sub3A_4123 = arith.subf %mul3A_4122, %mul3A_2262 : vector<40x128xf32>
    %exp23A_4124 = math.exp2 %sub3A_4123 : vector<40x128xf32>
    %add3A_4125 = arith.addf %add3A_4116, %exp23A_4124 : vector<40x128xf32>
    %get3A_4126 = arith.constant 8280 : index
    %get3A_4127 = arith.constant 0 : index
    %get3A_4128 = vector.load %arg1[%get3A_4126, %get3A_4127] : memref<10000x128xf32, #tpu.memory_space<vmem>>, vector<40x128xf32>
    %mul3A_4129 = arith.constant 1.44269502 : f32
    %mul3A_4130 = vector.broadcast %mul3A_4129 : f32 to vector<40x128xf32>
    %mul3A_4131 = arith.mulf %get3A_4128, %mul3A_4130 : vector<40x128xf32>
    %sub3A_4132 = arith.subf %mul3A_4131, %mul3A_2262 : vector<40x128xf32>
    %exp23A_4133 = math.exp2 %sub3A_4132 : vector<40x128xf32>
    %add3A_4134 = arith.addf %add3A_4125, %exp23A_4133 : vector<40x128xf32>
    %get3A_4135 = arith.constant 8320 : index
    %get3A_4136 = arith.constant 0 : index
    %get3A_4137 = vector.load %arg1[%get3A_4135, %get3A_4136] : memref<10000x128xf32, #tpu.memory_space<vmem>>, vector<40x128xf32>
    %mul3A_4138 = arith.constant 1.44269502 : f32
    %mul3A_4139 = vector.broadcast %mul3A_4138 : f32 to vector<40x128xf32>
    %mul3A_4140 = arith.mulf %get3A_4137, %mul3A_4139 : vector<40x128xf32>
    %sub3A_4141 = arith.subf %mul3A_4140, %mul3A_2262 : vector<40x128xf32>
    %exp23A_4142 = math.exp2 %sub3A_4141 : vector<40x128xf32>
    %add3A_4143 = arith.addf %add3A_4134, %exp23A_4142 : vector<40x128xf32>
    %get3A_4144 = arith.constant 8360 : index
    %get3A_4145 = arith.constant 0 : index
    %get3A_4146 = vector.load %arg1[%get3A_4144, %get3A_4145] : memref<10000x128xf32, #tpu.memory_space<vmem>>, vector<40x128xf32>
    %mul3A_4147 = arith.constant 1.44269502 : f32
    %mul3A_4148 = vector.broadcast %mul3A_4147 : f32 to vector<40x128xf32>
    %mul3A_4149 = arith.mulf %get3A_4146, %mul3A_4148 : vector<40x128xf32>
    %sub3A_4150 = arith.subf %mul3A_4149, %mul3A_2262 : vector<40x128xf32>
    %exp23A_4151 = math.exp2 %sub3A_4150 : vector<40x128xf32>
    %add3A_4152 = arith.addf %add3A_4143, %exp23A_4151 : vector<40x128xf32>
    %get3A_4153 = arith.constant 8400 : index
    %get3A_4154 = arith.constant 0 : index
    %get3A_4155 = vector.load %arg1[%get3A_4153, %get3A_4154] : memref<10000x128xf32, #tpu.memory_space<vmem>>, vector<40x128xf32>
    %mul3A_4156 = arith.constant 1.44269502 : f32
    %mul3A_4157 = vector.broadcast %mul3A_4156 : f32 to vector<40x128xf32>
    %mul3A_4158 = arith.mulf %get3A_4155, %mul3A_4157 : vector<40x128xf32>
    %sub3A_4159 = arith.subf %mul3A_4158, %mul3A_2262 : vector<40x128xf32>
    %exp23A_4160 = math.exp2 %sub3A_4159 : vector<40x128xf32>
    %add3A_4161 = arith.addf %add3A_4152, %exp23A_4160 : vector<40x128xf32>
    %get3A_4162 = arith.constant 8440 : index
    %get3A_4163 = arith.constant 0 : index
    %get3A_4164 = vector.load %arg1[%get3A_4162, %get3A_4163] : memref<10000x128xf32, #tpu.memory_space<vmem>>, vector<40x128xf32>
    %mul3A_4165 = arith.constant 1.44269502 : f32
    %mul3A_4166 = vector.broadcast %mul3A_4165 : f32 to vector<40x128xf32>
    %mul3A_4167 = arith.mulf %get3A_4164, %mul3A_4166 : vector<40x128xf32>
    %sub3A_4168 = arith.subf %mul3A_4167, %mul3A_2262 : vector<40x128xf32>
    %exp23A_4169 = math.exp2 %sub3A_4168 : vector<40x128xf32>
    %add3A_4170 = arith.addf %add3A_4161, %exp23A_4169 : vector<40x128xf32>
    %get3A_4171 = arith.constant 8480 : index
    %get3A_4172 = arith.constant 0 : index
    %get3A_4173 = vector.load %arg1[%get3A_4171, %get3A_4172] : memref<10000x128xf32, #tpu.memory_space<vmem>>, vector<40x128xf32>
    %mul3A_4174 = arith.constant 1.44269502 : f32
    %mul3A_4175 = vector.broadcast %mul3A_4174 : f32 to vector<40x128xf32>
    %mul3A_4176 = arith.mulf %get3A_4173, %mul3A_4175 : vector<40x128xf32>
    %sub3A_4177 = arith.subf %mul3A_4176, %mul3A_2262 : vector<40x128xf32>
    %exp23A_4178 = math.exp2 %sub3A_4177 : vector<40x128xf32>
    %add3A_4179 = arith.addf %add3A_4170, %exp23A_4178 : vector<40x128xf32>
    %get3A_4180 = arith.constant 8520 : index
    %get3A_4181 = arith.constant 0 : index
    %get3A_4182 = vector.load %arg1[%get3A_4180, %get3A_4181] : memref<10000x128xf32, #tpu.memory_space<vmem>>, vector<40x128xf32>
    %mul3A_4183 = arith.constant 1.44269502 : f32
    %mul3A_4184 = vector.broadcast %mul3A_4183 : f32 to vector<40x128xf32>
    %mul3A_4185 = arith.mulf %get3A_4182, %mul3A_4184 : vector<40x128xf32>
    %sub3A_4186 = arith.subf %mul3A_4185, %mul3A_2262 : vector<40x128xf32>
    %exp23A_4187 = math.exp2 %sub3A_4186 : vector<40x128xf32>
    %add3A_4188 = arith.addf %add3A_4179, %exp23A_4187 : vector<40x128xf32>
    %get3A_4189 = arith.constant 8560 : index
    %get3A_4190 = arith.constant 0 : index
    %get3A_4191 = vector.load %arg1[%get3A_4189, %get3A_4190] : memref<10000x128xf32, #tpu.memory_space<vmem>>, vector<40x128xf32>
    %mul3A_4192 = arith.constant 1.44269502 : f32
    %mul3A_4193 = vector.broadcast %mul3A_4192 : f32 to vector<40x128xf32>
    %mul3A_4194 = arith.mulf %get3A_4191, %mul3A_4193 : vector<40x128xf32>
    %sub3A_4195 = arith.subf %mul3A_4194, %mul3A_2262 : vector<40x128xf32>
    %exp23A_4196 = math.exp2 %sub3A_4195 : vector<40x128xf32>
    %add3A_4197 = arith.addf %add3A_4188, %exp23A_4196 : vector<40x128xf32>
    %get3A_4198 = arith.constant 8600 : index
    %get3A_4199 = arith.constant 0 : index
    %get3A_4200 = vector.load %arg1[%get3A_4198, %get3A_4199] : memref<10000x128xf32, #tpu.memory_space<vmem>>, vector<40x128xf32>
    %mul3A_4201 = arith.constant 1.44269502 : f32
    %mul3A_4202 = vector.broadcast %mul3A_4201 : f32 to vector<40x128xf32>
    %mul3A_4203 = arith.mulf %get3A_4200, %mul3A_4202 : vector<40x128xf32>
    %sub3A_4204 = arith.subf %mul3A_4203, %mul3A_2262 : vector<40x128xf32>
    %exp23A_4205 = math.exp2 %sub3A_4204 : vector<40x128xf32>
    %add3A_4206 = arith.addf %add3A_4197, %exp23A_4205 : vector<40x128xf32>
    %get3A_4207 = arith.constant 8640 : index
    %get3A_4208 = arith.constant 0 : index
    %get3A_4209 = vector.load %arg1[%get3A_4207, %get3A_4208] : memref<10000x128xf32, #tpu.memory_space<vmem>>, vector<40x128xf32>
    %mul3A_4210 = arith.constant 1.44269502 : f32
    %mul3A_4211 = vector.broadcast %mul3A_4210 : f32 to vector<40x128xf32>
    %mul3A_4212 = arith.mulf %get3A_4209, %mul3A_4211 : vector<40x128xf32>
    %sub3A_4213 = arith.subf %mul3A_4212, %mul3A_2262 : vector<40x128xf32>
    %exp23A_4214 = math.exp2 %sub3A_4213 : vector<40x128xf32>
    %add3A_4215 = arith.addf %add3A_4206, %exp23A_4214 : vector<40x128xf32>
    %get3A_4216 = arith.constant 8680 : index
    %get3A_4217 = arith.constant 0 : index
    %get3A_4218 = vector.load %arg1[%get3A_4216, %get3A_4217] : memref<10000x128xf32, #tpu.memory_space<vmem>>, vector<40x128xf32>
    %mul3A_4219 = arith.constant 1.44269502 : f32
    %mul3A_4220 = vector.broadcast %mul3A_4219 : f32 to vector<40x128xf32>
    %mul3A_4221 = arith.mulf %get3A_4218, %mul3A_4220 : vector<40x128xf32>
    %sub3A_4222 = arith.subf %mul3A_4221, %mul3A_2262 : vector<40x128xf32>
    %exp23A_4223 = math.exp2 %sub3A_4222 : vector<40x128xf32>
    %add3A_4224 = arith.addf %add3A_4215, %exp23A_4223 : vector<40x128xf32>
    %get3A_4225 = arith.constant 8720 : index
    %get3A_4226 = arith.constant 0 : index
    %get3A_4227 = vector.load %arg1[%get3A_4225, %get3A_4226] : memref<10000x128xf32, #tpu.memory_space<vmem>>, vector<40x128xf32>
    %mul3A_4228 = arith.constant 1.44269502 : f32
    %mul3A_4229 = vector.broadcast %mul3A_4228 : f32 to vector<40x128xf32>
    %mul3A_4230 = arith.mulf %get3A_4227, %mul3A_4229 : vector<40x128xf32>
    %sub3A_4231 = arith.subf %mul3A_4230, %mul3A_2262 : vector<40x128xf32>
    %exp23A_4232 = math.exp2 %sub3A_4231 : vector<40x128xf32>
    %add3A_4233 = arith.addf %add3A_4224, %exp23A_4232 : vector<40x128xf32>
    %get3A_4234 = arith.constant 8760 : index
    %get3A_4235 = arith.constant 0 : index
    %get3A_4236 = vector.load %arg1[%get3A_4234, %get3A_4235] : memref<10000x128xf32, #tpu.memory_space<vmem>>, vector<40x128xf32>
    %mul3A_4237 = arith.constant 1.44269502 : f32
    %mul3A_4238 = vector.broadcast %mul3A_4237 : f32 to vector<40x128xf32>
    %mul3A_4239 = arith.mulf %get3A_4236, %mul3A_4238 : vector<40x128xf32>
    %sub3A_4240 = arith.subf %mul3A_4239, %mul3A_2262 : vector<40x128xf32>
    %exp23A_4241 = math.exp2 %sub3A_4240 : vector<40x128xf32>
    %add3A_4242 = arith.addf %add3A_4233, %exp23A_4241 : vector<40x128xf32>
    %get3A_4243 = arith.constant 8800 : index
    %get3A_4244 = arith.constant 0 : index
    %get3A_4245 = vector.load %arg1[%get3A_4243, %get3A_4244] : memref<10000x128xf32, #tpu.memory_space<vmem>>, vector<40x128xf32>
    %mul3A_4246 = arith.constant 1.44269502 : f32
    %mul3A_4247 = vector.broadcast %mul3A_4246 : f32 to vector<40x128xf32>
    %mul3A_4248 = arith.mulf %get3A_4245, %mul3A_4247 : vector<40x128xf32>
    %sub3A_4249 = arith.subf %mul3A_4248, %mul3A_2262 : vector<40x128xf32>
    %exp23A_4250 = math.exp2 %sub3A_4249 : vector<40x128xf32>
    %add3A_4251 = arith.addf %add3A_4242, %exp23A_4250 : vector<40x128xf32>
    %get3A_4252 = arith.constant 8840 : index
    %get3A_4253 = arith.constant 0 : index
    %get3A_4254 = vector.load %arg1[%get3A_4252, %get3A_4253] : memref<10000x128xf32, #tpu.memory_space<vmem>>, vector<40x128xf32>
    %mul3A_4255 = arith.constant 1.44269502 : f32
    %mul3A_4256 = vector.broadcast %mul3A_4255 : f32 to vector<40x128xf32>
    %mul3A_4257 = arith.mulf %get3A_4254, %mul3A_4256 : vector<40x128xf32>
    %sub3A_4258 = arith.subf %mul3A_4257, %mul3A_2262 : vector<40x128xf32>
    %exp23A_4259 = math.exp2 %sub3A_4258 : vector<40x128xf32>
    %add3A_4260 = arith.addf %add3A_4251, %exp23A_4259 : vector<40x128xf32>
    %get3A_4261 = arith.constant 8880 : index
    %get3A_4262 = arith.constant 0 : index
    %get3A_4263 = vector.load %arg1[%get3A_4261, %get3A_4262] : memref<10000x128xf32, #tpu.memory_space<vmem>>, vector<40x128xf32>
    %mul3A_4264 = arith.constant 1.44269502 : f32
    %mul3A_4265 = vector.broadcast %mul3A_4264 : f32 to vector<40x128xf32>
    %mul3A_4266 = arith.mulf %get3A_4263, %mul3A_4265 : vector<40x128xf32>
    %sub3A_4267 = arith.subf %mul3A_4266, %mul3A_2262 : vector<40x128xf32>
    %exp23A_4268 = math.exp2 %sub3A_4267 : vector<40x128xf32>
    %add3A_4269 = arith.addf %add3A_4260, %exp23A_4268 : vector<40x128xf32>
    %get3A_4270 = arith.constant 8920 : index
    %get3A_4271 = arith.constant 0 : index
    %get3A_4272 = vector.load %arg1[%get3A_4270, %get3A_4271] : memref<10000x128xf32, #tpu.memory_space<vmem>>, vector<40x128xf32>
    %mul3A_4273 = arith.constant 1.44269502 : f32
    %mul3A_4274 = vector.broadcast %mul3A_4273 : f32 to vector<40x128xf32>
    %mul3A_4275 = arith.mulf %get3A_4272, %mul3A_4274 : vector<40x128xf32>
    %sub3A_4276 = arith.subf %mul3A_4275, %mul3A_2262 : vector<40x128xf32>
    %exp23A_4277 = math.exp2 %sub3A_4276 : vector<40x128xf32>
    %add3A_4278 = arith.addf %add3A_4269, %exp23A_4277 : vector<40x128xf32>
    %get3A_4279 = arith.constant 8960 : index
    %get3A_4280 = arith.constant 0 : index
    %get3A_4281 = vector.load %arg1[%get3A_4279, %get3A_4280] : memref<10000x128xf32, #tpu.memory_space<vmem>>, vector<40x128xf32>
    %mul3A_4282 = arith.constant 1.44269502 : f32
    %mul3A_4283 = vector.broadcast %mul3A_4282 : f32 to vector<40x128xf32>
    %mul3A_4284 = arith.mulf %get3A_4281, %mul3A_4283 : vector<40x128xf32>
    %sub3A_4285 = arith.subf %mul3A_4284, %mul3A_2262 : vector<40x128xf32>
    %exp23A_4286 = math.exp2 %sub3A_4285 : vector<40x128xf32>
    %add3A_4287 = arith.addf %add3A_4278, %exp23A_4286 : vector<40x128xf32>
    %get3A_4288 = arith.constant 9000 : index
    %get3A_4289 = arith.constant 0 : index
    %get3A_4290 = vector.load %arg1[%get3A_4288, %get3A_4289] : memref<10000x128xf32, #tpu.memory_space<vmem>>, vector<40x128xf32>
    %mul3A_4291 = arith.constant 1.44269502 : f32
    %mul3A_4292 = vector.broadcast %mul3A_4291 : f32 to vector<40x128xf32>
    %mul3A_4293 = arith.mulf %get3A_4290, %mul3A_4292 : vector<40x128xf32>
    %sub3A_4294 = arith.subf %mul3A_4293, %mul3A_2262 : vector<40x128xf32>
    %exp23A_4295 = math.exp2 %sub3A_4294 : vector<40x128xf32>
    %add3A_4296 = arith.addf %add3A_4287, %exp23A_4295 : vector<40x128xf32>
    %get3A_4297 = arith.constant 9040 : index
    %get3A_4298 = arith.constant 0 : index
    %get3A_4299 = vector.load %arg1[%get3A_4297, %get3A_4298] : memref<10000x128xf32, #tpu.memory_space<vmem>>, vector<40x128xf32>
    %mul3A_4300 = arith.constant 1.44269502 : f32
    %mul3A_4301 = vector.broadcast %mul3A_4300 : f32 to vector<40x128xf32>
    %mul3A_4302 = arith.mulf %get3A_4299, %mul3A_4301 : vector<40x128xf32>
    %sub3A_4303 = arith.subf %mul3A_4302, %mul3A_2262 : vector<40x128xf32>
    %exp23A_4304 = math.exp2 %sub3A_4303 : vector<40x128xf32>
    %add3A_4305 = arith.addf %add3A_4296, %exp23A_4304 : vector<40x128xf32>
    %get3A_4306 = arith.constant 9080 : index
    %get3A_4307 = arith.constant 0 : index
    %get3A_4308 = vector.load %arg1[%get3A_4306, %get3A_4307] : memref<10000x128xf32, #tpu.memory_space<vmem>>, vector<40x128xf32>
    %mul3A_4309 = arith.constant 1.44269502 : f32
    %mul3A_4310 = vector.broadcast %mul3A_4309 : f32 to vector<40x128xf32>
    %mul3A_4311 = arith.mulf %get3A_4308, %mul3A_4310 : vector<40x128xf32>
    %sub3A_4312 = arith.subf %mul3A_4311, %mul3A_2262 : vector<40x128xf32>
    %exp23A_4313 = math.exp2 %sub3A_4312 : vector<40x128xf32>
    %add3A_4314 = arith.addf %add3A_4305, %exp23A_4313 : vector<40x128xf32>
    %get3A_4315 = arith.constant 9120 : index
    %get3A_4316 = arith.constant 0 : index
    %get3A_4317 = vector.load %arg1[%get3A_4315, %get3A_4316] : memref<10000x128xf32, #tpu.memory_space<vmem>>, vector<40x128xf32>
    %mul3A_4318 = arith.constant 1.44269502 : f32
    %mul3A_4319 = vector.broadcast %mul3A_4318 : f32 to vector<40x128xf32>
    %mul3A_4320 = arith.mulf %get3A_4317, %mul3A_4319 : vector<40x128xf32>
    %sub3A_4321 = arith.subf %mul3A_4320, %mul3A_2262 : vector<40x128xf32>
    %exp23A_4322 = math.exp2 %sub3A_4321 : vector<40x128xf32>
    %add3A_4323 = arith.addf %add3A_4314, %exp23A_4322 : vector<40x128xf32>
    %get3A_4324 = arith.constant 9160 : index
    %get3A_4325 = arith.constant 0 : index
    %get3A_4326 = vector.load %arg1[%get3A_4324, %get3A_4325] : memref<10000x128xf32, #tpu.memory_space<vmem>>, vector<40x128xf32>
    %mul3A_4327 = arith.constant 1.44269502 : f32
    %mul3A_4328 = vector.broadcast %mul3A_4327 : f32 to vector<40x128xf32>
    %mul3A_4329 = arith.mulf %get3A_4326, %mul3A_4328 : vector<40x128xf32>
    %sub3A_4330 = arith.subf %mul3A_4329, %mul3A_2262 : vector<40x128xf32>
    %exp23A_4331 = math.exp2 %sub3A_4330 : vector<40x128xf32>
    %add3A_4332 = arith.addf %add3A_4323, %exp23A_4331 : vector<40x128xf32>
    %get3A_4333 = arith.constant 9200 : index
    %get3A_4334 = arith.constant 0 : index
    %get3A_4335 = vector.load %arg1[%get3A_4333, %get3A_4334] : memref<10000x128xf32, #tpu.memory_space<vmem>>, vector<40x128xf32>
    %mul3A_4336 = arith.constant 1.44269502 : f32
    %mul3A_4337 = vector.broadcast %mul3A_4336 : f32 to vector<40x128xf32>
    %mul3A_4338 = arith.mulf %get3A_4335, %mul3A_4337 : vector<40x128xf32>
    %sub3A_4339 = arith.subf %mul3A_4338, %mul3A_2262 : vector<40x128xf32>
    %exp23A_4340 = math.exp2 %sub3A_4339 : vector<40x128xf32>
    %add3A_4341 = arith.addf %add3A_4332, %exp23A_4340 : vector<40x128xf32>
    %get3A_4342 = arith.constant 9240 : index
    %get3A_4343 = arith.constant 0 : index
    %get3A_4344 = vector.load %arg1[%get3A_4342, %get3A_4343] : memref<10000x128xf32, #tpu.memory_space<vmem>>, vector<40x128xf32>
    %mul3A_4345 = arith.constant 1.44269502 : f32
    %mul3A_4346 = vector.broadcast %mul3A_4345 : f32 to vector<40x128xf32>
    %mul3A_4347 = arith.mulf %get3A_4344, %mul3A_4346 : vector<40x128xf32>
    %sub3A_4348 = arith.subf %mul3A_4347, %mul3A_2262 : vector<40x128xf32>
    %exp23A_4349 = math.exp2 %sub3A_4348 : vector<40x128xf32>
    %add3A_4350 = arith.addf %add3A_4341, %exp23A_4349 : vector<40x128xf32>
    %get3A_4351 = arith.constant 9280 : index
    %get3A_4352 = arith.constant 0 : index
    %get3A_4353 = vector.load %arg1[%get3A_4351, %get3A_4352] : memref<10000x128xf32, #tpu.memory_space<vmem>>, vector<40x128xf32>
    %mul3A_4354 = arith.constant 1.44269502 : f32
    %mul3A_4355 = vector.broadcast %mul3A_4354 : f32 to vector<40x128xf32>
    %mul3A_4356 = arith.mulf %get3A_4353, %mul3A_4355 : vector<40x128xf32>
    %sub3A_4357 = arith.subf %mul3A_4356, %mul3A_2262 : vector<40x128xf32>
    %exp23A_4358 = math.exp2 %sub3A_4357 : vector<40x128xf32>
    %add3A_4359 = arith.addf %add3A_4350, %exp23A_4358 : vector<40x128xf32>
    %get3A_4360 = arith.constant 9320 : index
    %get3A_4361 = arith.constant 0 : index
    %get3A_4362 = vector.load %arg1[%get3A_4360, %get3A_4361] : memref<10000x128xf32, #tpu.memory_space<vmem>>, vector<40x128xf32>
    %mul3A_4363 = arith.constant 1.44269502 : f32
    %mul3A_4364 = vector.broadcast %mul3A_4363 : f32 to vector<40x128xf32>
    %mul3A_4365 = arith.mulf %get3A_4362, %mul3A_4364 : vector<40x128xf32>
    %sub3A_4366 = arith.subf %mul3A_4365, %mul3A_2262 : vector<40x128xf32>
    %exp23A_4367 = math.exp2 %sub3A_4366 : vector<40x128xf32>
    %add3A_4368 = arith.addf %add3A_4359, %exp23A_4367 : vector<40x128xf32>
    %get3A_4369 = arith.constant 9360 : index
    %get3A_4370 = arith.constant 0 : index
    %get3A_4371 = vector.load %arg1[%get3A_4369, %get3A_4370] : memref<10000x128xf32, #tpu.memory_space<vmem>>, vector<40x128xf32>
    %mul3A_4372 = arith.constant 1.44269502 : f32
    %mul3A_4373 = vector.broadcast %mul3A_4372 : f32 to vector<40x128xf32>
    %mul3A_4374 = arith.mulf %get3A_4371, %mul3A_4373 : vector<40x128xf32>
    %sub3A_4375 = arith.subf %mul3A_4374, %mul3A_2262 : vector<40x128xf32>
    %exp23A_4376 = math.exp2 %sub3A_4375 : vector<40x128xf32>
    %add3A_4377 = arith.addf %add3A_4368, %exp23A_4376 : vector<40x128xf32>
    %get3A_4378 = arith.constant 9400 : index
    %get3A_4379 = arith.constant 0 : index
    %get3A_4380 = vector.load %arg1[%get3A_4378, %get3A_4379] : memref<10000x128xf32, #tpu.memory_space<vmem>>, vector<40x128xf32>
    %mul3A_4381 = arith.constant 1.44269502 : f32
    %mul3A_4382 = vector.broadcast %mul3A_4381 : f32 to vector<40x128xf32>
    %mul3A_4383 = arith.mulf %get3A_4380, %mul3A_4382 : vector<40x128xf32>
    %sub3A_4384 = arith.subf %mul3A_4383, %mul3A_2262 : vector<40x128xf32>
    %exp23A_4385 = math.exp2 %sub3A_4384 : vector<40x128xf32>
    %add3A_4386 = arith.addf %add3A_4377, %exp23A_4385 : vector<40x128xf32>
    %get3A_4387 = arith.constant 9440 : index
    %get3A_4388 = arith.constant 0 : index
    %get3A_4389 = vector.load %arg1[%get3A_4387, %get3A_4388] : memref<10000x128xf32, #tpu.memory_space<vmem>>, vector<40x128xf32>
    %mul3A_4390 = arith.constant 1.44269502 : f32
    %mul3A_4391 = vector.broadcast %mul3A_4390 : f32 to vector<40x128xf32>
    %mul3A_4392 = arith.mulf %get3A_4389, %mul3A_4391 : vector<40x128xf32>
    %sub3A_4393 = arith.subf %mul3A_4392, %mul3A_2262 : vector<40x128xf32>
    %exp23A_4394 = math.exp2 %sub3A_4393 : vector<40x128xf32>
    %add3A_4395 = arith.addf %add3A_4386, %exp23A_4394 : vector<40x128xf32>
    %get3A_4396 = arith.constant 9480 : index
    %get3A_4397 = arith.constant 0 : index
    %get3A_4398 = vector.load %arg1[%get3A_4396, %get3A_4397] : memref<10000x128xf32, #tpu.memory_space<vmem>>, vector<40x128xf32>
    %mul3A_4399 = arith.constant 1.44269502 : f32
    %mul3A_4400 = vector.broadcast %mul3A_4399 : f32 to vector<40x128xf32>
    %mul3A_4401 = arith.mulf %get3A_4398, %mul3A_4400 : vector<40x128xf32>
    %sub3A_4402 = arith.subf %mul3A_4401, %mul3A_2262 : vector<40x128xf32>
    %exp23A_4403 = math.exp2 %sub3A_4402 : vector<40x128xf32>
    %add3A_4404 = arith.addf %add3A_4395, %exp23A_4403 : vector<40x128xf32>
    %get3A_4405 = arith.constant 9520 : index
    %get3A_4406 = arith.constant 0 : index
    %get3A_4407 = vector.load %arg1[%get3A_4405, %get3A_4406] : memref<10000x128xf32, #tpu.memory_space<vmem>>, vector<40x128xf32>
    %mul3A_4408 = arith.constant 1.44269502 : f32
    %mul3A_4409 = vector.broadcast %mul3A_4408 : f32 to vector<40x128xf32>
    %mul3A_4410 = arith.mulf %get3A_4407, %mul3A_4409 : vector<40x128xf32>
    %sub3A_4411 = arith.subf %mul3A_4410, %mul3A_2262 : vector<40x128xf32>
    %exp23A_4412 = math.exp2 %sub3A_4411 : vector<40x128xf32>
    %add3A_4413 = arith.addf %add3A_4404, %exp23A_4412 : vector<40x128xf32>
    %get3A_4414 = arith.constant 9560 : index
    %get3A_4415 = arith.constant 0 : index
    %get3A_4416 = vector.load %arg1[%get3A_4414, %get3A_4415] : memref<10000x128xf32, #tpu.memory_space<vmem>>, vector<40x128xf32>
    %mul3A_4417 = arith.constant 1.44269502 : f32
    %mul3A_4418 = vector.broadcast %mul3A_4417 : f32 to vector<40x128xf32>
    %mul3A_4419 = arith.mulf %get3A_4416, %mul3A_4418 : vector<40x128xf32>
    %sub3A_4420 = arith.subf %mul3A_4419, %mul3A_2262 : vector<40x128xf32>
    %exp23A_4421 = math.exp2 %sub3A_4420 : vector<40x128xf32>
    %add3A_4422 = arith.addf %add3A_4413, %exp23A_4421 : vector<40x128xf32>
    %get3A_4423 = arith.constant 9600 : index
    %get3A_4424 = arith.constant 0 : index
    %get3A_4425 = vector.load %arg1[%get3A_4423, %get3A_4424] : memref<10000x128xf32, #tpu.memory_space<vmem>>, vector<40x128xf32>
    %mul3A_4426 = arith.constant 1.44269502 : f32
    %mul3A_4427 = vector.broadcast %mul3A_4426 : f32 to vector<40x128xf32>
    %mul3A_4428 = arith.mulf %get3A_4425, %mul3A_4427 : vector<40x128xf32>
    %sub3A_4429 = arith.subf %mul3A_4428, %mul3A_2262 : vector<40x128xf32>
    %exp23A_4430 = math.exp2 %sub3A_4429 : vector<40x128xf32>
    %add3A_4431 = arith.addf %add3A_4422, %exp23A_4430 : vector<40x128xf32>
    %get3A_4432 = arith.constant 9640 : index
    %get3A_4433 = arith.constant 0 : index
    %get3A_4434 = vector.load %arg1[%get3A_4432, %get3A_4433] : memref<10000x128xf32, #tpu.memory_space<vmem>>, vector<40x128xf32>
    %mul3A_4435 = arith.constant 1.44269502 : f32
    %mul3A_4436 = vector.broadcast %mul3A_4435 : f32 to vector<40x128xf32>
    %mul3A_4437 = arith.mulf %get3A_4434, %mul3A_4436 : vector<40x128xf32>
    %sub3A_4438 = arith.subf %mul3A_4437, %mul3A_2262 : vector<40x128xf32>
    %exp23A_4439 = math.exp2 %sub3A_4438 : vector<40x128xf32>
    %add3A_4440 = arith.addf %add3A_4431, %exp23A_4439 : vector<40x128xf32>
    %get3A_4441 = arith.constant 9680 : index
    %get3A_4442 = arith.constant 0 : index
    %get3A_4443 = vector.load %arg1[%get3A_4441, %get3A_4442] : memref<10000x128xf32, #tpu.memory_space<vmem>>, vector<40x128xf32>
    %mul3A_4444 = arith.constant 1.44269502 : f32
    %mul3A_4445 = vector.broadcast %mul3A_4444 : f32 to vector<40x128xf32>
    %mul3A_4446 = arith.mulf %get3A_4443, %mul3A_4445 : vector<40x128xf32>
    %sub3A_4447 = arith.subf %mul3A_4446, %mul3A_2262 : vector<40x128xf32>
    %exp23A_4448 = math.exp2 %sub3A_4447 : vector<40x128xf32>
    %add3A_4449 = arith.addf %add3A_4440, %exp23A_4448 : vector<40x128xf32>
    %get3A_4450 = arith.constant 9720 : index
    %get3A_4451 = arith.constant 0 : index
    %get3A_4452 = vector.load %arg1[%get3A_4450, %get3A_4451] : memref<10000x128xf32, #tpu.memory_space<vmem>>, vector<40x128xf32>
    %mul3A_4453 = arith.constant 1.44269502 : f32
    %mul3A_4454 = vector.broadcast %mul3A_4453 : f32 to vector<40x128xf32>
    %mul3A_4455 = arith.mulf %get3A_4452, %mul3A_4454 : vector<40x128xf32>
    %sub3A_4456 = arith.subf %mul3A_4455, %mul3A_2262 : vector<40x128xf32>
    %exp23A_4457 = math.exp2 %sub3A_4456 : vector<40x128xf32>
    %add3A_4458 = arith.addf %add3A_4449, %exp23A_4457 : vector<40x128xf32>
    %get3A_4459 = arith.constant 9760 : index
    %get3A_4460 = arith.constant 0 : index
    %get3A_4461 = vector.load %arg1[%get3A_4459, %get3A_4460] : memref<10000x128xf32, #tpu.memory_space<vmem>>, vector<40x128xf32>
    %mul3A_4462 = arith.constant 1.44269502 : f32
    %mul3A_4463 = vector.broadcast %mul3A_4462 : f32 to vector<40x128xf32>
    %mul3A_4464 = arith.mulf %get3A_4461, %mul3A_4463 : vector<40x128xf32>
    %sub3A_4465 = arith.subf %mul3A_4464, %mul3A_2262 : vector<40x128xf32>
    %exp23A_4466 = math.exp2 %sub3A_4465 : vector<40x128xf32>
    %add3A_4467 = arith.addf %add3A_4458, %exp23A_4466 : vector<40x128xf32>
    %get3A_4468 = arith.constant 9800 : index
    %get3A_4469 = arith.constant 0 : index
    %get3A_4470 = vector.load %arg1[%get3A_4468, %get3A_4469] : memref<10000x128xf32, #tpu.memory_space<vmem>>, vector<40x128xf32>
    %mul3A_4471 = arith.constant 1.44269502 : f32
    %mul3A_4472 = vector.broadcast %mul3A_4471 : f32 to vector<40x128xf32>
    %mul3A_4473 = arith.mulf %get3A_4470, %mul3A_4472 : vector<40x128xf32>
    %sub3A_4474 = arith.subf %mul3A_4473, %mul3A_2262 : vector<40x128xf32>
    %exp23A_4475 = math.exp2 %sub3A_4474 : vector<40x128xf32>
    %add3A_4476 = arith.addf %add3A_4467, %exp23A_4475 : vector<40x128xf32>
    %get3A_4477 = arith.constant 9840 : index
    %get3A_4478 = arith.constant 0 : index
    %get3A_4479 = vector.load %arg1[%get3A_4477, %get3A_4478] : memref<10000x128xf32, #tpu.memory_space<vmem>>, vector<40x128xf32>
    %mul3A_4480 = arith.constant 1.44269502 : f32
    %mul3A_4481 = vector.broadcast %mul3A_4480 : f32 to vector<40x128xf32>
    %mul3A_4482 = arith.mulf %get3A_4479, %mul3A_4481 : vector<40x128xf32>
    %sub3A_4483 = arith.subf %mul3A_4482, %mul3A_2262 : vector<40x128xf32>
    %exp23A_4484 = math.exp2 %sub3A_4483 : vector<40x128xf32>
    %add3A_4485 = arith.addf %add3A_4476, %exp23A_4484 : vector<40x128xf32>
    %get3A_4486 = arith.constant 9880 : index
    %get3A_4487 = arith.constant 0 : index
    %get3A_4488 = vector.load %arg1[%get3A_4486, %get3A_4487] : memref<10000x128xf32, #tpu.memory_space<vmem>>, vector<40x128xf32>
    %mul3A_4489 = arith.constant 1.44269502 : f32
    %mul3A_4490 = vector.broadcast %mul3A_4489 : f32 to vector<40x128xf32>
    %mul3A_4491 = arith.mulf %get3A_4488, %mul3A_4490 : vector<40x128xf32>
    %sub3A_4492 = arith.subf %mul3A_4491, %mul3A_2262 : vector<40x128xf32>
    %exp23A_4493 = math.exp2 %sub3A_4492 : vector<40x128xf32>
    %add3A_4494 = arith.addf %add3A_4485, %exp23A_4493 : vector<40x128xf32>
    %get3A_4495 = arith.constant 9920 : index
    %get3A_4496 = arith.constant 0 : index
    %get3A_4497 = vector.load %arg1[%get3A_4495, %get3A_4496] : memref<10000x128xf32, #tpu.memory_space<vmem>>, vector<40x128xf32>
    %mul3A_4498 = arith.constant 1.44269502 : f32
    %mul3A_4499 = vector.broadcast %mul3A_4498 : f32 to vector<40x128xf32>
    %mul3A_4500 = arith.mulf %get3A_4497, %mul3A_4499 : vector<40x128xf32>
    %sub3A_4501 = arith.subf %mul3A_4500, %mul3A_2262 : vector<40x128xf32>
    %exp23A_4502 = math.exp2 %sub3A_4501 : vector<40x128xf32>
    %add3A_4503 = arith.addf %add3A_4494, %exp23A_4502 : vector<40x128xf32>
    %get3A_4504 = arith.constant 9960 : index
    %get3A_4505 = arith.constant 0 : index
    %get3A_4506 = vector.load %arg1[%get3A_4504, %get3A_4505] : memref<10000x128xf32, #tpu.memory_space<vmem>>, vector<40x128xf32>
    %mul3A_4507 = arith.constant 1.44269502 : f32
    %mul3A_4508 = vector.broadcast %mul3A_4507 : f32 to vector<40x128xf32>
    %mul3A_4509 = arith.mulf %get3A_4506, %mul3A_4508 : vector<40x128xf32>
    %sub3A_4510 = arith.subf %mul3A_4509, %mul3A_2262 : vector<40x128xf32>
    %exp23A_4511 = math.exp2 %sub3A_4510 : vector<40x128xf32>
    %add3A_4512 = arith.addf %add3A_4503, %exp23A_4511 : vector<40x128xf32>
    %swap3A = arith.constant 0 : index
    %swap3A_4513 = arith.constant 0 : index
    %swap3A_4514 = vector.load %arg4[%swap3A, %swap3A_4513] : memref<40x128xf32, #tpu.memory_space<vmem>>, vector<40x128xf32>
    tpu.vector_store %arg4[%swap3A, %swap3A_4513], %max3A_2252 {strides = array<i32>} : memref<40x128xf32, #tpu.memory_space<vmem>>, vector<40x128xf32>,
    %swap3A_4515 = arith.constant 0 : index
    %swap3A_4516 = arith.constant 0 : index
    %swap3A_4517 = vector.load %arg5[%swap3A_4515, %swap3A_4516] : memref<40x128xi32, #tpu.memory_space<vmem>>, vector<40x128xi32>
    tpu.vector_store %arg5[%swap3A_4515, %swap3A_4516], %select_n3A_2251 {strides = array<i32>} : memref<40x128xi32, #tpu.memory_space<vmem>>, vector<40x128xi32>,
    %swap3A_4518 = arith.constant 0 : index
    %swap3A_4519 = arith.constant 0 : index
    %swap3A_4520 = vector.load %arg6[%swap3A_4518, %swap3A_4519] : memref<40x128xf32, #tpu.memory_space<vmem>>, vector<40x128xf32>
    tpu.vector_store %arg6[%swap3A_4518, %swap3A_4519], %add3A_4512 {strides = array<i32>} : memref<40x128xf32, #tpu.memory_space<vmem>>, vector<40x128xf32>,
    %eq3A_4521 = arith.constant 9 : i32
    %eq3A_4522 = arith.cmpi eq, %arg0, %eq3A_4521 : i32
    %convert_element_type3A_4523 = arith.extui %eq3A_4522 : i1 to i32
    %cond3A_4524 = arith.constant 0 : i32
    %cond3A_4525 = arith.cmpi ne, %convert_element_type3A_4523, %cond3A_4524 : i32
    scf.if %cond3A_4525 {
      %reduce_max3A = arith.constant dense<0xFF800000> : vector<128xf32>
      %reduce_max3A_4526 = vector.multi_reduction <maximumf>, %max3A_2252, %reduce_max3A [0] : vector<40x128xf32> to vector<128xf32>
      %broadcast_in_dim3A_4527 = vector.shape_cast %reduce_max3A_4526 : vector<128xf32> to vector<1x128xf32>
      %add3A_4528 = arith.addi %select_n3A_2251, %iota3A : vector<40x128xi32>
      %eq3A_4529 = vector.broadcast %broadcast_in_dim3A_4527 : vector<1x128xf32> to vector<40x128xf32>
      %eq3A_4530 = arith.cmpf oeq, %max3A_2252, %eq3A_4529 : vector<40x128xf32>
      %jit3A = arith.constant 1073741824 : i32
      %broadcast_in_dim3A_4531 = vector.broadcast %jit3A : i32 to vector<40x128xi32>
      %select_n3A_4532 = arith.select %eq3A_4530, %add3A_4528, %broadcast_in_dim3A_4531 : vector<40x128xi1>, vector<40x128xi32>
      %reduce_min3A = arith.constant dense<2147483647> : vector<128xi32>
      %reduce_min3A_4533 = vector.multi_reduction <minsi>, %select_n3A_4532, %reduce_min3A [0] : vector<40x128xi32> to vector<128xi32>
      %broadcast_in_dim3A_4534 = vector.shape_cast %reduce_min3A_4533 : vector<128xi32> to vector<1x128xi32>
      %sub3A_4535 = vector.broadcast %broadcast_in_dim3A_4527 : vector<1x128xf32> to vector<40x128xf32>
      %sub3A_4536 = arith.subf %max3A_2252, %sub3A_4535 : vector<40x128xf32>
      %mul3A_4537 = arith.constant 1.44269502 : f32
      %mul3A_4538 = vector.broadcast %mul3A_4537 : f32 to vector<40x128xf32>
      %mul3A_4539 = arith.mulf %sub3A_4536, %mul3A_4538 : vector<40x128xf32>
      %exp23A_4540 = math.exp2 %mul3A_4539 : vector<40x128xf32>
      %mul3A_4541 = arith.mulf %add3A_4512, %exp23A_4540 : vector<40x128xf32>
      %reduce_sum3A = arith.constant dense<0.000000e+00> : vector<128xf32>
      %reduce_sum3A_4542 = vector.multi_reduction <add>, %mul3A_4541, %reduce_sum3A [0] : vector<40x128xf32> to vector<128xf32>
      %broadcast_in_dim3A_4543 = vector.shape_cast %reduce_sum3A_4542 : vector<128xf32> to vector<1x128xf32>
      %log3A = math.log %broadcast_in_dim3A_4543 : vector<1x128xf32>
      %log3A_4544 = arith.constant 2.000000e+00 : f32
      %log3A_4545 = math.log %log3A_4544 : f32
      %div3A = vector.broadcast %log3A_4545 : f32 to vector<1x128xf32>
      %div3A_4546 = arith.divf %log3A, %div3A : vector<1x128xf32>
      %mul3A_4547 = arith.constant 0.693147182 : f32
      %mul3A_4548 = vector.broadcast %mul3A_4547 : f32 to vector<1x128xf32>
      %mul3A_4549 = arith.mulf %mul3A_4548, %div3A_4546 : vector<1x128xf32>
      %add3A_4550 = arith.addf %broadcast_in_dim3A_4527, %mul3A_4549 : vector<1x128xf32>
      %neg3A = arith.constant 0.000000e+00 : f32
      %neg3A_4551 = vector.broadcast %neg3A : f32 to vector<1x128xf32>
      %neg3A_4552 = arith.subf %neg3A_4551, %add3A_4550 : vector<1x128xf32>
      %swap3A_4553 = arith.constant 0 : index
      %swap3A_4554 = arith.constant 0 : index
      %swap3A_4555 = vector.load %arg2[%swap3A_4553, %swap3A_4554] : memref<1x128xf32, #tpu.memory_space<vmem>>, vector<1x128xf32>
      tpu.vector_store %arg2[%swap3A_4553, %swap3A_4554], %neg3A_4552 {strides = array<i32>} : memref<1x128xf32, #tpu.memory_space<vmem>>, vector<1x128xf32>,
      %swap3A_4556 = arith.constant 0 : index
      %swap3A_4557 = arith.constant 0 : index
      %swap3A_4558 = vector.load %arg3[%swap3A_4556, %swap3A_4557] : memref<1x128xi32, #tpu.memory_space<vmem>>, vector<1x128xi32>
      tpu.vector_store %arg3[%swap3A_4556, %swap3A_4557], %broadcast_in_dim3A_4534 {strides = array<i32>} : memref<1x128xi32, #tpu.memory_space<vmem>>, vector<1x128xi32>,
    } else {
    }
    return
  }
  func.func @transform_0(%arg0: i32) -> (i32, i32) {
    %c0_i32 = arith.constant 0 : i32
    %c0_i32_0 = arith.constant 0 : i32
    return %arg0, %c0_i32 : i32, i32
  }
  func.func @transform_1(%arg0: i32) -> (i32, i32) {
    %c0_i32 = arith.constant 0 : i32
    %c0_i32_0 = arith.constant 0 : i32
    %c0_i32_1 = arith.constant 0 : i32
    return %c0_i32, %c0_i32_0 : i32, i32
  }
  func.func @transform_2(%arg0: i32) -> (i32, i32) {
    %c0_i32 = arith.constant 0 : i32
    %c0_i32_0 = arith.constant 0 : i32
    %c0_i32_1 = arith.constant 0 : i32
    return %c0_i32, %c0_i32_0 : i32, i32
  }
}

</mosaic_0001>

<sc_bundles>
// kernel: kernel.4.cloned.1.call-start
scs
__scs_entry_jumppad:
0x0: {  	(pc) =	sbr.rel $0x88, $3  }
0x1: {  	(tag) =	ssettag $0x0;
	lr =	simm.s32 $0x1  }
0x2: {  	[smem:$0x3F9F] =	sst lr;
	_ =	strace $0xD0000000  }
0x3: {  	_ = 	snop  }
0x4: {  	_ = 	snop  }
0x5: {  	_ = 	snop  }
0x6: {  	_ = 	snop  }
0x7: {  	_ = 	snop  }
__scs_overlays_trampoline_lowered:
0x8: {  	[smem:$0x3FAE] =	sst s0  }
0x9: {  	[smem:$0x3FAF] =	sst s1  }
0xa: {  	[smem:$0x3FB0] =	sst s2  }
0xb: {  	[smem:$0x3FB1] =	sst s3  }
0xc: {  	[smem:$0x3FB2] =	sst s4  }
0xd: {  	[smem:$0x3FB3] =	sst s5  }
0xe: {  	[smem:$0x3FB4] =	sst s6  }
0xf: {  	[smem:$0x3FB5] =	sst s7  }
0x10: {  	[smem:$0x3FB6] =	sst s8  }
0x11: {  	[smem:$0x3FB7] =	sst s9;
	s0 =	simm.s32 @!p0 $0x0  }
0x12: {  	s1 =	sld [smem:$0x3F9D];
	s0 =	simm.s32 @p0 $0x1  }
0x13: {  	[smem:$0x3FB8] =	sst s0;
	s0 =	simm.s32 @!p1 $0x0  }
0x14: {  	s2 =	sld [smem:$0x3F9C];
	s0 =	simm.s32 @p1 $0x1  }
0x15: {  	[smem:$0x3FB9] =	sst s0;
	s0 =	simm.s32 @!p2 $0x0  }
0x16: {  	s3 =	sld [smem:$0x3FDB];
	s0 =	simm.s32 @p2 $0x1  }
0x17: {  	s4 =	simm.s32 $0x1BF5;
	[smem:$0x3FBB] =	sst s0  }
0x18: {  	s0 =	sld [smem:$0x3F9E];
	_ =	swait.ge [sflag:s4], $0x0  }
0x19: {  	s7 =	sld [smem:$0x3F9F]  }
0x1a: {  	s8 =	sadd.s32 $0xFFFFE003, lr  }
0x1b: {  	s9 =	sadd.s32 $0xFFFFFEF7, lr;
	s5 =	simm.s32 $0xFFFFFFFF;
	p2 =	slt.u32 s8, $0xFFFFF086  }
0x1c: {  	p1 =	slt.u32 s9, $0xF7A;
	s5 =	simm.s32 @!p2 $0x0  }
0x1d: {  	s5 =	simm.s32 @p1 $0x1;
	p0 =	seq.s32 s7, s2  }
0x1e: {  	s7 =	smul.u32 @!p0 $0xF7A, s2;
	p2 =	seq.s32 @!p0 s5, $0x0  }
0x1f: {  	s9 =	smul.u32 $0xF7A, s1;
	s8 =	simm.s32 @!p0 $0x1BF5;
	p2 =	por !p2, p0  }
0x20: {  	[sflag:s8] =	ssyncset.s32 @!p0 $0xFFFFF086;
	s6 =	sadd.s32 @!p0 s3, s7;
	s7 =	simm.s32 @!p0 $0x108  }
0x21: {  	s3 =	sadd.s32 s3, s9;
	s6 =	sadd.s32 @!p0 $0x88, s6;
	s7 =	simm.s32 @p2 $0x1082  }
0x22: {  	[simem:s7], [sflag:s8] =	dma.local @!p0 [hbm:s6], $0xF7A  }
0x23: {  	s9 =	sor.u32 $0xD0000000, s2;
	s6 =	simm.s32 $0x108;
	_ =	swait.ge @!p0 [sflag:s8], $0x0  }
0x24: {  	s3 =	sadd.s32 $0x88, s3;
	s6 =	simm.s32 @!p1 $0x1082;
	[sflag:s4] =	ssyncset.s32 $0xFFFFF086  }
0x25: {  	[simem:s6], [sflag:s4] =	dma.local [hbm:s3], $0xF7A  }
0x26: {  	[smem:$0x3F9F] =	sst s1;
	(tag) =	ssettag s2;
	_ =	strace s9  }
0x27: {  	s1 =	sld [smem:$0x3FAF]  }
0x28: {  	s2 =	sld [smem:$0x3FB0]  }
0x29: {  	s4 =	sld [smem:$0x3FB2]  }
0x2a: {  	p0 =	seq.s32 s5, $0x0;
	s5 =	sld [smem:$0x3FB3]  }
0x2b: {  	s6 =	sld [smem:$0x3FB4]  }
0x2c: {  	s7 =	sld [smem:$0x3FB5]  }
0x2d: {  	s3 =	simm.s32 $0x108;
	s8 =	sld [smem:$0x3FB6]  }
0x2e: {  	s3 =	simm.s32 @!p0 $0x1082;
	s9 =	sld [smem:$0x3FB7]  }
0x2f: {  	lr =	sadd.s32 s0, s3;
	s0 =	sld [smem:$0x3FAE]  }
0x30: {  	s3 =	sld [smem:$0x3FB1]  }
0x31: {  	[smem:$0x3FBA] =	sst s10  }
0x32: {  	s10 =	sld [smem:$0x3FB8];
	_ =	sdelay $0x3  }
0x33: {  	p0 =	seq.s32 s10, $0x1;
	s10 =	sld [smem:$0x3FBA];
	_ =	sdelay $0x3  }
0x34: {  	[smem:$0x3FBA] =	sst s10  }
0x35: {  	s10 =	sld [smem:$0x3FB9];
	_ =	sdelay $0x3  }
0x36: {  	p1 =	seq.s32 s10, $0x1;
	s10 =	sld [smem:$0x3FBA];
	_ =	sdelay $0x3  }
0x37: {  	[smem:$0x3FBA] =	sst s10  }
0x38: {  	s10 =	sld [smem:$0x3FBB]  }
0x39: {  	_ = 	snop;
	(pc) =	sbr.ind lr, $3  }
0x3a: {  	_ = 	snop  }
0x3b: {  	_ = 	snop  }
0x3c: {  	p2 =	seq.s32 s10, $0x1;
	s10 =	sld [smem:$0x3FBA]  }
0x3d: {  	_ =	shalt  }
0x3e: {  	_ =	shalt  }
0x3f: {  	_ =	shalt  }
0x40: {  	_ =	shalt  }
0x41: {  	_ =	shalt  }
0x42: {  	_ =	shalt  }
0x43: {  	_ =	shalt  }
0x44: {  	_ =	shalt  }
0x45: {  	_ =	shalt  }
0x46: {  	_ =	shalt  }
0x47: {  	_ =	shalt  }
0x48: {  	_ =	shalt  }
0x49: {  	_ =	shalt  }
0x4a: {  	_ =	shalt  }
0x4b: {  	_ =	shalt  }
0x4c: {  	_ =	shalt  }
0x4d: {  	_ =	shalt  }
0x4e: {  	_ =	shalt  }
0x4f: {  	_ =	shalt  }
0x50: {  	_ =	shalt  }
0x51: {  	_ =	shalt  }
0x52: {  	_ =	shalt  }
0x53: {  	_ =	shalt  }
0x54: {  	_ =	shalt  }
0x55: {  	_ =	shalt  }
0x56: {  	_ =	shalt  }
0x57: {  	_ =	shalt  }
0x58: {  	_ =	shalt  }
0x59: {  	_ =	shalt  }
0x5a: {  	_ =	shalt  }
0x5b: {  	_ =	shalt  }
0x5c: {  	_ =	shalt  }
0x5d: {  	_ =	shalt  }
0x5e: {  	_ =	shalt  }
0x5f: {  	_ =	shalt  }
0x60: {  	_ =	shalt  }
0x61: {  	_ =	shalt  }
0x62: {  	_ =	shalt  }
0x63: {  	_ =	shalt  }
0x64: {  	_ =	shalt  }
0x65: {  	_ =	shalt  }
0x66: {  	_ =	shalt  }
0x67: {  	_ =	shalt  }
0x68: {  	_ =	shalt  }
0x69: {  	_ =	shalt  }
0x6a: {  	_ =	shalt  }
0x6b: {  	_ =	shalt  }
0x6c: {  	_ =	shalt  }
0x6d: {  	_ =	shalt  }
0x6e: {  	_ =	shalt  }
0x6f: {  	_ =	shalt  }
0x70: {  	_ =	shalt  }
0x71: {  	_ =	shalt  }
0x72: {  	_ =	shalt  }
0x73: {  	_ =	shalt  }
0x74: {  	_ =	shalt  }
0x75: {  	_ =	shalt  }
0x76: {  	_ =	shalt  }
0x77: {  	_ =	shalt  }
0x78: {  	_ =	shalt  }
0x79: {  	_ =	shalt  }
0x7a: {  	_ =	shalt  }
0x7b: {  	_ =	shalt  }
0x7c: {  	_ =	shalt  }
0x7d: {  	_ =	shalt  }
0x7e: {  	_ =	shalt  }
0x7f: {  	_ =	shalt  }
0x80: {  	_ =	shalt  }
0x81: {  	_ =	shalt  }
0x82: {  	_ =	shalt  }
0x83: {  	_ =	shalt  }
0x84: {  	_ =	shalt  }
0x85: {  	_ =	shalt  }
0x86: {  	_ =	shalt  }
0x87: {  	_ =	shalt  }
.Lfunc_end0:
.L_simem_size_0:
called_computation_lowered:
.L_overlay_start_0:
0x88: {  	s2 =	sld [smem:$0x3FD9]  }
0x89: {  	s3 =	sld [smem:$0x3FFE];
	_ =	sdelay $0x1  }
0x8a: {  	s1 =	srdreg.scid  }
0x8b: {  	s0 =	sand.u32 $0x1, s1  }
0x8c: {  	s17 =	sshll.u32 s0, $0xA;
	s2 =	sadd.s32 s3, s2  }
0x8d: {  	s2 =	sadd.s32 s2, s17  }
0x8e: {  	[smem:$0x3FC6] =	sst s2  }
0x8f: {  	_ = 	snop  }
0x90: {  	s2 =	sld [smem:$0x3FC9]  }
0x91: {  	s18 =	sld [smem:$0x3FC8];
	(tm) =	ssettm $0x1  }
0x92: {  	s4 =	sld [smem:$0x3FFB];
	_ =	sdelay $0x3  }
0x93: {  	_ =	strace s4  }
0x94: {  	s4 =	sld [smem:$0x3FFC];
	_ =	sdelay $0x3  }
0x95: {  	_ =	strace s4  }
0x96: {  	s4 =	sld [smem:$0x3FFD];
	_ =	sdelay $0x3  }
0x97: {  	_ =	strace s4  }
0x98: {  	_ =	strace $0x8FFFFFFF  }
0x99: {  	s19 =	sld [smem:$0x3FDB];
	_ =	sdelay $0x1  }
0x9a: {  	s5 =	simm.s32 $_scs_section_size  }
0x9b: {  	s6 =	simm.s32 $_size__tile_overlayer_lowered;
	s7 =	simm.s32 $_tile_overlayer_lowered  }
0x9c: {  	s22 =	simm.s32 $0x1BFF;
	s21 =	sshll.u32 s7, $0x1;
	s4 =	sadd.s32 s5, s19  }
0x9d: {  	s8 =	simm.s32 $0x0;
	s20 =	sshll.u32 s6, $0x1;
	s6 =	sadd.s32 s21, s4  }
0x9e: {  	[timem:s8], [sflag:s22] =	dma.local [hbm:s6], s20  }
0x9f: {  	_ =	swait.ge [sflag:s22], s20  }
0xa0: {  	s5 =	ssub.s32 $0x0, s20;
	[sflag:s22] =	ssyncset.done $0x0  }
0xa1: {  	[sflag:s22] =	ssyncadd.s32 s5;
	_ =	sdelay $0x1  }
0xa2: {  	s23 =	simm.s32 $0x1B8B  }
0xa3: {  	_ =	swait.ge [sflag:s23], $0x1  }
0xa4: {  	[sflag:s23] =	ssyncset.done $0x0  }
0xa5: {  	s25 =	simm.s32 $0x1B8E;
	s24 =	sld [smem:$0x3FFE];
	[sflag:s23] =	ssyncadd.s32 $0xFFFFFFFF  }
0xa6: {  	s26 =	simm.s32 $execute0_lowered;
	[smem:$0x3FD2] =	sst s25  }
0xa7: {  	s6 =	sshll.u32 s26, $0x1;
	_ =	strace $0x80000046;
	[dreg:$0x1] =	wrdreg $0xFFFFFFFF  }
0xa8: {  	s28 =	simm.s32 $_size_execute0_lowered;
	s4 =	sadd.s32 s4, s6;
	[dreg:$0x0] =	wrdreg $0x0  }
0xa9: {  	s6 =	sshll.u32 s28, $0x1;
	[dreg:$0x2] =	wrdreg s4  }
0xaa: {  	[dreg:$0x3] =	wrdreg s6  }
0xab: {  	[dreg:$0x4] =	wrdreg $0xC0  }
0xac: {  	_ =	task [dreg:s8], $0x5FFFF  }
0xad: {  	[dreg:$0x1] =	wrdreg $0xFFFFFFFF  }
0xae: {  	[dreg:$0x0] =	wrdreg $0x60  }
0xaf: {  	[dreg:$0x2] =	wrdreg s2  }
0xb0: {  	[dreg:$0x3] =	wrdreg s18  }
0xb1: {  	[dreg:$0x4] =	wrdreg s24  }
0xb2: {  	[dreg:$0x5] =	wrdreg $0x9  }
0xb3: {  	_ =	task.clear_ibuf [dreg:s8], $0x6FFFF;
	_ =	strace $0x90000046  }
0xb4: {  	s29 =	simm.s32 $0x9;
	_ =	strace $0x80000048  }
0xb5: {  	_ =	swait.ge [sflag:s29], $0x1  }
0xb6: {  	[sflag:s29] =	ssyncadd.s32 $0xFFFFFFFF  }
0xb7: {  	_ =	strace $0x90000048  }
0xb8: {  	_ =	sfence  }
0xb9: {  	s30 =	sld [smem:$0x0];
	_ =	sdelay $0x2  }
0xba: {  	s31 =	sshll.u32 s1, $0xD;
	s1 =	sshrl.u32 s1, $0x2  }
0xbb: {  	s3 =	sand.u32 $0x4000, s31;
	s1 =	sadd.s32 s1, s30  }
0xbc: {  	s0 =	sor.u32 s3, s0;
	s1 =	sshll.u32 s1, $0x11  }
0xbd: {  	s0 =	sor.u32 s1, s0  }
0xbe: {  	s0 =	sadd.s32 $0x8F2B, s0  }
0xbf: {  	[sflag:s0] =	ssyncadd.remote.s32 $0x1  }
0xc0: {  	_ =	sfence.sel $0xFFFF  }
0xc1: {  	[dreg:$0x0] =	wrdreg $0xFFFFFFFF;
	(pc) =	sbr.abs _section_cstart, $3  }
0xc2: {  	[dreg:$0x1] =	wrdreg $0xFFFFFFFF  }
0xc3: {  	_ =	task.clear_ibuf [dreg:s8], $0x2FFFF;
	_ =	strace $0x9FFFFFFF  }
0xc4: {  	(tm) =	ssettm $0x7FFFFFFF  }
0xc5: {  	_ =	shalt  }
tec
execute0_lowered:
.L_overlay_start_1:
0x0: {  	(tag) =	ssettag $0x1  }
0x1: {  	s1 =	stileid.u32  }
0x2: {  	p0 =	sgt.u32 s1, $0x7  }
.Ltmp0:
0x3: {  	s2 =	rddreg [dreg:$0x0];
	(pc) =	sbr.rel @p0 .LBB2_4-.Ltmp0, $4  }
0x4: {  	s4 =	rddreg [dreg:$0x1]  }
0x5: {  	s9 =	rddreg [dreg:$0x2];
	s3 =	simm.s32 $0x0  }
0x6: {  	[smem:$0x7FF] =	sst s3  }
0x7: {  	s0 =	rddreg [dreg:$0x3];
	_ =	strace $0x80000047  }
0x8: {  	s5 =	srdreg.scid  }
0x9: {  	s30 =	sshll.u32 s1, $0x1;
	s6 =	sand.u32 $0x1, s5  }
0xa: {  	s7 =	simm.s32 $0x80;
	s8 =	simm.s32 $0x1;
	s10 =	sor.u32 s6, s30  }
0xb: {  	s11 =	ssub.s32 $0x2, s6;
	s5 =	sadd.s32 s4, s10;
	s4 =	simm.s32 $0x2  }
0xc: {  	[tilespmem:s3], [sflag:$0x2] =	stream.linear.gather [hbm4b:s5+s3], $0x8, $0x38;
	[tilespmem:$0x480] =	vst v63  }
0xd: {  	s6 =	simm.s32 $0x8;
	s12 =	sshrl.u32 s11, $0x1;
	_ =	swait.ge [sflag:s4], $0x8  }
0xe: {  	s10 =	sshll.u32 s10, $0x7;
	s31 =	ssub.s32 s11, s12;
	[sflag:s4] =	ssyncset.done $0x0  }
0xf: {  	s9 =	sadd.s32 s10, s9;
	s10 =	smax.u32 s31, $0x1;
	[sflag:s4] =	ssyncadd.s32 $0xFFFFFFF8  }
0x10: {  	[tilespmem:s7], [sflag:$0x1] =	stream.indirect.gather [hbm4b:s2+s6], $0x80, s3, s6, $0xb8;
	[tilespmem:$0x480] =	vst v63  }
0x11: {  	p0 =	sne.s32 s10, $0x1;
	_ =	swait.ge [sflag:s8], $0x400  }
.Ltmp1:
0x12: {  	[sflag:s8] =	ssyncset.done $0x0;
	(pc) =	sbr.rel @!p0 .LBB2_3-.Ltmp1, $4  }
0x13: {  	s9 =	sadd.s32 $0x600, s9;
	[sflag:s8] =	ssyncadd.s32 $0xFFFFFC00  }
0x14: {  	[hbm4b:s9+s3] =	stream.linear.scatter [tilespmem:s7], [sflag:$0x2], $0x400, $0x38;
	[tilespmem:$0x480] =	vst v63  }
0x15: {  	_ =	swait.ge [sflag:s4], $0x400  }
0x16: {  	s10 =	sadd.s32 $0xFFFFFFFF, s10;
	[sflag:s4] =	ssyncset.done $0x0  }
.LBB2_2:
0x17: {  	p0 =	sne.s32 s10, $0x1;
	s10 =	sadd.s32 $0xFFFFFFFF, s10;
	[sflag:s4] =	ssyncadd.s32 $0xFFFFFC00  }
0x18: {  	[tilespmem:s3], [sflag:$0x2] =	stream.linear.gather [hbm4b:s5+s3], $0x8, $0x38;
	[tilespmem:$0x480] =	vst v63  }
0x19: {  	_ =	swait.ge [sflag:s4], $0x8  }
0x1a: {  	[sflag:s4] =	ssyncset.done $0x0  }
0x1b: {  	[sflag:s4] =	ssyncadd.s32 $0xFFFFFFF8  }
0x1c: {  	[tilespmem:s7], [sflag:$0x1] =	stream.indirect.gather [hbm4b:s2+s6], $0x80, s3, s6, $0xb8;
	[tilespmem:$0x480] =	vst v63  }
0x1d: {  	_ =	swait.ge [sflag:s8], $0x400  }
.Ltmp2:
0x1e: {  	[sflag:s8] =	ssyncset.done $0x0;
	(pc) =	sbr.rel @p0 .LBB2_2-.Ltmp2, $4  }
0x1f: {  	[sflag:s8] =	ssyncadd.s32 $0xFFFFFC00  }
0x20: {  	[hbm4b:s9+s3] =	stream.linear.scatter [tilespmem:s7], [sflag:$0x2], $0x400, $0x38;
	[tilespmem:$0x480] =	vst v63  }
0x21: {  	_ =	swait.ge [sflag:s4], $0x400  }
0x22: {  	[sflag:s4] =	ssyncset.done $0x0  }
.LBB2_3:
0x23: {  	[sflag:s4] =	ssyncadd.s32 $0xFFFFFC00  }
.LBB2_4:
0x24: {  	_ =	sfence.sel $0x180000  }
0x25: {  	[bflag:$0x0] =	sbarrier.arrive $0xFFFF  }
0x26: {  	p0 =	sne.s32 s1, $0x0;
	_ =	strace $0x90000047  }
0x27: {  	s0 =	sadd.s32 @!p0 $0x100000, s0;
	[bflag:$0x2] =	sbarrier.arrive $0xFFFF  }
0x28: {  	[sflag:s0] =	ssyncadd.tile.s32 @!p0 $0x1;
	_ =	shalt  }
.Lfunc_end2:
_tile_overlayer_lowered:
.L_overlay_start_2:
0x29: {  	(tag) =	ssettag $0x2  }
0x2a: {  	s0 =	rddreg [dreg:$0x0];
	s2 =	stileid.u32  }
0x2b: {  	s1 =	rddreg [dreg:$0x1];
	p0 =	sne.s32 s2, $0x0  }
0x2c: {  	s3 =	rddreg [dreg:$0x2];
	[bflag:$0x3] =	sbarrier.arrive $0xFFFF;
	s2 =	simm.s32 @!p0 $0x1C02  }
0x2d: {  	[timem:s3], [sflag:s2] =	dma.local @!p0 [hbm:s0], s1  }
0x2e: {  	s0 =	simm.s32 @!p0 $0x2  }
0x2f: {  	_ =	swait.ge @!p0 [sflag:s0], s1  }
0x30: {  	s1 =	ssub.s32 @!p0 $0x0, s1;
	[sflag:s0] =	ssyncset.done @!p0 $0x0  }
0x31: {  	[sflag:s0] =	ssyncadd.s32 @!p0 s1  }
0x32: {  	[bflag:$0x3] =	sbarrier.arrive $0xFFFF  }
0x33: {  	_ =	shalt  }

</sc_bundles>
